<compile_context>
chip_gen: v7x
topology: tpu7x:2x2x1
jax: 0.10.2.dev20260603
libtpu: 0.0.44.dev20260713+nightly
codegen_flags: <defaults>
</compile_context>

<pallas_src>
import functools

import jax
import jax.numpy as jnp
from jax import lax
from jax.experimental import pallas as pl
from jax.experimental.pallas import tpu as pltpu
from jax.experimental.pallas import tpu_sc as plsc

_NC = 2
_NS = 16
_NW = _NC * _NS
_L = 16

_T = 128


def kernel(token_ids, weight):
    B0, S = token_ids.shape
    V, D = weight.shape
    NBLK = B0 // _T
    G = S * NBLK
    g_per_w = G // _NW
    DB = D // 8
    assert G == g_per_w * _NW and g_per_w % 2 == 0 and B0 % _T == 0 and D % 8 == 0

    idx2 = token_ids.T.reshape(G, _T).astype(jnp.int32)

    mesh = plsc.VectorSubcoreMesh(
        core_axis_name="c", subcore_axis_name="s",
        num_cores=_NC, num_subcores=_NS)

    @functools.partial(
        pl.kernel,
        out_type=jax.ShapeDtypeStruct((S, DB, NBLK, 8 * _T), jnp.float32),
        mesh=mesh,
        compiler_params=pltpu.CompilerParams(
            use_tc_tiling_on_sc=False, needs_layout_passes=False),
        scratch_types=[
            pltpu.VMEM((g_per_w, _T), jnp.int32),
            pltpu.VMEM((_T, D), jnp.float32),
            pltpu.VMEM((_T, D), jnp.float32),
            pltpu.VMEM((D * _T,), jnp.float32),
            pltpu.VMEM((D * _T,), jnp.float32),
            pltpu.SemaphoreType.DMA,
            pltpu.SemaphoreType.DMA,
        ],
    )
    def sc_gather(idx_hbm, w_hbm, out_hbm, idx_v,
                  rows_0, rows_1, tr_0, tr_1, gsem, osem):
        rows_v = (rows_0, rows_1)
        tr_v = (tr_0, tr_1)
        wid = lax.axis_index("s") * _NC + lax.axis_index("c")
        g0 = wid * g_per_w
        pltpu.sync_copy(idx_hbm.at[pl.ds(g0, g_per_w)], idx_v)

        lane = lax.iota(jnp.int32, _L)

        def fire_gather(j, slot):
            pltpu.async_copy(w_hbm.at[idx_v.at[j]], rows_v[slot], gsem)

        def drain_gather(j, slot):
            pltpu.make_async_copy(
                w_hbm.at[idx_v.at[j]], rows_v[slot], gsem).wait()

        def out_descr(j, slot, dblk):
            g = g0 + j
            s = g // NBLK
            bblk = lax.rem(g, NBLK)
            return pltpu.make_async_copy(
                tr_v[slot].at[pl.ds(dblk * 8 * _T, 8 * _T)],
                out_hbm.at[s, dblk, bblk], osem)

        def transpose(slot):
            @pl.loop(0, _L)
            def _diag(k):
                rot = jnp.bitwise_and(lane + k, _L - 1)
                out_k = rot * _T + lane
                for bi0 in range(_T // _L):
                    row = lane + bi0 * _L
                    for dc in range(D // _L):
                        vals = plsc.load_gather(
                            rows_v[slot], [row, rot + dc * _L])
                        plsc.store_scatter(
                            tr_v[slot],
                            [out_k + (dc * _L * _T + bi0 * _L)], vals)

        fire_gather(0, 0)

        @pl.loop(0, g_per_w, step=2)
        def _blk(m):
            for slot in range(2):
                j = m + slot

                @pl.when(j + 1 < g_per_w)
                def _():
                    fire_gather(j + 1, 1 - slot)

                drain_gather(j, slot)

                @pl.when(j >= 2)
                def _():
                    for dblk in range(DB):
                        out_descr(j - 2, slot, dblk).wait()

                transpose(slot)
                for dblk in range(DB):
                    out_descr(j, slot, dblk).start()

        for last in (g_per_w - 2, g_per_w - 1):
            for dblk in range(DB):
                out_descr(last, last % 2, dblk).wait()

    out4 = sc_gather(idx2, weight)
    out5 = out4.reshape(S, DB, NBLK, 8, _T)
    return out5.transpose(2, 4, 0, 1, 3).reshape(B0, S, D)

# --- scband reference (transcript-rebuilt; emitter-appended) ---
"""Pipeline reference for scband-embedding-13013750907556 (READ-ONLY COPY).

The authoritative reference and input builder live on the scoring server;
editing this copy changes nothing except your own understanding.
"""

import jax, jax.numpy as jnp
import numpy as np

NUM_EMBEDDINGS = 1000000
EMBEDDING_DIM = 64

def setup_inputs(seed: int = 0) -> dict:
    key = jax.random.key(seed)
    k_idx, k_w = jax.random.split(key)
    token_ids = jax.random.randint(k_idx, (16384, 50), 0, NUM_EMBEDDINGS, dtype=jnp.int64 if jax.config.jax_enable_x64 else jnp.int32)
    # trunc_normal_(mean=0, std=1, a=-3, b=3)
    weight = jax.random.truncated_normal(k_w, -3.0, 3.0, (NUM_EMBEDDINGS, EMBEDDING_DIM), dtype=jnp.float32)
    return {"token_ids": token_ids, "weight": weight}

def reference(token_ids, weight):
    # Embedding lookup: weight[token_ids]
    return jnp.take(weight, token_ids, axis=0)

if __name__ == "__main__":
    import jax
    _d = setup_inputs()
    print(jax.jit(kernel)(*tuple(_d.values())))

</pallas_src>

<mosaic_0001>
#map = affine_map<(d0, d1) -> (0, 0)>
#map1 = affine_map<(d0, d1) -> (0, 0, 0, 0)>
module attributes {stable_mosaic.version = 14 : i64} {
  func.func @sc_gather(%arg0: i32, %arg1: i32, %arg2: memref<6400x128xi32, #tpu.memory_space<hbm>>, %arg3: memref<1000000x64xf32, #tpu.memory_space<hbm>>, %arg4: memref<50x8x128x1024xf32, #tpu.memory_space<hbm>>, %arg5: memref<200x128xi32, #tpu.memory_space<vmem>>, %arg6: memref<128x64xf32, #tpu.memory_space<vmem>>, %arg7: memref<128x64xf32, #tpu.memory_space<vmem>>, %arg8: memref<8192xf32, #tpu.memory_space<vmem>>, %arg9: memref<8192xf32, #tpu.memory_space<vmem>>, %arg10: memref<!tpu.dma_semaphore, #tpu.memory_space<semaphore_mem>>, %arg11: memref<!tpu.dma_semaphore, #tpu.memory_space<semaphore_mem>>) attributes {dimension_semantics = [#tpu.dimension_semantics<core_parallel>, #tpu.dimension_semantics<subcore_parallel>], iteration_bounds = array<i64: 2, 16>, scalar_prefetch = 0 : i64, scratch_operands = 7 : i64, tpu.core_type = #tpu.core_type<sc_vector_subcore>, window_params = [{transform_indices = #map}, {transform_indices = #map}, {transform_indices = #map1}]} {
    %mul3A = arith.constant 2 : i32
    %mul3A_0 = arith.muli %arg1, %mul3A : i32
    %add3A = arith.addi %mul3A_0, %arg0 : i32
    %mul3A_1 = arith.constant 200 : i32
    %mul3A_2 = arith.muli %add3A, %mul3A_1 : i32
    "tpu.region"() ({
      %run_scoped3A = tpu.sem_alloc : memref<!tpu.dma_semaphore, #tpu.memory_space<semaphore_mem>>
      %dma_start3A_628 = arith.constant 0 : i32
      %dma_start3A_629 = tpu.memref_slice %arg2[%mul3A_2, %dma_start3A_628] : memref<6400x128xi32, #tpu.memory_space<hbm>> -> memref<200x128xi32, #tpu.memory_space<hbm>>
      %dma_start3A_630 = arith.constant 0 : i32
      %dma_start3A_631 = tpu.memref_slice %arg2[%mul3A_2, %dma_start3A_630] : memref<6400x128xi32, #tpu.memory_space<hbm>> -> memref<200x128xi32, #tpu.memory_space<hbm>>
      tpu.enqueue_dma source(%dma_start3A_631 : memref<200x128xi32, #tpu.memory_space<hbm>>) target(%arg5 : memref<200x128xi32, #tpu.memory_space<vmem>>) target_semaphore(%run_scoped3A : memref<!tpu.dma_semaphore, #tpu.memory_space<semaphore_mem>>)
      %dma_wait3A_632 = arith.constant 0 : i32
      %dma_wait3A_633 = tpu.memref_slice %arg2[%mul3A_2, %dma_wait3A_632] : memref<6400x128xi32, #tpu.memory_space<hbm>> -> memref<200x128xi32, #tpu.memory_space<hbm>>
      %dma_wait3A_634 = arith.constant 0 : i32
      %dma_wait3A_635 = tpu.memref_slice %arg2[%mul3A_2, %dma_wait3A_634] : memref<6400x128xi32, #tpu.memory_space<hbm>> -> memref<200x128xi32, #tpu.memory_space<hbm>>
      tpu.wait_dma2 semaphore(%run_scoped3A : memref<!tpu.dma_semaphore, #tpu.memory_space<semaphore_mem>>) src(%dma_wait3A_635 : memref<200x128xi32, #tpu.memory_space<hbm>>) dst(%arg5 : memref<200x128xi32, #tpu.memory_space<vmem>>)
      tpu.yield
    }) : () -> ()
    %iota3A = tpu.iota {dimensions = array<i32: 0>} : vector<16xi32>
    %dma_start3A = arith.constant 0 : i32
    %dma_start3A_3 = arith.constant 0 : i32
    %dma_start3A_4 = tpu.memref_slice %arg5[%dma_start3A, %dma_start3A_3] : memref<200x128xi32, #tpu.memory_space<vmem>> -> memref<1x128xi32, #tpu.memory_space<vmem>>
    %dma_start3A_5 = tpu.memref_squeeze %dma_start3A_4 : memref<1x128xi32, #tpu.memory_space<vmem>> -> memref<128xi32, #tpu.memory_space<vmem>>
    %dma_start3A_6 = arith.constant 0 : i32
    %dma_start3A_7 = arith.constant 0 : i32
    %dma_start3A_8 = tpu.memref_slice %arg3[%dma_start3A_6, %dma_start3A_7] : memref<1000000x64xf32, #tpu.memory_space<hbm>> -> memref<1000000x64xf32, #tpu.memory_space<hbm>>
    tpu.enqueue_indirect_dma source(%dma_start3A_8 : memref<1000000x64xf32, #tpu.memory_space<hbm>>) target(%arg6 : memref<128x64xf32, #tpu.memory_space<vmem>>) offsets(%dma_start3A_5 : memref<128xi32, #tpu.memory_space<vmem>>) semaphore(%arg10 : memref<!tpu.dma_semaphore, #tpu.memory_space<semaphore_mem>>)
    %scan3A = arith.constant 0 : i32
    %scan3A_9 = arith.constant 100 : i32
    %scan3A_10 = arith.addi %scan3A, %scan3A_9 : i32
    %scan3A_11 = arith.constant 1 : i32
    scf.for %scan3A_628 = %scan3A to %scan3A_10 step %scan3A_11  : i32 {
      %mul3A_629 = arith.constant 2 : i32
      %mul3A_630 = arith.muli %scan3A_628, %mul3A_629 : i32
      %add3A_631 = arith.constant 0 : i32
      %add3A_632 = arith.addi %add3A_631, %mul3A_630 : i32
      %add3A_633 = arith.constant 0 : i32
      %add3A_634 = arith.addi %add3A_632, %add3A_633 : i32
      %add3A_635 = arith.constant 1 : i32
      %add3A_636 = arith.addi %add3A_634, %add3A_635 : i32
      %lt3A = arith.constant 200 : i32
      %lt3A_637 = arith.cmpi slt, %add3A_636, %lt3A : i32
      %convert_element_type3A = arith.extui %lt3A_637 : i1 to i32
      %cond3A = arith.constant 0 : i32
      %cond3A_638 = arith.cmpi ne, %convert_element_type3A, %cond3A : i32
      scf.if %cond3A_638 {
        %add3A_1287 = arith.constant 1 : i32
        %add3A_1288 = arith.addi %add3A_634, %add3A_1287 : i32
        %dma_start3A_1289 = arith.constant 0 : i32
        %dma_start3A_1290 = tpu.memref_slice %arg5[%add3A_1288, %dma_start3A_1289] : memref<200x128xi32, #tpu.memory_space<vmem>> -> memref<1x128xi32, #tpu.memory_space<vmem>>
        %dma_start3A_1291 = tpu.memref_squeeze %dma_start3A_1290 : memref<1x128xi32, #tpu.memory_space<vmem>> -> memref<128xi32, #tpu.memory_space<vmem>>
        %dma_start3A_1292 = arith.constant 0 : i32
        %dma_start3A_1293 = arith.constant 0 : i32
        %dma_start3A_1294 = tpu.memref_slice %arg3[%dma_start3A_1292, %dma_start3A_1293] : memref<1000000x64xf32, #tpu.memory_space<hbm>> -> memref<1000000x64xf32, #tpu.memory_space<hbm>>
        tpu.enqueue_indirect_dma source(%dma_start3A_1294 : memref<1000000x64xf32, #tpu.memory_space<hbm>>) target(%arg7 : memref<128x64xf32, #tpu.memory_space<vmem>>) offsets(%dma_start3A_1291 : memref<128xi32, #tpu.memory_space<vmem>>) semaphore(%arg10 : memref<!tpu.dma_semaphore, #tpu.memory_space<semaphore_mem>>)
      } else {
      }
      %dma_wait3A_639 = arith.constant 0 : i32
      %dma_wait3A_640 = tpu.memref_slice %arg5[%add3A_634, %dma_wait3A_639] : memref<200x128xi32, #tpu.memory_space<vmem>> -> memref<1x128xi32, #tpu.memory_space<vmem>>
      %dma_wait3A_641 = tpu.memref_squeeze %dma_wait3A_640 : memref<1x128xi32, #tpu.memory_space<vmem>> -> memref<128xi32, #tpu.memory_space<vmem>>
      %dma_wait3A_642 = arith.constant 0 : i32
      %dma_wait3A_643 = arith.constant 0 : i32
      %dma_wait3A_644 = tpu.memref_slice %arg3[%dma_wait3A_642, %dma_wait3A_643] : memref<1000000x64xf32, #tpu.memory_space<hbm>> -> memref<1000000x64xf32, #tpu.memory_space<hbm>>
      tpu.wait_indirect_dma semaphore(%arg10 : memref<!tpu.dma_semaphore, #tpu.memory_space<semaphore_mem>>) src(%dma_wait3A_644 : memref<1000000x64xf32, #tpu.memory_space<hbm>>) dst(%arg6 : memref<128x64xf32, #tpu.memory_space<vmem>>)
      %ge3A = arith.constant 2 : i32
      %ge3A_645 = arith.cmpi sge, %add3A_634, %ge3A : i32
      %convert_element_type3A_646 = arith.extui %ge3A_645 : i1 to i32
      %cond3A_647 = arith.constant 0 : i32
      %cond3A_648 = arith.cmpi ne, %convert_element_type3A_646, %cond3A_647 : i32
      scf.if %cond3A_648 {
        %sub3A_1287 = arith.constant 2 : i32
        %sub3A_1288 = arith.subi %add3A_634, %sub3A_1287 : i32
        %add3A_1289 = arith.addi %mul3A_2, %sub3A_1288 : i32
        %jit3A_1290 = arith.constant 128 : i32
        %div3A_1291 = arith.divsi %add3A_1289, %jit3A_1290 : i32
        %sign3A_1292 = arith.constant 0 : i32
        %sign3A_1293 = arith.cmpi sgt, %add3A_1289, %sign3A_1292 : i32
        %sign3A_1294 = arith.extui %sign3A_1293 : i1 to i32
        %sign3A_1295 = arith.constant 0 : i32
        %sign3A_1296 = arith.cmpi slt, %add3A_1289, %sign3A_1295 : i32
        %sign3A_1297 = arith.extui %sign3A_1296 : i1 to i32
        %sign3A_1298 = arith.subi %sign3A_1294, %sign3A_1297 : i32
        %sign3A_1299 = arith.constant 0 : i32
        %sign3A_1300 = arith.cmpi sgt, %jit3A_1290, %sign3A_1299 : i32
        %sign3A_1301 = arith.extui %sign3A_1300 : i1 to i32
        %sign3A_1302 = arith.constant 0 : i32
        %sign3A_1303 = arith.cmpi slt, %jit3A_1290, %sign3A_1302 : i32
        %sign3A_1304 = arith.extui %sign3A_1303 : i1 to i32
        %sign3A_1305 = arith.subi %sign3A_1301, %sign3A_1304 : i32
        %ne3A_1306 = arith.cmpi ne, %sign3A_1298, %sign3A_1305 : i32
        %rem3A_1307 = arith.remsi %add3A_1289, %jit3A_1290 : i32
        %ne3A_1308 = arith.constant 0 : i32
        %ne3A_1309 = arith.cmpi ne, %rem3A_1307, %ne3A_1308 : i32
        %and3A_1310 = arith.andi %ne3A_1306, %ne3A_1309 : i1
        %sub3A_1311 = arith.constant 1 : i32
        %sub3A_1312 = arith.subi %div3A_1291, %sub3A_1311 : i32
        %select_n3A_1313 = arith.select %and3A_1310, %sub3A_1312, %div3A_1291 : i32
        %rem3A_1314 = arith.constant 128 : i32
        %rem3A_1315 = arith.remsi %add3A_1289, %rem3A_1314 : i32
        %dma_wait3A_1316 = arith.constant 0 : i32
        %dma_wait3A_1317 = arith.constant 0 : i32
        %dma_wait3A_1318 = tpu.memref_slice %arg8[%dma_wait3A_1317] : memref<8192xf32, #tpu.memory_space<vmem>> -> memref<1024xf32, #tpu.memory_space<vmem>>
        %dma_wait3A_1319 = arith.constant 0 : i32
        %dma_wait3A_1320 = tpu.memref_slice %arg4[%select_n3A_1313, %dma_wait3A_1316, %rem3A_1315, %dma_wait3A_1319] : memref<50x8x128x1024xf32, #tpu.memory_space<hbm>> -> memref<1x1x1x1024xf32, #tpu.memory_space<hbm>>
        %dma_wait3A_1321 = tpu.memref_squeeze %dma_wait3A_1320 : memref<1x1x1x1024xf32, #tpu.memory_space<hbm>> -> memref<1024xf32, #tpu.memory_space<hbm>>
        %dma_wait3A_1322 = arith.constant 0 : i32
        %dma_wait3A_1323 = tpu.memref_slice %arg4[%select_n3A_1313, %dma_wait3A_1316, %rem3A_1315, %dma_wait3A_1322] : memref<50x8x128x1024xf32, #tpu.memory_space<hbm>> -> memref<1x1x1x1024xf32, #tpu.memory_space<hbm>>
        %dma_wait3A_1324 = tpu.memref_squeeze %dma_wait3A_1323 : memref<1x1x1x1024xf32, #tpu.memory_space<hbm>> -> memref<1024xf32, #tpu.memory_space<hbm>>
        %dma_wait3A_1325 = arith.constant 0 : i32
        %dma_wait3A_1326 = tpu.memref_slice %arg8[%dma_wait3A_1325] : memref<8192xf32, #tpu.memory_space<vmem>> -> memref<1024xf32, #tpu.memory_space<vmem>>
        tpu.wait_dma2 semaphore(%arg11 : memref<!tpu.dma_semaphore, #tpu.memory_space<semaphore_mem>>) src(%dma_wait3A_1326 : memref<1024xf32, #tpu.memory_space<vmem>>) dst(%dma_wait3A_1324 : memref<1024xf32, #tpu.memory_space<hbm>>)
        %sub3A_1327 = arith.constant 2 : i32
        %sub3A_1328 = arith.subi %add3A_634, %sub3A_1327 : i32
        %add3A_1329 = arith.addi %mul3A_2, %sub3A_1328 : i32
        %jit3A_1330 = arith.constant 128 : i32
        %div3A_1331 = arith.divsi %add3A_1329, %jit3A_1330 : i32
        %sign3A_1332 = arith.constant 0 : i32
        %sign3A_1333 = arith.cmpi sgt, %add3A_1329, %sign3A_1332 : i32
        %sign3A_1334 = arith.extui %sign3A_1333 : i1 to i32
        %sign3A_1335 = arith.constant 0 : i32
        %sign3A_1336 = arith.cmpi slt, %add3A_1329, %sign3A_1335 : i32
        %sign3A_1337 = arith.extui %sign3A_1336 : i1 to i32
        %sign3A_1338 = arith.subi %sign3A_1334, %sign3A_1337 : i32
        %sign3A_1339 = arith.constant 0 : i32
        %sign3A_1340 = arith.cmpi sgt, %jit3A_1330, %sign3A_1339 : i32
        %sign3A_1341 = arith.extui %sign3A_1340 : i1 to i32
        %sign3A_1342 = arith.constant 0 : i32
        %sign3A_1343 = arith.cmpi slt, %jit3A_1330, %sign3A_1342 : i32
        %sign3A_1344 = arith.extui %sign3A_1343 : i1 to i32
        %sign3A_1345 = arith.subi %sign3A_1341, %sign3A_1344 : i32
        %ne3A_1346 = arith.cmpi ne, %sign3A_1338, %sign3A_1345 : i32
        %rem3A_1347 = arith.remsi %add3A_1329, %jit3A_1330 : i32
        %ne3A_1348 = arith.constant 0 : i32
        %ne3A_1349 = arith.cmpi ne, %rem3A_1347, %ne3A_1348 : i32
        %and3A_1350 = arith.andi %ne3A_1346, %ne3A_1349 : i1
        %sub3A_1351 = arith.constant 1 : i32
        %sub3A_1352 = arith.subi %div3A_1331, %sub3A_1351 : i32
        %select_n3A_1353 = arith.select %and3A_1350, %sub3A_1352, %div3A_1331 : i32
        %rem3A_1354 = arith.constant 128 : i32
        %rem3A_1355 = arith.remsi %add3A_1329, %rem3A_1354 : i32
        %dma_wait3A_1356 = arith.constant 1 : i32
        %dma_wait3A_1357 = arith.constant 1024 : i32
        %dma_wait3A_1358 = tpu.memref_slice %arg8[%dma_wait3A_1357] : memref<8192xf32, #tpu.memory_space<vmem>> -> memref<1024xf32, #tpu.memory_space<vmem>>
        %dma_wait3A_1359 = arith.constant 0 : i32
        %dma_wait3A_1360 = tpu.memref_slice %arg4[%select_n3A_1353, %dma_wait3A_1356, %rem3A_1355, %dma_wait3A_1359] : memref<50x8x128x1024xf32, #tpu.memory_space<hbm>> -> memref<1x1x1x1024xf32, #tpu.memory_space<hbm>>
        %dma_wait3A_1361 = tpu.memref_squeeze %dma_wait3A_1360 : memref<1x1x1x1024xf32, #tpu.memory_space<hbm>> -> memref<1024xf32, #tpu.memory_space<hbm>>
        %dma_wait3A_1362 = arith.constant 0 : i32
        %dma_wait3A_1363 = tpu.memref_slice %arg4[%select_n3A_1353, %dma_wait3A_1356, %rem3A_1355, %dma_wait3A_1362] : memref<50x8x128x1024xf32, #tpu.memory_space<hbm>> -> memref<1x1x1x1024xf32, #tpu.memory_space<hbm>>
        %dma_wait3A_1364 = tpu.memref_squeeze %dma_wait3A_1363 : memref<1x1x1x1024xf32, #tpu.memory_space<hbm>> -> memref<1024xf32, #tpu.memory_space<hbm>>
        %dma_wait3A_1365 = arith.constant 1024 : i32
        %dma_wait3A_1366 = tpu.memref_slice %arg8[%dma_wait3A_1365] : memref<8192xf32, #tpu.memory_space<vmem>> -> memref<1024xf32, #tpu.memory_space<vmem>>
        tpu.wait_dma2 semaphore(%arg11 : memref<!tpu.dma_semaphore, #tpu.memory_space<semaphore_mem>>) src(%dma_wait3A_1366 : memref<1024xf32, #tpu.memory_space<vmem>>) dst(%dma_wait3A_1364 : memref<1024xf32, #tpu.memory_space<hbm>>)
        %sub3A_1367 = arith.constant 2 : i32
        %sub3A_1368 = arith.subi %add3A_634, %sub3A_1367 : i32
        %add3A_1369 = arith.addi %mul3A_2, %sub3A_1368 : i32
        %jit3A_1370 = arith.constant 128 : i32
        %div3A_1371 = arith.divsi %add3A_1369, %jit3A_1370 : i32
        %sign3A_1372 = arith.constant 0 : i32
        %sign3A_1373 = arith.cmpi sgt, %add3A_1369, %sign3A_1372 : i32
        %sign3A_1374 = arith.extui %sign3A_1373 : i1 to i32
        %sign3A_1375 = arith.constant 0 : i32
        %sign3A_1376 = arith.cmpi slt, %add3A_1369, %sign3A_1375 : i32
        %sign3A_1377 = arith.extui %sign3A_1376 : i1 to i32
        %sign3A_1378 = arith.subi %sign3A_1374, %sign3A_1377 : i32
        %sign3A_1379 = arith.constant 0 : i32
        %sign3A_1380 = arith.cmpi sgt, %jit3A_1370, %sign3A_1379 : i32
        %sign3A_1381 = arith.extui %sign3A_1380 : i1 to i32
        %sign3A_1382 = arith.constant 0 : i32
        %sign3A_1383 = arith.cmpi slt, %jit3A_1370, %sign3A_1382 : i32
        %sign3A_1384 = arith.extui %sign3A_1383 : i1 to i32
        %sign3A_1385 = arith.subi %sign3A_1381, %sign3A_1384 : i32
        %ne3A_1386 = arith.cmpi ne, %sign3A_1378, %sign3A_1385 : i32
        %rem3A_1387 = arith.remsi %add3A_1369, %jit3A_1370 : i32
        %ne3A_1388 = arith.constant 0 : i32
        %ne3A_1389 = arith.cmpi ne, %rem3A_1387, %ne3A_1388 : i32
        %and3A_1390 = arith.andi %ne3A_1386, %ne3A_1389 : i1
        %sub3A_1391 = arith.constant 1 : i32
        %sub3A_1392 = arith.subi %div3A_1371, %sub3A_1391 : i32
        %select_n3A_1393 = arith.select %and3A_1390, %sub3A_1392, %div3A_1371 : i32
        %rem3A_1394 = arith.constant 128 : i32
        %rem3A_1395 = arith.remsi %add3A_1369, %rem3A_1394 : i32
        %dma_wait3A_1396 = arith.constant 2 : i32
        %dma_wait3A_1397 = arith.constant 2048 : i32
        %dma_wait3A_1398 = tpu.memref_slice %arg8[%dma_wait3A_1397] : memref<8192xf32, #tpu.memory_space<vmem>> -> memref<1024xf32, #tpu.memory_space<vmem>>
        %dma_wait3A_1399 = arith.constant 0 : i32
        %dma_wait3A_1400 = tpu.memref_slice %arg4[%select_n3A_1393, %dma_wait3A_1396, %rem3A_1395, %dma_wait3A_1399] : memref<50x8x128x1024xf32, #tpu.memory_space<hbm>> -> memref<1x1x1x1024xf32, #tpu.memory_space<hbm>>
        %dma_wait3A_1401 = tpu.memref_squeeze %dma_wait3A_1400 : memref<1x1x1x1024xf32, #tpu.memory_space<hbm>> -> memref<1024xf32, #tpu.memory_space<hbm>>
        %dma_wait3A_1402 = arith.constant 0 : i32
        %dma_wait3A_1403 = tpu.memref_slice %arg4[%select_n3A_1393, %dma_wait3A_1396, %rem3A_1395, %dma_wait3A_1402] : memref<50x8x128x1024xf32, #tpu.memory_space<hbm>> -> memref<1x1x1x1024xf32, #tpu.memory_space<hbm>>
        %dma_wait3A_1404 = tpu.memref_squeeze %dma_wait3A_1403 : memref<1x1x1x1024xf32, #tpu.memory_space<hbm>> -> memref<1024xf32, #tpu.memory_space<hbm>>
        %dma_wait3A_1405 = arith.constant 2048 : i32
        %dma_wait3A_1406 = tpu.memref_slice %arg8[%dma_wait3A_1405] : memref<8192xf32, #tpu.memory_space<vmem>> -> memref<1024xf32, #tpu.memory_space<vmem>>
        tpu.wait_dma2 semaphore(%arg11 : memref<!tpu.dma_semaphore, #tpu.memory_space<semaphore_mem>>) src(%dma_wait3A_1406 : memref<1024xf32, #tpu.memory_space<vmem>>) dst(%dma_wait3A_1404 : memref<1024xf32, #tpu.memory_space<hbm>>)
        %sub3A_1407 = arith.constant 2 : i32
        %sub3A_1408 = arith.subi %add3A_634, %sub3A_1407 : i32
        %add3A_1409 = arith.addi %mul3A_2, %sub3A_1408 : i32
        %jit3A_1410 = arith.constant 128 : i32
        %div3A_1411 = arith.divsi %add3A_1409, %jit3A_1410 : i32
        %sign3A_1412 = arith.constant 0 : i32
        %sign3A_1413 = arith.cmpi sgt, %add3A_1409, %sign3A_1412 : i32
        %sign3A_1414 = arith.extui %sign3A_1413 : i1 to i32
        %sign3A_1415 = arith.constant 0 : i32
        %sign3A_1416 = arith.cmpi slt, %add3A_1409, %sign3A_1415 : i32
        %sign3A_1417 = arith.extui %sign3A_1416 : i1 to i32
        %sign3A_1418 = arith.subi %sign3A_1414, %sign3A_1417 : i32
        %sign3A_1419 = arith.constant 0 : i32
        %sign3A_1420 = arith.cmpi sgt, %jit3A_1410, %sign3A_1419 : i32
        %sign3A_1421 = arith.extui %sign3A_1420 : i1 to i32
        %sign3A_1422 = arith.constant 0 : i32
        %sign3A_1423 = arith.cmpi slt, %jit3A_1410, %sign3A_1422 : i32
        %sign3A_1424 = arith.extui %sign3A_1423 : i1 to i32
        %sign3A_1425 = arith.subi %sign3A_1421, %sign3A_1424 : i32
        %ne3A_1426 = arith.cmpi ne, %sign3A_1418, %sign3A_1425 : i32
        %rem3A_1427 = arith.remsi %add3A_1409, %jit3A_1410 : i32
        %ne3A_1428 = arith.constant 0 : i32
        %ne3A_1429 = arith.cmpi ne, %rem3A_1427, %ne3A_1428 : i32
        %and3A_1430 = arith.andi %ne3A_1426, %ne3A_1429 : i1
        %sub3A_1431 = arith.constant 1 : i32
        %sub3A_1432 = arith.subi %div3A_1411, %sub3A_1431 : i32
        %select_n3A_1433 = arith.select %and3A_1430, %sub3A_1432, %div3A_1411 : i32
        %rem3A_1434 = arith.constant 128 : i32
        %rem3A_1435 = arith.remsi %add3A_1409, %rem3A_1434 : i32
        %dma_wait3A_1436 = arith.constant 3 : i32
        %dma_wait3A_1437 = arith.constant 3072 : i32
        %dma_wait3A_1438 = tpu.memref_slice %arg8[%dma_wait3A_1437] : memref<8192xf32, #tpu.memory_space<vmem>> -> memref<1024xf32, #tpu.memory_space<vmem>>
        %dma_wait3A_1439 = arith.constant 0 : i32
        %dma_wait3A_1440 = tpu.memref_slice %arg4[%select_n3A_1433, %dma_wait3A_1436, %rem3A_1435, %dma_wait3A_1439] : memref<50x8x128x1024xf32, #tpu.memory_space<hbm>> -> memref<1x1x1x1024xf32, #tpu.memory_space<hbm>>
        %dma_wait3A_1441 = tpu.memref_squeeze %dma_wait3A_1440 : memref<1x1x1x1024xf32, #tpu.memory_space<hbm>> -> memref<1024xf32, #tpu.memory_space<hbm>>
        %dma_wait3A_1442 = arith.constant 0 : i32
        %dma_wait3A_1443 = tpu.memref_slice %arg4[%select_n3A_1433, %dma_wait3A_1436, %rem3A_1435, %dma_wait3A_1442] : memref<50x8x128x1024xf32, #tpu.memory_space<hbm>> -> memref<1x1x1x1024xf32, #tpu.memory_space<hbm>>
        %dma_wait3A_1444 = tpu.memref_squeeze %dma_wait3A_1443 : memref<1x1x1x1024xf32, #tpu.memory_space<hbm>> -> memref<1024xf32, #tpu.memory_space<hbm>>
        %dma_wait3A_1445 = arith.constant 3072 : i32
        %dma_wait3A_1446 = tpu.memref_slice %arg8[%dma_wait3A_1445] : memref<8192xf32, #tpu.memory_space<vmem>> -> memref<1024xf32, #tpu.memory_space<vmem>>
        tpu.wait_dma2 semaphore(%arg11 : memref<!tpu.dma_semaphore, #tpu.memory_space<semaphore_mem>>) src(%dma_wait3A_1446 : memref<1024xf32, #tpu.memory_space<vmem>>) dst(%dma_wait3A_1444 : memref<1024xf32, #tpu.memory_space<hbm>>)
        %sub3A_1447 = arith.constant 2 : i32
        %sub3A_1448 = arith.subi %add3A_634, %sub3A_1447 : i32
        %add3A_1449 = arith.addi %mul3A_2, %sub3A_1448 : i32
        %jit3A_1450 = arith.constant 128 : i32
        %div3A_1451 = arith.divsi %add3A_1449, %jit3A_1450 : i32
        %sign3A_1452 = arith.constant 0 : i32
        %sign3A_1453 = arith.cmpi sgt, %add3A_1449, %sign3A_1452 : i32
        %sign3A_1454 = arith.extui %sign3A_1453 : i1 to i32
        %sign3A_1455 = arith.constant 0 : i32
        %sign3A_1456 = arith.cmpi slt, %add3A_1449, %sign3A_1455 : i32
        %sign3A_1457 = arith.extui %sign3A_1456 : i1 to i32
        %sign3A_1458 = arith.subi %sign3A_1454, %sign3A_1457 : i32
        %sign3A_1459 = arith.constant 0 : i32
        %sign3A_1460 = arith.cmpi sgt, %jit3A_1450, %sign3A_1459 : i32
        %sign3A_1461 = arith.extui %sign3A_1460 : i1 to i32
        %sign3A_1462 = arith.constant 0 : i32
        %sign3A_1463 = arith.cmpi slt, %jit3A_1450, %sign3A_1462 : i32
        %sign3A_1464 = arith.extui %sign3A_1463 : i1 to i32
        %sign3A_1465 = arith.subi %sign3A_1461, %sign3A_1464 : i32
        %ne3A_1466 = arith.cmpi ne, %sign3A_1458, %sign3A_1465 : i32
        %rem3A_1467 = arith.remsi %add3A_1449, %jit3A_1450 : i32
        %ne3A_1468 = arith.constant 0 : i32
        %ne3A_1469 = arith.cmpi ne, %rem3A_1467, %ne3A_1468 : i32
        %and3A_1470 = arith.andi %ne3A_1466, %ne3A_1469 : i1
        %sub3A_1471 = arith.constant 1 : i32
        %sub3A_1472 = arith.subi %div3A_1451, %sub3A_1471 : i32
        %select_n3A_1473 = arith.select %and3A_1470, %sub3A_1472, %div3A_1451 : i32
        %rem3A_1474 = arith.constant 128 : i32
        %rem3A_1475 = arith.remsi %add3A_1449, %rem3A_1474 : i32
        %dma_wait3A_1476 = arith.constant 4 : i32
        %dma_wait3A_1477 = arith.constant 4096 : i32
        %dma_wait3A_1478 = tpu.memref_slice %arg8[%dma_wait3A_1477] : memref<8192xf32, #tpu.memory_space<vmem>> -> memref<1024xf32, #tpu.memory_space<vmem>>
        %dma_wait3A_1479 = arith.constant 0 : i32
        %dma_wait3A_1480 = tpu.memref_slice %arg4[%select_n3A_1473, %dma_wait3A_1476, %rem3A_1475, %dma_wait3A_1479] : memref<50x8x128x1024xf32, #tpu.memory_space<hbm>> -> memref<1x1x1x1024xf32, #tpu.memory_space<hbm>>
        %dma_wait3A_1481 = tpu.memref_squeeze %dma_wait3A_1480 : memref<1x1x1x1024xf32, #tpu.memory_space<hbm>> -> memref<1024xf32, #tpu.memory_space<hbm>>
        %dma_wait3A_1482 = arith.constant 0 : i32
        %dma_wait3A_1483 = tpu.memref_slice %arg4[%select_n3A_1473, %dma_wait3A_1476, %rem3A_1475, %dma_wait3A_1482] : memref<50x8x128x1024xf32, #tpu.memory_space<hbm>> -> memref<1x1x1x1024xf32, #tpu.memory_space<hbm>>
        %dma_wait3A_1484 = tpu.memref_squeeze %dma_wait3A_1483 : memref<1x1x1x1024xf32, #tpu.memory_space<hbm>> -> memref<1024xf32, #tpu.memory_space<hbm>>
        %dma_wait3A_1485 = arith.constant 4096 : i32
        %dma_wait3A_1486 = tpu.memref_slice %arg8[%dma_wait3A_1485] : memref<8192xf32, #tpu.memory_space<vmem>> -> memref<1024xf32, #tpu.memory_space<vmem>>
        tpu.wait_dma2 semaphore(%arg11 : memref<!tpu.dma_semaphore, #tpu.memory_space<semaphore_mem>>) src(%dma_wait3A_1486 : memref<1024xf32, #tpu.memory_space<vmem>>) dst(%dma_wait3A_1484 : memref<1024xf32, #tpu.memory_space<hbm>>)
        %sub3A_1487 = arith.constant 2 : i32
        %sub3A_1488 = arith.subi %add3A_634, %sub3A_1487 : i32
        %add3A_1489 = arith.addi %mul3A_2, %sub3A_1488 : i32
        %jit3A_1490 = arith.constant 128 : i32
        %div3A_1491 = arith.divsi %add3A_1489, %jit3A_1490 : i32
        %sign3A_1492 = arith.constant 0 : i32
        %sign3A_1493 = arith.cmpi sgt, %add3A_1489, %sign3A_1492 : i32
        %sign3A_1494 = arith.extui %sign3A_1493 : i1 to i32
        %sign3A_1495 = arith.constant 0 : i32
        %sign3A_1496 = arith.cmpi slt, %add3A_1489, %sign3A_1495 : i32
        %sign3A_1497 = arith.extui %sign3A_1496 : i1 to i32
        %sign3A_1498 = arith.subi %sign3A_1494, %sign3A_1497 : i32
        %sign3A_1499 = arith.constant 0 : i32
        %sign3A_1500 = arith.cmpi sgt, %jit3A_1490, %sign3A_1499 : i32
        %sign3A_1501 = arith.extui %sign3A_1500 : i1 to i32
        %sign3A_1502 = arith.constant 0 : i32
        %sign3A_1503 = arith.cmpi slt, %jit3A_1490, %sign3A_1502 : i32
        %sign3A_1504 = arith.extui %sign3A_1503 : i1 to i32
        %sign3A_1505 = arith.subi %sign3A_1501, %sign3A_1504 : i32
        %ne3A_1506 = arith.cmpi ne, %sign3A_1498, %sign3A_1505 : i32
        %rem3A_1507 = arith.remsi %add3A_1489, %jit3A_1490 : i32
        %ne3A_1508 = arith.constant 0 : i32
        %ne3A_1509 = arith.cmpi ne, %rem3A_1507, %ne3A_1508 : i32
        %and3A_1510 = arith.andi %ne3A_1506, %ne3A_1509 : i1
        %sub3A_1511 = arith.constant 1 : i32
        %sub3A_1512 = arith.subi %div3A_1491, %sub3A_1511 : i32
        %select_n3A_1513 = arith.select %and3A_1510, %sub3A_1512, %div3A_1491 : i32
        %rem3A_1514 = arith.constant 128 : i32
        %rem3A_1515 = arith.remsi %add3A_1489, %rem3A_1514 : i32
        %dma_wait3A_1516 = arith.constant 5 : i32
        %dma_wait3A_1517 = arith.constant 5120 : i32
        %dma_wait3A_1518 = tpu.memref_slice %arg8[%dma_wait3A_1517] : memref<8192xf32, #tpu.memory_space<vmem>> -> memref<1024xf32, #tpu.memory_space<vmem>>
        %dma_wait3A_1519 = arith.constant 0 : i32
        %dma_wait3A_1520 = tpu.memref_slice %arg4[%select_n3A_1513, %dma_wait3A_1516, %rem3A_1515, %dma_wait3A_1519] : memref<50x8x128x1024xf32, #tpu.memory_space<hbm>> -> memref<1x1x1x1024xf32, #tpu.memory_space<hbm>>
        %dma_wait3A_1521 = tpu.memref_squeeze %dma_wait3A_1520 : memref<1x1x1x1024xf32, #tpu.memory_space<hbm>> -> memref<1024xf32, #tpu.memory_space<hbm>>
        %dma_wait3A_1522 = arith.constant 0 : i32
        %dma_wait3A_1523 = tpu.memref_slice %arg4[%select_n3A_1513, %dma_wait3A_1516, %rem3A_1515, %dma_wait3A_1522] : memref<50x8x128x1024xf32, #tpu.memory_space<hbm>> -> memref<1x1x1x1024xf32, #tpu.memory_space<hbm>>
        %dma_wait3A_1524 = tpu.memref_squeeze %dma_wait3A_1523 : memref<1x1x1x1024xf32, #tpu.memory_space<hbm>> -> memref<1024xf32, #tpu.memory_space<hbm>>
        %dma_wait3A_1525 = arith.constant 5120 : i32
        %dma_wait3A_1526 = tpu.memref_slice %arg8[%dma_wait3A_1525] : memref<8192xf32, #tpu.memory_space<vmem>> -> memref<1024xf32, #tpu.memory_space<vmem>>
        tpu.wait_dma2 semaphore(%arg11 : memref<!tpu.dma_semaphore, #tpu.memory_space<semaphore_mem>>) src(%dma_wait3A_1526 : memref<1024xf32, #tpu.memory_space<vmem>>) dst(%dma_wait3A_1524 : memref<1024xf32, #tpu.memory_space<hbm>>)
        %sub3A_1527 = arith.constant 2 : i32
        %sub3A_1528 = arith.subi %add3A_634, %sub3A_1527 : i32
        %add3A_1529 = arith.addi %mul3A_2, %sub3A_1528 : i32
        %jit3A_1530 = arith.constant 128 : i32
        %div3A_1531 = arith.divsi %add3A_1529, %jit3A_1530 : i32
        %sign3A_1532 = arith.constant 0 : i32
        %sign3A_1533 = arith.cmpi sgt, %add3A_1529, %sign3A_1532 : i32
        %sign3A_1534 = arith.extui %sign3A_1533 : i1 to i32
        %sign3A_1535 = arith.constant 0 : i32
        %sign3A_1536 = arith.cmpi slt, %add3A_1529, %sign3A_1535 : i32
        %sign3A_1537 = arith.extui %sign3A_1536 : i1 to i32
        %sign3A_1538 = arith.subi %sign3A_1534, %sign3A_1537 : i32
        %sign3A_1539 = arith.constant 0 : i32
        %sign3A_1540 = arith.cmpi sgt, %jit3A_1530, %sign3A_1539 : i32
        %sign3A_1541 = arith.extui %sign3A_1540 : i1 to i32
        %sign3A_1542 = arith.constant 0 : i32
        %sign3A_1543 = arith.cmpi slt, %jit3A_1530, %sign3A_1542 : i32
        %sign3A_1544 = arith.extui %sign3A_1543 : i1 to i32
        %sign3A_1545 = arith.subi %sign3A_1541, %sign3A_1544 : i32
        %ne3A_1546 = arith.cmpi ne, %sign3A_1538, %sign3A_1545 : i32
        %rem3A_1547 = arith.remsi %add3A_1529, %jit3A_1530 : i32
        %ne3A_1548 = arith.constant 0 : i32
        %ne3A_1549 = arith.cmpi ne, %rem3A_1547, %ne3A_1548 : i32
        %and3A_1550 = arith.andi %ne3A_1546, %ne3A_1549 : i1
        %sub3A_1551 = arith.constant 1 : i32
        %sub3A_1552 = arith.subi %div3A_1531, %sub3A_1551 : i32
        %select_n3A_1553 = arith.select %and3A_1550, %sub3A_1552, %div3A_1531 : i32
        %rem3A_1554 = arith.constant 128 : i32
        %rem3A_1555 = arith.remsi %add3A_1529, %rem3A_1554 : i32
        %dma_wait3A_1556 = arith.constant 6 : i32
        %dma_wait3A_1557 = arith.constant 6144 : i32
        %dma_wait3A_1558 = tpu.memref_slice %arg8[%dma_wait3A_1557] : memref<8192xf32, #tpu.memory_space<vmem>> -> memref<1024xf32, #tpu.memory_space<vmem>>
        %dma_wait3A_1559 = arith.constant 0 : i32
        %dma_wait3A_1560 = tpu.memref_slice %arg4[%select_n3A_1553, %dma_wait3A_1556, %rem3A_1555, %dma_wait3A_1559] : memref<50x8x128x1024xf32, #tpu.memory_space<hbm>> -> memref<1x1x1x1024xf32, #tpu.memory_space<hbm>>
        %dma_wait3A_1561 = tpu.memref_squeeze %dma_wait3A_1560 : memref<1x1x1x1024xf32, #tpu.memory_space<hbm>> -> memref<1024xf32, #tpu.memory_space<hbm>>
        %dma_wait3A_1562 = arith.constant 0 : i32
        %dma_wait3A_1563 = tpu.memref_slice %arg4[%select_n3A_1553, %dma_wait3A_1556, %rem3A_1555, %dma_wait3A_1562] : memref<50x8x128x1024xf32, #tpu.memory_space<hbm>> -> memref<1x1x1x1024xf32, #tpu.memory_space<hbm>>
        %dma_wait3A_1564 = tpu.memref_squeeze %dma_wait3A_1563 : memref<1x1x1x1024xf32, #tpu.memory_space<hbm>> -> memref<1024xf32, #tpu.memory_space<hbm>>
        %dma_wait3A_1565 = arith.constant 6144 : i32
        %dma_wait3A_1566 = tpu.memref_slice %arg8[%dma_wait3A_1565] : memref<8192xf32, #tpu.memory_space<vmem>> -> memref<1024xf32, #tpu.memory_space<vmem>>
        tpu.wait_dma2 semaphore(%arg11 : memref<!tpu.dma_semaphore, #tpu.memory_space<semaphore_mem>>) src(%dma_wait3A_1566 : memref<1024xf32, #tpu.memory_space<vmem>>) dst(%dma_wait3A_1564 : memref<1024xf32, #tpu.memory_space<hbm>>)
        %sub3A_1567 = arith.constant 2 : i32
        %sub3A_1568 = arith.subi %add3A_634, %sub3A_1567 : i32
        %add3A_1569 = arith.addi %mul3A_2, %sub3A_1568 : i32
        %jit3A_1570 = arith.constant 128 : i32
        %div3A_1571 = arith.divsi %add3A_1569, %jit3A_1570 : i32
        %sign3A_1572 = arith.constant 0 : i32
        %sign3A_1573 = arith.cmpi sgt, %add3A_1569, %sign3A_1572 : i32
        %sign3A_1574 = arith.extui %sign3A_1573 : i1 to i32
        %sign3A_1575 = arith.constant 0 : i32
        %sign3A_1576 = arith.cmpi slt, %add3A_1569, %sign3A_1575 : i32
        %sign3A_1577 = arith.extui %sign3A_1576 : i1 to i32
        %sign3A_1578 = arith.subi %sign3A_1574, %sign3A_1577 : i32
        %sign3A_1579 = arith.constant 0 : i32
        %sign3A_1580 = arith.cmpi sgt, %jit3A_1570, %sign3A_1579 : i32
        %sign3A_1581 = arith.extui %sign3A_1580 : i1 to i32
        %sign3A_1582 = arith.constant 0 : i32
        %sign3A_1583 = arith.cmpi slt, %jit3A_1570, %sign3A_1582 : i32
        %sign3A_1584 = arith.extui %sign3A_1583 : i1 to i32
        %sign3A_1585 = arith.subi %sign3A_1581, %sign3A_1584 : i32
        %ne3A_1586 = arith.cmpi ne, %sign3A_1578, %sign3A_1585 : i32
        %rem3A_1587 = arith.remsi %add3A_1569, %jit3A_1570 : i32
        %ne3A_1588 = arith.constant 0 : i32
        %ne3A_1589 = arith.cmpi ne, %rem3A_1587, %ne3A_1588 : i32
        %and3A_1590 = arith.andi %ne3A_1586, %ne3A_1589 : i1
        %sub3A_1591 = arith.constant 1 : i32
        %sub3A_1592 = arith.subi %div3A_1571, %sub3A_1591 : i32
        %select_n3A_1593 = arith.select %and3A_1590, %sub3A_1592, %div3A_1571 : i32
        %rem3A_1594 = arith.constant 128 : i32
        %rem3A_1595 = arith.remsi %add3A_1569, %rem3A_1594 : i32
        %dma_wait3A_1596 = arith.constant 7 : i32
        %dma_wait3A_1597 = arith.constant 7168 : i32
        %dma_wait3A_1598 = tpu.memref_slice %arg8[%dma_wait3A_1597] : memref<8192xf32, #tpu.memory_space<vmem>> -> memref<1024xf32, #tpu.memory_space<vmem>>
        %dma_wait3A_1599 = arith.constant 0 : i32
        %dma_wait3A_1600 = tpu.memref_slice %arg4[%select_n3A_1593, %dma_wait3A_1596, %rem3A_1595, %dma_wait3A_1599] : memref<50x8x128x1024xf32, #tpu.memory_space<hbm>> -> memref<1x1x1x1024xf32, #tpu.memory_space<hbm>>
        %dma_wait3A_1601 = tpu.memref_squeeze %dma_wait3A_1600 : memref<1x1x1x1024xf32, #tpu.memory_space<hbm>> -> memref<1024xf32, #tpu.memory_space<hbm>>
        %dma_wait3A_1602 = arith.constant 0 : i32
        %dma_wait3A_1603 = tpu.memref_slice %arg4[%select_n3A_1593, %dma_wait3A_1596, %rem3A_1595, %dma_wait3A_1602] : memref<50x8x128x1024xf32, #tpu.memory_space<hbm>> -> memref<1x1x1x1024xf32, #tpu.memory_space<hbm>>
        %dma_wait3A_1604 = tpu.memref_squeeze %dma_wait3A_1603 : memref<1x1x1x1024xf32, #tpu.memory_space<hbm>> -> memref<1024xf32, #tpu.memory_space<hbm>>
        %dma_wait3A_1605 = arith.constant 7168 : i32
        %dma_wait3A_1606 = tpu.memref_slice %arg8[%dma_wait3A_1605] : memref<8192xf32, #tpu.memory_space<vmem>> -> memref<1024xf32, #tpu.memory_space<vmem>>
        tpu.wait_dma2 semaphore(%arg11 : memref<!tpu.dma_semaphore, #tpu.memory_space<semaphore_mem>>) src(%dma_wait3A_1606 : memref<1024xf32, #tpu.memory_space<vmem>>) dst(%dma_wait3A_1604 : memref<1024xf32, #tpu.memory_space<hbm>>)
      } else {
      }
      %scan3A_649 = arith.constant 0 : i32
      %scan3A_650 = arith.constant 16 : i32
      %scan3A_651 = arith.addi %scan3A_649, %scan3A_650 : i32
      %scan3A_652 = arith.constant 1 : i32
      scf.for %scan3A_1287 = %scan3A_649 to %scan3A_651 step %scan3A_652  : i32 {
        %mul3A_1288 = arith.constant 1 : i32
        %mul3A_1289 = arith.muli %scan3A_1287, %mul3A_1288 : i32
        %add3A_1290 = arith.constant 0 : i32
        %add3A_1291 = arith.addi %add3A_1290, %mul3A_1289 : i32
        %add3A_1292 = vector.broadcast %add3A_1291 : i32 to vector<16xi32>
        %add3A_1293 = arith.addi %iota3A, %add3A_1292 : vector<16xi32>
        %and3A_1294 = arith.constant 15 : i32
        %and3A_1295 = vector.broadcast %and3A_1294 : i32 to vector<16xi32>
        %and3A_1296 = arith.andi %add3A_1293, %and3A_1295 : vector<16xi32>
        %mul3A_1297 = arith.constant 128 : i32
        %mul3A_1298 = vector.broadcast %mul3A_1297 : i32 to vector<16xi32>
        %mul3A_1299 = arith.muli %and3A_1296, %mul3A_1298 : vector<16xi32>
        %add3A_1300 = arith.addi %mul3A_1299, %iota3A : vector<16xi32>
        %add3A_1301 = arith.constant 0 : i32
        %add3A_1302 = vector.broadcast %add3A_1301 : i32 to vector<16xi32>
        %add3A_1303 = arith.addi %iota3A, %add3A_1302 : vector<16xi32>
        %add3A_1304 = arith.constant 0 : i32
        %add3A_1305 = vector.broadcast %add3A_1304 : i32 to vector<16xi32>
        %add3A_1306 = arith.addi %and3A_1296, %add3A_1305 : vector<16xi32>
        %gather3A = tpu.vector_load_idx %arg6[%add3A_1303, %add3A_1306] : memref<128x64xf32, #tpu.memory_space<vmem>>[vector<16xi32>, vector<16xi32>], vector<16xf32>,
        %add3A_1307 = arith.constant 0 : i32
        %add3A_1308 = vector.broadcast %add3A_1307 : i32 to vector<16xi32>
        %add3A_1309 = arith.addi %add3A_1300, %add3A_1308 : vector<16xi32>
        tpu.vector_store_idx %arg8[%add3A_1309], %gather3A : memref<8192xf32, #tpu.memory_space<vmem>>[vector<16xi32>], vector<16xf32>,
        %add3A_1310 = arith.constant 16 : i32
        %add3A_1311 = vector.broadcast %add3A_1310 : i32 to vector<16xi32>
        %add3A_1312 = arith.addi %and3A_1296, %add3A_1311 : vector<16xi32>
        %gather3A_1313 = tpu.vector_load_idx %arg6[%add3A_1303, %add3A_1312] : memref<128x64xf32, #tpu.memory_space<vmem>>[vector<16xi32>, vector<16xi32>], vector<16xf32>,
        %add3A_1314 = arith.constant 2048 : i32
        %add3A_1315 = vector.broadcast %add3A_1314 : i32 to vector<16xi32>
        %add3A_1316 = arith.addi %add3A_1300, %add3A_1315 : vector<16xi32>
        tpu.vector_store_idx %arg8[%add3A_1316], %gather3A_1313 : memref<8192xf32, #tpu.memory_space<vmem>>[vector<16xi32>], vector<16xf32>,
        %add3A_1317 = arith.constant 32 : i32
        %add3A_1318 = vector.broadcast %add3A_1317 : i32 to vector<16xi32>
        %add3A_1319 = arith.addi %and3A_1296, %add3A_1318 : vector<16xi32>
        %gather3A_1320 = tpu.vector_load_idx %arg6[%add3A_1303, %add3A_1319] : memref<128x64xf32, #tpu.memory_space<vmem>>[vector<16xi32>, vector<16xi32>], vector<16xf32>,
        %add3A_1321 = arith.constant 4096 : i32
        %add3A_1322 = vector.broadcast %add3A_1321 : i32 to vector<16xi32>
        %add3A_1323 = arith.addi %add3A_1300, %add3A_1322 : vector<16xi32>
        tpu.vector_store_idx %arg8[%add3A_1323], %gather3A_1320 : memref<8192xf32, #tpu.memory_space<vmem>>[vector<16xi32>], vector<16xf32>,
        %add3A_1324 = arith.constant 48 : i32
        %add3A_1325 = vector.broadcast %add3A_1324 : i32 to vector<16xi32>
        %add3A_1326 = arith.addi %and3A_1296, %add3A_1325 : vector<16xi32>
        %gather3A_1327 = tpu.vector_load_idx %arg6[%add3A_1303, %add3A_1326] : memref<128x64xf32, #tpu.memory_space<vmem>>[vector<16xi32>, vector<16xi32>], vector<16xf32>,
        %add3A_1328 = arith.constant 6144 : i32
        %add3A_1329 = vector.broadcast %add3A_1328 : i32 to vector<16xi32>
        %add3A_1330 = arith.addi %add3A_1300, %add3A_1329 : vector<16xi32>
        tpu.vector_store_idx %arg8[%add3A_1330], %gather3A_1327 : memref<8192xf32, #tpu.memory_space<vmem>>[vector<16xi32>], vector<16xf32>,
        %add3A_1331 = arith.constant 16 : i32
        %add3A_1332 = vector.broadcast %add3A_1331 : i32 to vector<16xi32>
        %add3A_1333 = arith.addi %iota3A, %add3A_1332 : vector<16xi32>
        %add3A_1334 = arith.constant 0 : i32
        %add3A_1335 = vector.broadcast %add3A_1334 : i32 to vector<16xi32>
        %add3A_1336 = arith.addi %and3A_1296, %add3A_1335 : vector<16xi32>
        %gather3A_1337 = tpu.vector_load_idx %arg6[%add3A_1333, %add3A_1336] : memref<128x64xf32, #tpu.memory_space<vmem>>[vector<16xi32>, vector<16xi32>], vector<16xf32>,
        %add3A_1338 = arith.constant 16 : i32
        %add3A_1339 = vector.broadcast %add3A_1338 : i32 to vector<16xi32>
        %add3A_1340 = arith.addi %add3A_1300, %add3A_1339 : vector<16xi32>
        tpu.vector_store_idx %arg8[%add3A_1340], %gather3A_1337 : memref<8192xf32, #tpu.memory_space<vmem>>[vector<16xi32>], vector<16xf32>,
        %add3A_1341 = arith.constant 16 : i32
        %add3A_1342 = vector.broadcast %add3A_1341 : i32 to vector<16xi32>
        %add3A_1343 = arith.addi %and3A_1296, %add3A_1342 : vector<16xi32>
        %gather3A_1344 = tpu.vector_load_idx %arg6[%add3A_1333, %add3A_1343] : memref<128x64xf32, #tpu.memory_space<vmem>>[vector<16xi32>, vector<16xi32>], vector<16xf32>,
        %add3A_1345 = arith.constant 2064 : i32
        %add3A_1346 = vector.broadcast %add3A_1345 : i32 to vector<16xi32>
        %add3A_1347 = arith.addi %add3A_1300, %add3A_1346 : vector<16xi32>
        tpu.vector_store_idx %arg8[%add3A_1347], %gather3A_1344 : memref<8192xf32, #tpu.memory_space<vmem>>[vector<16xi32>], vector<16xf32>,
        %add3A_1348 = arith.constant 32 : i32
        %add3A_1349 = vector.broadcast %add3A_1348 : i32 to vector<16xi32>
        %add3A_1350 = arith.addi %and3A_1296, %add3A_1349 : vector<16xi32>
        %gather3A_1351 = tpu.vector_load_idx %arg6[%add3A_1333, %add3A_1350] : memref<128x64xf32, #tpu.memory_space<vmem>>[vector<16xi32>, vector<16xi32>], vector<16xf32>,
        %add3A_1352 = arith.constant 4112 : i32
        %add3A_1353 = vector.broadcast %add3A_1352 : i32 to vector<16xi32>
        %add3A_1354 = arith.addi %add3A_1300, %add3A_1353 : vector<16xi32>
        tpu.vector_store_idx %arg8[%add3A_1354], %gather3A_1351 : memref<8192xf32, #tpu.memory_space<vmem>>[vector<16xi32>], vector<16xf32>,
        %add3A_1355 = arith.constant 48 : i32
        %add3A_1356 = vector.broadcast %add3A_1355 : i32 to vector<16xi32>
        %add3A_1357 = arith.addi %and3A_1296, %add3A_1356 : vector<16xi32>
        %gather3A_1358 = tpu.vector_load_idx %arg6[%add3A_1333, %add3A_1357] : memref<128x64xf32, #tpu.memory_space<vmem>>[vector<16xi32>, vector<16xi32>], vector<16xf32>,
        %add3A_1359 = arith.constant 6160 : i32
        %add3A_1360 = vector.broadcast %add3A_1359 : i32 to vector<16xi32>
        %add3A_1361 = arith.addi %add3A_1300, %add3A_1360 : vector<16xi32>
        tpu.vector_store_idx %arg8[%add3A_1361], %gather3A_1358 : memref<8192xf32, #tpu.memory_space<vmem>>[vector<16xi32>], vector<16xf32>,
        %add3A_1362 = arith.constant 32 : i32
        %add3A_1363 = vector.broadcast %add3A_1362 : i32 to vector<16xi32>
        %add3A_1364 = arith.addi %iota3A, %add3A_1363 : vector<16xi32>
        %add3A_1365 = arith.constant 0 : i32
        %add3A_1366 = vector.broadcast %add3A_1365 : i32 to vector<16xi32>
        %add3A_1367 = arith.addi %and3A_1296, %add3A_1366 : vector<16xi32>
        %gather3A_1368 = tpu.vector_load_idx %arg6[%add3A_1364, %add3A_1367] : memref<128x64xf32, #tpu.memory_space<vmem>>[vector<16xi32>, vector<16xi32>], vector<16xf32>,
        %add3A_1369 = arith.constant 32 : i32
        %add3A_1370 = vector.broadcast %add3A_1369 : i32 to vector<16xi32>
        %add3A_1371 = arith.addi %add3A_1300, %add3A_1370 : vector<16xi32>
        tpu.vector_store_idx %arg8[%add3A_1371], %gather3A_1368 : memref<8192xf32, #tpu.memory_space<vmem>>[vector<16xi32>], vector<16xf32>,
        %add3A_1372 = arith.constant 16 : i32
        %add3A_1373 = vector.broadcast %add3A_1372 : i32 to vector<16xi32>
        %add3A_1374 = arith.addi %and3A_1296, %add3A_1373 : vector<16xi32>
        %gather3A_1375 = tpu.vector_load_idx %arg6[%add3A_1364, %add3A_1374] : memref<128x64xf32, #tpu.memory_space<vmem>>[vector<16xi32>, vector<16xi32>], vector<16xf32>,
        %add3A_1376 = arith.constant 2080 : i32
        %add3A_1377 = vector.broadcast %add3A_1376 : i32 to vector<16xi32>
        %add3A_1378 = arith.addi %add3A_1300, %add3A_1377 : vector<16xi32>
        tpu.vector_store_idx %arg8[%add3A_1378], %gather3A_1375 : memref<8192xf32, #tpu.memory_space<vmem>>[vector<16xi32>], vector<16xf32>,
        %add3A_1379 = arith.constant 32 : i32
        %add3A_1380 = vector.broadcast %add3A_1379 : i32 to vector<16xi32>
        %add3A_1381 = arith.addi %and3A_1296, %add3A_1380 : vector<16xi32>
        %gather3A_1382 = tpu.vector_load_idx %arg6[%add3A_1364, %add3A_1381] : memref<128x64xf32, #tpu.memory_space<vmem>>[vector<16xi32>, vector<16xi32>], vector<16xf32>,
        %add3A_1383 = arith.constant 4128 : i32
        %add3A_1384 = vector.broadcast %add3A_1383 : i32 to vector<16xi32>
        %add3A_1385 = arith.addi %add3A_1300, %add3A_1384 : vector<16xi32>
        tpu.vector_store_idx %arg8[%add3A_1385], %gather3A_1382 : memref<8192xf32, #tpu.memory_space<vmem>>[vector<16xi32>], vector<16xf32>,
        %add3A_1386 = arith.constant 48 : i32
        %add3A_1387 = vector.broadcast %add3A_1386 : i32 to vector<16xi32>
        %add3A_1388 = arith.addi %and3A_1296, %add3A_1387 : vector<16xi32>
        %gather3A_1389 = tpu.vector_load_idx %arg6[%add3A_1364, %add3A_1388] : memref<128x64xf32, #tpu.memory_space<vmem>>[vector<16xi32>, vector<16xi32>], vector<16xf32>,
        %add3A_1390 = arith.constant 6176 : i32
        %add3A_1391 = vector.broadcast %add3A_1390 : i32 to vector<16xi32>
        %add3A_1392 = arith.addi %add3A_1300, %add3A_1391 : vector<16xi32>
        tpu.vector_store_idx %arg8[%add3A_1392], %gather3A_1389 : memref<8192xf32, #tpu.memory_space<vmem>>[vector<16xi32>], vector<16xf32>,
        %add3A_1393 = arith.constant 48 : i32
        %add3A_1394 = vector.broadcast %add3A_1393 : i32 to vector<16xi32>
        %add3A_1395 = arith.addi %iota3A, %add3A_1394 : vector<16xi32>
        %add3A_1396 = arith.constant 0 : i32
        %add3A_1397 = vector.broadcast %add3A_1396 : i32 to vector<16xi32>
        %add3A_1398 = arith.addi %and3A_1296, %add3A_1397 : vector<16xi32>
        %gather3A_1399 = tpu.vector_load_idx %arg6[%add3A_1395, %add3A_1398] : memref<128x64xf32, #tpu.memory_space<vmem>>[vector<16xi32>, vector<16xi32>], vector<16xf32>,
        %add3A_1400 = arith.constant 48 : i32
        %add3A_1401 = vector.broadcast %add3A_1400 : i32 to vector<16xi32>
        %add3A_1402 = arith.addi %add3A_1300, %add3A_1401 : vector<16xi32>
        tpu.vector_store_idx %arg8[%add3A_1402], %gather3A_1399 : memref<8192xf32, #tpu.memory_space<vmem>>[vector<16xi32>], vector<16xf32>,
        %add3A_1403 = arith.constant 16 : i32
        %add3A_1404 = vector.broadcast %add3A_1403 : i32 to vector<16xi32>
        %add3A_1405 = arith.addi %and3A_1296, %add3A_1404 : vector<16xi32>
        %gather3A_1406 = tpu.vector_load_idx %arg6[%add3A_1395, %add3A_1405] : memref<128x64xf32, #tpu.memory_space<vmem>>[vector<16xi32>, vector<16xi32>], vector<16xf32>,
        %add3A_1407 = arith.constant 2096 : i32
        %add3A_1408 = vector.broadcast %add3A_1407 : i32 to vector<16xi32>
        %add3A_1409 = arith.addi %add3A_1300, %add3A_1408 : vector<16xi32>
        tpu.vector_store_idx %arg8[%add3A_1409], %gather3A_1406 : memref<8192xf32, #tpu.memory_space<vmem>>[vector<16xi32>], vector<16xf32>,
        %add3A_1410 = arith.constant 32 : i32
        %add3A_1411 = vector.broadcast %add3A_1410 : i32 to vector<16xi32>
        %add3A_1412 = arith.addi %and3A_1296, %add3A_1411 : vector<16xi32>
        %gather3A_1413 = tpu.vector_load_idx %arg6[%add3A_1395, %add3A_1412] : memref<128x64xf32, #tpu.memory_space<vmem>>[vector<16xi32>, vector<16xi32>], vector<16xf32>,
        %add3A_1414 = arith.constant 4144 : i32
        %add3A_1415 = vector.broadcast %add3A_1414 : i32 to vector<16xi32>
        %add3A_1416 = arith.addi %add3A_1300, %add3A_1415 : vector<16xi32>
        tpu.vector_store_idx %arg8[%add3A_1416], %gather3A_1413 : memref<8192xf32, #tpu.memory_space<vmem>>[vector<16xi32>], vector<16xf32>,
        %add3A_1417 = arith.constant 48 : i32
        %add3A_1418 = vector.broadcast %add3A_1417 : i32 to vector<16xi32>
        %add3A_1419 = arith.addi %and3A_1296, %add3A_1418 : vector<16xi32>
        %gather3A_1420 = tpu.vector_load_idx %arg6[%add3A_1395, %add3A_1419] : memref<128x64xf32, #tpu.memory_space<vmem>>[vector<16xi32>, vector<16xi32>], vector<16xf32>,
        %add3A_1421 = arith.constant 6192 : i32
        %add3A_1422 = vector.broadcast %add3A_1421 : i32 to vector<16xi32>
        %add3A_1423 = arith.addi %add3A_1300, %add3A_1422 : vector<16xi32>
        tpu.vector_store_idx %arg8[%add3A_1423], %gather3A_1420 : memref<8192xf32, #tpu.memory_space<vmem>>[vector<16xi32>], vector<16xf32>,
        %add3A_1424 = arith.constant 64 : i32
        %add3A_1425 = vector.broadcast %add3A_1424 : i32 to vector<16xi32>
        %add3A_1426 = arith.addi %iota3A, %add3A_1425 : vector<16xi32>
        %add3A_1427 = arith.constant 0 : i32
        %add3A_1428 = vector.broadcast %add3A_1427 : i32 to vector<16xi32>
        %add3A_1429 = arith.addi %and3A_1296, %add3A_1428 : vector<16xi32>
        %gather3A_1430 = tpu.vector_load_idx %arg6[%add3A_1426, %add3A_1429] : memref<128x64xf32, #tpu.memory_space<vmem>>[vector<16xi32>, vector<16xi32>], vector<16xf32>,
        %add3A_1431 = arith.constant 64 : i32
        %add3A_1432 = vector.broadcast %add3A_1431 : i32 to vector<16xi32>
        %add3A_1433 = arith.addi %add3A_1300, %add3A_1432 : vector<16xi32>
        tpu.vector_store_idx %arg8[%add3A_1433], %gather3A_1430 : memref<8192xf32, #tpu.memory_space<vmem>>[vector<16xi32>], vector<16xf32>,
        %add3A_1434 = arith.constant 16 : i32
        %add3A_1435 = vector.broadcast %add3A_1434 : i32 to vector<16xi32>
        %add3A_1436 = arith.addi %and3A_1296, %add3A_1435 : vector<16xi32>
        %gather3A_1437 = tpu.vector_load_idx %arg6[%add3A_1426, %add3A_1436] : memref<128x64xf32, #tpu.memory_space<vmem>>[vector<16xi32>, vector<16xi32>], vector<16xf32>,
        %add3A_1438 = arith.constant 2112 : i32
        %add3A_1439 = vector.broadcast %add3A_1438 : i32 to vector<16xi32>
        %add3A_1440 = arith.addi %add3A_1300, %add3A_1439 : vector<16xi32>
        tpu.vector_store_idx %arg8[%add3A_1440], %gather3A_1437 : memref<8192xf32, #tpu.memory_space<vmem>>[vector<16xi32>], vector<16xf32>,
        %add3A_1441 = arith.constant 32 : i32
        %add3A_1442 = vector.broadcast %add3A_1441 : i32 to vector<16xi32>
        %add3A_1443 = arith.addi %and3A_1296, %add3A_1442 : vector<16xi32>
        %gather3A_1444 = tpu.vector_load_idx %arg6[%add3A_1426, %add3A_1443] : memref<128x64xf32, #tpu.memory_space<vmem>>[vector<16xi32>, vector<16xi32>], vector<16xf32>,
        %add3A_1445 = arith.constant 4160 : i32
        %add3A_1446 = vector.broadcast %add3A_1445 : i32 to vector<16xi32>
        %add3A_1447 = arith.addi %add3A_1300, %add3A_1446 : vector<16xi32>
        tpu.vector_store_idx %arg8[%add3A_1447], %gather3A_1444 : memref<8192xf32, #tpu.memory_space<vmem>>[vector<16xi32>], vector<16xf32>,
        %add3A_1448 = arith.constant 48 : i32
        %add3A_1449 = vector.broadcast %add3A_1448 : i32 to vector<16xi32>
        %add3A_1450 = arith.addi %and3A_1296, %add3A_1449 : vector<16xi32>
        %gather3A_1451 = tpu.vector_load_idx %arg6[%add3A_1426, %add3A_1450] : memref<128x64xf32, #tpu.memory_space<vmem>>[vector<16xi32>, vector<16xi32>], vector<16xf32>,
        %add3A_1452 = arith.constant 6208 : i32
        %add3A_1453 = vector.broadcast %add3A_1452 : i32 to vector<16xi32>
        %add3A_1454 = arith.addi %add3A_1300, %add3A_1453 : vector<16xi32>
        tpu.vector_store_idx %arg8[%add3A_1454], %gather3A_1451 : memref<8192xf32, #tpu.memory_space<vmem>>[vector<16xi32>], vector<16xf32>,
        %add3A_1455 = arith.constant 80 : i32
        %add3A_1456 = vector.broadcast %add3A_1455 : i32 to vector<16xi32>
        %add3A_1457 = arith.addi %iota3A, %add3A_1456 : vector<16xi32>
        %add3A_1458 = arith.constant 0 : i32
        %add3A_1459 = vector.broadcast %add3A_1458 : i32 to vector<16xi32>
        %add3A_1460 = arith.addi %and3A_1296, %add3A_1459 : vector<16xi32>
        %gather3A_1461 = tpu.vector_load_idx %arg6[%add3A_1457, %add3A_1460] : memref<128x64xf32, #tpu.memory_space<vmem>>[vector<16xi32>, vector<16xi32>], vector<16xf32>,
        %add3A_1462 = arith.constant 80 : i32
        %add3A_1463 = vector.broadcast %add3A_1462 : i32 to vector<16xi32>
        %add3A_1464 = arith.addi %add3A_1300, %add3A_1463 : vector<16xi32>
        tpu.vector_store_idx %arg8[%add3A_1464], %gather3A_1461 : memref<8192xf32, #tpu.memory_space<vmem>>[vector<16xi32>], vector<16xf32>,
        %add3A_1465 = arith.constant 16 : i32
        %add3A_1466 = vector.broadcast %add3A_1465 : i32 to vector<16xi32>
        %add3A_1467 = arith.addi %and3A_1296, %add3A_1466 : vector<16xi32>
        %gather3A_1468 = tpu.vector_load_idx %arg6[%add3A_1457, %add3A_1467] : memref<128x64xf32, #tpu.memory_space<vmem>>[vector<16xi32>, vector<16xi32>], vector<16xf32>,
        %add3A_1469 = arith.constant 2128 : i32
        %add3A_1470 = vector.broadcast %add3A_1469 : i32 to vector<16xi32>
        %add3A_1471 = arith.addi %add3A_1300, %add3A_1470 : vector<16xi32>
        tpu.vector_store_idx %arg8[%add3A_1471], %gather3A_1468 : memref<8192xf32, #tpu.memory_space<vmem>>[vector<16xi32>], vector<16xf32>,
        %add3A_1472 = arith.constant 32 : i32
        %add3A_1473 = vector.broadcast %add3A_1472 : i32 to vector<16xi32>
        %add3A_1474 = arith.addi %and3A_1296, %add3A_1473 : vector<16xi32>
        %gather3A_1475 = tpu.vector_load_idx %arg6[%add3A_1457, %add3A_1474] : memref<128x64xf32, #tpu.memory_space<vmem>>[vector<16xi32>, vector<16xi32>], vector<16xf32>,
        %add3A_1476 = arith.constant 4176 : i32
        %add3A_1477 = vector.broadcast %add3A_1476 : i32 to vector<16xi32>
        %add3A_1478 = arith.addi %add3A_1300, %add3A_1477 : vector<16xi32>
        tpu.vector_store_idx %arg8[%add3A_1478], %gather3A_1475 : memref<8192xf32, #tpu.memory_space<vmem>>[vector<16xi32>], vector<16xf32>,
        %add3A_1479 = arith.constant 48 : i32
        %add3A_1480 = vector.broadcast %add3A_1479 : i32 to vector<16xi32>
        %add3A_1481 = arith.addi %and3A_1296, %add3A_1480 : vector<16xi32>
        %gather3A_1482 = tpu.vector_load_idx %arg6[%add3A_1457, %add3A_1481] : memref<128x64xf32, #tpu.memory_space<vmem>>[vector<16xi32>, vector<16xi32>], vector<16xf32>,
        %add3A_1483 = arith.constant 6224 : i32
        %add3A_1484 = vector.broadcast %add3A_1483 : i32 to vector<16xi32>
        %add3A_1485 = arith.addi %add3A_1300, %add3A_1484 : vector<16xi32>
        tpu.vector_store_idx %arg8[%add3A_1485], %gather3A_1482 : memref<8192xf32, #tpu.memory_space<vmem>>[vector<16xi32>], vector<16xf32>,
        %add3A_1486 = arith.constant 96 : i32
        %add3A_1487 = vector.broadcast %add3A_1486 : i32 to vector<16xi32>
        %add3A_1488 = arith.addi %iota3A, %add3A_1487 : vector<16xi32>
        %add3A_1489 = arith.constant 0 : i32
        %add3A_1490 = vector.broadcast %add3A_1489 : i32 to vector<16xi32>
        %add3A_1491 = arith.addi %and3A_1296, %add3A_1490 : vector<16xi32>
        %gather3A_1492 = tpu.vector_load_idx %arg6[%add3A_1488, %add3A_1491] : memref<128x64xf32, #tpu.memory_space<vmem>>[vector<16xi32>, vector<16xi32>], vector<16xf32>,
        %add3A_1493 = arith.constant 96 : i32
        %add3A_1494 = vector.broadcast %add3A_1493 : i32 to vector<16xi32>
        %add3A_1495 = arith.addi %add3A_1300, %add3A_1494 : vector<16xi32>
        tpu.vector_store_idx %arg8[%add3A_1495], %gather3A_1492 : memref<8192xf32, #tpu.memory_space<vmem>>[vector<16xi32>], vector<16xf32>,
        %add3A_1496 = arith.constant 16 : i32
        %add3A_1497 = vector.broadcast %add3A_1496 : i32 to vector<16xi32>
        %add3A_1498 = arith.addi %and3A_1296, %add3A_1497 : vector<16xi32>
        %gather3A_1499 = tpu.vector_load_idx %arg6[%add3A_1488, %add3A_1498] : memref<128x64xf32, #tpu.memory_space<vmem>>[vector<16xi32>, vector<16xi32>], vector<16xf32>,
        %add3A_1500 = arith.constant 2144 : i32
        %add3A_1501 = vector.broadcast %add3A_1500 : i32 to vector<16xi32>
        %add3A_1502 = arith.addi %add3A_1300, %add3A_1501 : vector<16xi32>
        tpu.vector_store_idx %arg8[%add3A_1502], %gather3A_1499 : memref<8192xf32, #tpu.memory_space<vmem>>[vector<16xi32>], vector<16xf32>,
        %add3A_1503 = arith.constant 32 : i32
        %add3A_1504 = vector.broadcast %add3A_1503 : i32 to vector<16xi32>
        %add3A_1505 = arith.addi %and3A_1296, %add3A_1504 : vector<16xi32>
        %gather3A_1506 = tpu.vector_load_idx %arg6[%add3A_1488, %add3A_1505] : memref<128x64xf32, #tpu.memory_space<vmem>>[vector<16xi32>, vector<16xi32>], vector<16xf32>,
        %add3A_1507 = arith.constant 4192 : i32
        %add3A_1508 = vector.broadcast %add3A_1507 : i32 to vector<16xi32>
        %add3A_1509 = arith.addi %add3A_1300, %add3A_1508 : vector<16xi32>
        tpu.vector_store_idx %arg8[%add3A_1509], %gather3A_1506 : memref<8192xf32, #tpu.memory_space<vmem>>[vector<16xi32>], vector<16xf32>,
        %add3A_1510 = arith.constant 48 : i32
        %add3A_1511 = vector.broadcast %add3A_1510 : i32 to vector<16xi32>
        %add3A_1512 = arith.addi %and3A_1296, %add3A_1511 : vector<16xi32>
        %gather3A_1513 = tpu.vector_load_idx %arg6[%add3A_1488, %add3A_1512] : memref<128x64xf32, #tpu.memory_space<vmem>>[vector<16xi32>, vector<16xi32>], vector<16xf32>,
        %add3A_1514 = arith.constant 6240 : i32
        %add3A_1515 = vector.broadcast %add3A_1514 : i32 to vector<16xi32>
        %add3A_1516 = arith.addi %add3A_1300, %add3A_1515 : vector<16xi32>
        tpu.vector_store_idx %arg8[%add3A_1516], %gather3A_1513 : memref<8192xf32, #tpu.memory_space<vmem>>[vector<16xi32>], vector<16xf32>,
        %add3A_1517 = arith.constant 112 : i32
        %add3A_1518 = vector.broadcast %add3A_1517 : i32 to vector<16xi32>
        %add3A_1519 = arith.addi %iota3A, %add3A_1518 : vector<16xi32>
        %add3A_1520 = arith.constant 0 : i32
        %add3A_1521 = vector.broadcast %add3A_1520 : i32 to vector<16xi32>
        %add3A_1522 = arith.addi %and3A_1296, %add3A_1521 : vector<16xi32>
        %gather3A_1523 = tpu.vector_load_idx %arg6[%add3A_1519, %add3A_1522] : memref<128x64xf32, #tpu.memory_space<vmem>>[vector<16xi32>, vector<16xi32>], vector<16xf32>,
        %add3A_1524 = arith.constant 112 : i32
        %add3A_1525 = vector.broadcast %add3A_1524 : i32 to vector<16xi32>
        %add3A_1526 = arith.addi %add3A_1300, %add3A_1525 : vector<16xi32>
        tpu.vector_store_idx %arg8[%add3A_1526], %gather3A_1523 : memref<8192xf32, #tpu.memory_space<vmem>>[vector<16xi32>], vector<16xf32>,
        %add3A_1527 = arith.constant 16 : i32
        %add3A_1528 = vector.broadcast %add3A_1527 : i32 to vector<16xi32>
        %add3A_1529 = arith.addi %and3A_1296, %add3A_1528 : vector<16xi32>
        %gather3A_1530 = tpu.vector_load_idx %arg6[%add3A_1519, %add3A_1529] : memref<128x64xf32, #tpu.memory_space<vmem>>[vector<16xi32>, vector<16xi32>], vector<16xf32>,
        %add3A_1531 = arith.constant 2160 : i32
        %add3A_1532 = vector.broadcast %add3A_1531 : i32 to vector<16xi32>
        %add3A_1533 = arith.addi %add3A_1300, %add3A_1532 : vector<16xi32>
        tpu.vector_store_idx %arg8[%add3A_1533], %gather3A_1530 : memref<8192xf32, #tpu.memory_space<vmem>>[vector<16xi32>], vector<16xf32>,
        %add3A_1534 = arith.constant 32 : i32
        %add3A_1535 = vector.broadcast %add3A_1534 : i32 to vector<16xi32>
        %add3A_1536 = arith.addi %and3A_1296, %add3A_1535 : vector<16xi32>
        %gather3A_1537 = tpu.vector_load_idx %arg6[%add3A_1519, %add3A_1536] : memref<128x64xf32, #tpu.memory_space<vmem>>[vector<16xi32>, vector<16xi32>], vector<16xf32>,
        %add3A_1538 = arith.constant 4208 : i32
        %add3A_1539 = vector.broadcast %add3A_1538 : i32 to vector<16xi32>
        %add3A_1540 = arith.addi %add3A_1300, %add3A_1539 : vector<16xi32>
        tpu.vector_store_idx %arg8[%add3A_1540], %gather3A_1537 : memref<8192xf32, #tpu.memory_space<vmem>>[vector<16xi32>], vector<16xf32>,
        %add3A_1541 = arith.constant 48 : i32
        %add3A_1542 = vector.broadcast %add3A_1541 : i32 to vector<16xi32>
        %add3A_1543 = arith.addi %and3A_1296, %add3A_1542 : vector<16xi32>
        %gather3A_1544 = tpu.vector_load_idx %arg6[%add3A_1519, %add3A_1543] : memref<128x64xf32, #tpu.memory_space<vmem>>[vector<16xi32>, vector<16xi32>], vector<16xf32>,
        %add3A_1545 = arith.constant 6256 : i32
        %add3A_1546 = vector.broadcast %add3A_1545 : i32 to vector<16xi32>
        %add3A_1547 = arith.addi %add3A_1300, %add3A_1546 : vector<16xi32>
        tpu.vector_store_idx %arg8[%add3A_1547], %gather3A_1544 : memref<8192xf32, #tpu.memory_space<vmem>>[vector<16xi32>], vector<16xf32>,
      }
      %scan3A_653 = arith.constant 16 : i32
      %add3A_654 = arith.addi %mul3A_2, %add3A_634 : i32
      %jit3A_655 = arith.constant 128 : i32
      %div3A_656 = arith.divsi %add3A_654, %jit3A_655 : i32
      %sign3A_657 = arith.constant 0 : i32
      %sign3A_658 = arith.cmpi sgt, %add3A_654, %sign3A_657 : i32
      %sign3A_659 = arith.extui %sign3A_658 : i1 to i32
      %sign3A_660 = arith.constant 0 : i32
      %sign3A_661 = arith.cmpi slt, %add3A_654, %sign3A_660 : i32
      %sign3A_662 = arith.extui %sign3A_661 : i1 to i32
      %sign3A_663 = arith.subi %sign3A_659, %sign3A_662 : i32
      %sign3A_664 = arith.constant 0 : i32
      %sign3A_665 = arith.cmpi sgt, %jit3A_655, %sign3A_664 : i32
      %sign3A_666 = arith.extui %sign3A_665 : i1 to i32
      %sign3A_667 = arith.constant 0 : i32
      %sign3A_668 = arith.cmpi slt, %jit3A_655, %sign3A_667 : i32
      %sign3A_669 = arith.extui %sign3A_668 : i1 to i32
      %sign3A_670 = arith.subi %sign3A_666, %sign3A_669 : i32
      %ne3A_671 = arith.cmpi ne, %sign3A_663, %sign3A_670 : i32
      %rem3A_672 = arith.remsi %add3A_654, %jit3A_655 : i32
      %ne3A_673 = arith.constant 0 : i32
      %ne3A_674 = arith.cmpi ne, %rem3A_672, %ne3A_673 : i32
      %and3A_675 = arith.andi %ne3A_671, %ne3A_674 : i1
      %sub3A_676 = arith.constant 1 : i32
      %sub3A_677 = arith.subi %div3A_656, %sub3A_676 : i32
      %select_n3A_678 = arith.select %and3A_675, %sub3A_677, %div3A_656 : i32
      %rem3A_679 = arith.constant 128 : i32
      %rem3A_680 = arith.remsi %add3A_654, %rem3A_679 : i32
      %dma_start3A_681 = arith.constant 0 : i32
      %dma_start3A_682 = arith.constant 0 : i32
      %dma_start3A_683 = tpu.memref_slice %arg8[%dma_start3A_682] : memref<8192xf32, #tpu.memory_space<vmem>> -> memref<1024xf32, #tpu.memory_space<vmem>>
      %dma_start3A_684 = arith.constant 0 : i32
      %dma_start3A_685 = tpu.memref_slice %arg4[%select_n3A_678, %dma_start3A_681, %rem3A_680, %dma_start3A_684] : memref<50x8x128x1024xf32, #tpu.memory_space<hbm>> -> memref<1x1x1x1024xf32, #tpu.memory_space<hbm>>
      %dma_start3A_686 = tpu.memref_squeeze %dma_start3A_685 : memref<1x1x1x1024xf32, #tpu.memory_space<hbm>> -> memref<1024xf32, #tpu.memory_space<hbm>>
      %dma_start3A_687 = arith.constant 0 : i32
      %dma_start3A_688 = tpu.memref_slice %arg4[%select_n3A_678, %dma_start3A_681, %rem3A_680, %dma_start3A_687] : memref<50x8x128x1024xf32, #tpu.memory_space<hbm>> -> memref<1x1x1x1024xf32, #tpu.memory_space<hbm>>
      %dma_start3A_689 = tpu.memref_squeeze %dma_start3A_688 : memref<1x1x1x1024xf32, #tpu.memory_space<hbm>> -> memref<1024xf32, #tpu.memory_space<hbm>>
      %dma_start3A_690 = arith.constant 0 : i32
      %dma_start3A_691 = tpu.memref_slice %arg8[%dma_start3A_690] : memref<8192xf32, #tpu.memory_space<vmem>> -> memref<1024xf32, #tpu.memory_space<vmem>>
      tpu.enqueue_dma source(%dma_start3A_691 : memref<1024xf32, #tpu.memory_space<vmem>>) target(%dma_start3A_689 : memref<1024xf32, #tpu.memory_space<hbm>>) target_semaphore(%arg11 : memref<!tpu.dma_semaphore, #tpu.memory_space<semaphore_mem>>)
      %add3A_692 = arith.addi %mul3A_2, %add3A_634 : i32
      %jit3A_693 = arith.constant 128 : i32
      %div3A_694 = arith.divsi %add3A_692, %jit3A_693 : i32
      %sign3A_695 = arith.constant 0 : i32
      %sign3A_696 = arith.cmpi sgt, %add3A_692, %sign3A_695 : i32
      %sign3A_697 = arith.extui %sign3A_696 : i1 to i32
      %sign3A_698 = arith.constant 0 : i32
      %sign3A_699 = arith.cmpi slt, %add3A_692, %sign3A_698 : i32
      %sign3A_700 = arith.extui %sign3A_699 : i1 to i32
      %sign3A_701 = arith.subi %sign3A_697, %sign3A_700 : i32
      %sign3A_702 = arith.constant 0 : i32
      %sign3A_703 = arith.cmpi sgt, %jit3A_693, %sign3A_702 : i32
      %sign3A_704 = arith.extui %sign3A_703 : i1 to i32
      %sign3A_705 = arith.constant 0 : i32
      %sign3A_706 = arith.cmpi slt, %jit3A_693, %sign3A_705 : i32
      %sign3A_707 = arith.extui %sign3A_706 : i1 to i32
      %sign3A_708 = arith.subi %sign3A_704, %sign3A_707 : i32
      %ne3A_709 = arith.cmpi ne, %sign3A_701, %sign3A_708 : i32
      %rem3A_710 = arith.remsi %add3A_692, %jit3A_693 : i32
      %ne3A_711 = arith.constant 0 : i32
      %ne3A_712 = arith.cmpi ne, %rem3A_710, %ne3A_711 : i32
      %and3A_713 = arith.andi %ne3A_709, %ne3A_712 : i1
      %sub3A_714 = arith.constant 1 : i32
      %sub3A_715 = arith.subi %div3A_694, %sub3A_714 : i32
      %select_n3A_716 = arith.select %and3A_713, %sub3A_715, %div3A_694 : i32
      %rem3A_717 = arith.constant 128 : i32
      %rem3A_718 = arith.remsi %add3A_692, %rem3A_717 : i32
      %dma_start3A_719 = arith.constant 1 : i32
      %dma_start3A_720 = arith.constant 1024 : i32
      %dma_start3A_721 = tpu.memref_slice %arg8[%dma_start3A_720] : memref<8192xf32, #tpu.memory_space<vmem>> -> memref<1024xf32, #tpu.memory_space<vmem>>
      %dma_start3A_722 = arith.constant 0 : i32
      %dma_start3A_723 = tpu.memref_slice %arg4[%select_n3A_716, %dma_start3A_719, %rem3A_718, %dma_start3A_722] : memref<50x8x128x1024xf32, #tpu.memory_space<hbm>> -> memref<1x1x1x1024xf32, #tpu.memory_space<hbm>>
      %dma_start3A_724 = tpu.memref_squeeze %dma_start3A_723 : memref<1x1x1x1024xf32, #tpu.memory_space<hbm>> -> memref<1024xf32, #tpu.memory_space<hbm>>
      %dma_start3A_725 = arith.constant 0 : i32
      %dma_start3A_726 = tpu.memref_slice %arg4[%select_n3A_716, %dma_start3A_719, %rem3A_718, %dma_start3A_725] : memref<50x8x128x1024xf32, #tpu.memory_space<hbm>> -> memref<1x1x1x1024xf32, #tpu.memory_space<hbm>>
      %dma_start3A_727 = tpu.memref_squeeze %dma_start3A_726 : memref<1x1x1x1024xf32, #tpu.memory_space<hbm>> -> memref<1024xf32, #tpu.memory_space<hbm>>
      %dma_start3A_728 = arith.constant 1024 : i32
      %dma_start3A_729 = tpu.memref_slice %arg8[%dma_start3A_728] : memref<8192xf32, #tpu.memory_space<vmem>> -> memref<1024xf32, #tpu.memory_space<vmem>>
      tpu.enqueue_dma source(%dma_start3A_729 : memref<1024xf32, #tpu.memory_space<vmem>>) target(%dma_start3A_727 : memref<1024xf32, #tpu.memory_space<hbm>>) target_semaphore(%arg11 : memref<!tpu.dma_semaphore, #tpu.memory_space<semaphore_mem>>)
      %add3A_730 = arith.addi %mul3A_2, %add3A_634 : i32
      %jit3A_731 = arith.constant 128 : i32
      %div3A_732 = arith.divsi %add3A_730, %jit3A_731 : i32
      %sign3A_733 = arith.constant 0 : i32
      %sign3A_734 = arith.cmpi sgt, %add3A_730, %sign3A_733 : i32
      %sign3A_735 = arith.extui %sign3A_734 : i1 to i32
      %sign3A_736 = arith.constant 0 : i32
      %sign3A_737 = arith.cmpi slt, %add3A_730, %sign3A_736 : i32
      %sign3A_738 = arith.extui %sign3A_737 : i1 to i32
      %sign3A_739 = arith.subi %sign3A_735, %sign3A_738 : i32
      %sign3A_740 = arith.constant 0 : i32
      %sign3A_741 = arith.cmpi sgt, %jit3A_731, %sign3A_740 : i32
      %sign3A_742 = arith.extui %sign3A_741 : i1 to i32
      %sign3A_743 = arith.constant 0 : i32
      %sign3A_744 = arith.cmpi slt, %jit3A_731, %sign3A_743 : i32
      %sign3A_745 = arith.extui %sign3A_744 : i1 to i32
      %sign3A_746 = arith.subi %sign3A_742, %sign3A_745 : i32
      %ne3A_747 = arith.cmpi ne, %sign3A_739, %sign3A_746 : i32
      %rem3A_748 = arith.remsi %add3A_730, %jit3A_731 : i32
      %ne3A_749 = arith.constant 0 : i32
      %ne3A_750 = arith.cmpi ne, %rem3A_748, %ne3A_749 : i32
      %and3A_751 = arith.andi %ne3A_747, %ne3A_750 : i1
      %sub3A_752 = arith.constant 1 : i32
      %sub3A_753 = arith.subi %div3A_732, %sub3A_752 : i32
      %select_n3A_754 = arith.select %and3A_751, %sub3A_753, %div3A_732 : i32
      %rem3A_755 = arith.constant 128 : i32
      %rem3A_756 = arith.remsi %add3A_730, %rem3A_755 : i32
      %dma_start3A_757 = arith.constant 2 : i32
      %dma_start3A_758 = arith.constant 2048 : i32
      %dma_start3A_759 = tpu.memref_slice %arg8[%dma_start3A_758] : memref<8192xf32, #tpu.memory_space<vmem>> -> memref<1024xf32, #tpu.memory_space<vmem>>
      %dma_start3A_760 = arith.constant 0 : i32
      %dma_start3A_761 = tpu.memref_slice %arg4[%select_n3A_754, %dma_start3A_757, %rem3A_756, %dma_start3A_760] : memref<50x8x128x1024xf32, #tpu.memory_space<hbm>> -> memref<1x1x1x1024xf32, #tpu.memory_space<hbm>>
      %dma_start3A_762 = tpu.memref_squeeze %dma_start3A_761 : memref<1x1x1x1024xf32, #tpu.memory_space<hbm>> -> memref<1024xf32, #tpu.memory_space<hbm>>
      %dma_start3A_763 = arith.constant 0 : i32
      %dma_start3A_764 = tpu.memref_slice %arg4[%select_n3A_754, %dma_start3A_757, %rem3A_756, %dma_start3A_763] : memref<50x8x128x1024xf32, #tpu.memory_space<hbm>> -> memref<1x1x1x1024xf32, #tpu.memory_space<hbm>>
      %dma_start3A_765 = tpu.memref_squeeze %dma_start3A_764 : memref<1x1x1x1024xf32, #tpu.memory_space<hbm>> -> memref<1024xf32, #tpu.memory_space<hbm>>
      %dma_start3A_766 = arith.constant 2048 : i32
      %dma_start3A_767 = tpu.memref_slice %arg8[%dma_start3A_766] : memref<8192xf32, #tpu.memory_space<vmem>> -> memref<1024xf32, #tpu.memory_space<vmem>>
      tpu.enqueue_dma source(%dma_start3A_767 : memref<1024xf32, #tpu.memory_space<vmem>>) target(%dma_start3A_765 : memref<1024xf32, #tpu.memory_space<hbm>>) target_semaphore(%arg11 : memref<!tpu.dma_semaphore, #tpu.memory_space<semaphore_mem>>)
      %add3A_768 = arith.addi %mul3A_2, %add3A_634 : i32
      %jit3A_769 = arith.constant 128 : i32
      %div3A_770 = arith.divsi %add3A_768, %jit3A_769 : i32
      %sign3A_771 = arith.constant 0 : i32
      %sign3A_772 = arith.cmpi sgt, %add3A_768, %sign3A_771 : i32
      %sign3A_773 = arith.extui %sign3A_772 : i1 to i32
      %sign3A_774 = arith.constant 0 : i32
      %sign3A_775 = arith.cmpi slt, %add3A_768, %sign3A_774 : i32
      %sign3A_776 = arith.extui %sign3A_775 : i1 to i32
      %sign3A_777 = arith.subi %sign3A_773, %sign3A_776 : i32
      %sign3A_778 = arith.constant 0 : i32
      %sign3A_779 = arith.cmpi sgt, %jit3A_769, %sign3A_778 : i32
      %sign3A_780 = arith.extui %sign3A_779 : i1 to i32
      %sign3A_781 = arith.constant 0 : i32
      %sign3A_782 = arith.cmpi slt, %jit3A_769, %sign3A_781 : i32
      %sign3A_783 = arith.extui %sign3A_782 : i1 to i32
      %sign3A_784 = arith.subi %sign3A_780, %sign3A_783 : i32
      %ne3A_785 = arith.cmpi ne, %sign3A_777, %sign3A_784 : i32
      %rem3A_786 = arith.remsi %add3A_768, %jit3A_769 : i32
      %ne3A_787 = arith.constant 0 : i32
      %ne3A_788 = arith.cmpi ne, %rem3A_786, %ne3A_787 : i32
      %and3A_789 = arith.andi %ne3A_785, %ne3A_788 : i1
      %sub3A_790 = arith.constant 1 : i32
      %sub3A_791 = arith.subi %div3A_770, %sub3A_790 : i32
      %select_n3A_792 = arith.select %and3A_789, %sub3A_791, %div3A_770 : i32
      %rem3A_793 = arith.constant 128 : i32
      %rem3A_794 = arith.remsi %add3A_768, %rem3A_793 : i32
      %dma_start3A_795 = arith.constant 3 : i32
      %dma_start3A_796 = arith.constant 3072 : i32
      %dma_start3A_797 = tpu.memref_slice %arg8[%dma_start3A_796] : memref<8192xf32, #tpu.memory_space<vmem>> -> memref<1024xf32, #tpu.memory_space<vmem>>
      %dma_start3A_798 = arith.constant 0 : i32
      %dma_start3A_799 = tpu.memref_slice %arg4[%select_n3A_792, %dma_start3A_795, %rem3A_794, %dma_start3A_798] : memref<50x8x128x1024xf32, #tpu.memory_space<hbm>> -> memref<1x1x1x1024xf32, #tpu.memory_space<hbm>>
      %dma_start3A_800 = tpu.memref_squeeze %dma_start3A_799 : memref<1x1x1x1024xf32, #tpu.memory_space<hbm>> -> memref<1024xf32, #tpu.memory_space<hbm>>
      %dma_start3A_801 = arith.constant 0 : i32
      %dma_start3A_802 = tpu.memref_slice %arg4[%select_n3A_792, %dma_start3A_795, %rem3A_794, %dma_start3A_801] : memref<50x8x128x1024xf32, #tpu.memory_space<hbm>> -> memref<1x1x1x1024xf32, #tpu.memory_space<hbm>>
      %dma_start3A_803 = tpu.memref_squeeze %dma_start3A_802 : memref<1x1x1x1024xf32, #tpu.memory_space<hbm>> -> memref<1024xf32, #tpu.memory_space<hbm>>
      %dma_start3A_804 = arith.constant 3072 : i32
      %dma_start3A_805 = tpu.memref_slice %arg8[%dma_start3A_804] : memref<8192xf32, #tpu.memory_space<vmem>> -> memref<1024xf32, #tpu.memory_space<vmem>>
      tpu.enqueue_dma source(%dma_start3A_805 : memref<1024xf32, #tpu.memory_space<vmem>>) target(%dma_start3A_803 : memref<1024xf32, #tpu.memory_space<hbm>>) target_semaphore(%arg11 : memref<!tpu.dma_semaphore, #tpu.memory_space<semaphore_mem>>)
      %add3A_806 = arith.addi %mul3A_2, %add3A_634 : i32
      %jit3A_807 = arith.constant 128 : i32
      %div3A_808 = arith.divsi %add3A_806, %jit3A_807 : i32
      %sign3A_809 = arith.constant 0 : i32
      %sign3A_810 = arith.cmpi sgt, %add3A_806, %sign3A_809 : i32
      %sign3A_811 = arith.extui %sign3A_810 : i1 to i32
      %sign3A_812 = arith.constant 0 : i32
      %sign3A_813 = arith.cmpi slt, %add3A_806, %sign3A_812 : i32
      %sign3A_814 = arith.extui %sign3A_813 : i1 to i32
      %sign3A_815 = arith.subi %sign3A_811, %sign3A_814 : i32
      %sign3A_816 = arith.constant 0 : i32
      %sign3A_817 = arith.cmpi sgt, %jit3A_807, %sign3A_816 : i32
      %sign3A_818 = arith.extui %sign3A_817 : i1 to i32
      %sign3A_819 = arith.constant 0 : i32
      %sign3A_820 = arith.cmpi slt, %jit3A_807, %sign3A_819 : i32
      %sign3A_821 = arith.extui %sign3A_820 : i1 to i32
      %sign3A_822 = arith.subi %sign3A_818, %sign3A_821 : i32
      %ne3A_823 = arith.cmpi ne, %sign3A_815, %sign3A_822 : i32
      %rem3A_824 = arith.remsi %add3A_806, %jit3A_807 : i32
      %ne3A_825 = arith.constant 0 : i32
      %ne3A_826 = arith.cmpi ne, %rem3A_824, %ne3A_825 : i32
      %and3A_827 = arith.andi %ne3A_823, %ne3A_826 : i1
      %sub3A_828 = arith.constant 1 : i32
      %sub3A_829 = arith.subi %div3A_808, %sub3A_828 : i32
      %select_n3A_830 = arith.select %and3A_827, %sub3A_829, %div3A_808 : i32
      %rem3A_831 = arith.constant 128 : i32
      %rem3A_832 = arith.remsi %add3A_806, %rem3A_831 : i32
      %dma_start3A_833 = arith.constant 4 : i32
      %dma_start3A_834 = arith.constant 4096 : i32
      %dma_start3A_835 = tpu.memref_slice %arg8[%dma_start3A_834] : memref<8192xf32, #tpu.memory_space<vmem>> -> memref<1024xf32, #tpu.memory_space<vmem>>
      %dma_start3A_836 = arith.constant 0 : i32
      %dma_start3A_837 = tpu.memref_slice %arg4[%select_n3A_830, %dma_start3A_833, %rem3A_832, %dma_start3A_836] : memref<50x8x128x1024xf32, #tpu.memory_space<hbm>> -> memref<1x1x1x1024xf32, #tpu.memory_space<hbm>>
      %dma_start3A_838 = tpu.memref_squeeze %dma_start3A_837 : memref<1x1x1x1024xf32, #tpu.memory_space<hbm>> -> memref<1024xf32, #tpu.memory_space<hbm>>
      %dma_start3A_839 = arith.constant 0 : i32
      %dma_start3A_840 = tpu.memref_slice %arg4[%select_n3A_830, %dma_start3A_833, %rem3A_832, %dma_start3A_839] : memref<50x8x128x1024xf32, #tpu.memory_space<hbm>> -> memref<1x1x1x1024xf32, #tpu.memory_space<hbm>>
      %dma_start3A_841 = tpu.memref_squeeze %dma_start3A_840 : memref<1x1x1x1024xf32, #tpu.memory_space<hbm>> -> memref<1024xf32, #tpu.memory_space<hbm>>
      %dma_start3A_842 = arith.constant 4096 : i32
      %dma_start3A_843 = tpu.memref_slice %arg8[%dma_start3A_842] : memref<8192xf32, #tpu.memory_space<vmem>> -> memref<1024xf32, #tpu.memory_space<vmem>>
      tpu.enqueue_dma source(%dma_start3A_843 : memref<1024xf32, #tpu.memory_space<vmem>>) target(%dma_start3A_841 : memref<1024xf32, #tpu.memory_space<hbm>>) target_semaphore(%arg11 : memref<!tpu.dma_semaphore, #tpu.memory_space<semaphore_mem>>)
      %add3A_844 = arith.addi %mul3A_2, %add3A_634 : i32
      %jit3A_845 = arith.constant 128 : i32
      %div3A_846 = arith.divsi %add3A_844, %jit3A_845 : i32
      %sign3A_847 = arith.constant 0 : i32
      %sign3A_848 = arith.cmpi sgt, %add3A_844, %sign3A_847 : i32
      %sign3A_849 = arith.extui %sign3A_848 : i1 to i32
      %sign3A_850 = arith.constant 0 : i32
      %sign3A_851 = arith.cmpi slt, %add3A_844, %sign3A_850 : i32
      %sign3A_852 = arith.extui %sign3A_851 : i1 to i32
      %sign3A_853 = arith.subi %sign3A_849, %sign3A_852 : i32
      %sign3A_854 = arith.constant 0 : i32
      %sign3A_855 = arith.cmpi sgt, %jit3A_845, %sign3A_854 : i32
      %sign3A_856 = arith.extui %sign3A_855 : i1 to i32
      %sign3A_857 = arith.constant 0 : i32
      %sign3A_858 = arith.cmpi slt, %jit3A_845, %sign3A_857 : i32
      %sign3A_859 = arith.extui %sign3A_858 : i1 to i32
      %sign3A_860 = arith.subi %sign3A_856, %sign3A_859 : i32
      %ne3A_861 = arith.cmpi ne, %sign3A_853, %sign3A_860 : i32
      %rem3A_862 = arith.remsi %add3A_844, %jit3A_845 : i32
      %ne3A_863 = arith.constant 0 : i32
      %ne3A_864 = arith.cmpi ne, %rem3A_862, %ne3A_863 : i32
      %and3A_865 = arith.andi %ne3A_861, %ne3A_864 : i1
      %sub3A_866 = arith.constant 1 : i32
      %sub3A_867 = arith.subi %div3A_846, %sub3A_866 : i32
      %select_n3A_868 = arith.select %and3A_865, %sub3A_867, %div3A_846 : i32
      %rem3A_869 = arith.constant 128 : i32
      %rem3A_870 = arith.remsi %add3A_844, %rem3A_869 : i32
      %dma_start3A_871 = arith.constant 5 : i32
      %dma_start3A_872 = arith.constant 5120 : i32
      %dma_start3A_873 = tpu.memref_slice %arg8[%dma_start3A_872] : memref<8192xf32, #tpu.memory_space<vmem>> -> memref<1024xf32, #tpu.memory_space<vmem>>
      %dma_start3A_874 = arith.constant 0 : i32
      %dma_start3A_875 = tpu.memref_slice %arg4[%select_n3A_868, %dma_start3A_871, %rem3A_870, %dma_start3A_874] : memref<50x8x128x1024xf32, #tpu.memory_space<hbm>> -> memref<1x1x1x1024xf32, #tpu.memory_space<hbm>>
      %dma_start3A_876 = tpu.memref_squeeze %dma_start3A_875 : memref<1x1x1x1024xf32, #tpu.memory_space<hbm>> -> memref<1024xf32, #tpu.memory_space<hbm>>
      %dma_start3A_877 = arith.constant 0 : i32
      %dma_start3A_878 = tpu.memref_slice %arg4[%select_n3A_868, %dma_start3A_871, %rem3A_870, %dma_start3A_877] : memref<50x8x128x1024xf32, #tpu.memory_space<hbm>> -> memref<1x1x1x1024xf32, #tpu.memory_space<hbm>>
      %dma_start3A_879 = tpu.memref_squeeze %dma_start3A_878 : memref<1x1x1x1024xf32, #tpu.memory_space<hbm>> -> memref<1024xf32, #tpu.memory_space<hbm>>
      %dma_start3A_880 = arith.constant 5120 : i32
      %dma_start3A_881 = tpu.memref_slice %arg8[%dma_start3A_880] : memref<8192xf32, #tpu.memory_space<vmem>> -> memref<1024xf32, #tpu.memory_space<vmem>>
      tpu.enqueue_dma source(%dma_start3A_881 : memref<1024xf32, #tpu.memory_space<vmem>>) target(%dma_start3A_879 : memref<1024xf32, #tpu.memory_space<hbm>>) target_semaphore(%arg11 : memref<!tpu.dma_semaphore, #tpu.memory_space<semaphore_mem>>)
      %add3A_882 = arith.addi %mul3A_2, %add3A_634 : i32
      %jit3A_883 = arith.constant 128 : i32
      %div3A_884 = arith.divsi %add3A_882, %jit3A_883 : i32
      %sign3A_885 = arith.constant 0 : i32
      %sign3A_886 = arith.cmpi sgt, %add3A_882, %sign3A_885 : i32
      %sign3A_887 = arith.extui %sign3A_886 : i1 to i32
      %sign3A_888 = arith.constant 0 : i32
      %sign3A_889 = arith.cmpi slt, %add3A_882, %sign3A_888 : i32
      %sign3A_890 = arith.extui %sign3A_889 : i1 to i32
      %sign3A_891 = arith.subi %sign3A_887, %sign3A_890 : i32
      %sign3A_892 = arith.constant 0 : i32
      %sign3A_893 = arith.cmpi sgt, %jit3A_883, %sign3A_892 : i32
      %sign3A_894 = arith.extui %sign3A_893 : i1 to i32
      %sign3A_895 = arith.constant 0 : i32
      %sign3A_896 = arith.cmpi slt, %jit3A_883, %sign3A_895 : i32
      %sign3A_897 = arith.extui %sign3A_896 : i1 to i32
      %sign3A_898 = arith.subi %sign3A_894, %sign3A_897 : i32
      %ne3A_899 = arith.cmpi ne, %sign3A_891, %sign3A_898 : i32
      %rem3A_900 = arith.remsi %add3A_882, %jit3A_883 : i32
      %ne3A_901 = arith.constant 0 : i32
      %ne3A_902 = arith.cmpi ne, %rem3A_900, %ne3A_901 : i32
      %and3A_903 = arith.andi %ne3A_899, %ne3A_902 : i1
      %sub3A_904 = arith.constant 1 : i32
      %sub3A_905 = arith.subi %div3A_884, %sub3A_904 : i32
      %select_n3A_906 = arith.select %and3A_903, %sub3A_905, %div3A_884 : i32
      %rem3A_907 = arith.constant 128 : i32
      %rem3A_908 = arith.remsi %add3A_882, %rem3A_907 : i32
      %dma_start3A_909 = arith.constant 6 : i32
      %dma_start3A_910 = arith.constant 6144 : i32
      %dma_start3A_911 = tpu.memref_slice %arg8[%dma_start3A_910] : memref<8192xf32, #tpu.memory_space<vmem>> -> memref<1024xf32, #tpu.memory_space<vmem>>
      %dma_start3A_912 = arith.constant 0 : i32
      %dma_start3A_913 = tpu.memref_slice %arg4[%select_n3A_906, %dma_start3A_909, %rem3A_908, %dma_start3A_912] : memref<50x8x128x1024xf32, #tpu.memory_space<hbm>> -> memref<1x1x1x1024xf32, #tpu.memory_space<hbm>>
      %dma_start3A_914 = tpu.memref_squeeze %dma_start3A_913 : memref<1x1x1x1024xf32, #tpu.memory_space<hbm>> -> memref<1024xf32, #tpu.memory_space<hbm>>
      %dma_start3A_915 = arith.constant 0 : i32
      %dma_start3A_916 = tpu.memref_slice %arg4[%select_n3A_906, %dma_start3A_909, %rem3A_908, %dma_start3A_915] : memref<50x8x128x1024xf32, #tpu.memory_space<hbm>> -> memref<1x1x1x1024xf32, #tpu.memory_space<hbm>>
      %dma_start3A_917 = tpu.memref_squeeze %dma_start3A_916 : memref<1x1x1x1024xf32, #tpu.memory_space<hbm>> -> memref<1024xf32, #tpu.memory_space<hbm>>
      %dma_start3A_918 = arith.constant 6144 : i32
      %dma_start3A_919 = tpu.memref_slice %arg8[%dma_start3A_918] : memref<8192xf32, #tpu.memory_space<vmem>> -> memref<1024xf32, #tpu.memory_space<vmem>>
      tpu.enqueue_dma source(%dma_start3A_919 : memref<1024xf32, #tpu.memory_space<vmem>>) target(%dma_start3A_917 : memref<1024xf32, #tpu.memory_space<hbm>>) target_semaphore(%arg11 : memref<!tpu.dma_semaphore, #tpu.memory_space<semaphore_mem>>)
      %add3A_920 = arith.addi %mul3A_2, %add3A_634 : i32
      %jit3A_921 = arith.constant 128 : i32
      %div3A_922 = arith.divsi %add3A_920, %jit3A_921 : i32
      %sign3A_923 = arith.constant 0 : i32
      %sign3A_924 = arith.cmpi sgt, %add3A_920, %sign3A_923 : i32
      %sign3A_925 = arith.extui %sign3A_924 : i1 to i32
      %sign3A_926 = arith.constant 0 : i32
      %sign3A_927 = arith.cmpi slt, %add3A_920, %sign3A_926 : i32
      %sign3A_928 = arith.extui %sign3A_927 : i1 to i32
      %sign3A_929 = arith.subi %sign3A_925, %sign3A_928 : i32
      %sign3A_930 = arith.constant 0 : i32
      %sign3A_931 = arith.cmpi sgt, %jit3A_921, %sign3A_930 : i32
      %sign3A_932 = arith.extui %sign3A_931 : i1 to i32
      %sign3A_933 = arith.constant 0 : i32
      %sign3A_934 = arith.cmpi slt, %jit3A_921, %sign3A_933 : i32
      %sign3A_935 = arith.extui %sign3A_934 : i1 to i32
      %sign3A_936 = arith.subi %sign3A_932, %sign3A_935 : i32
      %ne3A_937 = arith.cmpi ne, %sign3A_929, %sign3A_936 : i32
      %rem3A_938 = arith.remsi %add3A_920, %jit3A_921 : i32
      %ne3A_939 = arith.constant 0 : i32
      %ne3A_940 = arith.cmpi ne, %rem3A_938, %ne3A_939 : i32
      %and3A_941 = arith.andi %ne3A_937, %ne3A_940 : i1
      %sub3A_942 = arith.constant 1 : i32
      %sub3A_943 = arith.subi %div3A_922, %sub3A_942 : i32
      %select_n3A_944 = arith.select %and3A_941, %sub3A_943, %div3A_922 : i32
      %rem3A_945 = arith.constant 128 : i32
      %rem3A_946 = arith.remsi %add3A_920, %rem3A_945 : i32
      %dma_start3A_947 = arith.constant 7 : i32
      %dma_start3A_948 = arith.constant 7168 : i32
      %dma_start3A_949 = tpu.memref_slice %arg8[%dma_start3A_948] : memref<8192xf32, #tpu.memory_space<vmem>> -> memref<1024xf32, #tpu.memory_space<vmem>>
      %dma_start3A_950 = arith.constant 0 : i32
      %dma_start3A_951 = tpu.memref_slice %arg4[%select_n3A_944, %dma_start3A_947, %rem3A_946, %dma_start3A_950] : memref<50x8x128x1024xf32, #tpu.memory_space<hbm>> -> memref<1x1x1x1024xf32, #tpu.memory_space<hbm>>
      %dma_start3A_952 = tpu.memref_squeeze %dma_start3A_951 : memref<1x1x1x1024xf32, #tpu.memory_space<hbm>> -> memref<1024xf32, #tpu.memory_space<hbm>>
      %dma_start3A_953 = arith.constant 0 : i32
      %dma_start3A_954 = tpu.memref_slice %arg4[%select_n3A_944, %dma_start3A_947, %rem3A_946, %dma_start3A_953] : memref<50x8x128x1024xf32, #tpu.memory_space<hbm>> -> memref<1x1x1x1024xf32, #tpu.memory_space<hbm>>
      %dma_start3A_955 = tpu.memref_squeeze %dma_start3A_954 : memref<1x1x1x1024xf32, #tpu.memory_space<hbm>> -> memref<1024xf32, #tpu.memory_space<hbm>>
      %dma_start3A_956 = arith.constant 7168 : i32
      %dma_start3A_957 = tpu.memref_slice %arg8[%dma_start3A_956] : memref<8192xf32, #tpu.memory_space<vmem>> -> memref<1024xf32, #tpu.memory_space<vmem>>
      tpu.enqueue_dma source(%dma_start3A_957 : memref<1024xf32, #tpu.memory_space<vmem>>) target(%dma_start3A_955 : memref<1024xf32, #tpu.memory_space<hbm>>) target_semaphore(%arg11 : memref<!tpu.dma_semaphore, #tpu.memory_space<semaphore_mem>>)
      %add3A_958 = arith.constant 1 : i32
      %add3A_959 = arith.addi %add3A_632, %add3A_958 : i32
      %add3A_960 = arith.constant 1 : i32
      %add3A_961 = arith.addi %add3A_959, %add3A_960 : i32
      %lt3A_962 = arith.constant 200 : i32
      %lt3A_963 = arith.cmpi slt, %add3A_961, %lt3A_962 : i32
      %convert_element_type3A_964 = arith.extui %lt3A_963 : i1 to i32
      %cond3A_965 = arith.constant 0 : i32
      %cond3A_966 = arith.cmpi ne, %convert_element_type3A_964, %cond3A_965 : i32
      scf.if %cond3A_966 {
        %add3A_1287 = arith.constant 1 : i32
        %add3A_1288 = arith.addi %add3A_959, %add3A_1287 : i32
        %dma_start3A_1289 = arith.constant 0 : i32
        %dma_start3A_1290 = tpu.memref_slice %arg5[%add3A_1288, %dma_start3A_1289] : memref<200x128xi32, #tpu.memory_space<vmem>> -> memref<1x128xi32, #tpu.memory_space<vmem>>
        %dma_start3A_1291 = tpu.memref_squeeze %dma_start3A_1290 : memref<1x128xi32, #tpu.memory_space<vmem>> -> memref<128xi32, #tpu.memory_space<vmem>>
        %dma_start3A_1292 = arith.constant 0 : i32
        %dma_start3A_1293 = arith.constant 0 : i32
        %dma_start3A_1294 = tpu.memref_slice %arg3[%dma_start3A_1292, %dma_start3A_1293] : memref<1000000x64xf32, #tpu.memory_space<hbm>> -> memref<1000000x64xf32, #tpu.memory_space<hbm>>
        tpu.enqueue_indirect_dma source(%dma_start3A_1294 : memref<1000000x64xf32, #tpu.memory_space<hbm>>) target(%arg6 : memref<128x64xf32, #tpu.memory_space<vmem>>) offsets(%dma_start3A_1291 : memref<128xi32, #tpu.memory_space<vmem>>) semaphore(%arg10 : memref<!tpu.dma_semaphore, #tpu.memory_space<semaphore_mem>>)
      } else {
      }
      %dma_wait3A_967 = arith.constant 0 : i32
      %dma_wait3A_968 = tpu.memref_slice %arg5[%add3A_959, %dma_wait3A_967] : memref<200x128xi32, #tpu.memory_space<vmem>> -> memref<1x128xi32, #tpu.memory_space<vmem>>
      %dma_wait3A_969 = tpu.memref_squeeze %dma_wait3A_968 : memref<1x128xi32, #tpu.memory_space<vmem>> -> memref<128xi32, #tpu.memory_space<vmem>>
      %dma_wait3A_970 = arith.constant 0 : i32
      %dma_wait3A_971 = arith.constant 0 : i32
      %dma_wait3A_972 = tpu.memref_slice %arg3[%dma_wait3A_970, %dma_wait3A_971] : memref<1000000x64xf32, #tpu.memory_space<hbm>> -> memref<1000000x64xf32, #tpu.memory_space<hbm>>
      tpu.wait_indirect_dma semaphore(%arg10 : memref<!tpu.dma_semaphore, #tpu.memory_space<semaphore_mem>>) src(%dma_wait3A_972 : memref<1000000x64xf32, #tpu.memory_space<hbm>>) dst(%arg7 : memref<128x64xf32, #tpu.memory_space<vmem>>)
      %ge3A_973 = arith.constant 2 : i32
      %ge3A_974 = arith.cmpi sge, %add3A_959, %ge3A_973 : i32
      %convert_element_type3A_975 = arith.extui %ge3A_974 : i1 to i32
      %cond3A_976 = arith.constant 0 : i32
      %cond3A_977 = arith.cmpi ne, %convert_element_type3A_975, %cond3A_976 : i32
      scf.if %cond3A_977 {
        %sub3A_1287 = arith.constant 2 : i32
        %sub3A_1288 = arith.subi %add3A_959, %sub3A_1287 : i32
        %add3A_1289 = arith.addi %mul3A_2, %sub3A_1288 : i32
        %jit3A_1290 = arith.constant 128 : i32
        %div3A_1291 = arith.divsi %add3A_1289, %jit3A_1290 : i32
        %sign3A_1292 = arith.constant 0 : i32
        %sign3A_1293 = arith.cmpi sgt, %add3A_1289, %sign3A_1292 : i32
        %sign3A_1294 = arith.extui %sign3A_1293 : i1 to i32
        %sign3A_1295 = arith.constant 0 : i32
        %sign3A_1296 = arith.cmpi slt, %add3A_1289, %sign3A_1295 : i32
        %sign3A_1297 = arith.extui %sign3A_1296 : i1 to i32
        %sign3A_1298 = arith.subi %sign3A_1294, %sign3A_1297 : i32
        %sign3A_1299 = arith.constant 0 : i32
        %sign3A_1300 = arith.cmpi sgt, %jit3A_1290, %sign3A_1299 : i32
        %sign3A_1301 = arith.extui %sign3A_1300 : i1 to i32
        %sign3A_1302 = arith.constant 0 : i32
        %sign3A_1303 = arith.cmpi slt, %jit3A_1290, %sign3A_1302 : i32
        %sign3A_1304 = arith.extui %sign3A_1303 : i1 to i32
        %sign3A_1305 = arith.subi %sign3A_1301, %sign3A_1304 : i32
        %ne3A_1306 = arith.cmpi ne, %sign3A_1298, %sign3A_1305 : i32
        %rem3A_1307 = arith.remsi %add3A_1289, %jit3A_1290 : i32
        %ne3A_1308 = arith.constant 0 : i32
        %ne3A_1309 = arith.cmpi ne, %rem3A_1307, %ne3A_1308 : i32
        %and3A_1310 = arith.andi %ne3A_1306, %ne3A_1309 : i1
        %sub3A_1311 = arith.constant 1 : i32
        %sub3A_1312 = arith.subi %div3A_1291, %sub3A_1311 : i32
        %select_n3A_1313 = arith.select %and3A_1310, %sub3A_1312, %div3A_1291 : i32
        %rem3A_1314 = arith.constant 128 : i32
        %rem3A_1315 = arith.remsi %add3A_1289, %rem3A_1314 : i32
        %dma_wait3A_1316 = arith.constant 0 : i32
        %dma_wait3A_1317 = arith.constant 0 : i32
        %dma_wait3A_1318 = tpu.memref_slice %arg9[%dma_wait3A_1317] : memref<8192xf32, #tpu.memory_space<vmem>> -> memref<1024xf32, #tpu.memory_space<vmem>>
        %dma_wait3A_1319 = arith.constant 0 : i32
        %dma_wait3A_1320 = tpu.memref_slice %arg4[%select_n3A_1313, %dma_wait3A_1316, %rem3A_1315, %dma_wait3A_1319] : memref<50x8x128x1024xf32, #tpu.memory_space<hbm>> -> memref<1x1x1x1024xf32, #tpu.memory_space<hbm>>
        %dma_wait3A_1321 = tpu.memref_squeeze %dma_wait3A_1320 : memref<1x1x1x1024xf32, #tpu.memory_space<hbm>> -> memref<1024xf32, #tpu.memory_space<hbm>>
        %dma_wait3A_1322 = arith.constant 0 : i32
        %dma_wait3A_1323 = tpu.memref_slice %arg4[%select_n3A_1313, %dma_wait3A_1316, %rem3A_1315, %dma_wait3A_1322] : memref<50x8x128x1024xf32, #tpu.memory_space<hbm>> -> memref<1x1x1x1024xf32, #tpu.memory_space<hbm>>
        %dma_wait3A_1324 = tpu.memref_squeeze %dma_wait3A_1323 : memref<1x1x1x1024xf32, #tpu.memory_space<hbm>> -> memref<1024xf32, #tpu.memory_space<hbm>>
        %dma_wait3A_1325 = arith.constant 0 : i32
        %dma_wait3A_1326 = tpu.memref_slice %arg9[%dma_wait3A_1325] : memref<8192xf32, #tpu.memory_space<vmem>> -> memref<1024xf32, #tpu.memory_space<vmem>>
        tpu.wait_dma2 semaphore(%arg11 : memref<!tpu.dma_semaphore, #tpu.memory_space<semaphore_mem>>) src(%dma_wait3A_1326 : memref<1024xf32, #tpu.memory_space<vmem>>) dst(%dma_wait3A_1324 : memref<1024xf32, #tpu.memory_space<hbm>>)
        %sub3A_1327 = arith.constant 2 : i32
        %sub3A_1328 = arith.subi %add3A_959, %sub3A_1327 : i32
        %add3A_1329 = arith.addi %mul3A_2, %sub3A_1328 : i32
        %jit3A_1330 = arith.constant 128 : i32
        %div3A_1331 = arith.divsi %add3A_1329, %jit3A_1330 : i32
        %sign3A_1332 = arith.constant 0 : i32
        %sign3A_1333 = arith.cmpi sgt, %add3A_1329, %sign3A_1332 : i32
        %sign3A_1334 = arith.extui %sign3A_1333 : i1 to i32
        %sign3A_1335 = arith.constant 0 : i32
        %sign3A_1336 = arith.cmpi slt, %add3A_1329, %sign3A_1335 : i32
        %sign3A_1337 = arith.extui %sign3A_1336 : i1 to i32
        %sign3A_1338 = arith.subi %sign3A_1334, %sign3A_1337 : i32
        %sign3A_1339 = arith.constant 0 : i32
        %sign3A_1340 = arith.cmpi sgt, %jit3A_1330, %sign3A_1339 : i32
        %sign3A_1341 = arith.extui %sign3A_1340 : i1 to i32
        %sign3A_1342 = arith.constant 0 : i32
        %sign3A_1343 = arith.cmpi slt, %jit3A_1330, %sign3A_1342 : i32
        %sign3A_1344 = arith.extui %sign3A_1343 : i1 to i32
        %sign3A_1345 = arith.subi %sign3A_1341, %sign3A_1344 : i32
        %ne3A_1346 = arith.cmpi ne, %sign3A_1338, %sign3A_1345 : i32
        %rem3A_1347 = arith.remsi %add3A_1329, %jit3A_1330 : i32
        %ne3A_1348 = arith.constant 0 : i32
        %ne3A_1349 = arith.cmpi ne, %rem3A_1347, %ne3A_1348 : i32
        %and3A_1350 = arith.andi %ne3A_1346, %ne3A_1349 : i1
        %sub3A_1351 = arith.constant 1 : i32
        %sub3A_1352 = arith.subi %div3A_1331, %sub3A_1351 : i32
        %select_n3A_1353 = arith.select %and3A_1350, %sub3A_1352, %div3A_1331 : i32
        %rem3A_1354 = arith.constant 128 : i32
        %rem3A_1355 = arith.remsi %add3A_1329, %rem3A_1354 : i32
        %dma_wait3A_1356 = arith.constant 1 : i32
        %dma_wait3A_1357 = arith.constant 1024 : i32
        %dma_wait3A_1358 = tpu.memref_slice %arg9[%dma_wait3A_1357] : memref<8192xf32, #tpu.memory_space<vmem>> -> memref<1024xf32, #tpu.memory_space<vmem>>
        %dma_wait3A_1359 = arith.constant 0 : i32
        %dma_wait3A_1360 = tpu.memref_slice %arg4[%select_n3A_1353, %dma_wait3A_1356, %rem3A_1355, %dma_wait3A_1359] : memref<50x8x128x1024xf32, #tpu.memory_space<hbm>> -> memref<1x1x1x1024xf32, #tpu.memory_space<hbm>>
        %dma_wait3A_1361 = tpu.memref_squeeze %dma_wait3A_1360 : memref<1x1x1x1024xf32, #tpu.memory_space<hbm>> -> memref<1024xf32, #tpu.memory_space<hbm>>
        %dma_wait3A_1362 = arith.constant 0 : i32
        %dma_wait3A_1363 = tpu.memref_slice %arg4[%select_n3A_1353, %dma_wait3A_1356, %rem3A_1355, %dma_wait3A_1362] : memref<50x8x128x1024xf32, #tpu.memory_space<hbm>> -> memref<1x1x1x1024xf32, #tpu.memory_space<hbm>>
        %dma_wait3A_1364 = tpu.memref_squeeze %dma_wait3A_1363 : memref<1x1x1x1024xf32, #tpu.memory_space<hbm>> -> memref<1024xf32, #tpu.memory_space<hbm>>
        %dma_wait3A_1365 = arith.constant 1024 : i32
        %dma_wait3A_1366 = tpu.memref_slice %arg9[%dma_wait3A_1365] : memref<8192xf32, #tpu.memory_space<vmem>> -> memref<1024xf32, #tpu.memory_space<vmem>>
        tpu.wait_dma2 semaphore(%arg11 : memref<!tpu.dma_semaphore, #tpu.memory_space<semaphore_mem>>) src(%dma_wait3A_1366 : memref<1024xf32, #tpu.memory_space<vmem>>) dst(%dma_wait3A_1364 : memref<1024xf32, #tpu.memory_space<hbm>>)
        %sub3A_1367 = arith.constant 2 : i32
        %sub3A_1368 = arith.subi %add3A_959, %sub3A_1367 : i32
        %add3A_1369 = arith.addi %mul3A_2, %sub3A_1368 : i32
        %jit3A_1370 = arith.constant 128 : i32
        %div3A_1371 = arith.divsi %add3A_1369, %jit3A_1370 : i32
        %sign3A_1372 = arith.constant 0 : i32
        %sign3A_1373 = arith.cmpi sgt, %add3A_1369, %sign3A_1372 : i32
        %sign3A_1374 = arith.extui %sign3A_1373 : i1 to i32
        %sign3A_1375 = arith.constant 0 : i32
        %sign3A_1376 = arith.cmpi slt, %add3A_1369, %sign3A_1375 : i32
        %sign3A_1377 = arith.extui %sign3A_1376 : i1 to i32
        %sign3A_1378 = arith.subi %sign3A_1374, %sign3A_1377 : i32
        %sign3A_1379 = arith.constant 0 : i32
        %sign3A_1380 = arith.cmpi sgt, %jit3A_1370, %sign3A_1379 : i32
        %sign3A_1381 = arith.extui %sign3A_1380 : i1 to i32
        %sign3A_1382 = arith.constant 0 : i32
        %sign3A_1383 = arith.cmpi slt, %jit3A_1370, %sign3A_1382 : i32
        %sign3A_1384 = arith.extui %sign3A_1383 : i1 to i32
        %sign3A_1385 = arith.subi %sign3A_1381, %sign3A_1384 : i32
        %ne3A_1386 = arith.cmpi ne, %sign3A_1378, %sign3A_1385 : i32
        %rem3A_1387 = arith.remsi %add3A_1369, %jit3A_1370 : i32
        %ne3A_1388 = arith.constant 0 : i32
        %ne3A_1389 = arith.cmpi ne, %rem3A_1387, %ne3A_1388 : i32
        %and3A_1390 = arith.andi %ne3A_1386, %ne3A_1389 : i1
        %sub3A_1391 = arith.constant 1 : i32
        %sub3A_1392 = arith.subi %div3A_1371, %sub3A_1391 : i32
        %select_n3A_1393 = arith.select %and3A_1390, %sub3A_1392, %div3A_1371 : i32
        %rem3A_1394 = arith.constant 128 : i32
        %rem3A_1395 = arith.remsi %add3A_1369, %rem3A_1394 : i32
        %dma_wait3A_1396 = arith.constant 2 : i32
        %dma_wait3A_1397 = arith.constant 2048 : i32
        %dma_wait3A_1398 = tpu.memref_slice %arg9[%dma_wait3A_1397] : memref<8192xf32, #tpu.memory_space<vmem>> -> memref<1024xf32, #tpu.memory_space<vmem>>
        %dma_wait3A_1399 = arith.constant 0 : i32
        %dma_wait3A_1400 = tpu.memref_slice %arg4[%select_n3A_1393, %dma_wait3A_1396, %rem3A_1395, %dma_wait3A_1399] : memref<50x8x128x1024xf32, #tpu.memory_space<hbm>> -> memref<1x1x1x1024xf32, #tpu.memory_space<hbm>>
        %dma_wait3A_1401 = tpu.memref_squeeze %dma_wait3A_1400 : memref<1x1x1x1024xf32, #tpu.memory_space<hbm>> -> memref<1024xf32, #tpu.memory_space<hbm>>
        %dma_wait3A_1402 = arith.constant 0 : i32
        %dma_wait3A_1403 = tpu.memref_slice %arg4[%select_n3A_1393, %dma_wait3A_1396, %rem3A_1395, %dma_wait3A_1402] : memref<50x8x128x1024xf32, #tpu.memory_space<hbm>> -> memref<1x1x1x1024xf32, #tpu.memory_space<hbm>>
        %dma_wait3A_1404 = tpu.memref_squeeze %dma_wait3A_1403 : memref<1x1x1x1024xf32, #tpu.memory_space<hbm>> -> memref<1024xf32, #tpu.memory_space<hbm>>
        %dma_wait3A_1405 = arith.constant 2048 : i32
        %dma_wait3A_1406 = tpu.memref_slice %arg9[%dma_wait3A_1405] : memref<8192xf32, #tpu.memory_space<vmem>> -> memref<1024xf32, #tpu.memory_space<vmem>>
        tpu.wait_dma2 semaphore(%arg11 : memref<!tpu.dma_semaphore, #tpu.memory_space<semaphore_mem>>) src(%dma_wait3A_1406 : memref<1024xf32, #tpu.memory_space<vmem>>) dst(%dma_wait3A_1404 : memref<1024xf32, #tpu.memory_space<hbm>>)
        %sub3A_1407 = arith.constant 2 : i32
        %sub3A_1408 = arith.subi %add3A_959, %sub3A_1407 : i32
        %add3A_1409 = arith.addi %mul3A_2, %sub3A_1408 : i32
        %jit3A_1410 = arith.constant 128 : i32
        %div3A_1411 = arith.divsi %add3A_1409, %jit3A_1410 : i32
        %sign3A_1412 = arith.constant 0 : i32
        %sign3A_1413 = arith.cmpi sgt, %add3A_1409, %sign3A_1412 : i32
        %sign3A_1414 = arith.extui %sign3A_1413 : i1 to i32
        %sign3A_1415 = arith.constant 0 : i32
        %sign3A_1416 = arith.cmpi slt, %add3A_1409, %sign3A_1415 : i32
        %sign3A_1417 = arith.extui %sign3A_1416 : i1 to i32
        %sign3A_1418 = arith.subi %sign3A_1414, %sign3A_1417 : i32
        %sign3A_1419 = arith.constant 0 : i32
        %sign3A_1420 = arith.cmpi sgt, %jit3A_1410, %sign3A_1419 : i32
        %sign3A_1421 = arith.extui %sign3A_1420 : i1 to i32
        %sign3A_1422 = arith.constant 0 : i32
        %sign3A_1423 = arith.cmpi slt, %jit3A_1410, %sign3A_1422 : i32
        %sign3A_1424 = arith.extui %sign3A_1423 : i1 to i32
        %sign3A_1425 = arith.subi %sign3A_1421, %sign3A_1424 : i32
        %ne3A_1426 = arith.cmpi ne, %sign3A_1418, %sign3A_1425 : i32
        %rem3A_1427 = arith.remsi %add3A_1409, %jit3A_1410 : i32
        %ne3A_1428 = arith.constant 0 : i32
        %ne3A_1429 = arith.cmpi ne, %rem3A_1427, %ne3A_1428 : i32
        %and3A_1430 = arith.andi %ne3A_1426, %ne3A_1429 : i1
        %sub3A_1431 = arith.constant 1 : i32
        %sub3A_1432 = arith.subi %div3A_1411, %sub3A_1431 : i32
        %select_n3A_1433 = arith.select %and3A_1430, %sub3A_1432, %div3A_1411 : i32
        %rem3A_1434 = arith.constant 128 : i32
        %rem3A_1435 = arith.remsi %add3A_1409, %rem3A_1434 : i32
        %dma_wait3A_1436 = arith.constant 3 : i32
        %dma_wait3A_1437 = arith.constant 3072 : i32
        %dma_wait3A_1438 = tpu.memref_slice %arg9[%dma_wait3A_1437] : memref<8192xf32, #tpu.memory_space<vmem>> -> memref<1024xf32, #tpu.memory_space<vmem>>
        %dma_wait3A_1439 = arith.constant 0 : i32
        %dma_wait3A_1440 = tpu.memref_slice %arg4[%select_n3A_1433, %dma_wait3A_1436, %rem3A_1435, %dma_wait3A_1439] : memref<50x8x128x1024xf32, #tpu.memory_space<hbm>> -> memref<1x1x1x1024xf32, #tpu.memory_space<hbm>>
        %dma_wait3A_1441 = tpu.memref_squeeze %dma_wait3A_1440 : memref<1x1x1x1024xf32, #tpu.memory_space<hbm>> -> memref<1024xf32, #tpu.memory_space<hbm>>
        %dma_wait3A_1442 = arith.constant 0 : i32
        %dma_wait3A_1443 = tpu.memref_slice %arg4[%select_n3A_1433, %dma_wait3A_1436, %rem3A_1435, %dma_wait3A_1442] : memref<50x8x128x1024xf32, #tpu.memory_space<hbm>> -> memref<1x1x1x1024xf32, #tpu.memory_space<hbm>>
        %dma_wait3A_1444 = tpu.memref_squeeze %dma_wait3A_1443 : memref<1x1x1x1024xf32, #tpu.memory_space<hbm>> -> memref<1024xf32, #tpu.memory_space<hbm>>
        %dma_wait3A_1445 = arith.constant 3072 : i32
        %dma_wait3A_1446 = tpu.memref_slice %arg9[%dma_wait3A_1445] : memref<8192xf32, #tpu.memory_space<vmem>> -> memref<1024xf32, #tpu.memory_space<vmem>>
        tpu.wait_dma2 semaphore(%arg11 : memref<!tpu.dma_semaphore, #tpu.memory_space<semaphore_mem>>) src(%dma_wait3A_1446 : memref<1024xf32, #tpu.memory_space<vmem>>) dst(%dma_wait3A_1444 : memref<1024xf32, #tpu.memory_space<hbm>>)
        %sub3A_1447 = arith.constant 2 : i32
        %sub3A_1448 = arith.subi %add3A_959, %sub3A_1447 : i32
        %add3A_1449 = arith.addi %mul3A_2, %sub3A_1448 : i32
        %jit3A_1450 = arith.constant 128 : i32
        %div3A_1451 = arith.divsi %add3A_1449, %jit3A_1450 : i32
        %sign3A_1452 = arith.constant 0 : i32
        %sign3A_1453 = arith.cmpi sgt, %add3A_1449, %sign3A_1452 : i32
        %sign3A_1454 = arith.extui %sign3A_1453 : i1 to i32
        %sign3A_1455 = arith.constant 0 : i32
        %sign3A_1456 = arith.cmpi slt, %add3A_1449, %sign3A_1455 : i32
        %sign3A_1457 = arith.extui %sign3A_1456 : i1 to i32
        %sign3A_1458 = arith.subi %sign3A_1454, %sign3A_1457 : i32
        %sign3A_1459 = arith.constant 0 : i32
        %sign3A_1460 = arith.cmpi sgt, %jit3A_1450, %sign3A_1459 : i32
        %sign3A_1461 = arith.extui %sign3A_1460 : i1 to i32
        %sign3A_1462 = arith.constant 0 : i32
        %sign3A_1463 = arith.cmpi slt, %jit3A_1450, %sign3A_1462 : i32
        %sign3A_1464 = arith.extui %sign3A_1463 : i1 to i32
        %sign3A_1465 = arith.subi %sign3A_1461, %sign3A_1464 : i32
        %ne3A_1466 = arith.cmpi ne, %sign3A_1458, %sign3A_1465 : i32
        %rem3A_1467 = arith.remsi %add3A_1449, %jit3A_1450 : i32
        %ne3A_1468 = arith.constant 0 : i32
        %ne3A_1469 = arith.cmpi ne, %rem3A_1467, %ne3A_1468 : i32
        %and3A_1470 = arith.andi %ne3A_1466, %ne3A_1469 : i1
        %sub3A_1471 = arith.constant 1 : i32
        %sub3A_1472 = arith.subi %div3A_1451, %sub3A_1471 : i32
        %select_n3A_1473 = arith.select %and3A_1470, %sub3A_1472, %div3A_1451 : i32
        %rem3A_1474 = arith.constant 128 : i32
        %rem3A_1475 = arith.remsi %add3A_1449, %rem3A_1474 : i32
        %dma_wait3A_1476 = arith.constant 4 : i32
        %dma_wait3A_1477 = arith.constant 4096 : i32
        %dma_wait3A_1478 = tpu.memref_slice %arg9[%dma_wait3A_1477] : memref<8192xf32, #tpu.memory_space<vmem>> -> memref<1024xf32, #tpu.memory_space<vmem>>
        %dma_wait3A_1479 = arith.constant 0 : i32
        %dma_wait3A_1480 = tpu.memref_slice %arg4[%select_n3A_1473, %dma_wait3A_1476, %rem3A_1475, %dma_wait3A_1479] : memref<50x8x128x1024xf32, #tpu.memory_space<hbm>> -> memref<1x1x1x1024xf32, #tpu.memory_space<hbm>>
        %dma_wait3A_1481 = tpu.memref_squeeze %dma_wait3A_1480 : memref<1x1x1x1024xf32, #tpu.memory_space<hbm>> -> memref<1024xf32, #tpu.memory_space<hbm>>
        %dma_wait3A_1482 = arith.constant 0 : i32
        %dma_wait3A_1483 = tpu.memref_slice %arg4[%select_n3A_1473, %dma_wait3A_1476, %rem3A_1475, %dma_wait3A_1482] : memref<50x8x128x1024xf32, #tpu.memory_space<hbm>> -> memref<1x1x1x1024xf32, #tpu.memory_space<hbm>>
        %dma_wait3A_1484 = tpu.memref_squeeze %dma_wait3A_1483 : memref<1x1x1x1024xf32, #tpu.memory_space<hbm>> -> memref<1024xf32, #tpu.memory_space<hbm>>
        %dma_wait3A_1485 = arith.constant 4096 : i32
        %dma_wait3A_1486 = tpu.memref_slice %arg9[%dma_wait3A_1485] : memref<8192xf32, #tpu.memory_space<vmem>> -> memref<1024xf32, #tpu.memory_space<vmem>>
        tpu.wait_dma2 semaphore(%arg11 : memref<!tpu.dma_semaphore, #tpu.memory_space<semaphore_mem>>) src(%dma_wait3A_1486 : memref<1024xf32, #tpu.memory_space<vmem>>) dst(%dma_wait3A_1484 : memref<1024xf32, #tpu.memory_space<hbm>>)
        %sub3A_1487 = arith.constant 2 : i32
        %sub3A_1488 = arith.subi %add3A_959, %sub3A_1487 : i32
        %add3A_1489 = arith.addi %mul3A_2, %sub3A_1488 : i32
        %jit3A_1490 = arith.constant 128 : i32
        %div3A_1491 = arith.divsi %add3A_1489, %jit3A_1490 : i32
        %sign3A_1492 = arith.constant 0 : i32
        %sign3A_1493 = arith.cmpi sgt, %add3A_1489, %sign3A_1492 : i32
        %sign3A_1494 = arith.extui %sign3A_1493 : i1 to i32
        %sign3A_1495 = arith.constant 0 : i32
        %sign3A_1496 = arith.cmpi slt, %add3A_1489, %sign3A_1495 : i32
        %sign3A_1497 = arith.extui %sign3A_1496 : i1 to i32
        %sign3A_1498 = arith.subi %sign3A_1494, %sign3A_1497 : i32
        %sign3A_1499 = arith.constant 0 : i32
        %sign3A_1500 = arith.cmpi sgt, %jit3A_1490, %sign3A_1499 : i32
        %sign3A_1501 = arith.extui %sign3A_1500 : i1 to i32
        %sign3A_1502 = arith.constant 0 : i32
        %sign3A_1503 = arith.cmpi slt, %jit3A_1490, %sign3A_1502 : i32
        %sign3A_1504 = arith.extui %sign3A_1503 : i1 to i32
        %sign3A_1505 = arith.subi %sign3A_1501, %sign3A_1504 : i32
        %ne3A_1506 = arith.cmpi ne, %sign3A_1498, %sign3A_1505 : i32
        %rem3A_1507 = arith.remsi %add3A_1489, %jit3A_1490 : i32
        %ne3A_1508 = arith.constant 0 : i32
        %ne3A_1509 = arith.cmpi ne, %rem3A_1507, %ne3A_1508 : i32
        %and3A_1510 = arith.andi %ne3A_1506, %ne3A_1509 : i1
        %sub3A_1511 = arith.constant 1 : i32
        %sub3A_1512 = arith.subi %div3A_1491, %sub3A_1511 : i32
        %select_n3A_1513 = arith.select %and3A_1510, %sub3A_1512, %div3A_1491 : i32
        %rem3A_1514 = arith.constant 128 : i32
        %rem3A_1515 = arith.remsi %add3A_1489, %rem3A_1514 : i32
        %dma_wait3A_1516 = arith.constant 5 : i32
        %dma_wait3A_1517 = arith.constant 5120 : i32
        %dma_wait3A_1518 = tpu.memref_slice %arg9[%dma_wait3A_1517] : memref<8192xf32, #tpu.memory_space<vmem>> -> memref<1024xf32, #tpu.memory_space<vmem>>
        %dma_wait3A_1519 = arith.constant 0 : i32
        %dma_wait3A_1520 = tpu.memref_slice %arg4[%select_n3A_1513, %dma_wait3A_1516, %rem3A_1515, %dma_wait3A_1519] : memref<50x8x128x1024xf32, #tpu.memory_space<hbm>> -> memref<1x1x1x1024xf32, #tpu.memory_space<hbm>>
        %dma_wait3A_1521 = tpu.memref_squeeze %dma_wait3A_1520 : memref<1x1x1x1024xf32, #tpu.memory_space<hbm>> -> memref<1024xf32, #tpu.memory_space<hbm>>
        %dma_wait3A_1522 = arith.constant 0 : i32
        %dma_wait3A_1523 = tpu.memref_slice %arg4[%select_n3A_1513, %dma_wait3A_1516, %rem3A_1515, %dma_wait3A_1522] : memref<50x8x128x1024xf32, #tpu.memory_space<hbm>> -> memref<1x1x1x1024xf32, #tpu.memory_space<hbm>>
        %dma_wait3A_1524 = tpu.memref_squeeze %dma_wait3A_1523 : memref<1x1x1x1024xf32, #tpu.memory_space<hbm>> -> memref<1024xf32, #tpu.memory_space<hbm>>
        %dma_wait3A_1525 = arith.constant 5120 : i32
        %dma_wait3A_1526 = tpu.memref_slice %arg9[%dma_wait3A_1525] : memref<8192xf32, #tpu.memory_space<vmem>> -> memref<1024xf32, #tpu.memory_space<vmem>>
        tpu.wait_dma2 semaphore(%arg11 : memref<!tpu.dma_semaphore, #tpu.memory_space<semaphore_mem>>) src(%dma_wait3A_1526 : memref<1024xf32, #tpu.memory_space<vmem>>) dst(%dma_wait3A_1524 : memref<1024xf32, #tpu.memory_space<hbm>>)
        %sub3A_1527 = arith.constant 2 : i32
        %sub3A_1528 = arith.subi %add3A_959, %sub3A_1527 : i32
        %add3A_1529 = arith.addi %mul3A_2, %sub3A_1528 : i32
        %jit3A_1530 = arith.constant 128 : i32
        %div3A_1531 = arith.divsi %add3A_1529, %jit3A_1530 : i32
        %sign3A_1532 = arith.constant 0 : i32
        %sign3A_1533 = arith.cmpi sgt, %add3A_1529, %sign3A_1532 : i32
        %sign3A_1534 = arith.extui %sign3A_1533 : i1 to i32
        %sign3A_1535 = arith.constant 0 : i32
        %sign3A_1536 = arith.cmpi slt, %add3A_1529, %sign3A_1535 : i32
        %sign3A_1537 = arith.extui %sign3A_1536 : i1 to i32
        %sign3A_1538 = arith.subi %sign3A_1534, %sign3A_1537 : i32
        %sign3A_1539 = arith.constant 0 : i32
        %sign3A_1540 = arith.cmpi sgt, %jit3A_1530, %sign3A_1539 : i32
        %sign3A_1541 = arith.extui %sign3A_1540 : i1 to i32
        %sign3A_1542 = arith.constant 0 : i32
        %sign3A_1543 = arith.cmpi slt, %jit3A_1530, %sign3A_1542 : i32
        %sign3A_1544 = arith.extui %sign3A_1543 : i1 to i32
        %sign3A_1545 = arith.subi %sign3A_1541, %sign3A_1544 : i32
        %ne3A_1546 = arith.cmpi ne, %sign3A_1538, %sign3A_1545 : i32
        %rem3A_1547 = arith.remsi %add3A_1529, %jit3A_1530 : i32
        %ne3A_1548 = arith.constant 0 : i32
        %ne3A_1549 = arith.cmpi ne, %rem3A_1547, %ne3A_1548 : i32
        %and3A_1550 = arith.andi %ne3A_1546, %ne3A_1549 : i1
        %sub3A_1551 = arith.constant 1 : i32
        %sub3A_1552 = arith.subi %div3A_1531, %sub3A_1551 : i32
        %select_n3A_1553 = arith.select %and3A_1550, %sub3A_1552, %div3A_1531 : i32
        %rem3A_1554 = arith.constant 128 : i32
        %rem3A_1555 = arith.remsi %add3A_1529, %rem3A_1554 : i32
        %dma_wait3A_1556 = arith.constant 6 : i32
        %dma_wait3A_1557 = arith.constant 6144 : i32
        %dma_wait3A_1558 = tpu.memref_slice %arg9[%dma_wait3A_1557] : memref<8192xf32, #tpu.memory_space<vmem>> -> memref<1024xf32, #tpu.memory_space<vmem>>
        %dma_wait3A_1559 = arith.constant 0 : i32
        %dma_wait3A_1560 = tpu.memref_slice %arg4[%select_n3A_1553, %dma_wait3A_1556, %rem3A_1555, %dma_wait3A_1559] : memref<50x8x128x1024xf32, #tpu.memory_space<hbm>> -> memref<1x1x1x1024xf32, #tpu.memory_space<hbm>>
        %dma_wait3A_1561 = tpu.memref_squeeze %dma_wait3A_1560 : memref<1x1x1x1024xf32, #tpu.memory_space<hbm>> -> memref<1024xf32, #tpu.memory_space<hbm>>
        %dma_wait3A_1562 = arith.constant 0 : i32
        %dma_wait3A_1563 = tpu.memref_slice %arg4[%select_n3A_1553, %dma_wait3A_1556, %rem3A_1555, %dma_wait3A_1562] : memref<50x8x128x1024xf32, #tpu.memory_space<hbm>> -> memref<1x1x1x1024xf32, #tpu.memory_space<hbm>>
        %dma_wait3A_1564 = tpu.memref_squeeze %dma_wait3A_1563 : memref<1x1x1x1024xf32, #tpu.memory_space<hbm>> -> memref<1024xf32, #tpu.memory_space<hbm>>
        %dma_wait3A_1565 = arith.constant 6144 : i32
        %dma_wait3A_1566 = tpu.memref_slice %arg9[%dma_wait3A_1565] : memref<8192xf32, #tpu.memory_space<vmem>> -> memref<1024xf32, #tpu.memory_space<vmem>>
        tpu.wait_dma2 semaphore(%arg11 : memref<!tpu.dma_semaphore, #tpu.memory_space<semaphore_mem>>) src(%dma_wait3A_1566 : memref<1024xf32, #tpu.memory_space<vmem>>) dst(%dma_wait3A_1564 : memref<1024xf32, #tpu.memory_space<hbm>>)
        %sub3A_1567 = arith.constant 2 : i32
        %sub3A_1568 = arith.subi %add3A_959, %sub3A_1567 : i32
        %add3A_1569 = arith.addi %mul3A_2, %sub3A_1568 : i32
        %jit3A_1570 = arith.constant 128 : i32
        %div3A_1571 = arith.divsi %add3A_1569, %jit3A_1570 : i32
        %sign3A_1572 = arith.constant 0 : i32
        %sign3A_1573 = arith.cmpi sgt, %add3A_1569, %sign3A_1572 : i32
        %sign3A_1574 = arith.extui %sign3A_1573 : i1 to i32
        %sign3A_1575 = arith.constant 0 : i32
        %sign3A_1576 = arith.cmpi slt, %add3A_1569, %sign3A_1575 : i32
        %sign3A_1577 = arith.extui %sign3A_1576 : i1 to i32
        %sign3A_1578 = arith.subi %sign3A_1574, %sign3A_1577 : i32
        %sign3A_1579 = arith.constant 0 : i32
        %sign3A_1580 = arith.cmpi sgt, %jit3A_1570, %sign3A_1579 : i32
        %sign3A_1581 = arith.extui %sign3A_1580 : i1 to i32
        %sign3A_1582 = arith.constant 0 : i32
        %sign3A_1583 = arith.cmpi slt, %jit3A_1570, %sign3A_1582 : i32
        %sign3A_1584 = arith.extui %sign3A_1583 : i1 to i32
        %sign3A_1585 = arith.subi %sign3A_1581, %sign3A_1584 : i32
        %ne3A_1586 = arith.cmpi ne, %sign3A_1578, %sign3A_1585 : i32
        %rem3A_1587 = arith.remsi %add3A_1569, %jit3A_1570 : i32
        %ne3A_1588 = arith.constant 0 : i32
        %ne3A_1589 = arith.cmpi ne, %rem3A_1587, %ne3A_1588 : i32
        %and3A_1590 = arith.andi %ne3A_1586, %ne3A_1589 : i1
        %sub3A_1591 = arith.constant 1 : i32
        %sub3A_1592 = arith.subi %div3A_1571, %sub3A_1591 : i32
        %select_n3A_1593 = arith.select %and3A_1590, %sub3A_1592, %div3A_1571 : i32
        %rem3A_1594 = arith.constant 128 : i32
        %rem3A_1595 = arith.remsi %add3A_1569, %rem3A_1594 : i32
        %dma_wait3A_1596 = arith.constant 7 : i32
        %dma_wait3A_1597 = arith.constant 7168 : i32
        %dma_wait3A_1598 = tpu.memref_slice %arg9[%dma_wait3A_1597] : memref<8192xf32, #tpu.memory_space<vmem>> -> memref<1024xf32, #tpu.memory_space<vmem>>
        %dma_wait3A_1599 = arith.constant 0 : i32
        %dma_wait3A_1600 = tpu.memref_slice %arg4[%select_n3A_1593, %dma_wait3A_1596, %rem3A_1595, %dma_wait3A_1599] : memref<50x8x128x1024xf32, #tpu.memory_space<hbm>> -> memref<1x1x1x1024xf32, #tpu.memory_space<hbm>>
        %dma_wait3A_1601 = tpu.memref_squeeze %dma_wait3A_1600 : memref<1x1x1x1024xf32, #tpu.memory_space<hbm>> -> memref<1024xf32, #tpu.memory_space<hbm>>
        %dma_wait3A_1602 = arith.constant 0 : i32
        %dma_wait3A_1603 = tpu.memref_slice %arg4[%select_n3A_1593, %dma_wait3A_1596, %rem3A_1595, %dma_wait3A_1602] : memref<50x8x128x1024xf32, #tpu.memory_space<hbm>> -> memref<1x1x1x1024xf32, #tpu.memory_space<hbm>>
        %dma_wait3A_1604 = tpu.memref_squeeze %dma_wait3A_1603 : memref<1x1x1x1024xf32, #tpu.memory_space<hbm>> -> memref<1024xf32, #tpu.memory_space<hbm>>
        %dma_wait3A_1605 = arith.constant 7168 : i32
        %dma_wait3A_1606 = tpu.memref_slice %arg9[%dma_wait3A_1605] : memref<8192xf32, #tpu.memory_space<vmem>> -> memref<1024xf32, #tpu.memory_space<vmem>>
        tpu.wait_dma2 semaphore(%arg11 : memref<!tpu.dma_semaphore, #tpu.memory_space<semaphore_mem>>) src(%dma_wait3A_1606 : memref<1024xf32, #tpu.memory_space<vmem>>) dst(%dma_wait3A_1604 : memref<1024xf32, #tpu.memory_space<hbm>>)
      } else {
      }
      %scan3A_978 = arith.constant 0 : i32
      %scan3A_979 = arith.constant 16 : i32
      %scan3A_980 = arith.addi %scan3A_978, %scan3A_979 : i32
      %scan3A_981 = arith.constant 1 : i32
      scf.for %scan3A_1287 = %scan3A_978 to %scan3A_980 step %scan3A_981  : i32 {
        %mul3A_1288 = arith.constant 1 : i32
        %mul3A_1289 = arith.muli %scan3A_1287, %mul3A_1288 : i32
        %add3A_1290 = arith.constant 0 : i32
        %add3A_1291 = arith.addi %add3A_1290, %mul3A_1289 : i32
        %add3A_1292 = vector.broadcast %add3A_1291 : i32 to vector<16xi32>
        %add3A_1293 = arith.addi %iota3A, %add3A_1292 : vector<16xi32>
        %and3A_1294 = arith.constant 15 : i32
        %and3A_1295 = vector.broadcast %and3A_1294 : i32 to vector<16xi32>
        %and3A_1296 = arith.andi %add3A_1293, %and3A_1295 : vector<16xi32>
        %mul3A_1297 = arith.constant 128 : i32
        %mul3A_1298 = vector.broadcast %mul3A_1297 : i32 to vector<16xi32>
        %mul3A_1299 = arith.muli %and3A_1296, %mul3A_1298 : vector<16xi32>
        %add3A_1300 = arith.addi %mul3A_1299, %iota3A : vector<16xi32>
        %add3A_1301 = arith.constant 0 : i32
        %add3A_1302 = vector.broadcast %add3A_1301 : i32 to vector<16xi32>
        %add3A_1303 = arith.addi %iota3A, %add3A_1302 : vector<16xi32>
        %add3A_1304 = arith.constant 0 : i32
        %add3A_1305 = vector.broadcast %add3A_1304 : i32 to vector<16xi32>
        %add3A_1306 = arith.addi %and3A_1296, %add3A_1305 : vector<16xi32>
        %gather3A = tpu.vector_load_idx %arg7[%add3A_1303, %add3A_1306] : memref<128x64xf32, #tpu.memory_space<vmem>>[vector<16xi32>, vector<16xi32>], vector<16xf32>,
        %add3A_1307 = arith.constant 0 : i32
        %add3A_1308 = vector.broadcast %add3A_1307 : i32 to vector<16xi32>
        %add3A_1309 = arith.addi %add3A_1300, %add3A_1308 : vector<16xi32>
        tpu.vector_store_idx %arg9[%add3A_1309], %gather3A : memref<8192xf32, #tpu.memory_space<vmem>>[vector<16xi32>], vector<16xf32>,
        %add3A_1310 = arith.constant 16 : i32
        %add3A_1311 = vector.broadcast %add3A_1310 : i32 to vector<16xi32>
        %add3A_1312 = arith.addi %and3A_1296, %add3A_1311 : vector<16xi32>
        %gather3A_1313 = tpu.vector_load_idx %arg7[%add3A_1303, %add3A_1312] : memref<128x64xf32, #tpu.memory_space<vmem>>[vector<16xi32>, vector<16xi32>], vector<16xf32>,
        %add3A_1314 = arith.constant 2048 : i32
        %add3A_1315 = vector.broadcast %add3A_1314 : i32 to vector<16xi32>
        %add3A_1316 = arith.addi %add3A_1300, %add3A_1315 : vector<16xi32>
        tpu.vector_store_idx %arg9[%add3A_1316], %gather3A_1313 : memref<8192xf32, #tpu.memory_space<vmem>>[vector<16xi32>], vector<16xf32>,
        %add3A_1317 = arith.constant 32 : i32
        %add3A_1318 = vector.broadcast %add3A_1317 : i32 to vector<16xi32>
        %add3A_1319 = arith.addi %and3A_1296, %add3A_1318 : vector<16xi32>
        %gather3A_1320 = tpu.vector_load_idx %arg7[%add3A_1303, %add3A_1319] : memref<128x64xf32, #tpu.memory_space<vmem>>[vector<16xi32>, vector<16xi32>], vector<16xf32>,
        %add3A_1321 = arith.constant 4096 : i32
        %add3A_1322 = vector.broadcast %add3A_1321 : i32 to vector<16xi32>
        %add3A_1323 = arith.addi %add3A_1300, %add3A_1322 : vector<16xi32>
        tpu.vector_store_idx %arg9[%add3A_1323], %gather3A_1320 : memref<8192xf32, #tpu.memory_space<vmem>>[vector<16xi32>], vector<16xf32>,
        %add3A_1324 = arith.constant 48 : i32
        %add3A_1325 = vector.broadcast %add3A_1324 : i32 to vector<16xi32>
        %add3A_1326 = arith.addi %and3A_1296, %add3A_1325 : vector<16xi32>
        %gather3A_1327 = tpu.vector_load_idx %arg7[%add3A_1303, %add3A_1326] : memref<128x64xf32, #tpu.memory_space<vmem>>[vector<16xi32>, vector<16xi32>], vector<16xf32>,
        %add3A_1328 = arith.constant 6144 : i32
        %add3A_1329 = vector.broadcast %add3A_1328 : i32 to vector<16xi32>
        %add3A_1330 = arith.addi %add3A_1300, %add3A_1329 : vector<16xi32>
        tpu.vector_store_idx %arg9[%add3A_1330], %gather3A_1327 : memref<8192xf32, #tpu.memory_space<vmem>>[vector<16xi32>], vector<16xf32>,
        %add3A_1331 = arith.constant 16 : i32
        %add3A_1332 = vector.broadcast %add3A_1331 : i32 to vector<16xi32>
        %add3A_1333 = arith.addi %iota3A, %add3A_1332 : vector<16xi32>
        %add3A_1334 = arith.constant 0 : i32
        %add3A_1335 = vector.broadcast %add3A_1334 : i32 to vector<16xi32>
        %add3A_1336 = arith.addi %and3A_1296, %add3A_1335 : vector<16xi32>
        %gather3A_1337 = tpu.vector_load_idx %arg7[%add3A_1333, %add3A_1336] : memref<128x64xf32, #tpu.memory_space<vmem>>[vector<16xi32>, vector<16xi32>], vector<16xf32>,
        %add3A_1338 = arith.constant 16 : i32
        %add3A_1339 = vector.broadcast %add3A_1338 : i32 to vector<16xi32>
        %add3A_1340 = arith.addi %add3A_1300, %add3A_1339 : vector<16xi32>
        tpu.vector_store_idx %arg9[%add3A_1340], %gather3A_1337 : memref<8192xf32, #tpu.memory_space<vmem>>[vector<16xi32>], vector<16xf32>,
        %add3A_1341 = arith.constant 16 : i32
        %add3A_1342 = vector.broadcast %add3A_1341 : i32 to vector<16xi32>
        %add3A_1343 = arith.addi %and3A_1296, %add3A_1342 : vector<16xi32>
        %gather3A_1344 = tpu.vector_load_idx %arg7[%add3A_1333, %add3A_1343] : memref<128x64xf32, #tpu.memory_space<vmem>>[vector<16xi32>, vector<16xi32>], vector<16xf32>,
        %add3A_1345 = arith.constant 2064 : i32
        %add3A_1346 = vector.broadcast %add3A_1345 : i32 to vector<16xi32>
        %add3A_1347 = arith.addi %add3A_1300, %add3A_1346 : vector<16xi32>
        tpu.vector_store_idx %arg9[%add3A_1347], %gather3A_1344 : memref<8192xf32, #tpu.memory_space<vmem>>[vector<16xi32>], vector<16xf32>,
        %add3A_1348 = arith.constant 32 : i32
        %add3A_1349 = vector.broadcast %add3A_1348 : i32 to vector<16xi32>
        %add3A_1350 = arith.addi %and3A_1296, %add3A_1349 : vector<16xi32>
        %gather3A_1351 = tpu.vector_load_idx %arg7[%add3A_1333, %add3A_1350] : memref<128x64xf32, #tpu.memory_space<vmem>>[vector<16xi32>, vector<16xi32>], vector<16xf32>,
        %add3A_1352 = arith.constant 4112 : i32
        %add3A_1353 = vector.broadcast %add3A_1352 : i32 to vector<16xi32>
        %add3A_1354 = arith.addi %add3A_1300, %add3A_1353 : vector<16xi32>
        tpu.vector_store_idx %arg9[%add3A_1354], %gather3A_1351 : memref<8192xf32, #tpu.memory_space<vmem>>[vector<16xi32>], vector<16xf32>,
        %add3A_1355 = arith.constant 48 : i32
        %add3A_1356 = vector.broadcast %add3A_1355 : i32 to vector<16xi32>
        %add3A_1357 = arith.addi %and3A_1296, %add3A_1356 : vector<16xi32>
        %gather3A_1358 = tpu.vector_load_idx %arg7[%add3A_1333, %add3A_1357] : memref<128x64xf32, #tpu.memory_space<vmem>>[vector<16xi32>, vector<16xi32>], vector<16xf32>,
        %add3A_1359 = arith.constant 6160 : i32
        %add3A_1360 = vector.broadcast %add3A_1359 : i32 to vector<16xi32>
        %add3A_1361 = arith.addi %add3A_1300, %add3A_1360 : vector<16xi32>
        tpu.vector_store_idx %arg9[%add3A_1361], %gather3A_1358 : memref<8192xf32, #tpu.memory_space<vmem>>[vector<16xi32>], vector<16xf32>,
        %add3A_1362 = arith.constant 32 : i32
        %add3A_1363 = vector.broadcast %add3A_1362 : i32 to vector<16xi32>
        %add3A_1364 = arith.addi %iota3A, %add3A_1363 : vector<16xi32>
        %add3A_1365 = arith.constant 0 : i32
        %add3A_1366 = vector.broadcast %add3A_1365 : i32 to vector<16xi32>
        %add3A_1367 = arith.addi %and3A_1296, %add3A_1366 : vector<16xi32>
        %gather3A_1368 = tpu.vector_load_idx %arg7[%add3A_1364, %add3A_1367] : memref<128x64xf32, #tpu.memory_space<vmem>>[vector<16xi32>, vector<16xi32>], vector<16xf32>,
        %add3A_1369 = arith.constant 32 : i32
        %add3A_1370 = vector.broadcast %add3A_1369 : i32 to vector<16xi32>
        %add3A_1371 = arith.addi %add3A_1300, %add3A_1370 : vector<16xi32>
        tpu.vector_store_idx %arg9[%add3A_1371], %gather3A_1368 : memref<8192xf32, #tpu.memory_space<vmem>>[vector<16xi32>], vector<16xf32>,
        %add3A_1372 = arith.constant 16 : i32
        %add3A_1373 = vector.broadcast %add3A_1372 : i32 to vector<16xi32>
        %add3A_1374 = arith.addi %and3A_1296, %add3A_1373 : vector<16xi32>
        %gather3A_1375 = tpu.vector_load_idx %arg7[%add3A_1364, %add3A_1374] : memref<128x64xf32, #tpu.memory_space<vmem>>[vector<16xi32>, vector<16xi32>], vector<16xf32>,
        %add3A_1376 = arith.constant 2080 : i32
        %add3A_1377 = vector.broadcast %add3A_1376 : i32 to vector<16xi32>
        %add3A_1378 = arith.addi %add3A_1300, %add3A_1377 : vector<16xi32>
        tpu.vector_store_idx %arg9[%add3A_1378], %gather3A_1375 : memref<8192xf32, #tpu.memory_space<vmem>>[vector<16xi32>], vector<16xf32>,
        %add3A_1379 = arith.constant 32 : i32
        %add3A_1380 = vector.broadcast %add3A_1379 : i32 to vector<16xi32>
        %add3A_1381 = arith.addi %and3A_1296, %add3A_1380 : vector<16xi32>
        %gather3A_1382 = tpu.vector_load_idx %arg7[%add3A_1364, %add3A_1381] : memref<128x64xf32, #tpu.memory_space<vmem>>[vector<16xi32>, vector<16xi32>], vector<16xf32>,
        %add3A_1383 = arith.constant 4128 : i32
        %add3A_1384 = vector.broadcast %add3A_1383 : i32 to vector<16xi32>
        %add3A_1385 = arith.addi %add3A_1300, %add3A_1384 : vector<16xi32>
        tpu.vector_store_idx %arg9[%add3A_1385], %gather3A_1382 : memref<8192xf32, #tpu.memory_space<vmem>>[vector<16xi32>], vector<16xf32>,
        %add3A_1386 = arith.constant 48 : i32
        %add3A_1387 = vector.broadcast %add3A_1386 : i32 to vector<16xi32>
        %add3A_1388 = arith.addi %and3A_1296, %add3A_1387 : vector<16xi32>
        %gather3A_1389 = tpu.vector_load_idx %arg7[%add3A_1364, %add3A_1388] : memref<128x64xf32, #tpu.memory_space<vmem>>[vector<16xi32>, vector<16xi32>], vector<16xf32>,
        %add3A_1390 = arith.constant 6176 : i32
        %add3A_1391 = vector.broadcast %add3A_1390 : i32 to vector<16xi32>
        %add3A_1392 = arith.addi %add3A_1300, %add3A_1391 : vector<16xi32>
        tpu.vector_store_idx %arg9[%add3A_1392], %gather3A_1389 : memref<8192xf32, #tpu.memory_space<vmem>>[vector<16xi32>], vector<16xf32>,
        %add3A_1393 = arith.constant 48 : i32
        %add3A_1394 = vector.broadcast %add3A_1393 : i32 to vector<16xi32>
        %add3A_1395 = arith.addi %iota3A, %add3A_1394 : vector<16xi32>
        %add3A_1396 = arith.constant 0 : i32
        %add3A_1397 = vector.broadcast %add3A_1396 : i32 to vector<16xi32>
        %add3A_1398 = arith.addi %and3A_1296, %add3A_1397 : vector<16xi32>
        %gather3A_1399 = tpu.vector_load_idx %arg7[%add3A_1395, %add3A_1398] : memref<128x64xf32, #tpu.memory_space<vmem>>[vector<16xi32>, vector<16xi32>], vector<16xf32>,
        %add3A_1400 = arith.constant 48 : i32
        %add3A_1401 = vector.broadcast %add3A_1400 : i32 to vector<16xi32>
        %add3A_1402 = arith.addi %add3A_1300, %add3A_1401 : vector<16xi32>
        tpu.vector_store_idx %arg9[%add3A_1402], %gather3A_1399 : memref<8192xf32, #tpu.memory_space<vmem>>[vector<16xi32>], vector<16xf32>,
        %add3A_1403 = arith.constant 16 : i32
        %add3A_1404 = vector.broadcast %add3A_1403 : i32 to vector<16xi32>
        %add3A_1405 = arith.addi %and3A_1296, %add3A_1404 : vector<16xi32>
        %gather3A_1406 = tpu.vector_load_idx %arg7[%add3A_1395, %add3A_1405] : memref<128x64xf32, #tpu.memory_space<vmem>>[vector<16xi32>, vector<16xi32>], vector<16xf32>,
        %add3A_1407 = arith.constant 2096 : i32
        %add3A_1408 = vector.broadcast %add3A_1407 : i32 to vector<16xi32>
        %add3A_1409 = arith.addi %add3A_1300, %add3A_1408 : vector<16xi32>
        tpu.vector_store_idx %arg9[%add3A_1409], %gather3A_1406 : memref<8192xf32, #tpu.memory_space<vmem>>[vector<16xi32>], vector<16xf32>,
        %add3A_1410 = arith.constant 32 : i32
        %add3A_1411 = vector.broadcast %add3A_1410 : i32 to vector<16xi32>
        %add3A_1412 = arith.addi %and3A_1296, %add3A_1411 : vector<16xi32>
        %gather3A_1413 = tpu.vector_load_idx %arg7[%add3A_1395, %add3A_1412] : memref<128x64xf32, #tpu.memory_space<vmem>>[vector<16xi32>, vector<16xi32>], vector<16xf32>,
        %add3A_1414 = arith.constant 4144 : i32
        %add3A_1415 = vector.broadcast %add3A_1414 : i32 to vector<16xi32>
        %add3A_1416 = arith.addi %add3A_1300, %add3A_1415 : vector<16xi32>
        tpu.vector_store_idx %arg9[%add3A_1416], %gather3A_1413 : memref<8192xf32, #tpu.memory_space<vmem>>[vector<16xi32>], vector<16xf32>,
        %add3A_1417 = arith.constant 48 : i32
        %add3A_1418 = vector.broadcast %add3A_1417 : i32 to vector<16xi32>
        %add3A_1419 = arith.addi %and3A_1296, %add3A_1418 : vector<16xi32>
        %gather3A_1420 = tpu.vector_load_idx %arg7[%add3A_1395, %add3A_1419] : memref<128x64xf32, #tpu.memory_space<vmem>>[vector<16xi32>, vector<16xi32>], vector<16xf32>,
        %add3A_1421 = arith.constant 6192 : i32
        %add3A_1422 = vector.broadcast %add3A_1421 : i32 to vector<16xi32>
        %add3A_1423 = arith.addi %add3A_1300, %add3A_1422 : vector<16xi32>
        tpu.vector_store_idx %arg9[%add3A_1423], %gather3A_1420 : memref<8192xf32, #tpu.memory_space<vmem>>[vector<16xi32>], vector<16xf32>,
        %add3A_1424 = arith.constant 64 : i32
        %add3A_1425 = vector.broadcast %add3A_1424 : i32 to vector<16xi32>
        %add3A_1426 = arith.addi %iota3A, %add3A_1425 : vector<16xi32>
        %add3A_1427 = arith.constant 0 : i32
        %add3A_1428 = vector.broadcast %add3A_1427 : i32 to vector<16xi32>
        %add3A_1429 = arith.addi %and3A_1296, %add3A_1428 : vector<16xi32>
        %gather3A_1430 = tpu.vector_load_idx %arg7[%add3A_1426, %add3A_1429] : memref<128x64xf32, #tpu.memory_space<vmem>>[vector<16xi32>, vector<16xi32>], vector<16xf32>,
        %add3A_1431 = arith.constant 64 : i32
        %add3A_1432 = vector.broadcast %add3A_1431 : i32 to vector<16xi32>
        %add3A_1433 = arith.addi %add3A_1300, %add3A_1432 : vector<16xi32>
        tpu.vector_store_idx %arg9[%add3A_1433], %gather3A_1430 : memref<8192xf32, #tpu.memory_space<vmem>>[vector<16xi32>], vector<16xf32>,
        %add3A_1434 = arith.constant 16 : i32
        %add3A_1435 = vector.broadcast %add3A_1434 : i32 to vector<16xi32>
        %add3A_1436 = arith.addi %and3A_1296, %add3A_1435 : vector<16xi32>
        %gather3A_1437 = tpu.vector_load_idx %arg7[%add3A_1426, %add3A_1436] : memref<128x64xf32, #tpu.memory_space<vmem>>[vector<16xi32>, vector<16xi32>], vector<16xf32>,
        %add3A_1438 = arith.constant 2112 : i32
        %add3A_1439 = vector.broadcast %add3A_1438 : i32 to vector<16xi32>
        %add3A_1440 = arith.addi %add3A_1300, %add3A_1439 : vector<16xi32>
        tpu.vector_store_idx %arg9[%add3A_1440], %gather3A_1437 : memref<8192xf32, #tpu.memory_space<vmem>>[vector<16xi32>], vector<16xf32>,
        %add3A_1441 = arith.constant 32 : i32
        %add3A_1442 = vector.broadcast %add3A_1441 : i32 to vector<16xi32>
        %add3A_1443 = arith.addi %and3A_1296, %add3A_1442 : vector<16xi32>
        %gather3A_1444 = tpu.vector_load_idx %arg7[%add3A_1426, %add3A_1443] : memref<128x64xf32, #tpu.memory_space<vmem>>[vector<16xi32>, vector<16xi32>], vector<16xf32>,
        %add3A_1445 = arith.constant 4160 : i32
        %add3A_1446 = vector.broadcast %add3A_1445 : i32 to vector<16xi32>
        %add3A_1447 = arith.addi %add3A_1300, %add3A_1446 : vector<16xi32>
        tpu.vector_store_idx %arg9[%add3A_1447], %gather3A_1444 : memref<8192xf32, #tpu.memory_space<vmem>>[vector<16xi32>], vector<16xf32>,
        %add3A_1448 = arith.constant 48 : i32
        %add3A_1449 = vector.broadcast %add3A_1448 : i32 to vector<16xi32>
        %add3A_1450 = arith.addi %and3A_1296, %add3A_1449 : vector<16xi32>
        %gather3A_1451 = tpu.vector_load_idx %arg7[%add3A_1426, %add3A_1450] : memref<128x64xf32, #tpu.memory_space<vmem>>[vector<16xi32>, vector<16xi32>], vector<16xf32>,
        %add3A_1452 = arith.constant 6208 : i32
        %add3A_1453 = vector.broadcast %add3A_1452 : i32 to vector<16xi32>
        %add3A_1454 = arith.addi %add3A_1300, %add3A_1453 : vector<16xi32>
        tpu.vector_store_idx %arg9[%add3A_1454], %gather3A_1451 : memref<8192xf32, #tpu.memory_space<vmem>>[vector<16xi32>], vector<16xf32>,
        %add3A_1455 = arith.constant 80 : i32
        %add3A_1456 = vector.broadcast %add3A_1455 : i32 to vector<16xi32>
        %add3A_1457 = arith.addi %iota3A, %add3A_1456 : vector<16xi32>
        %add3A_1458 = arith.constant 0 : i32
        %add3A_1459 = vector.broadcast %add3A_1458 : i32 to vector<16xi32>
        %add3A_1460 = arith.addi %and3A_1296, %add3A_1459 : vector<16xi32>
        %gather3A_1461 = tpu.vector_load_idx %arg7[%add3A_1457, %add3A_1460] : memref<128x64xf32, #tpu.memory_space<vmem>>[vector<16xi32>, vector<16xi32>], vector<16xf32>,
        %add3A_1462 = arith.constant 80 : i32
        %add3A_1463 = vector.broadcast %add3A_1462 : i32 to vector<16xi32>
        %add3A_1464 = arith.addi %add3A_1300, %add3A_1463 : vector<16xi32>
        tpu.vector_store_idx %arg9[%add3A_1464], %gather3A_1461 : memref<8192xf32, #tpu.memory_space<vmem>>[vector<16xi32>], vector<16xf32>,
        %add3A_1465 = arith.constant 16 : i32
        %add3A_1466 = vector.broadcast %add3A_1465 : i32 to vector<16xi32>
        %add3A_1467 = arith.addi %and3A_1296, %add3A_1466 : vector<16xi32>
        %gather3A_1468 = tpu.vector_load_idx %arg7[%add3A_1457, %add3A_1467] : memref<128x64xf32, #tpu.memory_space<vmem>>[vector<16xi32>, vector<16xi32>], vector<16xf32>,
        %add3A_1469 = arith.constant 2128 : i32
        %add3A_1470 = vector.broadcast %add3A_1469 : i32 to vector<16xi32>
        %add3A_1471 = arith.addi %add3A_1300, %add3A_1470 : vector<16xi32>
        tpu.vector_store_idx %arg9[%add3A_1471], %gather3A_1468 : memref<8192xf32, #tpu.memory_space<vmem>>[vector<16xi32>], vector<16xf32>,
        %add3A_1472 = arith.constant 32 : i32
        %add3A_1473 = vector.broadcast %add3A_1472 : i32 to vector<16xi32>
        %add3A_1474 = arith.addi %and3A_1296, %add3A_1473 : vector<16xi32>
        %gather3A_1475 = tpu.vector_load_idx %arg7[%add3A_1457, %add3A_1474] : memref<128x64xf32, #tpu.memory_space<vmem>>[vector<16xi32>, vector<16xi32>], vector<16xf32>,
        %add3A_1476 = arith.constant 4176 : i32
        %add3A_1477 = vector.broadcast %add3A_1476 : i32 to vector<16xi32>
        %add3A_1478 = arith.addi %add3A_1300, %add3A_1477 : vector<16xi32>
        tpu.vector_store_idx %arg9[%add3A_1478], %gather3A_1475 : memref<8192xf32, #tpu.memory_space<vmem>>[vector<16xi32>], vector<16xf32>,
        %add3A_1479 = arith.constant 48 : i32
        %add3A_1480 = vector.broadcast %add3A_1479 : i32 to vector<16xi32>
        %add3A_1481 = arith.addi %and3A_1296, %add3A_1480 : vector<16xi32>
        %gather3A_1482 = tpu.vector_load_idx %arg7[%add3A_1457, %add3A_1481] : memref<128x64xf32, #tpu.memory_space<vmem>>[vector<16xi32>, vector<16xi32>], vector<16xf32>,
        %add3A_1483 = arith.constant 6224 : i32
        %add3A_1484 = vector.broadcast %add3A_1483 : i32 to vector<16xi32>
        %add3A_1485 = arith.addi %add3A_1300, %add3A_1484 : vector<16xi32>
        tpu.vector_store_idx %arg9[%add3A_1485], %gather3A_1482 : memref<8192xf32, #tpu.memory_space<vmem>>[vector<16xi32>], vector<16xf32>,
        %add3A_1486 = arith.constant 96 : i32
        %add3A_1487 = vector.broadcast %add3A_1486 : i32 to vector<16xi32>
        %add3A_1488 = arith.addi %iota3A, %add3A_1487 : vector<16xi32>
        %add3A_1489 = arith.constant 0 : i32
        %add3A_1490 = vector.broadcast %add3A_1489 : i32 to vector<16xi32>
        %add3A_1491 = arith.addi %and3A_1296, %add3A_1490 : vector<16xi32>
        %gather3A_1492 = tpu.vector_load_idx %arg7[%add3A_1488, %add3A_1491] : memref<128x64xf32, #tpu.memory_space<vmem>>[vector<16xi32>, vector<16xi32>], vector<16xf32>,
        %add3A_1493 = arith.constant 96 : i32
        %add3A_1494 = vector.broadcast %add3A_1493 : i32 to vector<16xi32>
        %add3A_1495 = arith.addi %add3A_1300, %add3A_1494 : vector<16xi32>
        tpu.vector_store_idx %arg9[%add3A_1495], %gather3A_1492 : memref<8192xf32, #tpu.memory_space<vmem>>[vector<16xi32>], vector<16xf32>,
        %add3A_1496 = arith.constant 16 : i32
        %add3A_1497 = vector.broadcast %add3A_1496 : i32 to vector<16xi32>
        %add3A_1498 = arith.addi %and3A_1296, %add3A_1497 : vector<16xi32>
        %gather3A_1499 = tpu.vector_load_idx %arg7[%add3A_1488, %add3A_1498] : memref<128x64xf32, #tpu.memory_space<vmem>>[vector<16xi32>, vector<16xi32>], vector<16xf32>,
        %add3A_1500 = arith.constant 2144 : i32
        %add3A_1501 = vector.broadcast %add3A_1500 : i32 to vector<16xi32>
        %add3A_1502 = arith.addi %add3A_1300, %add3A_1501 : vector<16xi32>
        tpu.vector_store_idx %arg9[%add3A_1502], %gather3A_1499 : memref<8192xf32, #tpu.memory_space<vmem>>[vector<16xi32>], vector<16xf32>,
        %add3A_1503 = arith.constant 32 : i32
        %add3A_1504 = vector.broadcast %add3A_1503 : i32 to vector<16xi32>
        %add3A_1505 = arith.addi %and3A_1296, %add3A_1504 : vector<16xi32>
        %gather3A_1506 = tpu.vector_load_idx %arg7[%add3A_1488, %add3A_1505] : memref<128x64xf32, #tpu.memory_space<vmem>>[vector<16xi32>, vector<16xi32>], vector<16xf32>,
        %add3A_1507 = arith.constant 4192 : i32
        %add3A_1508 = vector.broadcast %add3A_1507 : i32 to vector<16xi32>
        %add3A_1509 = arith.addi %add3A_1300, %add3A_1508 : vector<16xi32>
        tpu.vector_store_idx %arg9[%add3A_1509], %gather3A_1506 : memref<8192xf32, #tpu.memory_space<vmem>>[vector<16xi32>], vector<16xf32>,
        %add3A_1510 = arith.constant 48 : i32
        %add3A_1511 = vector.broadcast %add3A_1510 : i32 to vector<16xi32>
        %add3A_1512 = arith.addi %and3A_1296, %add3A_1511 : vector<16xi32>
        %gather3A_1513 = tpu.vector_load_idx %arg7[%add3A_1488, %add3A_1512] : memref<128x64xf32, #tpu.memory_space<vmem>>[vector<16xi32>, vector<16xi32>], vector<16xf32>,
        %add3A_1514 = arith.constant 6240 : i32
        %add3A_1515 = vector.broadcast %add3A_1514 : i32 to vector<16xi32>
        %add3A_1516 = arith.addi %add3A_1300, %add3A_1515 : vector<16xi32>
        tpu.vector_store_idx %arg9[%add3A_1516], %gather3A_1513 : memref<8192xf32, #tpu.memory_space<vmem>>[vector<16xi32>], vector<16xf32>,
        %add3A_1517 = arith.constant 112 : i32
        %add3A_1518 = vector.broadcast %add3A_1517 : i32 to vector<16xi32>
        %add3A_1519 = arith.addi %iota3A, %add3A_1518 : vector<16xi32>
        %add3A_1520 = arith.constant 0 : i32
        %add3A_1521 = vector.broadcast %add3A_1520 : i32 to vector<16xi32>
        %add3A_1522 = arith.addi %and3A_1296, %add3A_1521 : vector<16xi32>
        %gather3A_1523 = tpu.vector_load_idx %arg7[%add3A_1519, %add3A_1522] : memref<128x64xf32, #tpu.memory_space<vmem>>[vector<16xi32>, vector<16xi32>], vector<16xf32>,
        %add3A_1524 = arith.constant 112 : i32
        %add3A_1525 = vector.broadcast %add3A_1524 : i32 to vector<16xi32>
        %add3A_1526 = arith.addi %add3A_1300, %add3A_1525 : vector<16xi32>
        tpu.vector_store_idx %arg9[%add3A_1526], %gather3A_1523 : memref<8192xf32, #tpu.memory_space<vmem>>[vector<16xi32>], vector<16xf32>,
        %add3A_1527 = arith.constant 16 : i32
        %add3A_1528 = vector.broadcast %add3A_1527 : i32 to vector<16xi32>
        %add3A_1529 = arith.addi %and3A_1296, %add3A_1528 : vector<16xi32>
        %gather3A_1530 = tpu.vector_load_idx %arg7[%add3A_1519, %add3A_1529] : memref<128x64xf32, #tpu.memory_space<vmem>>[vector<16xi32>, vector<16xi32>], vector<16xf32>,
        %add3A_1531 = arith.constant 2160 : i32
        %add3A_1532 = vector.broadcast %add3A_1531 : i32 to vector<16xi32>
        %add3A_1533 = arith.addi %add3A_1300, %add3A_1532 : vector<16xi32>
        tpu.vector_store_idx %arg9[%add3A_1533], %gather3A_1530 : memref<8192xf32, #tpu.memory_space<vmem>>[vector<16xi32>], vector<16xf32>,
        %add3A_1534 = arith.constant 32 : i32
        %add3A_1535 = vector.broadcast %add3A_1534 : i32 to vector<16xi32>
        %add3A_1536 = arith.addi %and3A_1296, %add3A_1535 : vector<16xi32>
        %gather3A_1537 = tpu.vector_load_idx %arg7[%add3A_1519, %add3A_1536] : memref<128x64xf32, #tpu.memory_space<vmem>>[vector<16xi32>, vector<16xi32>], vector<16xf32>,
        %add3A_1538 = arith.constant 4208 : i32
        %add3A_1539 = vector.broadcast %add3A_1538 : i32 to vector<16xi32>
        %add3A_1540 = arith.addi %add3A_1300, %add3A_1539 : vector<16xi32>
        tpu.vector_store_idx %arg9[%add3A_1540], %gather3A_1537 : memref<8192xf32, #tpu.memory_space<vmem>>[vector<16xi32>], vector<16xf32>,
        %add3A_1541 = arith.constant 48 : i32
        %add3A_1542 = vector.broadcast %add3A_1541 : i32 to vector<16xi32>
        %add3A_1543 = arith.addi %and3A_1296, %add3A_1542 : vector<16xi32>
        %gather3A_1544 = tpu.vector_load_idx %arg7[%add3A_1519, %add3A_1543] : memref<128x64xf32, #tpu.memory_space<vmem>>[vector<16xi32>, vector<16xi32>], vector<16xf32>,
        %add3A_1545 = arith.constant 6256 : i32
        %add3A_1546 = vector.broadcast %add3A_1545 : i32 to vector<16xi32>
        %add3A_1547 = arith.addi %add3A_1300, %add3A_1546 : vector<16xi32>
        tpu.vector_store_idx %arg9[%add3A_1547], %gather3A_1544 : memref<8192xf32, #tpu.memory_space<vmem>>[vector<16xi32>], vector<16xf32>,
      }
      %scan3A_982 = arith.constant 16 : i32
      %add3A_983 = arith.addi %mul3A_2, %add3A_959 : i32
      %jit3A_984 = arith.constant 128 : i32
      %div3A_985 = arith.divsi %add3A_983, %jit3A_984 : i32
      %sign3A_986 = arith.constant 0 : i32
      %sign3A_987 = arith.cmpi sgt, %add3A_983, %sign3A_986 : i32
      %sign3A_988 = arith.extui %sign3A_987 : i1 to i32
      %sign3A_989 = arith.constant 0 : i32
      %sign3A_990 = arith.cmpi slt, %add3A_983, %sign3A_989 : i32
      %sign3A_991 = arith.extui %sign3A_990 : i1 to i32
      %sign3A_992 = arith.subi %sign3A_988, %sign3A_991 : i32
      %sign3A_993 = arith.constant 0 : i32
      %sign3A_994 = arith.cmpi sgt, %jit3A_984, %sign3A_993 : i32
      %sign3A_995 = arith.extui %sign3A_994 : i1 to i32
      %sign3A_996 = arith.constant 0 : i32
      %sign3A_997 = arith.cmpi slt, %jit3A_984, %sign3A_996 : i32
      %sign3A_998 = arith.extui %sign3A_997 : i1 to i32
      %sign3A_999 = arith.subi %sign3A_995, %sign3A_998 : i32
      %ne3A_1000 = arith.cmpi ne, %sign3A_992, %sign3A_999 : i32
      %rem3A_1001 = arith.remsi %add3A_983, %jit3A_984 : i32
      %ne3A_1002 = arith.constant 0 : i32
      %ne3A_1003 = arith.cmpi ne, %rem3A_1001, %ne3A_1002 : i32
      %and3A_1004 = arith.andi %ne3A_1000, %ne3A_1003 : i1
      %sub3A_1005 = arith.constant 1 : i32
      %sub3A_1006 = arith.subi %div3A_985, %sub3A_1005 : i32
      %select_n3A_1007 = arith.select %and3A_1004, %sub3A_1006, %div3A_985 : i32
      %rem3A_1008 = arith.constant 128 : i32
      %rem3A_1009 = arith.remsi %add3A_983, %rem3A_1008 : i32
      %dma_start3A_1010 = arith.constant 0 : i32
      %dma_start3A_1011 = arith.constant 0 : i32
      %dma_start3A_1012 = tpu.memref_slice %arg9[%dma_start3A_1011] : memref<8192xf32, #tpu.memory_space<vmem>> -> memref<1024xf32, #tpu.memory_space<vmem>>
      %dma_start3A_1013 = arith.constant 0 : i32
      %dma_start3A_1014 = tpu.memref_slice %arg4[%select_n3A_1007, %dma_start3A_1010, %rem3A_1009, %dma_start3A_1013] : memref<50x8x128x1024xf32, #tpu.memory_space<hbm>> -> memref<1x1x1x1024xf32, #tpu.memory_space<hbm>>
      %dma_start3A_1015 = tpu.memref_squeeze %dma_start3A_1014 : memref<1x1x1x1024xf32, #tpu.memory_space<hbm>> -> memref<1024xf32, #tpu.memory_space<hbm>>
      %dma_start3A_1016 = arith.constant 0 : i32
      %dma_start3A_1017 = tpu.memref_slice %arg4[%select_n3A_1007, %dma_start3A_1010, %rem3A_1009, %dma_start3A_1016] : memref<50x8x128x1024xf32, #tpu.memory_space<hbm>> -> memref<1x1x1x1024xf32, #tpu.memory_space<hbm>>
      %dma_start3A_1018 = tpu.memref_squeeze %dma_start3A_1017 : memref<1x1x1x1024xf32, #tpu.memory_space<hbm>> -> memref<1024xf32, #tpu.memory_space<hbm>>
      %dma_start3A_1019 = arith.constant 0 : i32
      %dma_start3A_1020 = tpu.memref_slice %arg9[%dma_start3A_1019] : memref<8192xf32, #tpu.memory_space<vmem>> -> memref<1024xf32, #tpu.memory_space<vmem>>
      tpu.enqueue_dma source(%dma_start3A_1020 : memref<1024xf32, #tpu.memory_space<vmem>>) target(%dma_start3A_1018 : memref<1024xf32, #tpu.memory_space<hbm>>) target_semaphore(%arg11 : memref<!tpu.dma_semaphore, #tpu.memory_space<semaphore_mem>>)
      %add3A_1021 = arith.addi %mul3A_2, %add3A_959 : i32
      %jit3A_1022 = arith.constant 128 : i32
      %div3A_1023 = arith.divsi %add3A_1021, %jit3A_1022 : i32
      %sign3A_1024 = arith.constant 0 : i32
      %sign3A_1025 = arith.cmpi sgt, %add3A_1021, %sign3A_1024 : i32
      %sign3A_1026 = arith.extui %sign3A_1025 : i1 to i32
      %sign3A_1027 = arith.constant 0 : i32
      %sign3A_1028 = arith.cmpi slt, %add3A_1021, %sign3A_1027 : i32
      %sign3A_1029 = arith.extui %sign3A_1028 : i1 to i32
      %sign3A_1030 = arith.subi %sign3A_1026, %sign3A_1029 : i32
      %sign3A_1031 = arith.constant 0 : i32
      %sign3A_1032 = arith.cmpi sgt, %jit3A_1022, %sign3A_1031 : i32
      %sign3A_1033 = arith.extui %sign3A_1032 : i1 to i32
      %sign3A_1034 = arith.constant 0 : i32
      %sign3A_1035 = arith.cmpi slt, %jit3A_1022, %sign3A_1034 : i32
      %sign3A_1036 = arith.extui %sign3A_1035 : i1 to i32
      %sign3A_1037 = arith.subi %sign3A_1033, %sign3A_1036 : i32
      %ne3A_1038 = arith.cmpi ne, %sign3A_1030, %sign3A_1037 : i32
      %rem3A_1039 = arith.remsi %add3A_1021, %jit3A_1022 : i32
      %ne3A_1040 = arith.constant 0 : i32
      %ne3A_1041 = arith.cmpi ne, %rem3A_1039, %ne3A_1040 : i32
      %and3A_1042 = arith.andi %ne3A_1038, %ne3A_1041 : i1
      %sub3A_1043 = arith.constant 1 : i32
      %sub3A_1044 = arith.subi %div3A_1023, %sub3A_1043 : i32
      %select_n3A_1045 = arith.select %and3A_1042, %sub3A_1044, %div3A_1023 : i32
      %rem3A_1046 = arith.constant 128 : i32
      %rem3A_1047 = arith.remsi %add3A_1021, %rem3A_1046 : i32
      %dma_start3A_1048 = arith.constant 1 : i32
      %dma_start3A_1049 = arith.constant 1024 : i32
      %dma_start3A_1050 = tpu.memref_slice %arg9[%dma_start3A_1049] : memref<8192xf32, #tpu.memory_space<vmem>> -> memref<1024xf32, #tpu.memory_space<vmem>>
      %dma_start3A_1051 = arith.constant 0 : i32
      %dma_start3A_1052 = tpu.memref_slice %arg4[%select_n3A_1045, %dma_start3A_1048, %rem3A_1047, %dma_start3A_1051] : memref<50x8x128x1024xf32, #tpu.memory_space<hbm>> -> memref<1x1x1x1024xf32, #tpu.memory_space<hbm>>
      %dma_start3A_1053 = tpu.memref_squeeze %dma_start3A_1052 : memref<1x1x1x1024xf32, #tpu.memory_space<hbm>> -> memref<1024xf32, #tpu.memory_space<hbm>>
      %dma_start3A_1054 = arith.constant 0 : i32
      %dma_start3A_1055 = tpu.memref_slice %arg4[%select_n3A_1045, %dma_start3A_1048, %rem3A_1047, %dma_start3A_1054] : memref<50x8x128x1024xf32, #tpu.memory_space<hbm>> -> memref<1x1x1x1024xf32, #tpu.memory_space<hbm>>
      %dma_start3A_1056 = tpu.memref_squeeze %dma_start3A_1055 : memref<1x1x1x1024xf32, #tpu.memory_space<hbm>> -> memref<1024xf32, #tpu.memory_space<hbm>>
      %dma_start3A_1057 = arith.constant 1024 : i32
      %dma_start3A_1058 = tpu.memref_slice %arg9[%dma_start3A_1057] : memref<8192xf32, #tpu.memory_space<vmem>> -> memref<1024xf32, #tpu.memory_space<vmem>>
      tpu.enqueue_dma source(%dma_start3A_1058 : memref<1024xf32, #tpu.memory_space<vmem>>) target(%dma_start3A_1056 : memref<1024xf32, #tpu.memory_space<hbm>>) target_semaphore(%arg11 : memref<!tpu.dma_semaphore, #tpu.memory_space<semaphore_mem>>)
      %add3A_1059 = arith.addi %mul3A_2, %add3A_959 : i32
      %jit3A_1060 = arith.constant 128 : i32
      %div3A_1061 = arith.divsi %add3A_1059, %jit3A_1060 : i32
      %sign3A_1062 = arith.constant 0 : i32
      %sign3A_1063 = arith.cmpi sgt, %add3A_1059, %sign3A_1062 : i32
      %sign3A_1064 = arith.extui %sign3A_1063 : i1 to i32
      %sign3A_1065 = arith.constant 0 : i32
      %sign3A_1066 = arith.cmpi slt, %add3A_1059, %sign3A_1065 : i32
      %sign3A_1067 = arith.extui %sign3A_1066 : i1 to i32
      %sign3A_1068 = arith.subi %sign3A_1064, %sign3A_1067 : i32
      %sign3A_1069 = arith.constant 0 : i32
      %sign3A_1070 = arith.cmpi sgt, %jit3A_1060, %sign3A_1069 : i32
      %sign3A_1071 = arith.extui %sign3A_1070 : i1 to i32
      %sign3A_1072 = arith.constant 0 : i32
      %sign3A_1073 = arith.cmpi slt, %jit3A_1060, %sign3A_1072 : i32
      %sign3A_1074 = arith.extui %sign3A_1073 : i1 to i32
      %sign3A_1075 = arith.subi %sign3A_1071, %sign3A_1074 : i32
      %ne3A_1076 = arith.cmpi ne, %sign3A_1068, %sign3A_1075 : i32
      %rem3A_1077 = arith.remsi %add3A_1059, %jit3A_1060 : i32
      %ne3A_1078 = arith.constant 0 : i32
      %ne3A_1079 = arith.cmpi ne, %rem3A_1077, %ne3A_1078 : i32
      %and3A_1080 = arith.andi %ne3A_1076, %ne3A_1079 : i1
      %sub3A_1081 = arith.constant 1 : i32
      %sub3A_1082 = arith.subi %div3A_1061, %sub3A_1081 : i32
      %select_n3A_1083 = arith.select %and3A_1080, %sub3A_1082, %div3A_1061 : i32
      %rem3A_1084 = arith.constant 128 : i32
      %rem3A_1085 = arith.remsi %add3A_1059, %rem3A_1084 : i32
      %dma_start3A_1086 = arith.constant 2 : i32
      %dma_start3A_1087 = arith.constant 2048 : i32
      %dma_start3A_1088 = tpu.memref_slice %arg9[%dma_start3A_1087] : memref<8192xf32, #tpu.memory_space<vmem>> -> memref<1024xf32, #tpu.memory_space<vmem>>
      %dma_start3A_1089 = arith.constant 0 : i32
      %dma_start3A_1090 = tpu.memref_slice %arg4[%select_n3A_1083, %dma_start3A_1086, %rem3A_1085, %dma_start3A_1089] : memref<50x8x128x1024xf32, #tpu.memory_space<hbm>> -> memref<1x1x1x1024xf32, #tpu.memory_space<hbm>>
      %dma_start3A_1091 = tpu.memref_squeeze %dma_start3A_1090 : memref<1x1x1x1024xf32, #tpu.memory_space<hbm>> -> memref<1024xf32, #tpu.memory_space<hbm>>
      %dma_start3A_1092 = arith.constant 0 : i32
      %dma_start3A_1093 = tpu.memref_slice %arg4[%select_n3A_1083, %dma_start3A_1086, %rem3A_1085, %dma_start3A_1092] : memref<50x8x128x1024xf32, #tpu.memory_space<hbm>> -> memref<1x1x1x1024xf32, #tpu.memory_space<hbm>>
      %dma_start3A_1094 = tpu.memref_squeeze %dma_start3A_1093 : memref<1x1x1x1024xf32, #tpu.memory_space<hbm>> -> memref<1024xf32, #tpu.memory_space<hbm>>
      %dma_start3A_1095 = arith.constant 2048 : i32
      %dma_start3A_1096 = tpu.memref_slice %arg9[%dma_start3A_1095] : memref<8192xf32, #tpu.memory_space<vmem>> -> memref<1024xf32, #tpu.memory_space<vmem>>
      tpu.enqueue_dma source(%dma_start3A_1096 : memref<1024xf32, #tpu.memory_space<vmem>>) target(%dma_start3A_1094 : memref<1024xf32, #tpu.memory_space<hbm>>) target_semaphore(%arg11 : memref<!tpu.dma_semaphore, #tpu.memory_space<semaphore_mem>>)
      %add3A_1097 = arith.addi %mul3A_2, %add3A_959 : i32
      %jit3A_1098 = arith.constant 128 : i32
      %div3A_1099 = arith.divsi %add3A_1097, %jit3A_1098 : i32
      %sign3A_1100 = arith.constant 0 : i32
      %sign3A_1101 = arith.cmpi sgt, %add3A_1097, %sign3A_1100 : i32
      %sign3A_1102 = arith.extui %sign3A_1101 : i1 to i32
      %sign3A_1103 = arith.constant 0 : i32
      %sign3A_1104 = arith.cmpi slt, %add3A_1097, %sign3A_1103 : i32
      %sign3A_1105 = arith.extui %sign3A_1104 : i1 to i32
      %sign3A_1106 = arith.subi %sign3A_1102, %sign3A_1105 : i32
      %sign3A_1107 = arith.constant 0 : i32
      %sign3A_1108 = arith.cmpi sgt, %jit3A_1098, %sign3A_1107 : i32
      %sign3A_1109 = arith.extui %sign3A_1108 : i1 to i32
      %sign3A_1110 = arith.constant 0 : i32
      %sign3A_1111 = arith.cmpi slt, %jit3A_1098, %sign3A_1110 : i32
      %sign3A_1112 = arith.extui %sign3A_1111 : i1 to i32
      %sign3A_1113 = arith.subi %sign3A_1109, %sign3A_1112 : i32
      %ne3A_1114 = arith.cmpi ne, %sign3A_1106, %sign3A_1113 : i32
      %rem3A_1115 = arith.remsi %add3A_1097, %jit3A_1098 : i32
      %ne3A_1116 = arith.constant 0 : i32
      %ne3A_1117 = arith.cmpi ne, %rem3A_1115, %ne3A_1116 : i32
      %and3A_1118 = arith.andi %ne3A_1114, %ne3A_1117 : i1
      %sub3A_1119 = arith.constant 1 : i32
      %sub3A_1120 = arith.subi %div3A_1099, %sub3A_1119 : i32
      %select_n3A_1121 = arith.select %and3A_1118, %sub3A_1120, %div3A_1099 : i32
      %rem3A_1122 = arith.constant 128 : i32
      %rem3A_1123 = arith.remsi %add3A_1097, %rem3A_1122 : i32
      %dma_start3A_1124 = arith.constant 3 : i32
      %dma_start3A_1125 = arith.constant 3072 : i32
      %dma_start3A_1126 = tpu.memref_slice %arg9[%dma_start3A_1125] : memref<8192xf32, #tpu.memory_space<vmem>> -> memref<1024xf32, #tpu.memory_space<vmem>>
      %dma_start3A_1127 = arith.constant 0 : i32
      %dma_start3A_1128 = tpu.memref_slice %arg4[%select_n3A_1121, %dma_start3A_1124, %rem3A_1123, %dma_start3A_1127] : memref<50x8x128x1024xf32, #tpu.memory_space<hbm>> -> memref<1x1x1x1024xf32, #tpu.memory_space<hbm>>
      %dma_start3A_1129 = tpu.memref_squeeze %dma_start3A_1128 : memref<1x1x1x1024xf32, #tpu.memory_space<hbm>> -> memref<1024xf32, #tpu.memory_space<hbm>>
      %dma_start3A_1130 = arith.constant 0 : i32
      %dma_start3A_1131 = tpu.memref_slice %arg4[%select_n3A_1121, %dma_start3A_1124, %rem3A_1123, %dma_start3A_1130] : memref<50x8x128x1024xf32, #tpu.memory_space<hbm>> -> memref<1x1x1x1024xf32, #tpu.memory_space<hbm>>
      %dma_start3A_1132 = tpu.memref_squeeze %dma_start3A_1131 : memref<1x1x1x1024xf32, #tpu.memory_space<hbm>> -> memref<1024xf32, #tpu.memory_space<hbm>>
      %dma_start3A_1133 = arith.constant 3072 : i32
      %dma_start3A_1134 = tpu.memref_slice %arg9[%dma_start3A_1133] : memref<8192xf32, #tpu.memory_space<vmem>> -> memref<1024xf32, #tpu.memory_space<vmem>>
      tpu.enqueue_dma source(%dma_start3A_1134 : memref<1024xf32, #tpu.memory_space<vmem>>) target(%dma_start3A_1132 : memref<1024xf32, #tpu.memory_space<hbm>>) target_semaphore(%arg11 : memref<!tpu.dma_semaphore, #tpu.memory_space<semaphore_mem>>)
      %add3A_1135 = arith.addi %mul3A_2, %add3A_959 : i32
      %jit3A_1136 = arith.constant 128 : i32
      %div3A_1137 = arith.divsi %add3A_1135, %jit3A_1136 : i32
      %sign3A_1138 = arith.constant 0 : i32
      %sign3A_1139 = arith.cmpi sgt, %add3A_1135, %sign3A_1138 : i32
      %sign3A_1140 = arith.extui %sign3A_1139 : i1 to i32
      %sign3A_1141 = arith.constant 0 : i32
      %sign3A_1142 = arith.cmpi slt, %add3A_1135, %sign3A_1141 : i32
      %sign3A_1143 = arith.extui %sign3A_1142 : i1 to i32
      %sign3A_1144 = arith.subi %sign3A_1140, %sign3A_1143 : i32
      %sign3A_1145 = arith.constant 0 : i32
      %sign3A_1146 = arith.cmpi sgt, %jit3A_1136, %sign3A_1145 : i32
      %sign3A_1147 = arith.extui %sign3A_1146 : i1 to i32
      %sign3A_1148 = arith.constant 0 : i32
      %sign3A_1149 = arith.cmpi slt, %jit3A_1136, %sign3A_1148 : i32
      %sign3A_1150 = arith.extui %sign3A_1149 : i1 to i32
      %sign3A_1151 = arith.subi %sign3A_1147, %sign3A_1150 : i32
      %ne3A_1152 = arith.cmpi ne, %sign3A_1144, %sign3A_1151 : i32
      %rem3A_1153 = arith.remsi %add3A_1135, %jit3A_1136 : i32
      %ne3A_1154 = arith.constant 0 : i32
      %ne3A_1155 = arith.cmpi ne, %rem3A_1153, %ne3A_1154 : i32
      %and3A_1156 = arith.andi %ne3A_1152, %ne3A_1155 : i1
      %sub3A_1157 = arith.constant 1 : i32
      %sub3A_1158 = arith.subi %div3A_1137, %sub3A_1157 : i32
      %select_n3A_1159 = arith.select %and3A_1156, %sub3A_1158, %div3A_1137 : i32
      %rem3A_1160 = arith.constant 128 : i32
      %rem3A_1161 = arith.remsi %add3A_1135, %rem3A_1160 : i32
      %dma_start3A_1162 = arith.constant 4 : i32
      %dma_start3A_1163 = arith.constant 4096 : i32
      %dma_start3A_1164 = tpu.memref_slice %arg9[%dma_start3A_1163] : memref<8192xf32, #tpu.memory_space<vmem>> -> memref<1024xf32, #tpu.memory_space<vmem>>
      %dma_start3A_1165 = arith.constant 0 : i32
      %dma_start3A_1166 = tpu.memref_slice %arg4[%select_n3A_1159, %dma_start3A_1162, %rem3A_1161, %dma_start3A_1165] : memref<50x8x128x1024xf32, #tpu.memory_space<hbm>> -> memref<1x1x1x1024xf32, #tpu.memory_space<hbm>>
      %dma_start3A_1167 = tpu.memref_squeeze %dma_start3A_1166 : memref<1x1x1x1024xf32, #tpu.memory_space<hbm>> -> memref<1024xf32, #tpu.memory_space<hbm>>
      %dma_start3A_1168 = arith.constant 0 : i32
      %dma_start3A_1169 = tpu.memref_slice %arg4[%select_n3A_1159, %dma_start3A_1162, %rem3A_1161, %dma_start3A_1168] : memref<50x8x128x1024xf32, #tpu.memory_space<hbm>> -> memref<1x1x1x1024xf32, #tpu.memory_space<hbm>>
      %dma_start3A_1170 = tpu.memref_squeeze %dma_start3A_1169 : memref<1x1x1x1024xf32, #tpu.memory_space<hbm>> -> memref<1024xf32, #tpu.memory_space<hbm>>
      %dma_start3A_1171 = arith.constant 4096 : i32
      %dma_start3A_1172 = tpu.memref_slice %arg9[%dma_start3A_1171] : memref<8192xf32, #tpu.memory_space<vmem>> -> memref<1024xf32, #tpu.memory_space<vmem>>
      tpu.enqueue_dma source(%dma_start3A_1172 : memref<1024xf32, #tpu.memory_space<vmem>>) target(%dma_start3A_1170 : memref<1024xf32, #tpu.memory_space<hbm>>) target_semaphore(%arg11 : memref<!tpu.dma_semaphore, #tpu.memory_space<semaphore_mem>>)
      %add3A_1173 = arith.addi %mul3A_2, %add3A_959 : i32
      %jit3A_1174 = arith.constant 128 : i32
      %div3A_1175 = arith.divsi %add3A_1173, %jit3A_1174 : i32
      %sign3A_1176 = arith.constant 0 : i32
      %sign3A_1177 = arith.cmpi sgt, %add3A_1173, %sign3A_1176 : i32
      %sign3A_1178 = arith.extui %sign3A_1177 : i1 to i32
      %sign3A_1179 = arith.constant 0 : i32
      %sign3A_1180 = arith.cmpi slt, %add3A_1173, %sign3A_1179 : i32
      %sign3A_1181 = arith.extui %sign3A_1180 : i1 to i32
      %sign3A_1182 = arith.subi %sign3A_1178, %sign3A_1181 : i32
      %sign3A_1183 = arith.constant 0 : i32
      %sign3A_1184 = arith.cmpi sgt, %jit3A_1174, %sign3A_1183 : i32
      %sign3A_1185 = arith.extui %sign3A_1184 : i1 to i32
      %sign3A_1186 = arith.constant 0 : i32
      %sign3A_1187 = arith.cmpi slt, %jit3A_1174, %sign3A_1186 : i32
      %sign3A_1188 = arith.extui %sign3A_1187 : i1 to i32
      %sign3A_1189 = arith.subi %sign3A_1185, %sign3A_1188 : i32
      %ne3A_1190 = arith.cmpi ne, %sign3A_1182, %sign3A_1189 : i32
      %rem3A_1191 = arith.remsi %add3A_1173, %jit3A_1174 : i32
      %ne3A_1192 = arith.constant 0 : i32
      %ne3A_1193 = arith.cmpi ne, %rem3A_1191, %ne3A_1192 : i32
      %and3A_1194 = arith.andi %ne3A_1190, %ne3A_1193 : i1
      %sub3A_1195 = arith.constant 1 : i32
      %sub3A_1196 = arith.subi %div3A_1175, %sub3A_1195 : i32
      %select_n3A_1197 = arith.select %and3A_1194, %sub3A_1196, %div3A_1175 : i32
      %rem3A_1198 = arith.constant 128 : i32
      %rem3A_1199 = arith.remsi %add3A_1173, %rem3A_1198 : i32
      %dma_start3A_1200 = arith.constant 5 : i32
      %dma_start3A_1201 = arith.constant 5120 : i32
      %dma_start3A_1202 = tpu.memref_slice %arg9[%dma_start3A_1201] : memref<8192xf32, #tpu.memory_space<vmem>> -> memref<1024xf32, #tpu.memory_space<vmem>>
      %dma_start3A_1203 = arith.constant 0 : i32
      %dma_start3A_1204 = tpu.memref_slice %arg4[%select_n3A_1197, %dma_start3A_1200, %rem3A_1199, %dma_start3A_1203] : memref<50x8x128x1024xf32, #tpu.memory_space<hbm>> -> memref<1x1x1x1024xf32, #tpu.memory_space<hbm>>
      %dma_start3A_1205 = tpu.memref_squeeze %dma_start3A_1204 : memref<1x1x1x1024xf32, #tpu.memory_space<hbm>> -> memref<1024xf32, #tpu.memory_space<hbm>>
      %dma_start3A_1206 = arith.constant 0 : i32
      %dma_start3A_1207 = tpu.memref_slice %arg4[%select_n3A_1197, %dma_start3A_1200, %rem3A_1199, %dma_start3A_1206] : memref<50x8x128x1024xf32, #tpu.memory_space<hbm>> -> memref<1x1x1x1024xf32, #tpu.memory_space<hbm>>
      %dma_start3A_1208 = tpu.memref_squeeze %dma_start3A_1207 : memref<1x1x1x1024xf32, #tpu.memory_space<hbm>> -> memref<1024xf32, #tpu.memory_space<hbm>>
      %dma_start3A_1209 = arith.constant 5120 : i32
      %dma_start3A_1210 = tpu.memref_slice %arg9[%dma_start3A_1209] : memref<8192xf32, #tpu.memory_space<vmem>> -> memref<1024xf32, #tpu.memory_space<vmem>>
      tpu.enqueue_dma source(%dma_start3A_1210 : memref<1024xf32, #tpu.memory_space<vmem>>) target(%dma_start3A_1208 : memref<1024xf32, #tpu.memory_space<hbm>>) target_semaphore(%arg11 : memref<!tpu.dma_semaphore, #tpu.memory_space<semaphore_mem>>)
      %add3A_1211 = arith.addi %mul3A_2, %add3A_959 : i32
      %jit3A_1212 = arith.constant 128 : i32
      %div3A_1213 = arith.divsi %add3A_1211, %jit3A_1212 : i32
      %sign3A_1214 = arith.constant 0 : i32
      %sign3A_1215 = arith.cmpi sgt, %add3A_1211, %sign3A_1214 : i32
      %sign3A_1216 = arith.extui %sign3A_1215 : i1 to i32
      %sign3A_1217 = arith.constant 0 : i32
      %sign3A_1218 = arith.cmpi slt, %add3A_1211, %sign3A_1217 : i32
      %sign3A_1219 = arith.extui %sign3A_1218 : i1 to i32
      %sign3A_1220 = arith.subi %sign3A_1216, %sign3A_1219 : i32
      %sign3A_1221 = arith.constant 0 : i32
      %sign3A_1222 = arith.cmpi sgt, %jit3A_1212, %sign3A_1221 : i32
      %sign3A_1223 = arith.extui %sign3A_1222 : i1 to i32
      %sign3A_1224 = arith.constant 0 : i32
      %sign3A_1225 = arith.cmpi slt, %jit3A_1212, %sign3A_1224 : i32
      %sign3A_1226 = arith.extui %sign3A_1225 : i1 to i32
      %sign3A_1227 = arith.subi %sign3A_1223, %sign3A_1226 : i32
      %ne3A_1228 = arith.cmpi ne, %sign3A_1220, %sign3A_1227 : i32
      %rem3A_1229 = arith.remsi %add3A_1211, %jit3A_1212 : i32
      %ne3A_1230 = arith.constant 0 : i32
      %ne3A_1231 = arith.cmpi ne, %rem3A_1229, %ne3A_1230 : i32
      %and3A_1232 = arith.andi %ne3A_1228, %ne3A_1231 : i1
      %sub3A_1233 = arith.constant 1 : i32
      %sub3A_1234 = arith.subi %div3A_1213, %sub3A_1233 : i32
      %select_n3A_1235 = arith.select %and3A_1232, %sub3A_1234, %div3A_1213 : i32
      %rem3A_1236 = arith.constant 128 : i32
      %rem3A_1237 = arith.remsi %add3A_1211, %rem3A_1236 : i32
      %dma_start3A_1238 = arith.constant 6 : i32
      %dma_start3A_1239 = arith.constant 6144 : i32
      %dma_start3A_1240 = tpu.memref_slice %arg9[%dma_start3A_1239] : memref<8192xf32, #tpu.memory_space<vmem>> -> memref<1024xf32, #tpu.memory_space<vmem>>
      %dma_start3A_1241 = arith.constant 0 : i32
      %dma_start3A_1242 = tpu.memref_slice %arg4[%select_n3A_1235, %dma_start3A_1238, %rem3A_1237, %dma_start3A_1241] : memref<50x8x128x1024xf32, #tpu.memory_space<hbm>> -> memref<1x1x1x1024xf32, #tpu.memory_space<hbm>>
      %dma_start3A_1243 = tpu.memref_squeeze %dma_start3A_1242 : memref<1x1x1x1024xf32, #tpu.memory_space<hbm>> -> memref<1024xf32, #tpu.memory_space<hbm>>
      %dma_start3A_1244 = arith.constant 0 : i32
      %dma_start3A_1245 = tpu.memref_slice %arg4[%select_n3A_1235, %dma_start3A_1238, %rem3A_1237, %dma_start3A_1244] : memref<50x8x128x1024xf32, #tpu.memory_space<hbm>> -> memref<1x1x1x1024xf32, #tpu.memory_space<hbm>>
      %dma_start3A_1246 = tpu.memref_squeeze %dma_start3A_1245 : memref<1x1x1x1024xf32, #tpu.memory_space<hbm>> -> memref<1024xf32, #tpu.memory_space<hbm>>
      %dma_start3A_1247 = arith.constant 6144 : i32
      %dma_start3A_1248 = tpu.memref_slice %arg9[%dma_start3A_1247] : memref<8192xf32, #tpu.memory_space<vmem>> -> memref<1024xf32, #tpu.memory_space<vmem>>
      tpu.enqueue_dma source(%dma_start3A_1248 : memref<1024xf32, #tpu.memory_space<vmem>>) target(%dma_start3A_1246 : memref<1024xf32, #tpu.memory_space<hbm>>) target_semaphore(%arg11 : memref<!tpu.dma_semaphore, #tpu.memory_space<semaphore_mem>>)
      %add3A_1249 = arith.addi %mul3A_2, %add3A_959 : i32
      %jit3A_1250 = arith.constant 128 : i32
      %div3A_1251 = arith.divsi %add3A_1249, %jit3A_1250 : i32
      %sign3A_1252 = arith.constant 0 : i32
      %sign3A_1253 = arith.cmpi sgt, %add3A_1249, %sign3A_1252 : i32
      %sign3A_1254 = arith.extui %sign3A_1253 : i1 to i32
      %sign3A_1255 = arith.constant 0 : i32
      %sign3A_1256 = arith.cmpi slt, %add3A_1249, %sign3A_1255 : i32
      %sign3A_1257 = arith.extui %sign3A_1256 : i1 to i32
      %sign3A_1258 = arith.subi %sign3A_1254, %sign3A_1257 : i32
      %sign3A_1259 = arith.constant 0 : i32
      %sign3A_1260 = arith.cmpi sgt, %jit3A_1250, %sign3A_1259 : i32
      %sign3A_1261 = arith.extui %sign3A_1260 : i1 to i32
      %sign3A_1262 = arith.constant 0 : i32
      %sign3A_1263 = arith.cmpi slt, %jit3A_1250, %sign3A_1262 : i32
      %sign3A_1264 = arith.extui %sign3A_1263 : i1 to i32
      %sign3A_1265 = arith.subi %sign3A_1261, %sign3A_1264 : i32
      %ne3A_1266 = arith.cmpi ne, %sign3A_1258, %sign3A_1265 : i32
      %rem3A_1267 = arith.remsi %add3A_1249, %jit3A_1250 : i32
      %ne3A_1268 = arith.constant 0 : i32
      %ne3A_1269 = arith.cmpi ne, %rem3A_1267, %ne3A_1268 : i32
      %and3A_1270 = arith.andi %ne3A_1266, %ne3A_1269 : i1
      %sub3A_1271 = arith.constant 1 : i32
      %sub3A_1272 = arith.subi %div3A_1251, %sub3A_1271 : i32
      %select_n3A_1273 = arith.select %and3A_1270, %sub3A_1272, %div3A_1251 : i32
      %rem3A_1274 = arith.constant 128 : i32
      %rem3A_1275 = arith.remsi %add3A_1249, %rem3A_1274 : i32
      %dma_start3A_1276 = arith.constant 7 : i32
      %dma_start3A_1277 = arith.constant 7168 : i32
      %dma_start3A_1278 = tpu.memref_slice %arg9[%dma_start3A_1277] : memref<8192xf32, #tpu.memory_space<vmem>> -> memref<1024xf32, #tpu.memory_space<vmem>>
      %dma_start3A_1279 = arith.constant 0 : i32
      %dma_start3A_1280 = tpu.memref_slice %arg4[%select_n3A_1273, %dma_start3A_1276, %rem3A_1275, %dma_start3A_1279] : memref<50x8x128x1024xf32, #tpu.memory_space<hbm>> -> memref<1x1x1x1024xf32, #tpu.memory_space<hbm>>
      %dma_start3A_1281 = tpu.memref_squeeze %dma_start3A_1280 : memref<1x1x1x1024xf32, #tpu.memory_space<hbm>> -> memref<1024xf32, #tpu.memory_space<hbm>>
      %dma_start3A_1282 = arith.constant 0 : i32
      %dma_start3A_1283 = tpu.memref_slice %arg4[%select_n3A_1273, %dma_start3A_1276, %rem3A_1275, %dma_start3A_1282] : memref<50x8x128x1024xf32, #tpu.memory_space<hbm>> -> memref<1x1x1x1024xf32, #tpu.memory_space<hbm>>
      %dma_start3A_1284 = tpu.memref_squeeze %dma_start3A_1283 : memref<1x1x1x1024xf32, #tpu.memory_space<hbm>> -> memref<1024xf32, #tpu.memory_space<hbm>>
      %dma_start3A_1285 = arith.constant 7168 : i32
      %dma_start3A_1286 = tpu.memref_slice %arg9[%dma_start3A_1285] : memref<8192xf32, #tpu.memory_space<vmem>> -> memref<1024xf32, #tpu.memory_space<vmem>>
      tpu.enqueue_dma source(%dma_start3A_1286 : memref<1024xf32, #tpu.memory_space<vmem>>) target(%dma_start3A_1284 : memref<1024xf32, #tpu.memory_space<hbm>>) target_semaphore(%arg11 : memref<!tpu.dma_semaphore, #tpu.memory_space<semaphore_mem>>)
    }
    %scan3A_12 = arith.constant 100 : i32
    %add3A_13 = arith.constant 198 : i32
    %add3A_14 = arith.addi %mul3A_2, %add3A_13 : i32
    %jit3A = arith.constant 128 : i32
    %div3A = arith.divsi %add3A_14, %jit3A : i32
    %sign3A = arith.constant 0 : i32
    %sign3A_15 = arith.cmpi sgt, %add3A_14, %sign3A : i32
    %sign3A_16 = arith.extui %sign3A_15 : i1 to i32
    %sign3A_17 = arith.constant 0 : i32
    %sign3A_18 = arith.cmpi slt, %add3A_14, %sign3A_17 : i32
    %sign3A_19 = arith.extui %sign3A_18 : i1 to i32
    %sign3A_20 = arith.subi %sign3A_16, %sign3A_19 : i32
    %sign3A_21 = arith.constant 0 : i32
    %sign3A_22 = arith.cmpi sgt, %jit3A, %sign3A_21 : i32
    %sign3A_23 = arith.extui %sign3A_22 : i1 to i32
    %sign3A_24 = arith.constant 0 : i32
    %sign3A_25 = arith.cmpi slt, %jit3A, %sign3A_24 : i32
    %sign3A_26 = arith.extui %sign3A_25 : i1 to i32
    %sign3A_27 = arith.subi %sign3A_23, %sign3A_26 : i32
    %ne3A = arith.cmpi ne, %sign3A_20, %sign3A_27 : i32
    %rem3A = arith.remsi %add3A_14, %jit3A : i32
    %ne3A_28 = arith.constant 0 : i32
    %ne3A_29 = arith.cmpi ne, %rem3A, %ne3A_28 : i32
    %and3A = arith.andi %ne3A, %ne3A_29 : i1
    %sub3A = arith.constant 1 : i32
    %sub3A_30 = arith.subi %div3A, %sub3A : i32
    %select_n3A = arith.select %and3A, %sub3A_30, %div3A : i32
    %rem3A_31 = arith.constant 128 : i32
    %rem3A_32 = arith.remsi %add3A_14, %rem3A_31 : i32
    %dma_wait3A = arith.constant 0 : i32
    %dma_wait3A_33 = arith.constant 0 : i32
    %dma_wait3A_34 = tpu.memref_slice %arg8[%dma_wait3A_33] : memref<8192xf32, #tpu.memory_space<vmem>> -> memref<1024xf32, #tpu.memory_space<vmem>>
    %dma_wait3A_35 = arith.constant 0 : i32
    %dma_wait3A_36 = tpu.memref_slice %arg4[%select_n3A, %dma_wait3A, %rem3A_32, %dma_wait3A_35] : memref<50x8x128x1024xf32, #tpu.memory_space<hbm>> -> memref<1x1x1x1024xf32, #tpu.memory_space<hbm>>
    %dma_wait3A_37 = tpu.memref_squeeze %dma_wait3A_36 : memref<1x1x1x1024xf32, #tpu.memory_space<hbm>> -> memref<1024xf32, #tpu.memory_space<hbm>>
    %dma_wait3A_38 = arith.constant 0 : i32
    %dma_wait3A_39 = tpu.memref_slice %arg4[%select_n3A, %dma_wait3A, %rem3A_32, %dma_wait3A_38] : memref<50x8x128x1024xf32, #tpu.memory_space<hbm>> -> memref<1x1x1x1024xf32, #tpu.memory_space<hbm>>
    %dma_wait3A_40 = tpu.memref_squeeze %dma_wait3A_39 : memref<1x1x1x1024xf32, #tpu.memory_space<hbm>> -> memref<1024xf32, #tpu.memory_space<hbm>>
    %dma_wait3A_41 = arith.constant 0 : i32
    %dma_wait3A_42 = tpu.memref_slice %arg8[%dma_wait3A_41] : memref<8192xf32, #tpu.memory_space<vmem>> -> memref<1024xf32, #tpu.memory_space<vmem>>
    tpu.wait_dma2 semaphore(%arg11 : memref<!tpu.dma_semaphore, #tpu.memory_space<semaphore_mem>>) src(%dma_wait3A_42 : memref<1024xf32, #tpu.memory_space<vmem>>) dst(%dma_wait3A_40 : memref<1024xf32, #tpu.memory_space<hbm>>)
    %add3A_43 = arith.constant 198 : i32
    %add3A_44 = arith.addi %mul3A_2, %add3A_43 : i32
    %jit3A_45 = arith.constant 128 : i32
    %div3A_46 = arith.divsi %add3A_44, %jit3A_45 : i32
    %sign3A_47 = arith.constant 0 : i32
    %sign3A_48 = arith.cmpi sgt, %add3A_44, %sign3A_47 : i32
    %sign3A_49 = arith.extui %sign3A_48 : i1 to i32
    %sign3A_50 = arith.constant 0 : i32
    %sign3A_51 = arith.cmpi slt, %add3A_44, %sign3A_50 : i32
    %sign3A_52 = arith.extui %sign3A_51 : i1 to i32
    %sign3A_53 = arith.subi %sign3A_49, %sign3A_52 : i32
    %sign3A_54 = arith.constant 0 : i32
    %sign3A_55 = arith.cmpi sgt, %jit3A_45, %sign3A_54 : i32
    %sign3A_56 = arith.extui %sign3A_55 : i1 to i32
    %sign3A_57 = arith.constant 0 : i32
    %sign3A_58 = arith.cmpi slt, %jit3A_45, %sign3A_57 : i32
    %sign3A_59 = arith.extui %sign3A_58 : i1 to i32
    %sign3A_60 = arith.subi %sign3A_56, %sign3A_59 : i32
    %ne3A_61 = arith.cmpi ne, %sign3A_53, %sign3A_60 : i32
    %rem3A_62 = arith.remsi %add3A_44, %jit3A_45 : i32
    %ne3A_63 = arith.constant 0 : i32
    %ne3A_64 = arith.cmpi ne, %rem3A_62, %ne3A_63 : i32
    %and3A_65 = arith.andi %ne3A_61, %ne3A_64 : i1
    %sub3A_66 = arith.constant 1 : i32
    %sub3A_67 = arith.subi %div3A_46, %sub3A_66 : i32
    %select_n3A_68 = arith.select %and3A_65, %sub3A_67, %div3A_46 : i32
    %rem3A_69 = arith.constant 128 : i32
    %rem3A_70 = arith.remsi %add3A_44, %rem3A_69 : i32
    %dma_wait3A_71 = arith.constant 1 : i32
    %dma_wait3A_72 = arith.constant 1024 : i32
    %dma_wait3A_73 = tpu.memref_slice %arg8[%dma_wait3A_72] : memref<8192xf32, #tpu.memory_space<vmem>> -> memref<1024xf32, #tpu.memory_space<vmem>>
    %dma_wait3A_74 = arith.constant 0 : i32
    %dma_wait3A_75 = tpu.memref_slice %arg4[%select_n3A_68, %dma_wait3A_71, %rem3A_70, %dma_wait3A_74] : memref<50x8x128x1024xf32, #tpu.memory_space<hbm>> -> memref<1x1x1x1024xf32, #tpu.memory_space<hbm>>
    %dma_wait3A_76 = tpu.memref_squeeze %dma_wait3A_75 : memref<1x1x1x1024xf32, #tpu.memory_space<hbm>> -> memref<1024xf32, #tpu.memory_space<hbm>>
    %dma_wait3A_77 = arith.constant 0 : i32
    %dma_wait3A_78 = tpu.memref_slice %arg4[%select_n3A_68, %dma_wait3A_71, %rem3A_70, %dma_wait3A_77] : memref<50x8x128x1024xf32, #tpu.memory_space<hbm>> -> memref<1x1x1x1024xf32, #tpu.memory_space<hbm>>
    %dma_wait3A_79 = tpu.memref_squeeze %dma_wait3A_78 : memref<1x1x1x1024xf32, #tpu.memory_space<hbm>> -> memref<1024xf32, #tpu.memory_space<hbm>>
    %dma_wait3A_80 = arith.constant 1024 : i32
    %dma_wait3A_81 = tpu.memref_slice %arg8[%dma_wait3A_80] : memref<8192xf32, #tpu.memory_space<vmem>> -> memref<1024xf32, #tpu.memory_space<vmem>>
    tpu.wait_dma2 semaphore(%arg11 : memref<!tpu.dma_semaphore, #tpu.memory_space<semaphore_mem>>) src(%dma_wait3A_81 : memref<1024xf32, #tpu.memory_space<vmem>>) dst(%dma_wait3A_79 : memref<1024xf32, #tpu.memory_space<hbm>>)
    %add3A_82 = arith.constant 198 : i32
    %add3A_83 = arith.addi %mul3A_2, %add3A_82 : i32
    %jit3A_84 = arith.constant 128 : i32
    %div3A_85 = arith.divsi %add3A_83, %jit3A_84 : i32
    %sign3A_86 = arith.constant 0 : i32
    %sign3A_87 = arith.cmpi sgt, %add3A_83, %sign3A_86 : i32
    %sign3A_88 = arith.extui %sign3A_87 : i1 to i32
    %sign3A_89 = arith.constant 0 : i32
    %sign3A_90 = arith.cmpi slt, %add3A_83, %sign3A_89 : i32
    %sign3A_91 = arith.extui %sign3A_90 : i1 to i32
    %sign3A_92 = arith.subi %sign3A_88, %sign3A_91 : i32
    %sign3A_93 = arith.constant 0 : i32
    %sign3A_94 = arith.cmpi sgt, %jit3A_84, %sign3A_93 : i32
    %sign3A_95 = arith.extui %sign3A_94 : i1 to i32
    %sign3A_96 = arith.constant 0 : i32
    %sign3A_97 = arith.cmpi slt, %jit3A_84, %sign3A_96 : i32
    %sign3A_98 = arith.extui %sign3A_97 : i1 to i32
    %sign3A_99 = arith.subi %sign3A_95, %sign3A_98 : i32
    %ne3A_100 = arith.cmpi ne, %sign3A_92, %sign3A_99 : i32
    %rem3A_101 = arith.remsi %add3A_83, %jit3A_84 : i32
    %ne3A_102 = arith.constant 0 : i32
    %ne3A_103 = arith.cmpi ne, %rem3A_101, %ne3A_102 : i32
    %and3A_104 = arith.andi %ne3A_100, %ne3A_103 : i1
    %sub3A_105 = arith.constant 1 : i32
    %sub3A_106 = arith.subi %div3A_85, %sub3A_105 : i32
    %select_n3A_107 = arith.select %and3A_104, %sub3A_106, %div3A_85 : i32
    %rem3A_108 = arith.constant 128 : i32
    %rem3A_109 = arith.remsi %add3A_83, %rem3A_108 : i32
    %dma_wait3A_110 = arith.constant 2 : i32
    %dma_wait3A_111 = arith.constant 2048 : i32
    %dma_wait3A_112 = tpu.memref_slice %arg8[%dma_wait3A_111] : memref<8192xf32, #tpu.memory_space<vmem>> -> memref<1024xf32, #tpu.memory_space<vmem>>
    %dma_wait3A_113 = arith.constant 0 : i32
    %dma_wait3A_114 = tpu.memref_slice %arg4[%select_n3A_107, %dma_wait3A_110, %rem3A_109, %dma_wait3A_113] : memref<50x8x128x1024xf32, #tpu.memory_space<hbm>> -> memref<1x1x1x1024xf32, #tpu.memory_space<hbm>>
    %dma_wait3A_115 = tpu.memref_squeeze %dma_wait3A_114 : memref<1x1x1x1024xf32, #tpu.memory_space<hbm>> -> memref<1024xf32, #tpu.memory_space<hbm>>
    %dma_wait3A_116 = arith.constant 0 : i32
    %dma_wait3A_117 = tpu.memref_slice %arg4[%select_n3A_107, %dma_wait3A_110, %rem3A_109, %dma_wait3A_116] : memref<50x8x128x1024xf32, #tpu.memory_space<hbm>> -> memref<1x1x1x1024xf32, #tpu.memory_space<hbm>>
    %dma_wait3A_118 = tpu.memref_squeeze %dma_wait3A_117 : memref<1x1x1x1024xf32, #tpu.memory_space<hbm>> -> memref<1024xf32, #tpu.memory_space<hbm>>
    %dma_wait3A_119 = arith.constant 2048 : i32
    %dma_wait3A_120 = tpu.memref_slice %arg8[%dma_wait3A_119] : memref<8192xf32, #tpu.memory_space<vmem>> -> memref<1024xf32, #tpu.memory_space<vmem>>
    tpu.wait_dma2 semaphore(%arg11 : memref<!tpu.dma_semaphore, #tpu.memory_space<semaphore_mem>>) src(%dma_wait3A_120 : memref<1024xf32, #tpu.memory_space<vmem>>) dst(%dma_wait3A_118 : memref<1024xf32, #tpu.memory_space<hbm>>)
    %add3A_121 = arith.constant 198 : i32
    %add3A_122 = arith.addi %mul3A_2, %add3A_121 : i32
    %jit3A_123 = arith.constant 128 : i32
    %div3A_124 = arith.divsi %add3A_122, %jit3A_123 : i32
    %sign3A_125 = arith.constant 0 : i32
    %sign3A_126 = arith.cmpi sgt, %add3A_122, %sign3A_125 : i32
    %sign3A_127 = arith.extui %sign3A_126 : i1 to i32
    %sign3A_128 = arith.constant 0 : i32
    %sign3A_129 = arith.cmpi slt, %add3A_122, %sign3A_128 : i32
    %sign3A_130 = arith.extui %sign3A_129 : i1 to i32
    %sign3A_131 = arith.subi %sign3A_127, %sign3A_130 : i32
    %sign3A_132 = arith.constant 0 : i32
    %sign3A_133 = arith.cmpi sgt, %jit3A_123, %sign3A_132 : i32
    %sign3A_134 = arith.extui %sign3A_133 : i1 to i32
    %sign3A_135 = arith.constant 0 : i32
    %sign3A_136 = arith.cmpi slt, %jit3A_123, %sign3A_135 : i32
    %sign3A_137 = arith.extui %sign3A_136 : i1 to i32
    %sign3A_138 = arith.subi %sign3A_134, %sign3A_137 : i32
    %ne3A_139 = arith.cmpi ne, %sign3A_131, %sign3A_138 : i32
    %rem3A_140 = arith.remsi %add3A_122, %jit3A_123 : i32
    %ne3A_141 = arith.constant 0 : i32
    %ne3A_142 = arith.cmpi ne, %rem3A_140, %ne3A_141 : i32
    %and3A_143 = arith.andi %ne3A_139, %ne3A_142 : i1
    %sub3A_144 = arith.constant 1 : i32
    %sub3A_145 = arith.subi %div3A_124, %sub3A_144 : i32
    %select_n3A_146 = arith.select %and3A_143, %sub3A_145, %div3A_124 : i32
    %rem3A_147 = arith.constant 128 : i32
    %rem3A_148 = arith.remsi %add3A_122, %rem3A_147 : i32
    %dma_wait3A_149 = arith.constant 3 : i32
    %dma_wait3A_150 = arith.constant 3072 : i32
    %dma_wait3A_151 = tpu.memref_slice %arg8[%dma_wait3A_150] : memref<8192xf32, #tpu.memory_space<vmem>> -> memref<1024xf32, #tpu.memory_space<vmem>>
    %dma_wait3A_152 = arith.constant 0 : i32
    %dma_wait3A_153 = tpu.memref_slice %arg4[%select_n3A_146, %dma_wait3A_149, %rem3A_148, %dma_wait3A_152] : memref<50x8x128x1024xf32, #tpu.memory_space<hbm>> -> memref<1x1x1x1024xf32, #tpu.memory_space<hbm>>
    %dma_wait3A_154 = tpu.memref_squeeze %dma_wait3A_153 : memref<1x1x1x1024xf32, #tpu.memory_space<hbm>> -> memref<1024xf32, #tpu.memory_space<hbm>>
    %dma_wait3A_155 = arith.constant 0 : i32
    %dma_wait3A_156 = tpu.memref_slice %arg4[%select_n3A_146, %dma_wait3A_149, %rem3A_148, %dma_wait3A_155] : memref<50x8x128x1024xf32, #tpu.memory_space<hbm>> -> memref<1x1x1x1024xf32, #tpu.memory_space<hbm>>
    %dma_wait3A_157 = tpu.memref_squeeze %dma_wait3A_156 : memref<1x1x1x1024xf32, #tpu.memory_space<hbm>> -> memref<1024xf32, #tpu.memory_space<hbm>>
    %dma_wait3A_158 = arith.constant 3072 : i32
    %dma_wait3A_159 = tpu.memref_slice %arg8[%dma_wait3A_158] : memref<8192xf32, #tpu.memory_space<vmem>> -> memref<1024xf32, #tpu.memory_space<vmem>>
    tpu.wait_dma2 semaphore(%arg11 : memref<!tpu.dma_semaphore, #tpu.memory_space<semaphore_mem>>) src(%dma_wait3A_159 : memref<1024xf32, #tpu.memory_space<vmem>>) dst(%dma_wait3A_157 : memref<1024xf32, #tpu.memory_space<hbm>>)
    %add3A_160 = arith.constant 198 : i32
    %add3A_161 = arith.addi %mul3A_2, %add3A_160 : i32
    %jit3A_162 = arith.constant 128 : i32
    %div3A_163 = arith.divsi %add3A_161, %jit3A_162 : i32
    %sign3A_164 = arith.constant 0 : i32
    %sign3A_165 = arith.cmpi sgt, %add3A_161, %sign3A_164 : i32
    %sign3A_166 = arith.extui %sign3A_165 : i1 to i32
    %sign3A_167 = arith.constant 0 : i32
    %sign3A_168 = arith.cmpi slt, %add3A_161, %sign3A_167 : i32
    %sign3A_169 = arith.extui %sign3A_168 : i1 to i32
    %sign3A_170 = arith.subi %sign3A_166, %sign3A_169 : i32
    %sign3A_171 = arith.constant 0 : i32
    %sign3A_172 = arith.cmpi sgt, %jit3A_162, %sign3A_171 : i32
    %sign3A_173 = arith.extui %sign3A_172 : i1 to i32
    %sign3A_174 = arith.constant 0 : i32
    %sign3A_175 = arith.cmpi slt, %jit3A_162, %sign3A_174 : i32
    %sign3A_176 = arith.extui %sign3A_175 : i1 to i32
    %sign3A_177 = arith.subi %sign3A_173, %sign3A_176 : i32
    %ne3A_178 = arith.cmpi ne, %sign3A_170, %sign3A_177 : i32
    %rem3A_179 = arith.remsi %add3A_161, %jit3A_162 : i32
    %ne3A_180 = arith.constant 0 : i32
    %ne3A_181 = arith.cmpi ne, %rem3A_179, %ne3A_180 : i32
    %and3A_182 = arith.andi %ne3A_178, %ne3A_181 : i1
    %sub3A_183 = arith.constant 1 : i32
    %sub3A_184 = arith.subi %div3A_163, %sub3A_183 : i32
    %select_n3A_185 = arith.select %and3A_182, %sub3A_184, %div3A_163 : i32
    %rem3A_186 = arith.constant 128 : i32
    %rem3A_187 = arith.remsi %add3A_161, %rem3A_186 : i32
    %dma_wait3A_188 = arith.constant 4 : i32
    %dma_wait3A_189 = arith.constant 4096 : i32
    %dma_wait3A_190 = tpu.memref_slice %arg8[%dma_wait3A_189] : memref<8192xf32, #tpu.memory_space<vmem>> -> memref<1024xf32, #tpu.memory_space<vmem>>
    %dma_wait3A_191 = arith.constant 0 : i32
    %dma_wait3A_192 = tpu.memref_slice %arg4[%select_n3A_185, %dma_wait3A_188, %rem3A_187, %dma_wait3A_191] : memref<50x8x128x1024xf32, #tpu.memory_space<hbm>> -> memref<1x1x1x1024xf32, #tpu.memory_space<hbm>>
    %dma_wait3A_193 = tpu.memref_squeeze %dma_wait3A_192 : memref<1x1x1x1024xf32, #tpu.memory_space<hbm>> -> memref<1024xf32, #tpu.memory_space<hbm>>
    %dma_wait3A_194 = arith.constant 0 : i32
    %dma_wait3A_195 = tpu.memref_slice %arg4[%select_n3A_185, %dma_wait3A_188, %rem3A_187, %dma_wait3A_194] : memref<50x8x128x1024xf32, #tpu.memory_space<hbm>> -> memref<1x1x1x1024xf32, #tpu.memory_space<hbm>>
    %dma_wait3A_196 = tpu.memref_squeeze %dma_wait3A_195 : memref<1x1x1x1024xf32, #tpu.memory_space<hbm>> -> memref<1024xf32, #tpu.memory_space<hbm>>
    %dma_wait3A_197 = arith.constant 4096 : i32
    %dma_wait3A_198 = tpu.memref_slice %arg8[%dma_wait3A_197] : memref<8192xf32, #tpu.memory_space<vmem>> -> memref<1024xf32, #tpu.memory_space<vmem>>
    tpu.wait_dma2 semaphore(%arg11 : memref<!tpu.dma_semaphore, #tpu.memory_space<semaphore_mem>>) src(%dma_wait3A_198 : memref<1024xf32, #tpu.memory_space<vmem>>) dst(%dma_wait3A_196 : memref<1024xf32, #tpu.memory_space<hbm>>)
    %add3A_199 = arith.constant 198 : i32
    %add3A_200 = arith.addi %mul3A_2, %add3A_199 : i32
    %jit3A_201 = arith.constant 128 : i32
    %div3A_202 = arith.divsi %add3A_200, %jit3A_201 : i32
    %sign3A_203 = arith.constant 0 : i32
    %sign3A_204 = arith.cmpi sgt, %add3A_200, %sign3A_203 : i32
    %sign3A_205 = arith.extui %sign3A_204 : i1 to i32
    %sign3A_206 = arith.constant 0 : i32
    %sign3A_207 = arith.cmpi slt, %add3A_200, %sign3A_206 : i32
    %sign3A_208 = arith.extui %sign3A_207 : i1 to i32
    %sign3A_209 = arith.subi %sign3A_205, %sign3A_208 : i32
    %sign3A_210 = arith.constant 0 : i32
    %sign3A_211 = arith.cmpi sgt, %jit3A_201, %sign3A_210 : i32
    %sign3A_212 = arith.extui %sign3A_211 : i1 to i32
    %sign3A_213 = arith.constant 0 : i32
    %sign3A_214 = arith.cmpi slt, %jit3A_201, %sign3A_213 : i32
    %sign3A_215 = arith.extui %sign3A_214 : i1 to i32
    %sign3A_216 = arith.subi %sign3A_212, %sign3A_215 : i32
    %ne3A_217 = arith.cmpi ne, %sign3A_209, %sign3A_216 : i32
    %rem3A_218 = arith.remsi %add3A_200, %jit3A_201 : i32
    %ne3A_219 = arith.constant 0 : i32
    %ne3A_220 = arith.cmpi ne, %rem3A_218, %ne3A_219 : i32
    %and3A_221 = arith.andi %ne3A_217, %ne3A_220 : i1
    %sub3A_222 = arith.constant 1 : i32
    %sub3A_223 = arith.subi %div3A_202, %sub3A_222 : i32
    %select_n3A_224 = arith.select %and3A_221, %sub3A_223, %div3A_202 : i32
    %rem3A_225 = arith.constant 128 : i32
    %rem3A_226 = arith.remsi %add3A_200, %rem3A_225 : i32
    %dma_wait3A_227 = arith.constant 5 : i32
    %dma_wait3A_228 = arith.constant 5120 : i32
    %dma_wait3A_229 = tpu.memref_slice %arg8[%dma_wait3A_228] : memref<8192xf32, #tpu.memory_space<vmem>> -> memref<1024xf32, #tpu.memory_space<vmem>>
    %dma_wait3A_230 = arith.constant 0 : i32
    %dma_wait3A_231 = tpu.memref_slice %arg4[%select_n3A_224, %dma_wait3A_227, %rem3A_226, %dma_wait3A_230] : memref<50x8x128x1024xf32, #tpu.memory_space<hbm>> -> memref<1x1x1x1024xf32, #tpu.memory_space<hbm>>
    %dma_wait3A_232 = tpu.memref_squeeze %dma_wait3A_231 : memref<1x1x1x1024xf32, #tpu.memory_space<hbm>> -> memref<1024xf32, #tpu.memory_space<hbm>>
    %dma_wait3A_233 = arith.constant 0 : i32
    %dma_wait3A_234 = tpu.memref_slice %arg4[%select_n3A_224, %dma_wait3A_227, %rem3A_226, %dma_wait3A_233] : memref<50x8x128x1024xf32, #tpu.memory_space<hbm>> -> memref<1x1x1x1024xf32, #tpu.memory_space<hbm>>
    %dma_wait3A_235 = tpu.memref_squeeze %dma_wait3A_234 : memref<1x1x1x1024xf32, #tpu.memory_space<hbm>> -> memref<1024xf32, #tpu.memory_space<hbm>>
    %dma_wait3A_236 = arith.constant 5120 : i32
    %dma_wait3A_237 = tpu.memref_slice %arg8[%dma_wait3A_236] : memref<8192xf32, #tpu.memory_space<vmem>> -> memref<1024xf32, #tpu.memory_space<vmem>>
    tpu.wait_dma2 semaphore(%arg11 : memref<!tpu.dma_semaphore, #tpu.memory_space<semaphore_mem>>) src(%dma_wait3A_237 : memref<1024xf32, #tpu.memory_space<vmem>>) dst(%dma_wait3A_235 : memref<1024xf32, #tpu.memory_space<hbm>>)
    %add3A_238 = arith.constant 198 : i32
    %add3A_239 = arith.addi %mul3A_2, %add3A_238 : i32
    %jit3A_240 = arith.constant 128 : i32
    %div3A_241 = arith.divsi %add3A_239, %jit3A_240 : i32
    %sign3A_242 = arith.constant 0 : i32
    %sign3A_243 = arith.cmpi sgt, %add3A_239, %sign3A_242 : i32
    %sign3A_244 = arith.extui %sign3A_243 : i1 to i32
    %sign3A_245 = arith.constant 0 : i32
    %sign3A_246 = arith.cmpi slt, %add3A_239, %sign3A_245 : i32
    %sign3A_247 = arith.extui %sign3A_246 : i1 to i32
    %sign3A_248 = arith.subi %sign3A_244, %sign3A_247 : i32
    %sign3A_249 = arith.constant 0 : i32
    %sign3A_250 = arith.cmpi sgt, %jit3A_240, %sign3A_249 : i32
    %sign3A_251 = arith.extui %sign3A_250 : i1 to i32
    %sign3A_252 = arith.constant 0 : i32
    %sign3A_253 = arith.cmpi slt, %jit3A_240, %sign3A_252 : i32
    %sign3A_254 = arith.extui %sign3A_253 : i1 to i32
    %sign3A_255 = arith.subi %sign3A_251, %sign3A_254 : i32
    %ne3A_256 = arith.cmpi ne, %sign3A_248, %sign3A_255 : i32
    %rem3A_257 = arith.remsi %add3A_239, %jit3A_240 : i32
    %ne3A_258 = arith.constant 0 : i32
    %ne3A_259 = arith.cmpi ne, %rem3A_257, %ne3A_258 : i32
    %and3A_260 = arith.andi %ne3A_256, %ne3A_259 : i1
    %sub3A_261 = arith.constant 1 : i32
    %sub3A_262 = arith.subi %div3A_241, %sub3A_261 : i32
    %select_n3A_263 = arith.select %and3A_260, %sub3A_262, %div3A_241 : i32
    %rem3A_264 = arith.constant 128 : i32
    %rem3A_265 = arith.remsi %add3A_239, %rem3A_264 : i32
    %dma_wait3A_266 = arith.constant 6 : i32
    %dma_wait3A_267 = arith.constant 6144 : i32
    %dma_wait3A_268 = tpu.memref_slice %arg8[%dma_wait3A_267] : memref<8192xf32, #tpu.memory_space<vmem>> -> memref<1024xf32, #tpu.memory_space<vmem>>
    %dma_wait3A_269 = arith.constant 0 : i32
    %dma_wait3A_270 = tpu.memref_slice %arg4[%select_n3A_263, %dma_wait3A_266, %rem3A_265, %dma_wait3A_269] : memref<50x8x128x1024xf32, #tpu.memory_space<hbm>> -> memref<1x1x1x1024xf32, #tpu.memory_space<hbm>>
    %dma_wait3A_271 = tpu.memref_squeeze %dma_wait3A_270 : memref<1x1x1x1024xf32, #tpu.memory_space<hbm>> -> memref<1024xf32, #tpu.memory_space<hbm>>
    %dma_wait3A_272 = arith.constant 0 : i32
    %dma_wait3A_273 = tpu.memref_slice %arg4[%select_n3A_263, %dma_wait3A_266, %rem3A_265, %dma_wait3A_272] : memref<50x8x128x1024xf32, #tpu.memory_space<hbm>> -> memref<1x1x1x1024xf32, #tpu.memory_space<hbm>>
    %dma_wait3A_274 = tpu.memref_squeeze %dma_wait3A_273 : memref<1x1x1x1024xf32, #tpu.memory_space<hbm>> -> memref<1024xf32, #tpu.memory_space<hbm>>
    %dma_wait3A_275 = arith.constant 6144 : i32
    %dma_wait3A_276 = tpu.memref_slice %arg8[%dma_wait3A_275] : memref<8192xf32, #tpu.memory_space<vmem>> -> memref<1024xf32, #tpu.memory_space<vmem>>
    tpu.wait_dma2 semaphore(%arg11 : memref<!tpu.dma_semaphore, #tpu.memory_space<semaphore_mem>>) src(%dma_wait3A_276 : memref<1024xf32, #tpu.memory_space<vmem>>) dst(%dma_wait3A_274 : memref<1024xf32, #tpu.memory_space<hbm>>)
    %add3A_277 = arith.constant 198 : i32
    %add3A_278 = arith.addi %mul3A_2, %add3A_277 : i32
    %jit3A_279 = arith.constant 128 : i32
    %div3A_280 = arith.divsi %add3A_278, %jit3A_279 : i32
    %sign3A_281 = arith.constant 0 : i32
    %sign3A_282 = arith.cmpi sgt, %add3A_278, %sign3A_281 : i32
    %sign3A_283 = arith.extui %sign3A_282 : i1 to i32
    %sign3A_284 = arith.constant 0 : i32
    %sign3A_285 = arith.cmpi slt, %add3A_278, %sign3A_284 : i32
    %sign3A_286 = arith.extui %sign3A_285 : i1 to i32
    %sign3A_287 = arith.subi %sign3A_283, %sign3A_286 : i32
    %sign3A_288 = arith.constant 0 : i32
    %sign3A_289 = arith.cmpi sgt, %jit3A_279, %sign3A_288 : i32
    %sign3A_290 = arith.extui %sign3A_289 : i1 to i32
    %sign3A_291 = arith.constant 0 : i32
    %sign3A_292 = arith.cmpi slt, %jit3A_279, %sign3A_291 : i32
    %sign3A_293 = arith.extui %sign3A_292 : i1 to i32
    %sign3A_294 = arith.subi %sign3A_290, %sign3A_293 : i32
    %ne3A_295 = arith.cmpi ne, %sign3A_287, %sign3A_294 : i32
    %rem3A_296 = arith.remsi %add3A_278, %jit3A_279 : i32
    %ne3A_297 = arith.constant 0 : i32
    %ne3A_298 = arith.cmpi ne, %rem3A_296, %ne3A_297 : i32
    %and3A_299 = arith.andi %ne3A_295, %ne3A_298 : i1
    %sub3A_300 = arith.constant 1 : i32
    %sub3A_301 = arith.subi %div3A_280, %sub3A_300 : i32
    %select_n3A_302 = arith.select %and3A_299, %sub3A_301, %div3A_280 : i32
    %rem3A_303 = arith.constant 128 : i32
    %rem3A_304 = arith.remsi %add3A_278, %rem3A_303 : i32
    %dma_wait3A_305 = arith.constant 7 : i32
    %dma_wait3A_306 = arith.constant 7168 : i32
    %dma_wait3A_307 = tpu.memref_slice %arg8[%dma_wait3A_306] : memref<8192xf32, #tpu.memory_space<vmem>> -> memref<1024xf32, #tpu.memory_space<vmem>>
    %dma_wait3A_308 = arith.constant 0 : i32
    %dma_wait3A_309 = tpu.memref_slice %arg4[%select_n3A_302, %dma_wait3A_305, %rem3A_304, %dma_wait3A_308] : memref<50x8x128x1024xf32, #tpu.memory_space<hbm>> -> memref<1x1x1x1024xf32, #tpu.memory_space<hbm>>
    %dma_wait3A_310 = tpu.memref_squeeze %dma_wait3A_309 : memref<1x1x1x1024xf32, #tpu.memory_space<hbm>> -> memref<1024xf32, #tpu.memory_space<hbm>>
    %dma_wait3A_311 = arith.constant 0 : i32
    %dma_wait3A_312 = tpu.memref_slice %arg4[%select_n3A_302, %dma_wait3A_305, %rem3A_304, %dma_wait3A_311] : memref<50x8x128x1024xf32, #tpu.memory_space<hbm>> -> memref<1x1x1x1024xf32, #tpu.memory_space<hbm>>
    %dma_wait3A_313 = tpu.memref_squeeze %dma_wait3A_312 : memref<1x1x1x1024xf32, #tpu.memory_space<hbm>> -> memref<1024xf32, #tpu.memory_space<hbm>>
    %dma_wait3A_314 = arith.constant 7168 : i32
    %dma_wait3A_315 = tpu.memref_slice %arg8[%dma_wait3A_314] : memref<8192xf32, #tpu.memory_space<vmem>> -> memref<1024xf32, #tpu.memory_space<vmem>>
    tpu.wait_dma2 semaphore(%arg11 : memref<!tpu.dma_semaphore, #tpu.memory_space<semaphore_mem>>) src(%dma_wait3A_315 : memref<1024xf32, #tpu.memory_space<vmem>>) dst(%dma_wait3A_313 : memref<1024xf32, #tpu.memory_space<hbm>>)
    %add3A_316 = arith.constant 199 : i32
    %add3A_317 = arith.addi %mul3A_2, %add3A_316 : i32
    %jit3A_318 = arith.constant 128 : i32
    %div3A_319 = arith.divsi %add3A_317, %jit3A_318 : i32
    %sign3A_320 = arith.constant 0 : i32
    %sign3A_321 = arith.cmpi sgt, %add3A_317, %sign3A_320 : i32
    %sign3A_322 = arith.extui %sign3A_321 : i1 to i32
    %sign3A_323 = arith.constant 0 : i32
    %sign3A_324 = arith.cmpi slt, %add3A_317, %sign3A_323 : i32
    %sign3A_325 = arith.extui %sign3A_324 : i1 to i32
    %sign3A_326 = arith.subi %sign3A_322, %sign3A_325 : i32
    %sign3A_327 = arith.constant 0 : i32
    %sign3A_328 = arith.cmpi sgt, %jit3A_318, %sign3A_327 : i32
    %sign3A_329 = arith.extui %sign3A_328 : i1 to i32
    %sign3A_330 = arith.constant 0 : i32
    %sign3A_331 = arith.cmpi slt, %jit3A_318, %sign3A_330 : i32
    %sign3A_332 = arith.extui %sign3A_331 : i1 to i32
    %sign3A_333 = arith.subi %sign3A_329, %sign3A_332 : i32
    %ne3A_334 = arith.cmpi ne, %sign3A_326, %sign3A_333 : i32
    %rem3A_335 = arith.remsi %add3A_317, %jit3A_318 : i32
    %ne3A_336 = arith.constant 0 : i32
    %ne3A_337 = arith.cmpi ne, %rem3A_335, %ne3A_336 : i32
    %and3A_338 = arith.andi %ne3A_334, %ne3A_337 : i1
    %sub3A_339 = arith.constant 1 : i32
    %sub3A_340 = arith.subi %div3A_319, %sub3A_339 : i32
    %select_n3A_341 = arith.select %and3A_338, %sub3A_340, %div3A_319 : i32
    %rem3A_342 = arith.constant 128 : i32
    %rem3A_343 = arith.remsi %add3A_317, %rem3A_342 : i32
    %dma_wait3A_344 = arith.constant 0 : i32
    %dma_wait3A_345 = arith.constant 0 : i32
    %dma_wait3A_346 = tpu.memref_slice %arg9[%dma_wait3A_345] : memref<8192xf32, #tpu.memory_space<vmem>> -> memref<1024xf32, #tpu.memory_space<vmem>>
    %dma_wait3A_347 = arith.constant 0 : i32
    %dma_wait3A_348 = tpu.memref_slice %arg4[%select_n3A_341, %dma_wait3A_344, %rem3A_343, %dma_wait3A_347] : memref<50x8x128x1024xf32, #tpu.memory_space<hbm>> -> memref<1x1x1x1024xf32, #tpu.memory_space<hbm>>
    %dma_wait3A_349 = tpu.memref_squeeze %dma_wait3A_348 : memref<1x1x1x1024xf32, #tpu.memory_space<hbm>> -> memref<1024xf32, #tpu.memory_space<hbm>>
    %dma_wait3A_350 = arith.constant 0 : i32
    %dma_wait3A_351 = tpu.memref_slice %arg4[%select_n3A_341, %dma_wait3A_344, %rem3A_343, %dma_wait3A_350] : memref<50x8x128x1024xf32, #tpu.memory_space<hbm>> -> memref<1x1x1x1024xf32, #tpu.memory_space<hbm>>
    %dma_wait3A_352 = tpu.memref_squeeze %dma_wait3A_351 : memref<1x1x1x1024xf32, #tpu.memory_space<hbm>> -> memref<1024xf32, #tpu.memory_space<hbm>>
    %dma_wait3A_353 = arith.constant 0 : i32
    %dma_wait3A_354 = tpu.memref_slice %arg9[%dma_wait3A_353] : memref<8192xf32, #tpu.memory_space<vmem>> -> memref<1024xf32, #tpu.memory_space<vmem>>
    tpu.wait_dma2 semaphore(%arg11 : memref<!tpu.dma_semaphore, #tpu.memory_space<semaphore_mem>>) src(%dma_wait3A_354 : memref<1024xf32, #tpu.memory_space<vmem>>) dst(%dma_wait3A_352 : memref<1024xf32, #tpu.memory_space<hbm>>)
    %add3A_355 = arith.constant 199 : i32
    %add3A_356 = arith.addi %mul3A_2, %add3A_355 : i32
    %jit3A_357 = arith.constant 128 : i32
    %div3A_358 = arith.divsi %add3A_356, %jit3A_357 : i32
    %sign3A_359 = arith.constant 0 : i32
    %sign3A_360 = arith.cmpi sgt, %add3A_356, %sign3A_359 : i32
    %sign3A_361 = arith.extui %sign3A_360 : i1 to i32
    %sign3A_362 = arith.constant 0 : i32
    %sign3A_363 = arith.cmpi slt, %add3A_356, %sign3A_362 : i32
    %sign3A_364 = arith.extui %sign3A_363 : i1 to i32
    %sign3A_365 = arith.subi %sign3A_361, %sign3A_364 : i32
    %sign3A_366 = arith.constant 0 : i32
    %sign3A_367 = arith.cmpi sgt, %jit3A_357, %sign3A_366 : i32
    %sign3A_368 = arith.extui %sign3A_367 : i1 to i32
    %sign3A_369 = arith.constant 0 : i32
    %sign3A_370 = arith.cmpi slt, %jit3A_357, %sign3A_369 : i32
    %sign3A_371 = arith.extui %sign3A_370 : i1 to i32
    %sign3A_372 = arith.subi %sign3A_368, %sign3A_371 : i32
    %ne3A_373 = arith.cmpi ne, %sign3A_365, %sign3A_372 : i32
    %rem3A_374 = arith.remsi %add3A_356, %jit3A_357 : i32
    %ne3A_375 = arith.constant 0 : i32
    %ne3A_376 = arith.cmpi ne, %rem3A_374, %ne3A_375 : i32
    %and3A_377 = arith.andi %ne3A_373, %ne3A_376 : i1
    %sub3A_378 = arith.constant 1 : i32
    %sub3A_379 = arith.subi %div3A_358, %sub3A_378 : i32
    %select_n3A_380 = arith.select %and3A_377, %sub3A_379, %div3A_358 : i32
    %rem3A_381 = arith.constant 128 : i32
    %rem3A_382 = arith.remsi %add3A_356, %rem3A_381 : i32
    %dma_wait3A_383 = arith.constant 1 : i32
    %dma_wait3A_384 = arith.constant 1024 : i32
    %dma_wait3A_385 = tpu.memref_slice %arg9[%dma_wait3A_384] : memref<8192xf32, #tpu.memory_space<vmem>> -> memref<1024xf32, #tpu.memory_space<vmem>>
    %dma_wait3A_386 = arith.constant 0 : i32
    %dma_wait3A_387 = tpu.memref_slice %arg4[%select_n3A_380, %dma_wait3A_383, %rem3A_382, %dma_wait3A_386] : memref<50x8x128x1024xf32, #tpu.memory_space<hbm>> -> memref<1x1x1x1024xf32, #tpu.memory_space<hbm>>
    %dma_wait3A_388 = tpu.memref_squeeze %dma_wait3A_387 : memref<1x1x1x1024xf32, #tpu.memory_space<hbm>> -> memref<1024xf32, #tpu.memory_space<hbm>>
    %dma_wait3A_389 = arith.constant 0 : i32
    %dma_wait3A_390 = tpu.memref_slice %arg4[%select_n3A_380, %dma_wait3A_383, %rem3A_382, %dma_wait3A_389] : memref<50x8x128x1024xf32, #tpu.memory_space<hbm>> -> memref<1x1x1x1024xf32, #tpu.memory_space<hbm>>
    %dma_wait3A_391 = tpu.memref_squeeze %dma_wait3A_390 : memref<1x1x1x1024xf32, #tpu.memory_space<hbm>> -> memref<1024xf32, #tpu.memory_space<hbm>>
    %dma_wait3A_392 = arith.constant 1024 : i32
    %dma_wait3A_393 = tpu.memref_slice %arg9[%dma_wait3A_392] : memref<8192xf32, #tpu.memory_space<vmem>> -> memref<1024xf32, #tpu.memory_space<vmem>>
    tpu.wait_dma2 semaphore(%arg11 : memref<!tpu.dma_semaphore, #tpu.memory_space<semaphore_mem>>) src(%dma_wait3A_393 : memref<1024xf32, #tpu.memory_space<vmem>>) dst(%dma_wait3A_391 : memref<1024xf32, #tpu.memory_space<hbm>>)
    %add3A_394 = arith.constant 199 : i32
    %add3A_395 = arith.addi %mul3A_2, %add3A_394 : i32
    %jit3A_396 = arith.constant 128 : i32
    %div3A_397 = arith.divsi %add3A_395, %jit3A_396 : i32
    %sign3A_398 = arith.constant 0 : i32
    %sign3A_399 = arith.cmpi sgt, %add3A_395, %sign3A_398 : i32
    %sign3A_400 = arith.extui %sign3A_399 : i1 to i32
    %sign3A_401 = arith.constant 0 : i32
    %sign3A_402 = arith.cmpi slt, %add3A_395, %sign3A_401 : i32
    %sign3A_403 = arith.extui %sign3A_402 : i1 to i32
    %sign3A_404 = arith.subi %sign3A_400, %sign3A_403 : i32
    %sign3A_405 = arith.constant 0 : i32
    %sign3A_406 = arith.cmpi sgt, %jit3A_396, %sign3A_405 : i32
    %sign3A_407 = arith.extui %sign3A_406 : i1 to i32
    %sign3A_408 = arith.constant 0 : i32
    %sign3A_409 = arith.cmpi slt, %jit3A_396, %sign3A_408 : i32
    %sign3A_410 = arith.extui %sign3A_409 : i1 to i32
    %sign3A_411 = arith.subi %sign3A_407, %sign3A_410 : i32
    %ne3A_412 = arith.cmpi ne, %sign3A_404, %sign3A_411 : i32
    %rem3A_413 = arith.remsi %add3A_395, %jit3A_396 : i32
    %ne3A_414 = arith.constant 0 : i32
    %ne3A_415 = arith.cmpi ne, %rem3A_413, %ne3A_414 : i32
    %and3A_416 = arith.andi %ne3A_412, %ne3A_415 : i1
    %sub3A_417 = arith.constant 1 : i32
    %sub3A_418 = arith.subi %div3A_397, %sub3A_417 : i32
    %select_n3A_419 = arith.select %and3A_416, %sub3A_418, %div3A_397 : i32
    %rem3A_420 = arith.constant 128 : i32
    %rem3A_421 = arith.remsi %add3A_395, %rem3A_420 : i32
    %dma_wait3A_422 = arith.constant 2 : i32
    %dma_wait3A_423 = arith.constant 2048 : i32
    %dma_wait3A_424 = tpu.memref_slice %arg9[%dma_wait3A_423] : memref<8192xf32, #tpu.memory_space<vmem>> -> memref<1024xf32, #tpu.memory_space<vmem>>
    %dma_wait3A_425 = arith.constant 0 : i32
    %dma_wait3A_426 = tpu.memref_slice %arg4[%select_n3A_419, %dma_wait3A_422, %rem3A_421, %dma_wait3A_425] : memref<50x8x128x1024xf32, #tpu.memory_space<hbm>> -> memref<1x1x1x1024xf32, #tpu.memory_space<hbm>>
    %dma_wait3A_427 = tpu.memref_squeeze %dma_wait3A_426 : memref<1x1x1x1024xf32, #tpu.memory_space<hbm>> -> memref<1024xf32, #tpu.memory_space<hbm>>
    %dma_wait3A_428 = arith.constant 0 : i32
    %dma_wait3A_429 = tpu.memref_slice %arg4[%select_n3A_419, %dma_wait3A_422, %rem3A_421, %dma_wait3A_428] : memref<50x8x128x1024xf32, #tpu.memory_space<hbm>> -> memref<1x1x1x1024xf32, #tpu.memory_space<hbm>>
    %dma_wait3A_430 = tpu.memref_squeeze %dma_wait3A_429 : memref<1x1x1x1024xf32, #tpu.memory_space<hbm>> -> memref<1024xf32, #tpu.memory_space<hbm>>
    %dma_wait3A_431 = arith.constant 2048 : i32
    %dma_wait3A_432 = tpu.memref_slice %arg9[%dma_wait3A_431] : memref<8192xf32, #tpu.memory_space<vmem>> -> memref<1024xf32, #tpu.memory_space<vmem>>
    tpu.wait_dma2 semaphore(%arg11 : memref<!tpu.dma_semaphore, #tpu.memory_space<semaphore_mem>>) src(%dma_wait3A_432 : memref<1024xf32, #tpu.memory_space<vmem>>) dst(%dma_wait3A_430 : memref<1024xf32, #tpu.memory_space<hbm>>)
    %add3A_433 = arith.constant 199 : i32
    %add3A_434 = arith.addi %mul3A_2, %add3A_433 : i32
    %jit3A_435 = arith.constant 128 : i32
    %div3A_436 = arith.divsi %add3A_434, %jit3A_435 : i32
    %sign3A_437 = arith.constant 0 : i32
    %sign3A_438 = arith.cmpi sgt, %add3A_434, %sign3A_437 : i32
    %sign3A_439 = arith.extui %sign3A_438 : i1 to i32
    %sign3A_440 = arith.constant 0 : i32
    %sign3A_441 = arith.cmpi slt, %add3A_434, %sign3A_440 : i32
    %sign3A_442 = arith.extui %sign3A_441 : i1 to i32
    %sign3A_443 = arith.subi %sign3A_439, %sign3A_442 : i32
    %sign3A_444 = arith.constant 0 : i32
    %sign3A_445 = arith.cmpi sgt, %jit3A_435, %sign3A_444 : i32
    %sign3A_446 = arith.extui %sign3A_445 : i1 to i32
    %sign3A_447 = arith.constant 0 : i32
    %sign3A_448 = arith.cmpi slt, %jit3A_435, %sign3A_447 : i32
    %sign3A_449 = arith.extui %sign3A_448 : i1 to i32
    %sign3A_450 = arith.subi %sign3A_446, %sign3A_449 : i32
    %ne3A_451 = arith.cmpi ne, %sign3A_443, %sign3A_450 : i32
    %rem3A_452 = arith.remsi %add3A_434, %jit3A_435 : i32
    %ne3A_453 = arith.constant 0 : i32
    %ne3A_454 = arith.cmpi ne, %rem3A_452, %ne3A_453 : i32
    %and3A_455 = arith.andi %ne3A_451, %ne3A_454 : i1
    %sub3A_456 = arith.constant 1 : i32
    %sub3A_457 = arith.subi %div3A_436, %sub3A_456 : i32
    %select_n3A_458 = arith.select %and3A_455, %sub3A_457, %div3A_436 : i32
    %rem3A_459 = arith.constant 128 : i32
    %rem3A_460 = arith.remsi %add3A_434, %rem3A_459 : i32
    %dma_wait3A_461 = arith.constant 3 : i32
    %dma_wait3A_462 = arith.constant 3072 : i32
    %dma_wait3A_463 = tpu.memref_slice %arg9[%dma_wait3A_462] : memref<8192xf32, #tpu.memory_space<vmem>> -> memref<1024xf32, #tpu.memory_space<vmem>>
    %dma_wait3A_464 = arith.constant 0 : i32
    %dma_wait3A_465 = tpu.memref_slice %arg4[%select_n3A_458, %dma_wait3A_461, %rem3A_460, %dma_wait3A_464] : memref<50x8x128x1024xf32, #tpu.memory_space<hbm>> -> memref<1x1x1x1024xf32, #tpu.memory_space<hbm>>
    %dma_wait3A_466 = tpu.memref_squeeze %dma_wait3A_465 : memref<1x1x1x1024xf32, #tpu.memory_space<hbm>> -> memref<1024xf32, #tpu.memory_space<hbm>>
    %dma_wait3A_467 = arith.constant 0 : i32
    %dma_wait3A_468 = tpu.memref_slice %arg4[%select_n3A_458, %dma_wait3A_461, %rem3A_460, %dma_wait3A_467] : memref<50x8x128x1024xf32, #tpu.memory_space<hbm>> -> memref<1x1x1x1024xf32, #tpu.memory_space<hbm>>
    %dma_wait3A_469 = tpu.memref_squeeze %dma_wait3A_468 : memref<1x1x1x1024xf32, #tpu.memory_space<hbm>> -> memref<1024xf32, #tpu.memory_space<hbm>>
    %dma_wait3A_470 = arith.constant 3072 : i32
    %dma_wait3A_471 = tpu.memref_slice %arg9[%dma_wait3A_470] : memref<8192xf32, #tpu.memory_space<vmem>> -> memref<1024xf32, #tpu.memory_space<vmem>>
    tpu.wait_dma2 semaphore(%arg11 : memref<!tpu.dma_semaphore, #tpu.memory_space<semaphore_mem>>) src(%dma_wait3A_471 : memref<1024xf32, #tpu.memory_space<vmem>>) dst(%dma_wait3A_469 : memref<1024xf32, #tpu.memory_space<hbm>>)
    %add3A_472 = arith.constant 199 : i32
    %add3A_473 = arith.addi %mul3A_2, %add3A_472 : i32
    %jit3A_474 = arith.constant 128 : i32
    %div3A_475 = arith.divsi %add3A_473, %jit3A_474 : i32
    %sign3A_476 = arith.constant 0 : i32
    %sign3A_477 = arith.cmpi sgt, %add3A_473, %sign3A_476 : i32
    %sign3A_478 = arith.extui %sign3A_477 : i1 to i32
    %sign3A_479 = arith.constant 0 : i32
    %sign3A_480 = arith.cmpi slt, %add3A_473, %sign3A_479 : i32
    %sign3A_481 = arith.extui %sign3A_480 : i1 to i32
    %sign3A_482 = arith.subi %sign3A_478, %sign3A_481 : i32
    %sign3A_483 = arith.constant 0 : i32
    %sign3A_484 = arith.cmpi sgt, %jit3A_474, %sign3A_483 : i32
    %sign3A_485 = arith.extui %sign3A_484 : i1 to i32
    %sign3A_486 = arith.constant 0 : i32
    %sign3A_487 = arith.cmpi slt, %jit3A_474, %sign3A_486 : i32
    %sign3A_488 = arith.extui %sign3A_487 : i1 to i32
    %sign3A_489 = arith.subi %sign3A_485, %sign3A_488 : i32
    %ne3A_490 = arith.cmpi ne, %sign3A_482, %sign3A_489 : i32
    %rem3A_491 = arith.remsi %add3A_473, %jit3A_474 : i32
    %ne3A_492 = arith.constant 0 : i32
    %ne3A_493 = arith.cmpi ne, %rem3A_491, %ne3A_492 : i32
    %and3A_494 = arith.andi %ne3A_490, %ne3A_493 : i1
    %sub3A_495 = arith.constant 1 : i32
    %sub3A_496 = arith.subi %div3A_475, %sub3A_495 : i32
    %select_n3A_497 = arith.select %and3A_494, %sub3A_496, %div3A_475 : i32
    %rem3A_498 = arith.constant 128 : i32
    %rem3A_499 = arith.remsi %add3A_473, %rem3A_498 : i32
    %dma_wait3A_500 = arith.constant 4 : i32
    %dma_wait3A_501 = arith.constant 4096 : i32
    %dma_wait3A_502 = tpu.memref_slice %arg9[%dma_wait3A_501] : memref<8192xf32, #tpu.memory_space<vmem>> -> memref<1024xf32, #tpu.memory_space<vmem>>
    %dma_wait3A_503 = arith.constant 0 : i32
    %dma_wait3A_504 = tpu.memref_slice %arg4[%select_n3A_497, %dma_wait3A_500, %rem3A_499, %dma_wait3A_503] : memref<50x8x128x1024xf32, #tpu.memory_space<hbm>> -> memref<1x1x1x1024xf32, #tpu.memory_space<hbm>>
    %dma_wait3A_505 = tpu.memref_squeeze %dma_wait3A_504 : memref<1x1x1x1024xf32, #tpu.memory_space<hbm>> -> memref<1024xf32, #tpu.memory_space<hbm>>
    %dma_wait3A_506 = arith.constant 0 : i32
    %dma_wait3A_507 = tpu.memref_slice %arg4[%select_n3A_497, %dma_wait3A_500, %rem3A_499, %dma_wait3A_506] : memref<50x8x128x1024xf32, #tpu.memory_space<hbm>> -> memref<1x1x1x1024xf32, #tpu.memory_space<hbm>>
    %dma_wait3A_508 = tpu.memref_squeeze %dma_wait3A_507 : memref<1x1x1x1024xf32, #tpu.memory_space<hbm>> -> memref<1024xf32, #tpu.memory_space<hbm>>
    %dma_wait3A_509 = arith.constant 4096 : i32
    %dma_wait3A_510 = tpu.memref_slice %arg9[%dma_wait3A_509] : memref<8192xf32, #tpu.memory_space<vmem>> -> memref<1024xf32, #tpu.memory_space<vmem>>
    tpu.wait_dma2 semaphore(%arg11 : memref<!tpu.dma_semaphore, #tpu.memory_space<semaphore_mem>>) src(%dma_wait3A_510 : memref<1024xf32, #tpu.memory_space<vmem>>) dst(%dma_wait3A_508 : memref<1024xf32, #tpu.memory_space<hbm>>)
    %add3A_511 = arith.constant 199 : i32
    %add3A_512 = arith.addi %mul3A_2, %add3A_511 : i32
    %jit3A_513 = arith.constant 128 : i32
    %div3A_514 = arith.divsi %add3A_512, %jit3A_513 : i32
    %sign3A_515 = arith.constant 0 : i32
    %sign3A_516 = arith.cmpi sgt, %add3A_512, %sign3A_515 : i32
    %sign3A_517 = arith.extui %sign3A_516 : i1 to i32
    %sign3A_518 = arith.constant 0 : i32
    %sign3A_519 = arith.cmpi slt, %add3A_512, %sign3A_518 : i32
    %sign3A_520 = arith.extui %sign3A_519 : i1 to i32
    %sign3A_521 = arith.subi %sign3A_517, %sign3A_520 : i32
    %sign3A_522 = arith.constant 0 : i32
    %sign3A_523 = arith.cmpi sgt, %jit3A_513, %sign3A_522 : i32
    %sign3A_524 = arith.extui %sign3A_523 : i1 to i32
    %sign3A_525 = arith.constant 0 : i32
    %sign3A_526 = arith.cmpi slt, %jit3A_513, %sign3A_525 : i32
    %sign3A_527 = arith.extui %sign3A_526 : i1 to i32
    %sign3A_528 = arith.subi %sign3A_524, %sign3A_527 : i32
    %ne3A_529 = arith.cmpi ne, %sign3A_521, %sign3A_528 : i32
    %rem3A_530 = arith.remsi %add3A_512, %jit3A_513 : i32
    %ne3A_531 = arith.constant 0 : i32
    %ne3A_532 = arith.cmpi ne, %rem3A_530, %ne3A_531 : i32
    %and3A_533 = arith.andi %ne3A_529, %ne3A_532 : i1
    %sub3A_534 = arith.constant 1 : i32
    %sub3A_535 = arith.subi %div3A_514, %sub3A_534 : i32
    %select_n3A_536 = arith.select %and3A_533, %sub3A_535, %div3A_514 : i32
    %rem3A_537 = arith.constant 128 : i32
    %rem3A_538 = arith.remsi %add3A_512, %rem3A_537 : i32
    %dma_wait3A_539 = arith.constant 5 : i32
    %dma_wait3A_540 = arith.constant 5120 : i32
    %dma_wait3A_541 = tpu.memref_slice %arg9[%dma_wait3A_540] : memref<8192xf32, #tpu.memory_space<vmem>> -> memref<1024xf32, #tpu.memory_space<vmem>>
    %dma_wait3A_542 = arith.constant 0 : i32
    %dma_wait3A_543 = tpu.memref_slice %arg4[%select_n3A_536, %dma_wait3A_539, %rem3A_538, %dma_wait3A_542] : memref<50x8x128x1024xf32, #tpu.memory_space<hbm>> -> memref<1x1x1x1024xf32, #tpu.memory_space<hbm>>
    %dma_wait3A_544 = tpu.memref_squeeze %dma_wait3A_543 : memref<1x1x1x1024xf32, #tpu.memory_space<hbm>> -> memref<1024xf32, #tpu.memory_space<hbm>>
    %dma_wait3A_545 = arith.constant 0 : i32
    %dma_wait3A_546 = tpu.memref_slice %arg4[%select_n3A_536, %dma_wait3A_539, %rem3A_538, %dma_wait3A_545] : memref<50x8x128x1024xf32, #tpu.memory_space<hbm>> -> memref<1x1x1x1024xf32, #tpu.memory_space<hbm>>
    %dma_wait3A_547 = tpu.memref_squeeze %dma_wait3A_546 : memref<1x1x1x1024xf32, #tpu.memory_space<hbm>> -> memref<1024xf32, #tpu.memory_space<hbm>>
    %dma_wait3A_548 = arith.constant 5120 : i32
    %dma_wait3A_549 = tpu.memref_slice %arg9[%dma_wait3A_548] : memref<8192xf32, #tpu.memory_space<vmem>> -> memref<1024xf32, #tpu.memory_space<vmem>>
    tpu.wait_dma2 semaphore(%arg11 : memref<!tpu.dma_semaphore, #tpu.memory_space<semaphore_mem>>) src(%dma_wait3A_549 : memref<1024xf32, #tpu.memory_space<vmem>>) dst(%dma_wait3A_547 : memref<1024xf32, #tpu.memory_space<hbm>>)
    %add3A_550 = arith.constant 199 : i32
    %add3A_551 = arith.addi %mul3A_2, %add3A_550 : i32
    %jit3A_552 = arith.constant 128 : i32
    %div3A_553 = arith.divsi %add3A_551, %jit3A_552 : i32
    %sign3A_554 = arith.constant 0 : i32
    %sign3A_555 = arith.cmpi sgt, %add3A_551, %sign3A_554 : i32
    %sign3A_556 = arith.extui %sign3A_555 : i1 to i32
    %sign3A_557 = arith.constant 0 : i32
    %sign3A_558 = arith.cmpi slt, %add3A_551, %sign3A_557 : i32
    %sign3A_559 = arith.extui %sign3A_558 : i1 to i32
    %sign3A_560 = arith.subi %sign3A_556, %sign3A_559 : i32
    %sign3A_561 = arith.constant 0 : i32
    %sign3A_562 = arith.cmpi sgt, %jit3A_552, %sign3A_561 : i32
    %sign3A_563 = arith.extui %sign3A_562 : i1 to i32
    %sign3A_564 = arith.constant 0 : i32
    %sign3A_565 = arith.cmpi slt, %jit3A_552, %sign3A_564 : i32
    %sign3A_566 = arith.extui %sign3A_565 : i1 to i32
    %sign3A_567 = arith.subi %sign3A_563, %sign3A_566 : i32
    %ne3A_568 = arith.cmpi ne, %sign3A_560, %sign3A_567 : i32
    %rem3A_569 = arith.remsi %add3A_551, %jit3A_552 : i32
    %ne3A_570 = arith.constant 0 : i32
    %ne3A_571 = arith.cmpi ne, %rem3A_569, %ne3A_570 : i32
    %and3A_572 = arith.andi %ne3A_568, %ne3A_571 : i1
    %sub3A_573 = arith.constant 1 : i32
    %sub3A_574 = arith.subi %div3A_553, %sub3A_573 : i32
    %select_n3A_575 = arith.select %and3A_572, %sub3A_574, %div3A_553 : i32
    %rem3A_576 = arith.constant 128 : i32
    %rem3A_577 = arith.remsi %add3A_551, %rem3A_576 : i32
    %dma_wait3A_578 = arith.constant 6 : i32
    %dma_wait3A_579 = arith.constant 6144 : i32
    %dma_wait3A_580 = tpu.memref_slice %arg9[%dma_wait3A_579] : memref<8192xf32, #tpu.memory_space<vmem>> -> memref<1024xf32, #tpu.memory_space<vmem>>
    %dma_wait3A_581 = arith.constant 0 : i32
    %dma_wait3A_582 = tpu.memref_slice %arg4[%select_n3A_575, %dma_wait3A_578, %rem3A_577, %dma_wait3A_581] : memref<50x8x128x1024xf32, #tpu.memory_space<hbm>> -> memref<1x1x1x1024xf32, #tpu.memory_space<hbm>>
    %dma_wait3A_583 = tpu.memref_squeeze %dma_wait3A_582 : memref<1x1x1x1024xf32, #tpu.memory_space<hbm>> -> memref<1024xf32, #tpu.memory_space<hbm>>
    %dma_wait3A_584 = arith.constant 0 : i32
    %dma_wait3A_585 = tpu.memref_slice %arg4[%select_n3A_575, %dma_wait3A_578, %rem3A_577, %dma_wait3A_584] : memref<50x8x128x1024xf32, #tpu.memory_space<hbm>> -> memref<1x1x1x1024xf32, #tpu.memory_space<hbm>>
    %dma_wait3A_586 = tpu.memref_squeeze %dma_wait3A_585 : memref<1x1x1x1024xf32, #tpu.memory_space<hbm>> -> memref<1024xf32, #tpu.memory_space<hbm>>
    %dma_wait3A_587 = arith.constant 6144 : i32
    %dma_wait3A_588 = tpu.memref_slice %arg9[%dma_wait3A_587] : memref<8192xf32, #tpu.memory_space<vmem>> -> memref<1024xf32, #tpu.memory_space<vmem>>
    tpu.wait_dma2 semaphore(%arg11 : memref<!tpu.dma_semaphore, #tpu.memory_space<semaphore_mem>>) src(%dma_wait3A_588 : memref<1024xf32, #tpu.memory_space<vmem>>) dst(%dma_wait3A_586 : memref<1024xf32, #tpu.memory_space<hbm>>)
    %add3A_589 = arith.constant 199 : i32
    %add3A_590 = arith.addi %mul3A_2, %add3A_589 : i32
    %jit3A_591 = arith.constant 128 : i32
    %div3A_592 = arith.divsi %add3A_590, %jit3A_591 : i32
    %sign3A_593 = arith.constant 0 : i32
    %sign3A_594 = arith.cmpi sgt, %add3A_590, %sign3A_593 : i32
    %sign3A_595 = arith.extui %sign3A_594 : i1 to i32
    %sign3A_596 = arith.constant 0 : i32
    %sign3A_597 = arith.cmpi slt, %add3A_590, %sign3A_596 : i32
    %sign3A_598 = arith.extui %sign3A_597 : i1 to i32
    %sign3A_599 = arith.subi %sign3A_595, %sign3A_598 : i32
    %sign3A_600 = arith.constant 0 : i32
    %sign3A_601 = arith.cmpi sgt, %jit3A_591, %sign3A_600 : i32
    %sign3A_602 = arith.extui %sign3A_601 : i1 to i32
    %sign3A_603 = arith.constant 0 : i32
    %sign3A_604 = arith.cmpi slt, %jit3A_591, %sign3A_603 : i32
    %sign3A_605 = arith.extui %sign3A_604 : i1 to i32
    %sign3A_606 = arith.subi %sign3A_602, %sign3A_605 : i32
    %ne3A_607 = arith.cmpi ne, %sign3A_599, %sign3A_606 : i32
    %rem3A_608 = arith.remsi %add3A_590, %jit3A_591 : i32
    %ne3A_609 = arith.constant 0 : i32
    %ne3A_610 = arith.cmpi ne, %rem3A_608, %ne3A_609 : i32
    %and3A_611 = arith.andi %ne3A_607, %ne3A_610 : i1
    %sub3A_612 = arith.constant 1 : i32
    %sub3A_613 = arith.subi %div3A_592, %sub3A_612 : i32
    %select_n3A_614 = arith.select %and3A_611, %sub3A_613, %div3A_592 : i32
    %rem3A_615 = arith.constant 128 : i32
    %rem3A_616 = arith.remsi %add3A_590, %rem3A_615 : i32
    %dma_wait3A_617 = arith.constant 7 : i32
    %dma_wait3A_618 = arith.constant 7168 : i32
    %dma_wait3A_619 = tpu.memref_slice %arg9[%dma_wait3A_618] : memref<8192xf32, #tpu.memory_space<vmem>> -> memref<1024xf32, #tpu.memory_space<vmem>>
    %dma_wait3A_620 = arith.constant 0 : i32
    %dma_wait3A_621 = tpu.memref_slice %arg4[%select_n3A_614, %dma_wait3A_617, %rem3A_616, %dma_wait3A_620] : memref<50x8x128x1024xf32, #tpu.memory_space<hbm>> -> memref<1x1x1x1024xf32, #tpu.memory_space<hbm>>
    %dma_wait3A_622 = tpu.memref_squeeze %dma_wait3A_621 : memref<1x1x1x1024xf32, #tpu.memory_space<hbm>> -> memref<1024xf32, #tpu.memory_space<hbm>>
    %dma_wait3A_623 = arith.constant 0 : i32
    %dma_wait3A_624 = tpu.memref_slice %arg4[%select_n3A_614, %dma_wait3A_617, %rem3A_616, %dma_wait3A_623] : memref<50x8x128x1024xf32, #tpu.memory_space<hbm>> -> memref<1x1x1x1024xf32, #tpu.memory_space<hbm>>
    %dma_wait3A_625 = tpu.memref_squeeze %dma_wait3A_624 : memref<1x1x1x1024xf32, #tpu.memory_space<hbm>> -> memref<1024xf32, #tpu.memory_space<hbm>>
    %dma_wait3A_626 = arith.constant 7168 : i32
    %dma_wait3A_627 = tpu.memref_slice %arg9[%dma_wait3A_626] : memref<8192xf32, #tpu.memory_space<vmem>> -> memref<1024xf32, #tpu.memory_space<vmem>>
    tpu.wait_dma2 semaphore(%arg11 : memref<!tpu.dma_semaphore, #tpu.memory_space<semaphore_mem>>) src(%dma_wait3A_627 : memref<1024xf32, #tpu.memory_space<vmem>>) dst(%dma_wait3A_625 : memref<1024xf32, #tpu.memory_space<hbm>>)
    return
  }
}

</mosaic_0001>

<sc_bundles>
// kernel: kernel.3.cloned.1.call-start
scs
__scs_entry_jumppad:
0x0: {  	(pc) =	sbr.rel $0x88, $3  }
0x1: {  	(tag) =	ssettag $0x0;
	lr =	simm.s32 $0x1  }
0x2: {  	[smem:$0x3F9F] =	sst lr;
	_ =	strace $0xD0000000  }
0x3: {  	_ = 	snop  }
0x4: {  	_ = 	snop  }
0x5: {  	_ = 	snop  }
0x6: {  	_ = 	snop  }
0x7: {  	_ = 	snop  }
__scs_overlays_trampoline_lowered:
0x8: {  	[smem:$0x3FAE] =	sst s0  }
0x9: {  	[smem:$0x3FAF] =	sst s1  }
0xa: {  	[smem:$0x3FB0] =	sst s2  }
0xb: {  	[smem:$0x3FB1] =	sst s3  }
0xc: {  	[smem:$0x3FB2] =	sst s4  }
0xd: {  	[smem:$0x3FB3] =	sst s5  }
0xe: {  	[smem:$0x3FB4] =	sst s6  }
0xf: {  	[smem:$0x3FB5] =	sst s7  }
0x10: {  	[smem:$0x3FB6] =	sst s8  }
0x11: {  	[smem:$0x3FB7] =	sst s9;
	s0 =	simm.s32 @!p0 $0x0  }
0x12: {  	s1 =	sld [smem:$0x3F9D];
	s0 =	simm.s32 @p0 $0x1  }
0x13: {  	[smem:$0x3FB8] =	sst s0;
	s0 =	simm.s32 @!p1 $0x0  }
0x14: {  	s2 =	sld [smem:$0x3F9C];
	s0 =	simm.s32 @p1 $0x1  }
0x15: {  	[smem:$0x3FB9] =	sst s0;
	s0 =	simm.s32 @!p2 $0x0  }
0x16: {  	s3 =	sld [smem:$0x3FDB];
	s0 =	simm.s32 @p2 $0x1  }
0x17: {  	s4 =	simm.s32 $0x1BF5;
	[smem:$0x3FBB] =	sst s0  }
0x18: {  	s0 =	sld [smem:$0x3F9E];
	_ =	swait.ge [sflag:s4], $0x0  }
0x19: {  	s7 =	sld [smem:$0x3F9F]  }
0x1a: {  	s8 =	sadd.s32 $0xFFFFE003, lr  }
0x1b: {  	s9 =	sadd.s32 $0xFFFFFEF7, lr;
	s5 =	simm.s32 $0xFFFFFFFF;
	p2 =	slt.u32 s8, $0xFFFFF086  }
0x1c: {  	p1 =	slt.u32 s9, $0xF7A;
	s5 =	simm.s32 @!p2 $0x0  }
0x1d: {  	s5 =	simm.s32 @p1 $0x1;
	p0 =	seq.s32 s7, s2  }
0x1e: {  	s7 =	smul.u32 @!p0 $0xF7A, s2;
	p2 =	seq.s32 @!p0 s5, $0x0  }
0x1f: {  	s9 =	smul.u32 $0xF7A, s1;
	s8 =	simm.s32 @!p0 $0x1BF5;
	p2 =	por !p2, p0  }
0x20: {  	[sflag:s8] =	ssyncset.s32 @!p0 $0xFFFFF086;
	s6 =	sadd.s32 @!p0 s3, s7;
	s7 =	simm.s32 @!p0 $0x108  }
0x21: {  	s3 =	sadd.s32 s3, s9;
	s6 =	sadd.s32 @!p0 $0x88, s6;
	s7 =	simm.s32 @p2 $0x1082  }
0x22: {  	[simem:s7], [sflag:s8] =	dma.local @!p0 [hbm:s6], $0xF7A  }
0x23: {  	s9 =	sor.u32 $0xD0000000, s2;
	s6 =	simm.s32 $0x108;
	_ =	swait.ge @!p0 [sflag:s8], $0x0  }
0x24: {  	s3 =	sadd.s32 $0x88, s3;
	s6 =	simm.s32 @!p1 $0x1082;
	[sflag:s4] =	ssyncset.s32 $0xFFFFF086  }
0x25: {  	[simem:s6], [sflag:s4] =	dma.local [hbm:s3], $0xF7A  }
0x26: {  	[smem:$0x3F9F] =	sst s1;
	(tag) =	ssettag s2;
	_ =	strace s9  }
0x27: {  	s1 =	sld [smem:$0x3FAF]  }
0x28: {  	s2 =	sld [smem:$0x3FB0]  }
0x29: {  	s4 =	sld [smem:$0x3FB2]  }
0x2a: {  	p0 =	seq.s32 s5, $0x0;
	s5 =	sld [smem:$0x3FB3]  }
0x2b: {  	s6 =	sld [smem:$0x3FB4]  }
0x2c: {  	s7 =	sld [smem:$0x3FB5]  }
0x2d: {  	s3 =	simm.s32 $0x108;
	s8 =	sld [smem:$0x3FB6]  }
0x2e: {  	s3 =	simm.s32 @!p0 $0x1082;
	s9 =	sld [smem:$0x3FB7]  }
0x2f: {  	lr =	sadd.s32 s0, s3;
	s0 =	sld [smem:$0x3FAE]  }
0x30: {  	s3 =	sld [smem:$0x3FB1]  }
0x31: {  	[smem:$0x3FBA] =	sst s10  }
0x32: {  	s10 =	sld [smem:$0x3FB8];
	_ =	sdelay $0x3  }
0x33: {  	p0 =	seq.s32 s10, $0x1;
	s10 =	sld [smem:$0x3FBA];
	_ =	sdelay $0x3  }
0x34: {  	[smem:$0x3FBA] =	sst s10  }
0x35: {  	s10 =	sld [smem:$0x3FB9];
	_ =	sdelay $0x3  }
0x36: {  	p1 =	seq.s32 s10, $0x1;
	s10 =	sld [smem:$0x3FBA];
	_ =	sdelay $0x3  }
0x37: {  	[smem:$0x3FBA] =	sst s10  }
0x38: {  	s10 =	sld [smem:$0x3FBB]  }
0x39: {  	_ = 	snop;
	(pc) =	sbr.ind lr, $3  }
0x3a: {  	_ = 	snop  }
0x3b: {  	_ = 	snop  }
0x3c: {  	p2 =	seq.s32 s10, $0x1;
	s10 =	sld [smem:$0x3FBA]  }
0x3d: {  	_ =	shalt  }
0x3e: {  	_ =	shalt  }
0x3f: {  	_ =	shalt  }
0x40: {  	_ =	shalt  }
0x41: {  	_ =	shalt  }
0x42: {  	_ =	shalt  }
0x43: {  	_ =	shalt  }
0x44: {  	_ =	shalt  }
0x45: {  	_ =	shalt  }
0x46: {  	_ =	shalt  }
0x47: {  	_ =	shalt  }
0x48: {  	_ =	shalt  }
0x49: {  	_ =	shalt  }
0x4a: {  	_ =	shalt  }
0x4b: {  	_ =	shalt  }
0x4c: {  	_ =	shalt  }
0x4d: {  	_ =	shalt  }
0x4e: {  	_ =	shalt  }
0x4f: {  	_ =	shalt  }
0x50: {  	_ =	shalt  }
0x51: {  	_ =	shalt  }
0x52: {  	_ =	shalt  }
0x53: {  	_ =	shalt  }
0x54: {  	_ =	shalt  }
0x55: {  	_ =	shalt  }
0x56: {  	_ =	shalt  }
0x57: {  	_ =	shalt  }
0x58: {  	_ =	shalt  }
0x59: {  	_ =	shalt  }
0x5a: {  	_ =	shalt  }
0x5b: {  	_ =	shalt  }
0x5c: {  	_ =	shalt  }
0x5d: {  	_ =	shalt  }
0x5e: {  	_ =	shalt  }
0x5f: {  	_ =	shalt  }
0x60: {  	_ =	shalt  }
0x61: {  	_ =	shalt  }
0x62: {  	_ =	shalt  }
0x63: {  	_ =	shalt  }
0x64: {  	_ =	shalt  }
0x65: {  	_ =	shalt  }
0x66: {  	_ =	shalt  }
0x67: {  	_ =	shalt  }
0x68: {  	_ =	shalt  }
0x69: {  	_ =	shalt  }
0x6a: {  	_ =	shalt  }
0x6b: {  	_ =	shalt  }
0x6c: {  	_ =	shalt  }
0x6d: {  	_ =	shalt  }
0x6e: {  	_ =	shalt  }
0x6f: {  	_ =	shalt  }
0x70: {  	_ =	shalt  }
0x71: {  	_ =	shalt  }
0x72: {  	_ =	shalt  }
0x73: {  	_ =	shalt  }
0x74: {  	_ =	shalt  }
0x75: {  	_ =	shalt  }
0x76: {  	_ =	shalt  }
0x77: {  	_ =	shalt  }
0x78: {  	_ =	shalt  }
0x79: {  	_ =	shalt  }
0x7a: {  	_ =	shalt  }
0x7b: {  	_ =	shalt  }
0x7c: {  	_ =	shalt  }
0x7d: {  	_ =	shalt  }
0x7e: {  	_ =	shalt  }
0x7f: {  	_ =	shalt  }
0x80: {  	_ =	shalt  }
0x81: {  	_ =	shalt  }
0x82: {  	_ =	shalt  }
0x83: {  	_ =	shalt  }
0x84: {  	_ =	shalt  }
0x85: {  	_ =	shalt  }
0x86: {  	_ =	shalt  }
0x87: {  	_ =	shalt  }
.Lfunc_end0:
.L_simem_size_0:
called_computation_lowered:
.L_overlay_start_0:
0x88: {  	s2 =	sld [smem:$0x3FD9]  }
0x89: {  	s3 =	sld [smem:$0x3FFE];
	_ =	sdelay $0x1  }
0x8a: {  	s1 =	srdreg.scid  }
0x8b: {  	s0 =	sand.u32 $0x1, s1  }
0x8c: {  	s17 =	sshll.u32 s0, $0xA;
	s2 =	sadd.s32 s3, s2  }
0x8d: {  	s2 =	sadd.s32 s2, s17  }
0x8e: {  	[smem:$0x3FC6] =	sst s2  }
0x8f: {  	_ = 	snop  }
0x90: {  	s2 =	sld [smem:$0x3FD0];
	(tm) =	ssettm $0x1  }
0x91: {  	s18 =	sld [smem:$0x3FFB];
	_ =	sdelay $0x3  }
0x92: {  	_ =	strace s18  }
0x93: {  	s3 =	sld [smem:$0x3FFC];
	_ =	sdelay $0x3  }
0x94: {  	_ =	strace s3  }
0x95: {  	s3 =	sld [smem:$0x3FFD];
	_ =	sdelay $0x3  }
0x96: {  	_ =	strace s3  }
0x97: {  	_ =	strace $0x8FFFFFFF  }
0x98: {  	s19 =	sld [smem:$0x3FDB];
	_ =	sdelay $0x1  }
0x99: {  	s4 =	simm.s32 $_scs_section_size  }
0x9a: {  	s5 =	simm.s32 $_size__tile_overlayer_lowered;
	s6 =	simm.s32 $_tile_overlayer_lowered  }
0x9b: {  	s22 =	simm.s32 $0x1BFF;
	s21 =	sshll.u32 s6, $0x1;
	s3 =	sadd.s32 s4, s19  }
0x9c: {  	s7 =	simm.s32 $0x0;
	s20 =	sshll.u32 s5, $0x1;
	s5 =	sadd.s32 s21, s3  }
0x9d: {  	[timem:s7], [sflag:s22] =	dma.local [hbm:s5], s20  }
0x9e: {  	_ =	swait.ge [sflag:s22], s20  }
0x9f: {  	s4 =	ssub.s32 $0x0, s20;
	[sflag:s22] =	ssyncset.done $0x0  }
0xa0: {  	[sflag:s22] =	ssyncadd.s32 s4;
	_ =	sdelay $0x1  }
0xa1: {  	s23 =	simm.s32 $0x1B8B  }
0xa2: {  	_ =	swait.ge [sflag:s23], $0x1  }
0xa3: {  	[sflag:s23] =	ssyncset.done $0x0  }
0xa4: {  	s25 =	simm.s32 $0x1B8E;
	s24 =	sld [smem:$0x3FFE];
	[sflag:s23] =	ssyncadd.s32 $0xFFFFFFFF  }
0xa5: {  	s26 =	simm.s32 $execute0_lowered;
	[smem:$0x3FD2] =	sst s25  }
0xa6: {  	s5 =	sshll.u32 s26, $0x1;
	_ =	strace $0x80000046;
	[dreg:$0x1] =	wrdreg $0xFFFFFFFF  }
0xa7: {  	s28 =	simm.s32 $_size_execute0_lowered;
	s3 =	sadd.s32 s3, s5;
	[dreg:$0x0] =	wrdreg $0x0  }
0xa8: {  	s5 =	sshll.u32 s28, $0x1;
	[dreg:$0x2] =	wrdreg s3  }
0xa9: {  	[dreg:$0x3] =	wrdreg s5  }
0xaa: {  	[dreg:$0x4] =	wrdreg $0xC0  }
0xab: {  	_ =	task [dreg:s7], $0x5FFFF  }
0xac: {  	[dreg:$0x1] =	wrdreg $0xFFFFFFFF  }
0xad: {  	[dreg:$0x0] =	wrdreg $0x60  }
0xae: {  	[dreg:$0x2] =	wrdreg s24  }
0xaf: {  	[dreg:$0x3] =	wrdreg s2  }
0xb0: {  	[dreg:$0x4] =	wrdreg $0x9  }
0xb1: {  	_ =	task.clear_ibuf [dreg:s7], $0x5FFFF;
	_ =	strace $0x90000046  }
0xb2: {  	s29 =	simm.s32 $0x9;
	_ =	strace $0x80000048  }
0xb3: {  	_ =	swait.ge [sflag:s29], $0x1  }
0xb4: {  	[sflag:s29] =	ssyncadd.s32 $0xFFFFFFFF  }
0xb5: {  	_ =	strace $0x90000048  }
0xb6: {  	_ =	sfence  }
0xb7: {  	s30 =	sld [smem:$0x0];
	_ =	sdelay $0x2  }
0xb8: {  	s31 =	sshll.u32 s1, $0xD;
	s1 =	sshrl.u32 s1, $0x2  }
0xb9: {  	s3 =	sand.u32 $0x4000, s31;
	s1 =	sadd.s32 s1, s30  }
0xba: {  	s0 =	sor.u32 s3, s0;
	s1 =	sshll.u32 s1, $0x11  }
0xbb: {  	s0 =	sor.u32 s1, s0  }
0xbc: {  	s0 =	sadd.s32 $0x8F2B, s0  }
0xbd: {  	[sflag:s0] =	ssyncadd.remote.s32 $0x1  }
0xbe: {  	_ =	sfence.sel $0xFFFF  }
0xbf: {  	[dreg:$0x0] =	wrdreg $0xFFFFFFFF;
	(pc) =	sbr.abs _section_cstart, $3  }
0xc0: {  	[dreg:$0x1] =	wrdreg $0xFFFFFFFF  }
0xc1: {  	_ =	task.clear_ibuf [dreg:s7], $0x2FFFF;
	_ =	strace $0x9FFFFFFF  }
0xc2: {  	(tm) =	ssettm $0x7FFFFFFF  }
0xc3: {  	_ =	shalt  }
tec
execute0_lowered:
.L_overlay_start_1:
0x0: {  	(tag) =	ssettag $0x1  }
0x1: {  	s3 =	stileid.u32  }
0x2: {  	v0 =	vlaneseq.u32;
	s0 =	rddreg [dreg:$0x0];
	s4 =	sshll.u32 s3, $0x1;
	s3 =	simm.s32 $0x0  }
0x3: {  	v40 =	vor.u32 $0x1FA8, v0;
	[smem:$0x7FF] =	sst s3  }
0x4: {  	s2 =	rddreg [dreg:$0x1];
	v48 =	vor.u32 $0x30, v0;
	_ =	strace $0x80000047;
	[tilespmem:$0x1FC20] =	vst v40  }
0x5: {  	v56 =	vor.u32 $0xFB8, v0;
	[tilespmem:$0x1FC30] =	vst v48  }
0x6: {  	v57 =	vor.u32 $0x1030, v0;
	[tilespmem:$0x1FC50] =	vst v56  }
0x7: {  	v60 =	vor.u32 $0x1830, v0;
	[tilespmem:$0x1FC60] =	vst v57  }
0x8: {  	v17 =	vor.u32 $0x800, v0;
	[tilespmem:$0x1FC70] =	vst v60  }
0x9: {  	v25 =	vor.u32 $0x1000, v0;
	[tilespmem:$0x1FD00] =	vst v17  }
0xa: {  	v26 =	vor.u32 $0x1800, v0;
	[tilespmem:$0x1FD20] =	vst v25  }
0xb: {  	v43 =	vor.u32 $0x1F88, v0;
	[tilespmem:$0x1FD40] =	vst v26  }
0xc: {  	v45 =	vor.u32 $0x10, v0;
	[tilespmem:$0x1FD50] =	vst v43  }
0xd: {  	v46 =	vor.u32 $0x798, v0;
	[tilespmem:$0x1FD70] =	vst v45  }
0xe: {  	v38 =	vor.u32 $0x810, v0;
	[tilespmem:$0x1FD80] =	vst v46  }
0xf: {  	v49 =	vor.u32 $0xF98, v0;
	[tilespmem:$0x1FDA0] =	vst v38  }
0x10: {  	v51 =	vor.u32 $0x1010, v0;
	[tilespmem:$0x1FDB0] =	vst v49  }
0x11: {  	v52 =	vor.u32 $0x1798, v0;
	[tilespmem:$0x1FDD0] =	vst v51  }
0x12: {  	v37 =	vor.u32 $0x1810, v0;
	[tilespmem:$0x1FDE0] =	vst v52  }
0x13: {  	v39 =	vor.u32 $0x1F98, v0;
	[tilespmem:$0x1FE00] =	vst v37  }
0x14: {  	v54 =	vor.u32 $0x20, v0;
	[tilespmem:$0x1FE10] =	vst v39  }
0x15: {  	v58 =	vor.u32 $0x7A8, v0;
	[tilespmem:$0x1FE30] =	vst v54  }
0x16: {  	v63 =	vor.u32 $0x820, v0;
	[tilespmem:$0x1FE40] =	vst v58  }
0x17: {  	v61 =	vor.u32 $0xFA8, v0;
	[tilespmem:$0x1FE60] =	vst v63  }
0x18: {  	v30 =	vor.u32 $0x1020, v0;
	[tilespmem:$0x1FE70] =	vst v61  }
0x19: {  	v36 =	vor.u32 $0x17A8, v0;
	[tilespmem:$0x1FE90] =	vst v30  }
0x1a: {  	v29 =	vor.u32 $0x7B8, v0;
	[tilespmem:$0x1FEA0] =	vst v36  }
0x1b: {  	v23 =	vor.u32 $0x830, v0;
	[tilespmem:$0x1FEE0] =	vst v29  }
0x1c: {  	v6 =	vor.u32 $0x17B8, v0;
	[tilespmem:$0x1FEF0] =	vst v23  }
0x1d: {  	v4 =	vor.u32 $0x1FB8, v0;
	[tilespmem:$0x1FF10] =	vst v6  }
0x1e: {  	v5 =	vor.u32 $0x40, v0;
	[tilespmem:$0x1FF20] =	vst v4  }
0x1f: {  	v22 =	vor.u32 $0xFC8, v0;
	[tilespmem:$0x1FF30] =	vst v5  }
0x20: {  	v7 =	vor.u32 $0x1840, v0;
	[tilespmem:$0x1FF40] =	vst v22  }
0x21: {  	v11 =	vor.u32 $0x1040, v0;
	[tilespmem:$0x1FF60] =	vst v7  }
0x22: {  	v14 =	vor.u32 $0x7D8, v0;
	[tilespmem:$0x1FF70] =	vst v11  }
0x23: {  	v32 =	vor.u32 $0x1820, v0;
	[tilespmem:$0x1FF90] =	vst v14  }
0x24: {  	v34 =	vmul.u32 $0x40, v0;
	v24 =	vor.u32 $0x17C8, v0;
	[tilespmem:$0x1FFA0] =	vst v32  }
0x25: {  	[tilespmem:$0x1FFC0] =	vst v24  }
0x26: {  	v1 =	vor.u32 $0x830, v34;
	[tilespmem:$0x1FFF0] =	vst v34  }
0x27: {  	v55 =	vor.u32 $0xC10, v34;
	[tilespmem:$0x1FC10] =	vst v1  }
0x28: {  	v33 =	vor.u32 $0x1000, v34;
	[tilespmem:$0x1FC40] =	vst v55  }
0x29: {  	v40 =	vor.u32 $0x7C8, v0;
	[tilespmem:$0x1FC80] =	vst v33  }
0x2a: {  	v48 =	vor.u32 $0x840, v0;
	[tilespmem:$0x1FC90] =	vst v40  }
0x2b: {  	v56 =	vor.u32 $0x1030, v34;
	[tilespmem:$0x1FCA0] =	vst v48  }
0x2c: {  	v57 =	vor.u32 $0x1FC8, v0;
	[tilespmem:$0x1FCC0] =	vst v56  }
0x2d: {  	v60 =	vor.u32 $0x50, v0;
	[tilespmem:$0x1FCD0] =	vst v57  }
0x2e: {  	v41 =	vor.u32 $0x10, v34;
	[tilespmem:$0x1FCE0] =	vst v60  }
0x2f: {  	v18 =	vor.u32 $0x20, v34;
	[tilespmem:$0x1FCF0] =	vst v41  }
0x30: {  	v20 =	vor.u32 $0x30, v34;
	[tilespmem:$0x1FD10] =	vst v18  }
0x31: {  	v44 =	vor.u32 $0x400, v34;
	[tilespmem:$0x1FD30] =	vst v20  }
0x32: {  	v47 =	vor.u32 $0x410, v34;
	[tilespmem:$0x1FD60] =	vst v44  }
0x33: {  	v50 =	vor.u32 $0x420, v34;
	[tilespmem:$0x1FD90] =	vst v47  }
0x34: {  	v53 =	vor.u32 $0x430, v34;
	[tilespmem:$0x1FDC0] =	vst v50  }
0x35: {  	v42 =	vor.u32 $0x800, v34;
	[tilespmem:$0x1FDF0] =	vst v53  }
0x36: {  	s1 =	srdreg.scid;
	v59 =	vor.u32 $0x810, v34;
	[tilespmem:$0x1FE20] =	vst v42  }
0x37: {  	s16 =	simm.s32 $0x80;
	s17 =	simm.s32 $0x6400;
	s18 =	simm.s32 $0x8400;
	v62 =	vor.u32 $0x820, v34;
	[tilespmem:$0x1FE50] =	vst v59  }
0x38: {  	s19 =	simm.s32 $0x1;
	s20 =	simm.s32 $0xA400;
	s28 =	simm.s32 $0xC000;
	v27 =	vor.u32 $0xC20, v34;
	[tilespmem:$0x1FE80] =	vst v62  }
0x39: {  	s29 =	simm.s32 $0x2;
	s30 =	simm.s32 $0xC400;
	s31 =	simm.s32 $0xC800;
	v8 =	vor.u32 $0x1010, v34;
	[tilespmem:$0x1FF00] =	vst v27  }
0x3a: {  	s14 =	simm.s32 $0xD800;
	s15 =	simm.s32 $0xDC00;
	s21 =	simm.s32 $0xE000;
	v19 =	vor.u32 $0x1400, v34;
	[tilespmem:$0x1FF50] =	vst v8  }
0x3b: {  	s23 =	simm.s32 $0x0;
	s1 =	sand.u32 $0x1, s1;
	s8 =	sadd.s32 $0x8000, s2;
	v9 =	vor.u32 $0x1410, v34;
	[tilespmem:$0x1FF80] =	vst v19  }
0x3c: {  	s9 =	sadd.s32 $0xC000, s2;
	s10 =	sadd.s32 $0x10000, s2;
	s11 =	sadd.s32 $0x14000, s2;
	v35 =	vor.u32 $0xC00, v34;
	[tilespmem:$0x1FFB0] =	vst v9  }
0x3d: {  	s12 =	sadd.s32 $0x18000, s2;
	s5 =	sor.u32 s1, s4;
	s1 =	ssub.s32 $0x2, s1;
	v16 =	vor.u32 $0xC30, v34;
	[tilespmem:$0x1FFD0] =	vst v35  }
0x3e: {  	s13 =	sadd.s32 $0x1C000, s2;
	s4 =	smul.u32 $0xC80, s5;
	s6 =	sshrl.u32 s1, $0x1;
	v55 =	vor.u32 $0x1020, v34;
	[tilespmem:$0x1FFE0] =	vst v16  }
0x3f: {  	s5 =	smul.u32 $0xC8, s5;
	s25 =	ssub.s32 s1, s6;
	s1 =	simm.s32 $0xCC00;
	v40 =	vor.u32 $0x850, v0;
	[tilespmem:$0x1FCB0] =	vst v55  }
0x40: {  	v56 =	vor.u32 $0xFD8, v0;
	s7 =	sadd.s32 s4, s0;
	s4 =	sadd.s32 $0xF42A00, s0;
	s0 =	smax.u32 s25, $0x1;
	[tilespmem:$0x1FEB0] =	vst v40  }
0x41: {  	s6 =	simm.s32 $0xD400;
	v57 =	vor.u32 $0x1420, v34;
	[tilespmem:$0x1FEC0] =	vst v56;
	s26 =	sadd.s32 $0x600, s7;
	[dreg:$0x4] =	wrdreg s0  }
0x42: {  	[tilespmem:$0x1FED0] =	vst v57;
	s7 =	sadd.s32 $0x4000, s2;
	s0 =	simm.s32 $0xD000;
	[dreg:$0x3] =	wrdreg s26  }
.LBB2_1:
0x43: {  	[dreg:$0x5] =	wrdreg s23  }
0x44: {  	s22 =	rddreg [dreg:$0x3];
	s26 =	simm.s32 $0x3  }
0x45: {  	[tilespmem:s3], [sflag:$0x3] =	stream.linear.gather [hbm4b:s22+s3], $0x6400, $0x38;
	[tilespmem:$0xE400] =	vst v63  }
0x46: {  	_ =	swait.ge [sflag:s26], $0x6400  }
0x47: {  	[sflag:s26] =	ssyncset.done $0x0  }
0x48: {  	s22 =	simm.s32 $0x0;
	[sflag:s26] =	ssyncadd.s32 $0xFFFF9C00  }
0x49: {  	[tilespmem:s17], [sflag:$0x1] =	stream.indirect.gather [hbm4b:s4+s16], $0x40, s3, s16, $0xb8;
	[tilespmem:$0xE400] =	vst v63  }
.LBB2_2:
0x4a: {  	s23 =	sshllo.u32 s22, $0x1  }
0x4b: {  	s24 =	sshll.u32 s23, $0x7  }
0x4c: {  	s24 =	sand.u32 $0x3FFFFF80, s24  }
0x4d: {  	[tilespmem:s18], [sflag:$0x1] =	stream.indirect.gather [hbm4b:s4+s16], $0x40, s24, s16, $0xb8;
	[tilespmem:$0xE400] =	vst v63  }
0x4e: {  	_ =	swait.ge [sflag:s19], $0x2000  }
0x4f: {  	p0 =	seq.s32 s22, $0x0;
	[sflag:s19] =	ssyncset.done $0x0  }
0x50: {  	s24 =	simm.s32 @!p0 $0x2;
	[sflag:s19] =	ssyncadd.s32 $0xFFFFE000  }
0x51: {  	_ =	swait.ge @!p0 [sflag:s24], $0x400  }
0x52: {  	[sflag:s24] =	ssyncset.done @!p0 $0x0  }
0x53: {  	[sflag:s24] =	ssyncadd.s32 @!p0 $0xFFFFFC00  }
0x54: {  	_ =	swait.ge @!p0 [sflag:s24], $0x400  }
0x55: {  	[sflag:s24] =	ssyncset.done @!p0 $0x0  }
0x56: {  	[sflag:s24] =	ssyncadd.s32 @!p0 $0xFFFFFC00  }
0x57: {  	_ =	swait.ge @!p0 [sflag:s24], $0x400  }
0x58: {  	[sflag:s24] =	ssyncset.done @!p0 $0x0  }
0x59: {  	[sflag:s24] =	ssyncadd.s32 @!p0 $0xFFFFFC00  }
0x5a: {  	_ =	swait.ge @!p0 [sflag:s24], $0x400  }
0x5b: {  	[sflag:s24] =	ssyncset.done @!p0 $0x0  }
0x5c: {  	[sflag:s24] =	ssyncadd.s32 @!p0 $0xFFFFFC00  }
0x5d: {  	_ =	swait.ge @!p0 [sflag:s24], $0x400  }
0x5e: {  	[sflag:s24] =	ssyncset.done @!p0 $0x0  }
0x5f: {  	[sflag:s24] =	ssyncadd.s32 @!p0 $0xFFFFFC00  }
0x60: {  	_ =	swait.ge @!p0 [sflag:s24], $0x400  }
0x61: {  	s25 =	simm.s32 $0x0;
	v12 =	vlaneseq.u32;
	[sflag:s24] =	ssyncset.done @!p0 $0x0  }
0x62: {  	v0 =	vadd.s32 s25, v12;
	[sflag:s24] =	ssyncadd.s32 @!p0 $0xFFFFFC00  }
0x63: {  	v31 =	vand.u32 $0xF, v0;
	_ =	swait.ge @!p0 [sflag:s24], $0x400  }
0x64: {  	v1 =	vor.u32 v34, v31;
	[sflag:s24] =	ssyncset.done @!p0 $0x0  }
0x65: {  	[sflag:s24] =	ssyncadd.s32 @!p0 $0xFFFFFC00  }
0x66: {  	_ =	swait.ge @!p0 [sflag:s24], $0x400  }
0x67: {  	v33 =	vshll.u32 v0, $0x7;
	[sflag:s24] =	ssyncset.done @!p0 $0x0  }
0x68: {  	v0 =	vand.u32 $0x780, v33;
	[sflag:s24] =	ssyncadd.s32 @!p0 $0xFFFFFC00  }
0x69: {  	v2 =	vor.u32 v12, v0;
	v1 =	vld.idx.msk [tilespmem:v1+s17+$0x0], $0xffff  }
0x6a: {  	v3 =	vor.u32 v41, v31;
	_ =	sdelay $0x3  }
0x6b: {  	[tilespmem:v2+s20+$0x0] =	vst.idx.msk $0xffff, v1  }
0x6c: {  	v2 =	vor.u32 v17, v33;
	v1 =	vld.idx.msk [tilespmem:v3+s17+$0x0], $0xffff  }
0x6d: {  	v3 =	vor.u32 v18, v31;
	_ =	sdelay $0x3  }
0x6e: {  	[tilespmem:v2+s20+$0x0] =	vst.idx.msk $0xffff, v1  }
0x6f: {  	v0 =	vor.u32 v25, v0;
	v1 =	vld.idx.msk [tilespmem:v3+s17+$0x0], $0xffff  }
0x70: {  	v2 =	vor.u32 v20, v31;
	_ =	sdelay $0x3  }
0x71: {  	[tilespmem:v0+s20+$0x0] =	vst.idx.msk $0xffff, v1;
	v0 =	vor.u32 v26, v33  }
0x72: {  	v1 =	vld.idx.msk [tilespmem:v2+s17+$0x0], $0xffff;
	v0 =	vand.u32 v43, v0  }
0x73: {  	v2 =	vor.u32 v44, v31;
	_ =	sdelay $0x3  }
0x74: {  	[tilespmem:v0+s20+$0x0] =	vst.idx.msk $0xffff, v1;
	v0 =	vor.u32 v45, v33  }
0x75: {  	v1 =	vld.idx.msk [tilespmem:v2+s17+$0x0], $0xffff;
	v0 =	vand.u32 v46, v0  }
0x76: {  	v2 =	vor.u32 v47, v31;
	_ =	sdelay $0x3  }
0x77: {  	[tilespmem:v0+s20+$0x0] =	vst.idx.msk $0xffff, v1;
	v0 =	vor.u32 v38, v33  }
0x78: {  	v1 =	vld.idx.msk [tilespmem:v2+s17+$0x0], $0xffff;
	v0 =	vand.u32 v49, v0  }
0x79: {  	v2 =	vor.u32 v50, v31;
	_ =	sdelay $0x3  }
0x7a: {  	[tilespmem:v0+s20+$0x0] =	vst.idx.msk $0xffff, v1;
	v0 =	vor.u32 v51, v33  }
0x7b: {  	v1 =	vld.idx.msk [tilespmem:v2+s17+$0x0], $0xffff;
	v0 =	vand.u32 v52, v0  }
0x7c: {  	v2 =	vor.u32 v53, v31;
	_ =	sdelay $0x3  }
0x7d: {  	[tilespmem:v0+s20+$0x0] =	vst.idx.msk $0xffff, v1;
	v0 =	vor.u32 v37, v33  }
0x7e: {  	v1 =	vld.idx.msk [tilespmem:v2+s17+$0x0], $0xffff;
	v0 =	vand.u32 v39, v0  }
0x7f: {  	v2 =	vor.u32 v42, v31;
	_ =	sdelay $0x3  }
0x80: {  	[tilespmem:v0+s20+$0x0] =	vst.idx.msk $0xffff, v1;
	v0 =	vor.u32 v54, v33  }
0x81: {  	v1 =	vld.idx.msk [tilespmem:v2+s17+$0x0], $0xffff;
	v0 =	vand.u32 v58, v0  }
0x82: {  	v2 =	vor.u32 v59, v31;
	_ =	sdelay $0x3  }
0x83: {  	[tilespmem:v0+s20+$0x0] =	vst.idx.msk $0xffff, v1;
	v0 =	vor.u32 v63, v33  }
0x84: {  	v1 =	vld.idx.msk [tilespmem:v2+s17+$0x0], $0xffff;
	v0 =	vand.u32 v61, v0  }
0x85: {  	v2 =	vor.u32 v62, v31;
	_ =	sdelay $0x3  }
0x86: {  	[tilespmem:v0+s20+$0x0] =	vst.idx.msk $0xffff, v1  }
0x87: {  	v1 =	vld.idx.msk [tilespmem:v2+s17+$0x0], $0xffff  }
0x88: {  	v2 =	vld [tilespmem:$0x1FC10];
	_ =	sdelay $0x2  }
0x89: {  	v0 =	vor.u32 v30, v33  }
0x8a: {  	v0 =	vand.u32 v36, v0  }
0x8b: {  	v2 =	vor.u32 v2, v31;
	_ =	sdelay $0x3  }
0x8c: {  	[tilespmem:v0+s20+$0x0] =	vst.idx.msk $0xffff, v1  }
0x8d: {  	v1 =	vld.idx.msk [tilespmem:v2+s17+$0x0], $0xffff  }
0x8e: {  	v2 =	vld [tilespmem:$0x1FC20];
	_ =	sdelay $0x3  }
0x8f: {  	v0 =	vor.u32 v32, v33  }
0x90: {  	v0 =	vand.u32 v2, v0  }
0x91: {  	v2 =	vor.u32 v35, v31;
	_ =	sdelay $0x3  }
0x92: {  	[tilespmem:v0+s20+$0x0] =	vst.idx.msk $0xffff, v1;
	v0 =	vld [tilespmem:$0x1FC30]  }
0x93: {  	v1 =	vld.idx.msk [tilespmem:v2+s17+$0x0], $0xffff  }
0x94: {  	v2 =	vld [tilespmem:$0x1FC40];
	_ =	sdelay $0x2  }
0x95: {  	v0 =	vor.u32 v0, v33  }
0x96: {  	v0 =	vand.u32 v29, v0  }
0x97: {  	v2 =	vor.u32 v2, v31;
	_ =	sdelay $0x3  }
0x98: {  	[tilespmem:v0+s20+$0x0] =	vst.idx.msk $0xffff, v1  }
0x99: {  	v1 =	vld.idx.msk [tilespmem:v2+s17+$0x0], $0xffff  }
0x9a: {  	v2 =	vld [tilespmem:$0x1FC50];
	_ =	sdelay $0x3  }
0x9b: {  	v0 =	vor.u32 v23, v33  }
0x9c: {  	v0 =	vand.u32 v2, v0;
	_ =	sdelay $0x4  }
0x9d: {  	[tilespmem:v0+s20+$0x0] =	vst.idx.msk $0xffff, v1;
	v0 =	vld [tilespmem:$0x1FC60]  }
0x9e: {  	v2 =	vor.u32 v27, v31;
	_ =	sdelay $0x3  }
0x9f: {  	v0 =	vor.u32 v0, v33  }
0xa0: {  	v1 =	vld.idx.msk [tilespmem:v2+s17+$0x0], $0xffff;
	v0 =	vand.u32 v6, v0  }
0xa1: {  	v2 =	vor.u32 v16, v31;
	_ =	sdelay $0x3  }
0xa2: {  	[tilespmem:v0+s20+$0x0] =	vst.idx.msk $0xffff, v1;
	v0 =	vld [tilespmem:$0x1FC70]  }
0xa3: {  	v1 =	vld.idx.msk [tilespmem:v2+s17+$0x0], $0xffff  }
0xa4: {  	v2 =	vld [tilespmem:$0x1FC80];
	_ =	sdelay $0x2  }
0xa5: {  	v0 =	vor.u32 v0, v33  }
0xa6: {  	v0 =	vand.u32 v4, v0  }
0xa7: {  	v2 =	vor.u32 v2, v31;
	_ =	sdelay $0x3  }
0xa8: {  	[tilespmem:v0+s20+$0x0] =	vst.idx.msk $0xffff, v1  }
0xa9: {  	v1 =	vld.idx.msk [tilespmem:v2+s17+$0x0], $0xffff  }
0xaa: {  	v2 =	vld [tilespmem:$0x1FC90];
	_ =	sdelay $0x3  }
0xab: {  	v0 =	vor.u32 v5, v33  }
0xac: {  	v0 =	vand.u32 v2, v0  }
0xad: {  	v2 =	vor.u32 v8, v31;
	_ =	sdelay $0x3  }
0xae: {  	[tilespmem:v0+s20+$0x0] =	vst.idx.msk $0xffff, v1;
	v0 =	vld [tilespmem:$0x1FCA0]  }
0xaf: {  	v1 =	vld.idx.msk [tilespmem:v2+s17+$0x0], $0xffff  }
0xb0: {  	v2 =	vld [tilespmem:$0x1FCB0];
	_ =	sdelay $0x2  }
0xb1: {  	v0 =	vor.u32 v0, v33  }
0xb2: {  	v0 =	vand.u32 v22, v0  }
0xb3: {  	v2 =	vor.u32 v2, v31;
	_ =	sdelay $0x3  }
0xb4: {  	[tilespmem:v0+s20+$0x0] =	vst.idx.msk $0xffff, v1  }
0xb5: {  	v1 =	vld.idx.msk [tilespmem:v2+s17+$0x0], $0xffff  }
0xb6: {  	v2 =	vld [tilespmem:$0x1FCC0];
	_ =	sdelay $0x2  }
0xb7: {  	v0 =	vor.u32 v11, v33  }
0xb8: {  	v0 =	vand.u32 v24, v0  }
0xb9: {  	v2 =	vor.u32 v2, v31;
	_ =	sdelay $0x3  }
0xba: {  	[tilespmem:v0+s20+$0x0] =	vst.idx.msk $0xffff, v1  }
0xbb: {  	v1 =	vld.idx.msk [tilespmem:v2+s17+$0x0], $0xffff  }
0xbc: {  	v2 =	vld [tilespmem:$0x1FCD0];
	_ =	sdelay $0x3  }
0xbd: {  	v0 =	vor.u32 v7, v33  }
0xbe: {  	v0 =	vand.u32 v2, v0;
	_ =	sdelay $0x4  }
0xbf: {  	[tilespmem:v0+s20+$0x0] =	vst.idx.msk $0xffff, v1;
	v0 =	vld [tilespmem:$0x1FCE0]  }
0xc0: {  	v2 =	vor.u32 v19, v31;
	_ =	sdelay $0x3  }
0xc1: {  	v0 =	vor.u32 v0, v33  }
0xc2: {  	v1 =	vld.idx.msk [tilespmem:v2+s17+$0x0], $0xffff;
	v0 =	vand.u32 v14, v0  }
0xc3: {  	v2 =	vor.u32 v9, v31;
	_ =	sdelay $0x3  }
0xc4: {  	[tilespmem:v0+s20+$0x0] =	vst.idx.msk $0xffff, v1;
	v0 =	vor.u32 v40, v33  }
0xc5: {  	v13 =	vmov v57;
	v11 =	vmov v22;
	v19 =	vld.idx.msk [tilespmem:v2+s17+$0x0], $0xffff;
	v22 =	vand.u32 v56, v0  }
0xc6: {  	v1 =	vmov v4;
	v4 =	vor.u32 v13, v31;
	_ =	sdelay $0x2  }
0xc7: {  	v41 =	vmov v20;
	v20 =	vor.u32 $0x1050, v12  }
0xc8: {  	v9 =	vmov v5;
	v5 =	vor.u32 v20, v33;
	v0 =	vor.u32 $0x17D8, v12;
	[tilespmem:v22+s20+$0x0] =	vst.idx.msk $0xffff, v19  }
0xc9: {  	v60 =	vmovc v63;
	v63 =	vmov v30;
	v30 =	vand.u32 v0, v5;
	v22 =	vld.idx.msk [tilespmem:v4+s17+$0x0], $0xffff;
	v4 =	vor.u32 $0x1430, v34  }
0xca: {  	v10 =	vmovc v8;
	v8 =	vmov v6;
	v6 =	vmov v23;
	v23 =	vor.u32 v4, v31;
	_ =	sdelay $0x2  }
0xcb: {  	v19 =	vor.u32 $0x1850, v12  }
0xcc: {  	v7 =	vmov v27;
	v27 =	vor.u32 $0x1FD8, v12;
	[tilespmem:v30+s20+$0x0] =	vst.idx.msk $0xffff, v22;
	v22 =	vor.u32 v19, v33  }
0xcd: {  	v55 =	vmovc v39;
	v39 =	vmovc v18;
	v18 =	vmov v13;
	v13 =	vld.idx.msk [tilespmem:v23+s17+$0x0], $0xffff;
	v23 =	vand.u32 v27, v22;
	v22 =	vor.u32 $0x1800, v34  }
0xce: {  	v5 =	vmov v29;
	v29 =	vor.u32 v22, v31;
	_ =	sdelay $0x2  }
0xcf: {  	v14 =	vor.u32 $0x60, v12  }
0xd0: {  	v2 =	vmov v36;
	v36 =	vor.u32 $0x7E8, v12;
	[tilespmem:v23+s20+$0x0] =	vst.idx.msk $0xffff, v13;
	v23 =	vor.u32 v14, v33  }
0xd1: {  	v3 =	vmov v32;
	v30 =	vld.idx.msk [tilespmem:v29+s17+$0x0], $0xffff;
	v32 =	vand.u32 v36, v23;
	v23 =	vor.u32 $0x1810, v34  }
0xd2: {  	v29 =	vor.u32 v23, v31;
	_ =	sdelay $0x2  }
0xd3: {  	[tilespmem:$0x1FB50] =	vst v36;
	v13 =	vor.u32 $0x860, v12  }
0xd4: {  	v36 =	vor.u32 $0xFE8, v12;
	[tilespmem:v32+s20+$0x0] =	vst.idx.msk $0xffff, v30;
	v32 =	vor.u32 v13, v33  }
0xd5: {  	v30 =	vld.idx.msk [tilespmem:v29+s17+$0x0], $0xffff;
	v32 =	vand.u32 v36, v32;
	v29 =	vor.u32 $0x1820, v34  }
0xd6: {  	[tilespmem:$0x1FB90] =	vst v29;
	v29 =	vor.u32 v29, v31;
	_ =	sdelay $0x1  }
0xd7: {  	[tilespmem:$0x1FB80] =	vst v36;
	v36 =	vor.u32 $0x1060, v12  }
0xd8: {  	[tilespmem:$0x1FBA0] =	vst v36  }
0xd9: {  	[tilespmem:v32+s20+$0x0] =	vst.idx.msk $0xffff, v30;
	v32 =	vor.u32 v36, v33;
	v36 =	vor.u32 $0x17E8, v12  }
0xda: {  	v30 =	vld.idx.msk [tilespmem:v29+s17+$0x0], $0xffff;
	v32 =	vand.u32 v36, v32;
	v29 =	vor.u32 $0x1830, v34  }
0xdb: {  	[tilespmem:$0x1FBC0] =	vst v29;
	v29 =	vor.u32 v29, v31;
	_ =	sdelay $0x1  }
0xdc: {  	[tilespmem:$0x1FBB0] =	vst v36;
	v36 =	vor.u32 $0x1860, v12  }
0xdd: {  	[tilespmem:$0x1FBD0] =	vst v36  }
0xde: {  	[tilespmem:v32+s20+$0x0] =	vst.idx.msk $0xffff, v30;
	v32 =	vor.u32 v36, v33;
	v36 =	vor.u32 $0x1FE8, v12  }
0xdf: {  	v30 =	vld.idx.msk [tilespmem:v29+s17+$0x0], $0xffff;
	v32 =	vand.u32 v36, v32;
	v29 =	vor.u32 $0x1C00, v34  }
0xe0: {  	[tilespmem:$0x1FBF0] =	vst v29;
	v29 =	vor.u32 v29, v31;
	_ =	sdelay $0x1  }
0xe1: {  	[tilespmem:$0x1FBE0] =	vst v36;
	v36 =	vor.u32 $0x70, v12  }
0xe2: {  	[tilespmem:$0x1FC00] =	vst v36  }
0xe3: {  	[tilespmem:v32+s20+$0x0] =	vst.idx.msk $0xffff, v30;
	v30 =	vor.u32 v36, v33;
	v36 =	vor.u32 $0x7F8, v12  }
0xe4: {  	v29 =	vld.idx.msk [tilespmem:v29+s17+$0x0], $0xffff;
	v32 =	vand.u32 v36, v30;
	v30 =	vor.u32 $0x1C10, v34  }
0xe5: {  	[tilespmem:$0x1FB70] =	vst v13;
	v13 =	vmov v30;
	v30 =	vor.u32 v30, v31;
	_ =	sdelay $0x2  }
0xe6: {  	v57 =	vmovc v54;
	v54 =	vmov v37;
	[tilespmem:$0x1FB60] =	vst v23;
	v23 =	vmov v36;
	v36 =	vor.u32 $0x870, v12  }
0xe7: {  	v37 =	vmovc v14;
	v14 =	vmov v36;
	[tilespmem:v32+s20+$0x0] =	vst.idx.msk $0xffff, v29;
	v29 =	vor.u32 v36, v33;
	v36 =	vor.u32 $0xFF8, v12  }
0xe8: {  	v30 =	vld.idx.msk [tilespmem:v30+s17+$0x0], $0xffff;
	v32 =	vand.u32 v36, v29;
	v29 =	vor.u32 $0x1C20, v34  }
0xe9: {  	v48 =	vmovc v38;
	v38 =	vmov v17;
	v17 =	vmov v29;
	v29 =	vor.u32 v29, v31;
	_ =	sdelay $0x2  }
0xea: {  	v15 =	vmov v36;
	v36 =	vor.u32 $0x1070, v12  }
0xeb: {  	v24 =	vmov v36;
	[tilespmem:v32+s20+$0x0] =	vst.idx.msk $0xffff, v30;
	v30 =	vor.u32 v36, v33;
	v36 =	vor.u32 $0x17F8, v12  }
0xec: {  	v40 =	vmovc v25;
	v29 =	vld.idx.msk [tilespmem:v29+s17+$0x0], $0xffff;
	v25 =	vmov v36;
	v30 =	vand.u32 v36, v30;
	v36 =	vor.u32 $0x1C30, v34  }
0xed: {  	v32 =	vor.u32 v36, v31;
	_ =	sdelay $0x2  }
0xee: {  	v28 =	vmovc v16;
	v21 =	vor.u32 $0x1FF8, v12;
	v56 =	vmov v42;
	v42 =	vmov v26  }
0xef: {  	s26 =	simm.s32 $0x1;
	v16 =	vmovc v0;
	v0 =	vmovc v4;
	v4 =	vmov v35;
	v35 =	vmov v27;
	[tilespmem:v30+s20+$0x0] =	vst.idx.msk $0xffff, v29;
	v29 =	vor.u32 $0x1870, v12  }
0xf0: {  	s25 =	simm.s32 $0x2;
	s24 =	sshll.u32 s22, $0x1;
	v27 =	vmovc v22;
	v26 =	vmovc v36;
	v31 =	vadd.s32 s26, v12;
	v32 =	vld.idx.msk [tilespmem:v32+s17+$0x0], $0xffff;
	v22 =	vmov v29;
	v29 =	vor.u32 v29, v33  }
.LBB2_3:
0xf1: {  	v30 =	vand.u32 $0xF, v31;
	v33 =	vand.u32 v21, v29  }
0xf2: {  	v36 =	vmov v34;
	v34 =	vor.u32 v34, v30;
	_ =	sdelay $0x3  }
0xf3: {  	[tilespmem:v33+s20+$0x0] =	vst.idx.msk $0xffff, v32  }
0xf4: {  	v32 =	vld.idx.msk [tilespmem:v34+s17+$0x0], $0xffff  }
0xf5: {  	v34 =	vld [tilespmem:$0x1FCF0];
	_ =	sdelay $0x1  }
0xf6: {  	v29 =	vshll.u32 v31, $0x7  }
0xf7: {  	v12 =	vlaneseq.u32;
	v31 =	vand.u32 $0x780, v29  }
0xf8: {  	v33 =	vor.u32 v12, v31  }
0xf9: {  	v34 =	vor.u32 v34, v30;
	_ =	sdelay $0x3  }
0xfa: {  	[tilespmem:v33+s20+$0x0] =	vst.idx.msk $0xffff, v32  }
0xfb: {  	v33 =	vor.u32 v38, v29;
	v32 =	vld.idx.msk [tilespmem:v34+s17+$0x0], $0xffff  }
0xfc: {  	v34 =	vor.u32 v39, v30;
	_ =	sdelay $0x3  }
0xfd: {  	[tilespmem:v33+s20+$0x0] =	vst.idx.msk $0xffff, v32  }
0xfe: {  	v31 =	vor.u32 v40, v31;
	v32 =	vld.idx.msk [tilespmem:v34+s17+$0x0], $0xffff  }
0xff: {  	v33 =	vor.u32 v41, v30;
	_ =	sdelay $0x3  }
0x100: {  	[tilespmem:v31+s20+$0x0] =	vst.idx.msk $0xffff, v32;
	v32 =	vor.u32 v42, v29  }
0x101: {  	v31 =	vld.idx.msk [tilespmem:v33+s17+$0x0], $0xffff;
	v32 =	vand.u32 v43, v32  }
0x102: {  	v33 =	vor.u32 v44, v30;
	_ =	sdelay $0x3  }
0x103: {  	[tilespmem:v32+s20+$0x0] =	vst.idx.msk $0xffff, v31;
	v32 =	vor.u32 v45, v29  }
0x104: {  	v31 =	vld.idx.msk [tilespmem:v33+s17+$0x0], $0xffff;
	v32 =	vand.u32 v46, v32  }
0x105: {  	v33 =	vor.u32 v47, v30;
	_ =	sdelay $0x3  }
0x106: {  	[tilespmem:v32+s20+$0x0] =	vst.idx.msk $0xffff, v31;
	v32 =	vor.u32 v48, v29  }
0x107: {  	v31 =	vld.idx.msk [tilespmem:v33+s17+$0x0], $0xffff;
	v32 =	vand.u32 v49, v32  }
0x108: {  	v33 =	vor.u32 v50, v30;
	_ =	sdelay $0x3  }
0x109: {  	[tilespmem:v32+s20+$0x0] =	vst.idx.msk $0xffff, v31;
	v32 =	vor.u32 v51, v29  }
0x10a: {  	v31 =	vld.idx.msk [tilespmem:v33+s17+$0x0], $0xffff;
	v32 =	vand.u32 v52, v32  }
0x10b: {  	v33 =	vor.u32 v53, v30;
	_ =	sdelay $0x3  }
0x10c: {  	[tilespmem:v32+s20+$0x0] =	vst.idx.msk $0xffff, v31;
	v32 =	vor.u32 v54, v29  }
0x10d: {  	v31 =	vld.idx.msk [tilespmem:v33+s17+$0x0], $0xffff;
	v32 =	vand.u32 v55, v32  }
0x10e: {  	v33 =	vor.u32 v56, v30;
	_ =	sdelay $0x3  }
0x10f: {  	[tilespmem:v32+s20+$0x0] =	vst.idx.msk $0xffff, v31;
	v32 =	vor.u32 v57, v29  }
0x110: {  	v31 =	vld.idx.msk [tilespmem:v33+s17+$0x0], $0xffff;
	v32 =	vand.u32 v58, v32  }
0x111: {  	v33 =	vor.u32 v59, v30;
	_ =	sdelay $0x3  }
0x112: {  	[tilespmem:v32+s20+$0x0] =	vst.idx.msk $0xffff, v31;
	v32 =	vor.u32 v60, v29  }
0x113: {  	v31 =	vld.idx.msk [tilespmem:v33+s17+$0x0], $0xffff;
	v32 =	vand.u32 v61, v32  }
0x114: {  	v33 =	vor.u32 v62, v30;
	_ =	sdelay $0x3  }
0x115: {  	[tilespmem:v32+s20+$0x0] =	vst.idx.msk $0xffff, v31  }
0x116: {  	v31 =	vld.idx.msk [tilespmem:v33+s17+$0x0], $0xffff  }
0x117: {  	v33 =	vld [tilespmem:$0x1FC10];
	_ =	sdelay $0x2  }
0x118: {  	v32 =	vor.u32 v63, v29  }
0x119: {  	v32 =	vand.u32 v2, v32  }
0x11a: {  	v33 =	vor.u32 v33, v30;
	_ =	sdelay $0x3  }
0x11b: {  	[tilespmem:v32+s20+$0x0] =	vst.idx.msk $0xffff, v31  }
0x11c: {  	v31 =	vld.idx.msk [tilespmem:v33+s17+$0x0], $0xffff  }
0x11d: {  	v33 =	vld [tilespmem:$0x1FC20];
	_ =	sdelay $0x3  }
0x11e: {  	v32 =	vor.u32 v3, v29  }
0x11f: {  	v32 =	vand.u32 v33, v32  }
0x120: {  	v33 =	vor.u32 v4, v30;
	_ =	sdelay $0x3  }
0x121: {  	[tilespmem:v32+s20+$0x0] =	vst.idx.msk $0xffff, v31;
	v32 =	vld [tilespmem:$0x1FC30]  }
0x122: {  	v31 =	vld.idx.msk [tilespmem:v33+s17+$0x0], $0xffff  }
0x123: {  	v33 =	vld [tilespmem:$0x1FC40];
	_ =	sdelay $0x2  }
0x124: {  	v32 =	vor.u32 v32, v29  }
0x125: {  	v32 =	vand.u32 v5, v32  }
0x126: {  	v33 =	vor.u32 v33, v30;
	_ =	sdelay $0x3  }
0x127: {  	[tilespmem:v32+s20+$0x0] =	vst.idx.msk $0xffff, v31  }
0x128: {  	v31 =	vld.idx.msk [tilespmem:v33+s17+$0x0], $0xffff  }
0x129: {  	v33 =	vld [tilespmem:$0x1FC50];
	_ =	sdelay $0x3  }
0x12a: {  	v32 =	vor.u32 v6, v29  }
0x12b: {  	v32 =	vand.u32 v33, v32;
	_ =	sdelay $0x4  }
0x12c: {  	[tilespmem:v32+s20+$0x0] =	vst.idx.msk $0xffff, v31;
	v32 =	vld [tilespmem:$0x1FC60]  }
0x12d: {  	v33 =	vor.u32 v7, v30;
	_ =	sdelay $0x3  }
0x12e: {  	v32 =	vor.u32 v32, v29  }
0x12f: {  	v31 =	vld.idx.msk [tilespmem:v33+s17+$0x0], $0xffff;
	v32 =	vand.u32 v8, v32  }
0x130: {  	v33 =	vor.u32 v28, v30;
	_ =	sdelay $0x3  }
0x131: {  	[tilespmem:v32+s20+$0x0] =	vst.idx.msk $0xffff, v31;
	v32 =	vld [tilespmem:$0x1FC70]  }
0x132: {  	v31 =	vld.idx.msk [tilespmem:v33+s17+$0x0], $0xffff  }
0x133: {  	v33 =	vld [tilespmem:$0x1FC80];
	_ =	sdelay $0x2  }
0x134: {  	v32 =	vor.u32 v32, v29  }
0x135: {  	v32 =	vand.u32 v1, v32  }
0x136: {  	v33 =	vor.u32 v33, v30;
	_ =	sdelay $0x3  }
0x137: {  	[tilespmem:v32+s20+$0x0] =	vst.idx.msk $0xffff, v31  }
0x138: {  	v31 =	vld.idx.msk [tilespmem:v33+s17+$0x0], $0xffff  }
0x139: {  	v33 =	vld [tilespmem:$0x1FC90];
	_ =	sdelay $0x3  }
0x13a: {  	v32 =	vor.u32 v9, v29  }
0x13b: {  	v32 =	vand.u32 v33, v32  }
0x13c: {  	v33 =	vor.u32 v10, v30;
	_ =	sdelay $0x3  }
0x13d: {  	[tilespmem:v32+s20+$0x0] =	vst.idx.msk $0xffff, v31;
	v32 =	vld [tilespmem:$0x1FCA0]  }
0x13e: {  	v31 =	vld.idx.msk [tilespmem:v33+s17+$0x0], $0xffff  }
0x13f: {  	v33 =	vld [tilespmem:$0x1FCB0];
	_ =	sdelay $0x2  }
0x140: {  	v32 =	vor.u32 v32, v29  }
0x141: {  	v32 =	vand.u32 v11, v32  }
0x142: {  	v33 =	vor.u32 v33, v30;
	_ =	sdelay $0x3  }
0x143: {  	[tilespmem:v32+s20+$0x0] =	vst.idx.msk $0xffff, v31;
	v32 =	vld [tilespmem:$0x1FF70]  }
0x144: {  	v31 =	vld.idx.msk [tilespmem:v33+s17+$0x0], $0xffff  }
0x145: {  	v33 =	vld [tilespmem:$0x1FFC0];
	_ =	sdelay $0x3  }
0x146: {  	v32 =	vor.u32 v32, v29  }
0x147: {  	v32 =	vand.u32 v33, v32;
	v33 =	vld [tilespmem:$0x1FCC0];
	_ =	sdelay $0x4  }
0x148: {  	v33 =	vor.u32 v33, v30;
	_ =	sdelay $0x3  }
0x149: {  	[tilespmem:v32+s20+$0x0] =	vst.idx.msk $0xffff, v31;
	v32 =	vld [tilespmem:$0x1FF60]  }
0x14a: {  	v31 =	vld.idx.msk [tilespmem:v33+s17+$0x0], $0xffff  }
0x14b: {  	v33 =	vld [tilespmem:$0x1FCD0];
	_ =	sdelay $0x3  }
0x14c: {  	v32 =	vor.u32 v32, v29  }
0x14d: {  	v32 =	vand.u32 v33, v32;
	v33 =	vld [tilespmem:$0x1FF80];
	_ =	sdelay $0x4  }
0x14e: {  	v33 =	vor.u32 v33, v30;
	_ =	sdelay $0x3  }
0x14f: {  	[tilespmem:v32+s20+$0x0] =	vst.idx.msk $0xffff, v31;
	v32 =	vld [tilespmem:$0x1FCE0]  }
0x150: {  	v31 =	vld.idx.msk [tilespmem:v33+s17+$0x0], $0xffff  }
0x151: {  	v33 =	vld [tilespmem:$0x1FF90];
	_ =	sdelay $0x3  }
0x152: {  	v32 =	vor.u32 v32, v29  }
0x153: {  	v32 =	vand.u32 v33, v32;
	v33 =	vld [tilespmem:$0x1FFB0];
	_ =	sdelay $0x4  }
0x154: {  	v33 =	vor.u32 v33, v30;
	_ =	sdelay $0x3  }
0x155: {  	[tilespmem:v32+s20+$0x0] =	vst.idx.msk $0xffff, v31;
	v32 =	vld [tilespmem:$0x1FEB0]  }
0x156: {  	v31 =	vld.idx.msk [tilespmem:v33+s17+$0x0], $0xffff  }
0x157: {  	v33 =	vld [tilespmem:$0x1FEC0];
	_ =	sdelay $0x3  }
0x158: {  	v32 =	vor.u32 v32, v29  }
0x159: {  	v32 =	vand.u32 v33, v32  }
0x15a: {  	v33 =	vor.u32 v18, v30;
	_ =	sdelay $0x3  }
0x15b: {  	[tilespmem:v32+s20+$0x0] =	vst.idx.msk $0xffff, v31;
	v32 =	vor.u32 v20, v29  }
0x15c: {  	v31 =	vld.idx.msk [tilespmem:v33+s17+$0x0], $0xffff;
	v32 =	vand.u32 v16, v32  }
0x15d: {  	v33 =	vor.u32 v0, v30;
	_ =	sdelay $0x3  }
0x15e: {  	[tilespmem:v32+s20+$0x0] =	vst.idx.msk $0xffff, v31;
	v32 =	vor.u32 v19, v29  }
0x15f: {  	v31 =	vld.idx.msk [tilespmem:v33+s17+$0x0], $0xffff;
	v32 =	vand.u32 v35, v32  }
0x160: {  	v33 =	vor.u32 v27, v30;
	_ =	sdelay $0x3  }
0x161: {  	[tilespmem:v32+s20+$0x0] =	vst.idx.msk $0xffff, v31  }
0x162: {  	v31 =	vld.idx.msk [tilespmem:v33+s17+$0x0], $0xffff  }
0x163: {  	v33 =	vld [tilespmem:$0x1FB50];
	_ =	sdelay $0x3  }
0x164: {  	v32 =	vor.u32 v37, v29  }
0x165: {  	v32 =	vand.u32 v33, v32;
	v33 =	vld [tilespmem:$0x1FB60];
	_ =	sdelay $0x4  }
0x166: {  	v33 =	vor.u32 v33, v30;
	_ =	sdelay $0x3  }
0x167: {  	[tilespmem:v32+s20+$0x0] =	vst.idx.msk $0xffff, v31;
	v32 =	vld [tilespmem:$0x1FB70]  }
0x168: {  	v31 =	vld.idx.msk [tilespmem:v33+s17+$0x0], $0xffff  }
0x169: {  	v33 =	vld [tilespmem:$0x1FB80];
	_ =	sdelay $0x3  }
0x16a: {  	v32 =	vor.u32 v32, v29  }
0x16b: {  	v32 =	vand.u32 v33, v32;
	v33 =	vld [tilespmem:$0x1FB90];
	_ =	sdelay $0x4  }
0x16c: {  	v33 =	vor.u32 v33, v30;
	_ =	sdelay $0x3  }
0x16d: {  	[tilespmem:v32+s20+$0x0] =	vst.idx.msk $0xffff, v31;
	v32 =	vld [tilespmem:$0x1FBA0]  }
0x16e: {  	v31 =	vld.idx.msk [tilespmem:v33+s17+$0x0], $0xffff  }
0x16f: {  	v33 =	vld [tilespmem:$0x1FBB0];
	_ =	sdelay $0x3  }
0x170: {  	v32 =	vor.u32 v32, v29  }
0x171: {  	v32 =	vand.u32 v33, v32;
	v33 =	vld [tilespmem:$0x1FBC0];
	_ =	sdelay $0x4  }
0x172: {  	v33 =	vor.u32 v33, v30;
	_ =	sdelay $0x3  }
0x173: {  	[tilespmem:v32+s20+$0x0] =	vst.idx.msk $0xffff, v31;
	v32 =	vld [tilespmem:$0x1FBD0]  }
0x174: {  	v31 =	vld.idx.msk [tilespmem:v33+s17+$0x0], $0xffff  }
0x175: {  	v33 =	vld [tilespmem:$0x1FBE0];
	_ =	sdelay $0x3  }
0x176: {  	v32 =	vor.u32 v32, v29  }
0x177: {  	v32 =	vand.u32 v33, v32  }
0x178: {  	v33 =	vld [tilespmem:$0x1FBF0];
	_ =	sdelay $0x3  }
0x179: {  	[tilespmem:v32+s20+$0x0] =	vst.idx.msk $0xffff, v31;
	v32 =	vld [tilespmem:$0x1FC00]  }
0x17a: {  	v33 =	vor.u32 v33, v30;
	_ =	sdelay $0x3  }
0x17b: {  	v32 =	vor.u32 v32, v29  }
0x17c: {  	v31 =	vld.idx.msk [tilespmem:v33+s17+$0x0], $0xffff;
	v32 =	vand.u32 v23, v32  }
0x17d: {  	v33 =	vor.u32 v13, v30;
	_ =	sdelay $0x3  }
0x17e: {  	[tilespmem:v32+s20+$0x0] =	vst.idx.msk $0xffff, v31;
	v32 =	vor.u32 v14, v29  }
0x17f: {  	v31 =	vld.idx.msk [tilespmem:v33+s17+$0x0], $0xffff;
	v32 =	vand.u32 v15, v32  }
0x180: {  	v33 =	vor.u32 v17, v30;
	_ =	sdelay $0x3  }
0x181: {  	[tilespmem:v32+s20+$0x0] =	vst.idx.msk $0xffff, v31;
	v32 =	vor.u32 v24, v29  }
0x182: {  	v31 =	vld.idx.msk [tilespmem:v33+s17+$0x0], $0xffff;
	v32 =	vand.u32 v25, v32  }
0x183: {  	p1 =	sne.s32 s25, $0xF;
	v30 =	vor.u32 v26, v30  }
.Ltmp0:
0x184: {  	_ = 	snop;
	(pc) =	sbr.rel @p1 .LBB2_3-.Ltmp0, $3  }
0x185: {  	_ =	sdelay $0x1  }
0x186: {  	[tilespmem:v32+s20+$0x0] =	vst.idx.msk $0xffff, v31  }
0x187: {  	v34 =	vmovc v36;
	v29 =	vor.u32 v22, v29;
	v33 =	vlaneseq.u32;
	v31 =	vadd.s32 s25, v12;
	s25 =	sadd.s32 $0x1, s25;
	v32 =	vld.idx.msk [tilespmem:v30+s17+$0x0], $0xffff  }
0x188: {  	v12 =	vand.u32 v21, v29;
	_ =	sdelay $0x2  }
0x189: {  	v30 =	vand.u32 $0xF, v31  }
0x18a: {  	v34 =	vor.u32 v34, v30  }
0x18b: {  	[tilespmem:v12+s20+$0x0] =	vst.idx.msk $0xffff, v32;
	v12 =	vld [tilespmem:$0x1FCF0];
	_ =	sdelay $0x1  }
0x18c: {  	v29 =	vshll.u32 v31, $0x7  }
0x18d: {  	v31 =	vand.u32 $0x780, v29  }
0x18e: {  	v33 =	vor.u32 v33, v31;
	v32 =	vld.idx.msk [tilespmem:v34+s17+$0x0], $0xffff  }
0x18f: {  	[tilespmem:$0x1FA70] =	vst v21;
	v21 =	vor.u32 v12, v30;
	_ =	sdelay $0x3  }
0x190: {  	[tilespmem:v33+s20+$0x0] =	vst.idx.msk $0xffff, v32  }
0x191: {  	v38 =	vor.u32 v38, v29;
	v32 =	vld.idx.msk [tilespmem:v21+s17+$0x0], $0xffff  }
0x192: {  	v21 =	vor.u32 v39, v30;
	_ =	sdelay $0x3  }
0x193: {  	[tilespmem:v38+s20+$0x0] =	vst.idx.msk $0xffff, v32  }
0x194: {  	v31 =	vor.u32 v40, v31;
	v32 =	vld.idx.msk [tilespmem:v21+s17+$0x0], $0xffff  }
0x195: {  	v38 =	vor.u32 v41, v30;
	_ =	sdelay $0x3  }
0x196: {  	[tilespmem:v31+s20+$0x0] =	vst.idx.msk $0xffff, v32;
	v31 =	vor.u32 v42, v29  }
0x197: {  	v32 =	vld.idx.msk [tilespmem:v38+s17+$0x0], $0xffff;
	v31 =	vand.u32 v43, v31  }
0x198: {  	v39 =	vor.u32 v44, v30;
	_ =	sdelay $0x3  }
0x199: {  	[tilespmem:v31+s20+$0x0] =	vst.idx.msk $0xffff, v32;
	v31 =	vor.u32 v45, v29  }
0x19a: {  	v32 =	vld.idx.msk [tilespmem:v39+s17+$0x0], $0xffff;
	v31 =	vand.u32 v46, v31  }
0x19b: {  	v40 =	vor.u32 v47, v30;
	_ =	sdelay $0x3  }
0x19c: {  	[tilespmem:v31+s20+$0x0] =	vst.idx.msk $0xffff, v32;
	v31 =	vor.u32 v48, v29  }
0x19d: {  	v32 =	vld.idx.msk [tilespmem:v40+s17+$0x0], $0xffff;
	v31 =	vand.u32 v49, v31  }
0x19e: {  	v41 =	vor.u32 v50, v30;
	_ =	sdelay $0x3  }
0x19f: {  	[tilespmem:v31+s20+$0x0] =	vst.idx.msk $0xffff, v32;
	v31 =	vor.u32 v51, v29  }
0x1a0: {  	v32 =	vld.idx.msk [tilespmem:v41+s17+$0x0], $0xffff;
	v31 =	vand.u32 v52, v31  }
0x1a1: {  	v42 =	vor.u32 v53, v30;
	_ =	sdelay $0x3  }
0x1a2: {  	[tilespmem:v31+s20+$0x0] =	vst.idx.msk $0xffff, v32;
	v31 =	vor.u32 v54, v29  }
0x1a3: {  	v32 =	vld.idx.msk [tilespmem:v42+s17+$0x0], $0xffff;
	v31 =	vand.u32 v55, v31  }
0x1a4: {  	v43 =	vor.u32 v56, v30;
	_ =	sdelay $0x3  }
0x1a5: {  	[tilespmem:v31+s20+$0x0] =	vst.idx.msk $0xffff, v32;
	v31 =	vor.u32 v57, v29  }
0x1a6: {  	v32 =	vld.idx.msk [tilespmem:v43+s17+$0x0], $0xffff;
	v31 =	vand.u32 v58, v31  }
0x1a7: {  	v44 =	vor.u32 v59, v30;
	_ =	sdelay $0x3  }
0x1a8: {  	[tilespmem:v31+s20+$0x0] =	vst.idx.msk $0xffff, v32;
	v31 =	vor.u32 v60, v29  }
0x1a9: {  	v32 =	vld.idx.msk [tilespmem:v44+s17+$0x0], $0xffff;
	v31 =	vand.u32 v61, v31;
	_ =	sdelay $0x4  }
0x1aa: {  	v45 =	vor.u32 v62, v30;
	[tilespmem:v31+s20+$0x0] =	vst.idx.msk $0xffff, v32;
	v31 =	vor.u32 v63, v29  }
0x1ab: {  	v31 =	vand.u32 v2, v31;
	v2 =	vld [tilespmem:$0x1FC10];
	_ =	sdelay $0x3  }
0x1ac: {  	v32 =	vld.idx.msk [tilespmem:v45+s17+$0x0], $0xffff  }
0x1ad: {  	v47 =	vld [tilespmem:$0x1FC20];
	v46 =	vor.u32 v2, v30;
	_ =	sdelay $0x3  }
0x1ae: {  	v40 =	vld [tilespmem:$0x1FC30];
	[tilespmem:v31+s20+$0x0] =	vst.idx.msk $0xffff, v32;
	v31 =	vor.u32 v3, v29  }
0x1af: {  	v31 =	vand.u32 v47, v31;
	v32 =	vld.idx.msk [tilespmem:v46+s17+$0x0], $0xffff  }
0x1b0: {  	v48 =	vor.u32 v4, v30  }
0x1b1: {  	v3 =	vld [tilespmem:$0x1FC40];
	_ =	sdelay $0x2  }
0x1b2: {  	[tilespmem:v31+s20+$0x0] =	vst.idx.msk $0xffff, v32;
	v31 =	vor.u32 v40, v29  }
0x1b3: {  	v32 =	vld.idx.msk [tilespmem:v48+s17+$0x0], $0xffff;
	v31 =	vand.u32 v5, v31  }
0x1b4: {  	v50 =	vld [tilespmem:$0x1FC50];
	v49 =	vor.u32 v3, v30;
	_ =	sdelay $0x3  }
0x1b5: {  	v52 =	vld [tilespmem:$0x1FC60];
	[tilespmem:v31+s20+$0x0] =	vst.idx.msk $0xffff, v32;
	v31 =	vor.u32 v6, v29  }
0x1b6: {  	v32 =	vld.idx.msk [tilespmem:v49+s17+$0x0], $0xffff;
	v31 =	vand.u32 v50, v31  }
0x1b7: {  	v51 =	vor.u32 v7, v30;
	_ =	sdelay $0x3  }
0x1b8: {  	v54 =	vld [tilespmem:$0x1FC70];
	[tilespmem:v31+s20+$0x0] =	vst.idx.msk $0xffff, v32;
	v31 =	vor.u32 v52, v29  }
0x1b9: {  	v32 =	vld.idx.msk [tilespmem:v51+s17+$0x0], $0xffff;
	v31 =	vand.u32 v8, v31  }
0x1ba: {  	v53 =	vor.u32 v28, v30  }
0x1bb: {  	v55 =	vld [tilespmem:$0x1FC80];
	_ =	sdelay $0x2  }
0x1bc: {  	[tilespmem:v31+s20+$0x0] =	vst.idx.msk $0xffff, v32;
	v31 =	vor.u32 v54, v29  }
0x1bd: {  	v32 =	vld.idx.msk [tilespmem:v53+s17+$0x0], $0xffff;
	v31 =	vand.u32 v1, v31  }
0x1be: {  	v56 =	vor.u32 v55, v30;
	v57 =	vld [tilespmem:$0x1FC90];
	_ =	sdelay $0x3  }
0x1bf: {  	v59 =	vld [tilespmem:$0x1FCA0];
	[tilespmem:v31+s20+$0x0] =	vst.idx.msk $0xffff, v32;
	v31 =	vor.u32 v9, v29  }
0x1c0: {  	v32 =	vld.idx.msk [tilespmem:v56+s17+$0x0], $0xffff;
	v31 =	vand.u32 v57, v31  }
0x1c1: {  	v58 =	vor.u32 v10, v30  }
0x1c2: {  	v60 =	vld [tilespmem:$0x1FCB0];
	_ =	sdelay $0x2  }
0x1c3: {  	v62 =	vld [tilespmem:$0x1FF70];
	[tilespmem:v31+s20+$0x0] =	vst.idx.msk $0xffff, v32;
	v31 =	vor.u32 v59, v29  }
0x1c4: {  	v32 =	vld.idx.msk [tilespmem:v58+s17+$0x0], $0xffff;
	v31 =	vand.u32 v11, v31  }
0x1c5: {  	v28 =	vld [tilespmem:$0x1FFC0];
	v61 =	vor.u32 v60, v30  }
0x1c6: {  	v12 =	vld [tilespmem:$0x1FCC0];
	_ =	sdelay $0x2  }
0x1c7: {  	v1 =	vld [tilespmem:$0x1FF60];
	[tilespmem:v31+s20+$0x0] =	vst.idx.msk $0xffff, v32;
	v31 =	vor.u32 v62, v29  }
0x1c8: {  	v32 =	vld.idx.msk [tilespmem:v61+s17+$0x0], $0xffff;
	v31 =	vand.u32 v28, v31  }
0x1c9: {  	v63 =	vor.u32 v12, v30;
	v8 =	vld [tilespmem:$0x1FCD0]  }
0x1ca: {  	v9 =	vld [tilespmem:$0x1FF80];
	_ =	sdelay $0x2  }
0x1cb: {  	v56 =	vld [tilespmem:$0x1FCE0];
	[tilespmem:v31+s20+$0x0] =	vst.idx.msk $0xffff, v32;
	v31 =	vor.u32 v1, v29  }
0x1cc: {  	v32 =	vld.idx.msk [tilespmem:v63+s17+$0x0], $0xffff;
	v31 =	vand.u32 v8, v31  }
0x1cd: {  	v10 =	vor.u32 v9, v30;
	v11 =	vld [tilespmem:$0x1FF90];
	_ =	sdelay $0x3  }
0x1ce: {  	[tilespmem:v31+s20+$0x0] =	vst.idx.msk $0xffff, v32;
	v31 =	vor.u32 v56, v29  }
0x1cf: {  	v32 =	vld.idx.msk [tilespmem:v10+s17+$0x0], $0xffff;
	v31 =	vand.u32 v11, v31  }
0x1d0: {  	v12 =	vld [tilespmem:$0x1FFB0];
	_ =	sdelay $0x3  }
0x1d1: {  	[tilespmem:v31+s20+$0x0] =	vst.idx.msk $0xffff, v32;
	v32 =	vld [tilespmem:$0x1FEB0]  }
0x1d2: {  	v34 =	vld [tilespmem:$0x1FEC0];
	v21 =	vor.u32 v12, v30;
	_ =	sdelay $0x3  }
0x1d3: {  	v31 =	vor.u32 v32, v29  }
0x1d4: {  	v32 =	vld.idx.msk [tilespmem:v21+s17+$0x0], $0xffff;
	v31 =	vand.u32 v34, v31  }
0x1d5: {  	v38 =	vor.u32 v18, v30;
	_ =	sdelay $0x3  }
0x1d6: {  	[tilespmem:v31+s20+$0x0] =	vst.idx.msk $0xffff, v32;
	v31 =	vor.u32 v20, v29  }
0x1d7: {  	v32 =	vld.idx.msk [tilespmem:v38+s17+$0x0], $0xffff;
	v31 =	vand.u32 v16, v31  }
0x1d8: {  	v39 =	vor.u32 v0, v30;
	_ =	sdelay $0x3  }
0x1d9: {  	[tilespmem:v31+s20+$0x0] =	vst.idx.msk $0xffff, v32;
	v31 =	vor.u32 v19, v29  }
0x1da: {  	v32 =	vld.idx.msk [tilespmem:v39+s17+$0x0], $0xffff;
	v31 =	vand.u32 v35, v31  }
0x1db: {  	v42 =	vor.u32 v27, v30;
	v43 =	vld [tilespmem:$0x1FB50]  }
0x1dc: {  	v44 =	vld [tilespmem:$0x1FB60];
	_ =	sdelay $0x2  }
0x1dd: {  	v46 =	vld [tilespmem:$0x1FB70];
	[tilespmem:v31+s20+$0x0] =	vst.idx.msk $0xffff, v32;
	v31 =	vor.u32 v37, v29  }
0x1de: {  	v32 =	vld.idx.msk [tilespmem:v42+s17+$0x0], $0xffff;
	v31 =	vand.u32 v43, v31  }
0x1df: {  	v45 =	vor.u32 v44, v30;
	v47 =	vld [tilespmem:$0x1FB80]  }
0x1e0: {  	v48 =	vld [tilespmem:$0x1FB90];
	_ =	sdelay $0x2  }
0x1e1: {  	v50 =	vld [tilespmem:$0x1FBA0];
	[tilespmem:v31+s20+$0x0] =	vst.idx.msk $0xffff, v32;
	v31 =	vor.u32 v46, v29  }
0x1e2: {  	v32 =	vld.idx.msk [tilespmem:v45+s17+$0x0], $0xffff;
	v31 =	vand.u32 v47, v31  }
0x1e3: {  	v49 =	vor.u32 v48, v30;
	v51 =	vld [tilespmem:$0x1FBB0]  }
0x1e4: {  	v52 =	vld [tilespmem:$0x1FBC0];
	_ =	sdelay $0x2  }
0x1e5: {  	v54 =	vld [tilespmem:$0x1FBD0];
	[tilespmem:v31+s20+$0x0] =	vst.idx.msk $0xffff, v32;
	v31 =	vor.u32 v50, v29  }
0x1e6: {  	v32 =	vld.idx.msk [tilespmem:v49+s17+$0x0], $0xffff;
	v31 =	vand.u32 v51, v31  }
0x1e7: {  	v55 =	vld [tilespmem:$0x1FBE0];
	v53 =	vor.u32 v52, v30  }
0x1e8: {  	v57 =	vld [tilespmem:$0x1FBF0];
	_ =	sdelay $0x2  }
0x1e9: {  	v59 =	vld [tilespmem:$0x1FC00];
	[tilespmem:v31+s20+$0x0] =	vst.idx.msk $0xffff, v32;
	v31 =	vor.u32 v54, v29  }
0x1ea: {  	v32 =	vld.idx.msk [tilespmem:v53+s17+$0x0], $0xffff;
	v31 =	vand.u32 v55, v31  }
0x1eb: {  	v58 =	vor.u32 v57, v30;
	_ =	sdelay $0x3  }
0x1ec: {  	[tilespmem:v31+s20+$0x0] =	vst.idx.msk $0xffff, v32;
	v31 =	vor.u32 v59, v29  }
0x1ed: {  	v32 =	vld.idx.msk [tilespmem:v58+s17+$0x0], $0xffff;
	v31 =	vand.u32 v23, v31  }
0x1ee: {  	v60 =	vor.u32 v13, v30;
	_ =	sdelay $0x3  }
0x1ef: {  	[tilespmem:v31+s20+$0x0] =	vst.idx.msk $0xffff, v32;
	v31 =	vor.u32 v14, v29  }
0x1f0: {  	v32 =	vld.idx.msk [tilespmem:v60+s17+$0x0], $0xffff;
	v31 =	vand.u32 v15, v31  }
0x1f1: {  	v61 =	vor.u32 v17, v30;
	_ =	sdelay $0x3  }
0x1f2: {  	[tilespmem:v31+s20+$0x0] =	vst.idx.msk $0xffff, v32;
	v31 =	vor.u32 v24, v29  }
0x1f3: {  	v32 =	vld.idx.msk [tilespmem:v61+s17+$0x0], $0xffff;
	v31 =	vand.u32 v25, v31  }
0x1f4: {  	v62 =	vld [tilespmem:$0x1FA70];
	v30 =	vor.u32 v26, v30  }
0x1f5: {  	[tilespmem:$0x1FA40] =	vst v20  }
0x1f6: {  	[tilespmem:$0x1FA50] =	vst v19  }
0x1f7: {  	[tilespmem:$0x1FA60] =	vst v37  }
0x1f8: {  	v29 =	vor.u32 v22, v29;
	[tilespmem:v31+s20+$0x0] =	vst.idx.msk $0xffff, v32  }
0x1f9: {  	[tilespmem:$0x1FA80] =	vst v22;
	v29 =	vand.u32 v62, v29;
	v30 =	vld.idx.msk [tilespmem:v30+s17+$0x0], $0xffff  }
0x1fa: {  	s24 =	sadd.s32 s5, s24;
	[tilespmem:$0x1FA90] =	vst v26  }
0x1fb: {  	[tilespmem:$0x1FAA0] =	vst v0;
	s25 =	sshll.u32 s24, $0xA;
	s24 =	sshll.u32 s24, $0x7  }
0x1fc: {  	[tilespmem:$0x1FAB0] =	vst v25;
	s25 =	sand.u32 $0xFFE0000, s25;
	s24 =	sand.u32 $0x3F00, s24  }
0x1fd: {  	[tilespmem:$0x1FAC0] =	vst v24;
	s24 =	sor.u32 s24, s25  }
0x1fe: {  	s25 =	sadd.s32 s2, s24;
	[tilespmem:v29+s20+$0x0] =	vst.idx.msk $0xffff, v30  }
0x1ff: {  	[hbm4b:s25+s3] =	stream.linear.scatter [tilespmem:s20], [sflag:$0x2], $0x400, $0x38;
	[tilespmem:$0xE400] =	vst v63  }
0x200: {  	s26 =	simm.s32 $0xA800;
	[tilespmem:$0x1FAD0] =	vst v17;
	s25 =	sadd.s32 s24, s7  }
0x201: {  	[hbm4b:s25+s3] =	stream.linear.scatter [tilespmem:s26], [sflag:$0x2], $0x400, $0x38;
	[tilespmem:$0xE400] =	vst v63  }
0x202: {  	[tilespmem:$0x1FAE0] =	vst v15;
	s25 =	sadd.s32 s24, s8;
	s26 =	simm.s32 $0xAC00  }
0x203: {  	[hbm4b:s25+s3] =	stream.linear.scatter [tilespmem:s26], [sflag:$0x2], $0x400, $0x38;
	[tilespmem:$0xE400] =	vst v63  }
0x204: {  	[tilespmem:$0x1FAF0] =	vst v14;
	s25 =	sadd.s32 s24, s9;
	s26 =	simm.s32 $0xB000  }
0x205: {  	[hbm4b:s25+s3] =	stream.linear.scatter [tilespmem:s26], [sflag:$0x2], $0x400, $0x38;
	[tilespmem:$0xE400] =	vst v63  }
0x206: {  	[tilespmem:$0x1FB00] =	vst v13;
	s25 =	sadd.s32 s24, s10;
	s26 =	simm.s32 $0xB400  }
0x207: {  	[hbm4b:s25+s3] =	stream.linear.scatter [tilespmem:s26], [sflag:$0x2], $0x400, $0x38;
	[tilespmem:$0xE400] =	vst v63  }
0x208: {  	p1 =	sne.s32 s22, $0x63;
	[tilespmem:$0x1FB10] =	vst v23;
	s25 =	sadd.s32 s24, s11;
	s26 =	simm.s32 $0xB800  }
0x209: {  	[hbm4b:s25+s3] =	stream.linear.scatter [tilespmem:s26], [sflag:$0x2], $0x400, $0x38;
	[tilespmem:$0xE400] =	vst v63  }
.Ltmp1:
0x20a: {  	[tilespmem:$0x1FB20] =	vst v27;
	(pc) =	sbr.rel @p1 .LBB2_6-.Ltmp1, $4  }
0x20b: {  	[tilespmem:$0x1FB40] =	vst v16;
	s25 =	sadd.s32 s24, s12;
	s26 =	simm.s32 $0xBC00  }
0x20c: {  	v41 =	vmov v35;
	[hbm4b:s25+s3] =	stream.linear.scatter [tilespmem:s26], [sflag:$0x2], $0x400, $0x38;
	[tilespmem:$0xE400] =	vst v63  }
0x20d: {  	[tilespmem:$0x1FB30] =	vst v41;
	v63 =	vmov v2;
	s24 =	sadd.s32 s24, s13  }
0x20e: {  	v28 =	vmov v40;
	v13 =	vmov v63;
	v25 =	vmov v3;
	[hbm4b:s24+s3] =	stream.linear.scatter [tilespmem:s28], [sflag:$0x2], $0x400, $0x38;
	[tilespmem:$0xE400] =	vst v63  }
.Ltmp2:
0x20f: {  	(pc) =	sbr.rel .LBB2_7-.Ltmp2, $4  }
0x210: {  	_ = 	snop  }
0x211: {  	_ =	swait.ge [sflag:s19], $0x2000  }
0x212: {  	[sflag:s19] =	ssyncset.done $0x0  }
0x213: {  	[sflag:s19] =	ssyncadd.s32 $0xFFFFE000  }
.LBB2_6:
0x214: {  	s24 =	sshll.u32 s22, $0x8  }
0x215: {  	s24 =	sand.u32 $0x3FFFFF00, s24  }
.Ltmp3:
0x216: {  	s24 =	sadd.s32 $0x100, s24;
	(pc) =	sbr.rel @p0 .LBB2_8-.Ltmp3, $4  }
0x217: {  	[tilespmem:s17], [sflag:$0x1] =	stream.indirect.gather [hbm4b:s4+s16], $0x40, s24, s16, $0xb8;
	[tilespmem:$0xE400] =	vst v63  }
0x218: {  	_ =	swait.ge [sflag:s19], $0x2000  }
0x219: {  	[sflag:s19] =	ssyncset.done $0x0  }
0x21a: {  	[sflag:s19] =	ssyncadd.s32 $0xFFFFE000  }
.LBB2_7:
0x21b: {  	_ =	swait.ge [sflag:s29], $0x400  }
0x21c: {  	[sflag:s29] =	ssyncset.done $0x0  }
0x21d: {  	[sflag:s29] =	ssyncadd.s32 $0xFFFFFC00  }
0x21e: {  	_ =	swait.ge [sflag:s29], $0x400  }
0x21f: {  	[sflag:s29] =	ssyncset.done $0x0  }
0x220: {  	[sflag:s29] =	ssyncadd.s32 $0xFFFFFC00  }
0x221: {  	_ =	swait.ge [sflag:s29], $0x400  }
0x222: {  	[sflag:s29] =	ssyncset.done $0x0  }
0x223: {  	[sflag:s29] =	ssyncadd.s32 $0xFFFFFC00  }
0x224: {  	_ =	swait.ge [sflag:s29], $0x400  }
0x225: {  	[sflag:s29] =	ssyncset.done $0x0  }
0x226: {  	[sflag:s29] =	ssyncadd.s32 $0xFFFFFC00  }
0x227: {  	_ =	swait.ge [sflag:s29], $0x400  }
0x228: {  	[sflag:s29] =	ssyncset.done $0x0  }
0x229: {  	[sflag:s29] =	ssyncadd.s32 $0xFFFFFC00  }
0x22a: {  	_ =	swait.ge [sflag:s29], $0x400  }
0x22b: {  	[sflag:s29] =	ssyncset.done $0x0  }
0x22c: {  	[sflag:s29] =	ssyncadd.s32 $0xFFFFFC00  }
0x22d: {  	_ =	swait.ge [sflag:s29], $0x400  }
0x22e: {  	[sflag:s29] =	ssyncset.done $0x0  }
0x22f: {  	[sflag:s29] =	ssyncadd.s32 $0xFFFFFC00  }
0x230: {  	_ =	swait.ge [sflag:s29], $0x400  }
0x231: {  	[sflag:s29] =	ssyncset.done $0x0  }
0x232: {  	[sflag:s29] =	ssyncadd.s32 $0xFFFFFC00  }
.LBB2_8:
0x233: {  	s24 =	simm.s32 $0x0;
	v22 =	vlaneseq.u32;
	v0 =	vld [tilespmem:$0x1FCF0]  }
0x234: {  	v29 =	vadd.s32 s24, v22  }
0x235: {  	v30 =	vand.u32 $0xF, v29  }
0x236: {  	v31 =	vor.u32 v36, v30;
	_ =	sdelay $0x1  }
0x237: {  	v35 =	vmov v0;
	v34 =	vor.u32 v0, v30;
	v0 =	vld [tilespmem:$0x1FD00]  }
0x238: {  	v29 =	vshll.u32 v29, $0x7  }
0x239: {  	v32 =	vand.u32 $0x780, v29  }
0x23a: {  	v33 =	vor.u32 v22, v32;
	v31 =	vld.idx.msk [tilespmem:v31+s18+$0x0], $0xffff;
	_ =	sdelay $0x1  }
0x23b: {  	v63 =	vmov v0;
	v39 =	vor.u32 v0, v29;
	v0 =	vld [tilespmem:$0x1FD10];
	_ =	sdelay $0x2  }
0x23c: {  	[tilespmem:v33+s30+$0x0] =	vst.idx.msk $0xffff, v31  }
0x23d: {  	v31 =	vld.idx.msk [tilespmem:v34+s18+$0x0], $0xffff  }
0x23e: {  	v3 =	vld [tilespmem:$0x1FD30];
	v40 =	vor.u32 v0, v30  }
0x23f: {  	v62 =	vmov v0;
	v0 =	vld [tilespmem:$0x1FD20];
	_ =	sdelay $0x2  }
0x240: {  	[tilespmem:v39+s30+$0x0] =	vst.idx.msk $0xffff, v31  }
0x241: {  	v31 =	vld.idx.msk [tilespmem:v40+s18+$0x0], $0xffff  }
0x242: {  	v41 =	vor.u32 v3, v30;
	v37 =	vmovc v0;
	v32 =	vor.u32 v0, v32;
	v0 =	vmov v3;
	v3 =	vld [tilespmem:$0x1FD40];
	_ =	sdelay $0x4  }
0x243: {  	[tilespmem:v32+s30+$0x0] =	vst.idx.msk $0xffff, v31;
	v38 =	vmov v3;
	v31 =	vor.u32 v3, v29;
	v3 =	vld [tilespmem:$0x1FD50];
	_ =	sdelay $0x4  }
0x244: {  	v27 =	vmov v3;
	v31 =	vand.u32 v3, v31;
	v3 =	vld [tilespmem:$0x1FD60];
	_ =	sdelay $0x3  }
0x245: {  	v32 =	vld.idx.msk [tilespmem:v41+s18+$0x0], $0xffff  }
0x246: {  	v7 =	vmov v3;
	v42 =	vor.u32 v3, v30;
	v3 =	vld [tilespmem:$0x1FD70];
	_ =	sdelay $0x4  }
0x247: {  	[tilespmem:v31+s30+$0x0] =	vst.idx.msk $0xffff, v32;
	v6 =	vmov v3;
	v31 =	vor.u32 v3, v29;
	v3 =	vld [tilespmem:$0x1FD80];
	_ =	sdelay $0x3  }
0x248: {  	v32 =	vld.idx.msk [tilespmem:v42+s18+$0x0], $0xffff  }
0x249: {  	v42 =	vmov v3;
	v31 =	vand.u32 v3, v31;
	v3 =	vld [tilespmem:$0x1FD90];
	_ =	sdelay $0x3  }
0x24a: {  	v12 =	vld [tilespmem:$0x1FDC0]  }
0x24b: {  	v9 =	vmov v3;
	v43 =	vor.u32 v3, v30;
	v3 =	vld [tilespmem:$0x1FDA0]  }
0x24c: {  	v10 =	vld [tilespmem:$0x1FDB0];
	_ =	sdelay $0x3  }
0x24d: {  	v44 =	vor.u32 v12, v30;
	v12 =	vld [tilespmem:$0x1FDD0];
	[tilespmem:v31+s30+$0x0] =	vst.idx.msk $0xffff, v32;
	v31 =	vor.u32 v3, v29  }
0x24e: {  	v32 =	vld.idx.msk [tilespmem:v43+s18+$0x0], $0xffff;
	v31 =	vand.u32 v10, v31  }
0x24f: {  	v19 =	vld [tilespmem:$0x1FDE0];
	_ =	sdelay $0x3  }
0x250: {  	[tilespmem:v31+s30+$0x0] =	vst.idx.msk $0xffff, v32;
	v31 =	vor.u32 v12, v29  }
0x251: {  	v12 =	vmov v19;
	v31 =	vand.u32 v19, v31;
	v19 =	vld [tilespmem:$0x1FDF0];
	_ =	sdelay $0x3  }
0x252: {  	v32 =	vld.idx.msk [tilespmem:v44+s18+$0x0], $0xffff  }
0x253: {  	v39 =	vmov v19;
	v45 =	vor.u32 v19, v30;
	v19 =	vld [tilespmem:$0x1FE00];
	_ =	sdelay $0x4  }
0x254: {  	[tilespmem:v31+s30+$0x0] =	vst.idx.msk $0xffff, v32;
	v59 =	vmov v19;
	v31 =	vor.u32 v19, v29;
	v19 =	vld [tilespmem:$0x1FE10];
	_ =	sdelay $0x4  }
0x255: {  	v57 =	vmov v19;
	v31 =	vand.u32 v19, v31;
	v19 =	vld [tilespmem:$0x1FE20];
	_ =	sdelay $0x3  }
0x256: {  	v32 =	vld.idx.msk [tilespmem:v45+s18+$0x0], $0xffff  }
0x257: {  	v58 =	vmov v19;
	v46 =	vor.u32 v19, v30;
	v19 =	vld [tilespmem:$0x1FE30];
	_ =	sdelay $0x4  }
0x258: {  	[tilespmem:v31+s30+$0x0] =	vst.idx.msk $0xffff, v32;
	v54 =	vmov v19;
	v31 =	vor.u32 v19, v29;
	v19 =	vld [tilespmem:$0x1FE40];
	_ =	sdelay $0x4  }
0x259: {  	v11 =	vmov v19;
	v31 =	vand.u32 v19, v31;
	v19 =	vld [tilespmem:$0x1FE50];
	_ =	sdelay $0x3  }
0x25a: {  	v32 =	vld.idx.msk [tilespmem:v46+s18+$0x0], $0xffff  }
0x25b: {  	v14 =	vmov v19;
	v47 =	vor.u32 v19, v30;
	v19 =	vld [tilespmem:$0x1FE60];
	_ =	sdelay $0x4  }
0x25c: {  	[tilespmem:v31+s30+$0x0] =	vst.idx.msk $0xffff, v32;
	v61 =	vmov v19;
	v31 =	vor.u32 v19, v29;
	v19 =	vld [tilespmem:$0x1FE70];
	_ =	sdelay $0x4  }
0x25d: {  	v3 =	vmov v19;
	v31 =	vand.u32 v19, v31;
	v19 =	vld [tilespmem:$0x1FE80];
	_ =	sdelay $0x3  }
0x25e: {  	v32 =	vld.idx.msk [tilespmem:v47+s18+$0x0], $0xffff  }
0x25f: {  	v15 =	vmov v19;
	v48 =	vor.u32 v19, v30;
	v19 =	vld [tilespmem:$0x1FE90];
	_ =	sdelay $0x4  }
0x260: {  	[tilespmem:v31+s30+$0x0] =	vst.idx.msk $0xffff, v32;
	v55 =	vmov v19;
	v31 =	vor.u32 v19, v29;
	v19 =	vld [tilespmem:$0x1FEA0];
	_ =	sdelay $0x3  }
0x261: {  	v1 =	vld [tilespmem:$0x1FFA0]  }
0x262: {  	v32 =	vld.idx.msk [tilespmem:v48+s18+$0x0], $0xffff;
	v31 =	vand.u32 v19, v31;
	_ =	sdelay $0x4  }
0x263: {  	v60 =	vmov v19;
	v19 =	vmov v1;
	[tilespmem:v31+s30+$0x0] =	vst.idx.msk $0xffff, v32;
	v31 =	vor.u32 v1, v29;
	v1 =	vld [tilespmem:$0x1FC20];
	_ =	sdelay $0x3  }
0x264: {  	v49 =	vor.u32 v13, v30  }
0x265: {  	v53 =	vmov v1;
	v31 =	vand.u32 v1, v31;
	v1 =	vld [tilespmem:$0x1FFD0];
	_ =	sdelay $0x3  }
0x266: {  	v32 =	vld.idx.msk [tilespmem:v49+s18+$0x0], $0xffff  }
0x267: {  	v10 =	vmov v1;
	v50 =	vor.u32 v1, v30;
	v1 =	vld [tilespmem:$0x1FEE0];
	_ =	sdelay $0x3  }
0x268: {  	v4 =	vld [tilespmem:$0x1FEF0];
	[tilespmem:v31+s30+$0x0] =	vst.idx.msk $0xffff, v32;
	v31 =	vor.u32 v28, v29  }
0x269: {  	v32 =	vld.idx.msk [tilespmem:v50+s18+$0x0], $0xffff;
	v31 =	vand.u32 v1, v31;
	_ =	sdelay $0x3  }
0x26a: {  	v5 =	vld [tilespmem:$0x1FF00];
	v51 =	vor.u32 v25, v30  }
0x26b: {  	v23 =	vmov v1;
	v1 =	vmov v4;
	[tilespmem:v31+s30+$0x0] =	vst.idx.msk $0xffff, v32;
	v31 =	vor.u32 v4, v29;
	v4 =	vld [tilespmem:$0x1FC50];
	_ =	sdelay $0x3  }
0x26c: {  	v32 =	vld.idx.msk [tilespmem:v51+s18+$0x0], $0xffff  }
0x26d: {  	v52 =	vor.u32 v5, v30;
	v41 =	vmovc v4;
	v31 =	vand.u32 v4, v31;
	v4 =	vmov v5;
	v5 =	vld [tilespmem:$0x1FC60]  }
0x26e: {  	v8 =	vld [tilespmem:$0x1FF10];
	_ =	sdelay $0x3  }
0x26f: {  	[tilespmem:v31+s30+$0x0] =	vst.idx.msk $0xffff, v32;
	v31 =	vor.u32 v5, v29  }
0x270: {  	v49 =	vmov v5;
	v5 =	vmov v8;
	v31 =	vand.u32 v8, v31;
	v8 =	vld [tilespmem:$0x1FFE0];
	_ =	sdelay $0x3  }
0x271: {  	v32 =	vld.idx.msk [tilespmem:v52+s18+$0x0], $0xffff  }
0x272: {  	v50 =	vmov v8;
	v40 =	vor.u32 v8, v30;
	v8 =	vld [tilespmem:$0x1FC70]  }
0x273: {  	v17 =	vld [tilespmem:$0x1FF20];
	_ =	sdelay $0x3  }
0x274: {  	[tilespmem:v31+s30+$0x0] =	vst.idx.msk $0xffff, v32;
	v31 =	vor.u32 v8, v29  }
0x275: {  	v16 =	vmov v8;
	v8 =	vmov v17;
	v31 =	vand.u32 v17, v31;
	v17 =	vld [tilespmem:$0x1FC80];
	_ =	sdelay $0x3  }
0x276: {  	v32 =	vld.idx.msk [tilespmem:v40+s18+$0x0], $0xffff  }
0x277: {  	v2 =	vmov v17;
	v43 =	vor.u32 v17, v30;
	v17 =	vld [tilespmem:$0x1FF30]  }
0x278: {  	v26 =	vld [tilespmem:$0x1FC90]  }
0x279: {  	v20 =	vld [tilespmem:$0x1FF50];
	_ =	sdelay $0x2  }
0x27a: {  	[tilespmem:v31+s30+$0x0] =	vst.idx.msk $0xffff, v32;
	v31 =	vor.u32 v17, v29  }
0x27b: {  	v32 =	vld.idx.msk [tilespmem:v43+s18+$0x0], $0xffff;
	v31 =	vand.u32 v26, v31  }
0x27c: {  	v44 =	vor.u32 v20, v30;
	v52 =	vld [tilespmem:$0x1FCA0]  }
0x27d: {  	v18 =	vmov v17;
	v17 =	vmov v20;
	v20 =	vld [tilespmem:$0x1FF40];
	_ =	sdelay $0x2  }
0x27e: {  	[tilespmem:v31+s30+$0x0] =	vst.idx.msk $0xffff, v32  }
0x27f: {  	v31 =	vor.u32 v52, v29;
	v32 =	vld.idx.msk [tilespmem:v44+s18+$0x0], $0xffff  }
0x280: {  	v43 =	vmov v20;
	v31 =	vand.u32 v20, v31;
	v20 =	vld [tilespmem:$0x1FF70];
	_ =	sdelay $0x3  }
0x281: {  	v48 =	vld [tilespmem:$0x1FCB0]  }
0x282: {  	[tilespmem:v31+s30+$0x0] =	vst.idx.msk $0xffff, v32;
	v40 =	vmov v20;
	v31 =	vor.u32 v20, v29;
	v20 =	vld [tilespmem:$0x1FFC0];
	_ =	sdelay $0x3  }
0x283: {  	v45 =	vor.u32 v48, v30  }
0x284: {  	v24 =	vmov v20;
	v31 =	vand.u32 v20, v31;
	v20 =	vld [tilespmem:$0x1FCC0];
	_ =	sdelay $0x3  }
0x285: {  	v32 =	vld.idx.msk [tilespmem:v45+s18+$0x0], $0xffff  }
0x286: {  	v46 =	vor.u32 v20, v30;
	_ =	sdelay $0x3  }
0x287: {  	v51 =	vmov v20;
	[tilespmem:v31+s30+$0x0] =	vst.idx.msk $0xffff, v32;
	v20 =	vld [tilespmem:$0x1FF60]  }
0x288: {  	v32 =	vld.idx.msk [tilespmem:v46+s18+$0x0], $0xffff  }
0x289: {  	v46 =	vld [tilespmem:$0x1FCD0]  }
0x28a: {  	v33 =	vld [tilespmem:$0x1FF80];
	_ =	sdelay $0x2  }
0x28b: {  	v31 =	vor.u32 v20, v29  }
0x28c: {  	v31 =	vand.u32 v46, v31  }
0x28d: {  	v47 =	vld [tilespmem:$0x1FF90];
	v44 =	vmov v33;
	v33 =	vor.u32 v33, v30;
	_ =	sdelay $0x3  }
0x28e: {  	[tilespmem:v31+s30+$0x0] =	vst.idx.msk $0xffff, v32;
	v31 =	vor.u32 v56, v29  }
0x28f: {  	v32 =	vld.idx.msk [tilespmem:v33+s18+$0x0], $0xffff;
	v31 =	vand.u32 v47, v31  }
0x290: {  	v45 =	vld [tilespmem:$0x1FFB0];
	_ =	sdelay $0x3  }
0x291: {  	[tilespmem:v31+s30+$0x0] =	vst.idx.msk $0xffff, v32;
	v31 =	vld [tilespmem:$0x1FEB0]  }
0x292: {  	v33 =	vor.u32 v45, v30;
	v47 =	vld [tilespmem:$0x1FEC0];
	_ =	sdelay $0x3  }
0x293: {  	v21 =	vmov v20;
	v20 =	vmov v26;
	v26 =	vld [tilespmem:$0x1FA40];
	v31 =	vor.u32 v31, v29  }
0x294: {  	v32 =	vld.idx.msk [tilespmem:v33+s18+$0x0], $0xffff;
	v31 =	vand.u32 v47, v31;
	_ =	sdelay $0x3  }
0x295: {  	v33 =	vld [tilespmem:$0x1FED0]  }
0x296: {  	[tilespmem:v31+s30+$0x0] =	vst.idx.msk $0xffff, v32;
	v31 =	vor.u32 v26, v29;
	v26 =	vld [tilespmem:$0x1FB40];
	_ =	sdelay $0x3  }
0x297: {  	v47 =	vmov v33;
	v33 =	vor.u32 v33, v30  }
0x298: {  	v45 =	vmov v26;
	v31 =	vand.u32 v26, v31;
	v26 =	vld [tilespmem:$0x1FAA0];
	_ =	sdelay $0x3  }
0x299: {  	v32 =	vld.idx.msk [tilespmem:v33+s18+$0x0], $0xffff  }
0x29a: {  	v33 =	vor.u32 v26, v30;
	v26 =	vld [tilespmem:$0x1FA50];
	_ =	sdelay $0x4  }
0x29b: {  	[tilespmem:v31+s30+$0x0] =	vst.idx.msk $0xffff, v32;
	v31 =	vor.u32 v26, v29;
	v26 =	vld [tilespmem:$0x1FB30];
	_ =	sdelay $0x4  }
0x29c: {  	v31 =	vand.u32 v26, v31;
	v26 =	vld [tilespmem:$0x1FB20];
	_ =	sdelay $0x3  }
0x29d: {  	v32 =	vld.idx.msk [tilespmem:v33+s18+$0x0], $0xffff  }
0x29e: {  	v33 =	vor.u32 v26, v30;
	v26 =	vld [tilespmem:$0x1FA60];
	_ =	sdelay $0x4  }
0x29f: {  	[tilespmem:v31+s30+$0x0] =	vst.idx.msk $0xffff, v32;
	v31 =	vor.u32 v26, v29;
	v26 =	vld [tilespmem:$0x1FB50];
	_ =	sdelay $0x4  }
0x2a0: {  	v31 =	vand.u32 v26, v31;
	v26 =	vld [tilespmem:$0x1FB60];
	_ =	sdelay $0x3  }
0x2a1: {  	v32 =	vld.idx.msk [tilespmem:v33+s18+$0x0], $0xffff  }
0x2a2: {  	v33 =	vor.u32 v26, v30;
	v26 =	vld [tilespmem:$0x1FB70];
	_ =	sdelay $0x4  }
0x2a3: {  	[tilespmem:v31+s30+$0x0] =	vst.idx.msk $0xffff, v32;
	v31 =	vor.u32 v26, v29;
	v26 =	vld [tilespmem:$0x1FB80];
	_ =	sdelay $0x4  }
0x2a4: {  	v31 =	vand.u32 v26, v31;
	v26 =	vld [tilespmem:$0x1FB90];
	_ =	sdelay $0x3  }
0x2a5: {  	v32 =	vld.idx.msk [tilespmem:v33+s18+$0x0], $0xffff  }
0x2a6: {  	v33 =	vor.u32 v26, v30;
	v26 =	vld [tilespmem:$0x1FBA0];
	_ =	sdelay $0x4  }
0x2a7: {  	[tilespmem:v31+s30+$0x0] =	vst.idx.msk $0xffff, v32;
	v31 =	vor.u32 v26, v29;
	v26 =	vld [tilespmem:$0x1FBB0];
	_ =	sdelay $0x4  }
0x2a8: {  	v31 =	vand.u32 v26, v31;
	v26 =	vld [tilespmem:$0x1FBC0];
	_ =	sdelay $0x3  }
0x2a9: {  	v32 =	vld.idx.msk [tilespmem:v33+s18+$0x0], $0xffff  }
0x2aa: {  	v33 =	vor.u32 v26, v30  }
0x2ab: {  	v26 =	vld [tilespmem:$0x1FBD0];
	_ =	sdelay $0x2  }
0x2ac: {  	[tilespmem:v31+s30+$0x0] =	vst.idx.msk $0xffff, v32  }
0x2ad: {  	v32 =	vld.idx.msk [tilespmem:v33+s18+$0x0], $0xffff  }
0x2ae: {  	v31 =	vor.u32 v26, v29;
	v26 =	vld [tilespmem:$0x1FBE0]  }
0x2af: {  	v33 =	vld [tilespmem:$0x1FBF0];
	_ =	sdelay $0x3  }
0x2b0: {  	v31 =	vand.u32 v26, v31  }
0x2b1: {  	v33 =	vor.u32 v33, v30;
	_ =	sdelay $0x3  }
0x2b2: {  	[tilespmem:v31+s30+$0x0] =	vst.idx.msk $0xffff, v32;
	v31 =	vld [tilespmem:$0x1FC00]  }
0x2b3: {  	v32 =	vld.idx.msk [tilespmem:v33+s18+$0x0], $0xffff  }
0x2b4: {  	v33 =	vld [tilespmem:$0x1FB10];
	_ =	sdelay $0x3  }
0x2b5: {  	v31 =	vor.u32 v31, v29  }
0x2b6: {  	v31 =	vand.u32 v33, v31;
	v33 =	vld [tilespmem:$0x1FB00];
	_ =	sdelay $0x4  }
0x2b7: {  	v33 =	vor.u32 v33, v30;
	_ =	sdelay $0x3  }
0x2b8: {  	[tilespmem:v31+s30+$0x0] =	vst.idx.msk $0xffff, v32;
	v31 =	vld [tilespmem:$0x1FAF0]  }
0x2b9: {  	v32 =	vld.idx.msk [tilespmem:v33+s18+$0x0], $0xffff  }
0x2ba: {  	v33 =	vld [tilespmem:$0x1FAE0];
	_ =	sdelay $0x3  }
0x2bb: {  	v31 =	vor.u32 v31, v29  }
0x2bc: {  	v31 =	vand.u32 v33, v31;
	v33 =	vld [tilespmem:$0x1FAD0];
	_ =	sdelay $0x4  }
0x2bd: {  	v33 =	vor.u32 v33, v30;
	_ =	sdelay $0x3  }
0x2be: {  	[tilespmem:v31+s30+$0x0] =	vst.idx.msk $0xffff, v32;
	v31 =	vld [tilespmem:$0x1FAC0]  }
0x2bf: {  	v32 =	vld.idx.msk [tilespmem:v33+s18+$0x0], $0xffff  }
0x2c0: {  	v33 =	vld [tilespmem:$0x1FAB0];
	_ =	sdelay $0x3  }
0x2c1: {  	v31 =	vor.u32 v31, v29  }
0x2c2: {  	v31 =	vand.u32 v33, v31;
	v33 =	vld [tilespmem:$0x1FA90];
	_ =	sdelay $0x4  }
0x2c3: {  	v30 =	vor.u32 v33, v30;
	_ =	sdelay $0x3  }
0x2c4: {  	[tilespmem:v31+s30+$0x0] =	vst.idx.msk $0xffff, v32  }
0x2c5: {  	v32 =	vld.idx.msk [tilespmem:v30+s18+$0x0], $0xffff  }
0x2c6: {  	v30 =	vld [tilespmem:$0x1FA80]  }
0x2c7: {  	v26 =	vld [tilespmem:$0x1FA70];
	_ =	sdelay $0x2  }
0x2c8: {  	s26 =	simm.s32 $0x1  }
0x2c9: {  	s24 =	simm.s32 $0x2;
	v31 =	vadd.s32 s26, v22;
	v29 =	vor.u32 v30, v29  }
.LBB2_9:
0x2ca: {  	v30 =	vand.u32 $0xF, v31;
	v33 =	vand.u32 v26, v29  }
0x2cb: {  	v34 =	vor.u32 v36, v30;
	_ =	sdelay $0x2  }
0x2cc: {  	v29 =	vshll.u32 v31, $0x7  }
0x2cd: {  	v22 =	vlaneseq.u32;
	v31 =	vand.u32 $0x780, v29;
	[tilespmem:v33+s30+$0x0] =	vst.idx.msk $0xffff, v32  }
0x2ce: {  	v33 =	vor.u32 v22, v31;
	v32 =	vld.idx.msk [tilespmem:v34+s18+$0x0], $0xffff  }
0x2cf: {  	v34 =	vor.u32 v35, v30;
	_ =	sdelay $0x3  }
0x2d0: {  	[tilespmem:v33+s30+$0x0] =	vst.idx.msk $0xffff, v32  }
0x2d1: {  	v33 =	vor.u32 v63, v29;
	v32 =	vld.idx.msk [tilespmem:v34+s18+$0x0], $0xffff  }
0x2d2: {  	v34 =	vor.u32 v62, v30;
	_ =	sdelay $0x3  }
0x2d3: {  	[tilespmem:v33+s30+$0x0] =	vst.idx.msk $0xffff, v32  }
0x2d4: {  	v31 =	vor.u32 v37, v31;
	v32 =	vld.idx.msk [tilespmem:v34+s18+$0x0], $0xffff  }
0x2d5: {  	v33 =	vor.u32 v0, v30;
	_ =	sdelay $0x3  }
0x2d6: {  	[tilespmem:v31+s30+$0x0] =	vst.idx.msk $0xffff, v32;
	v32 =	vor.u32 v38, v29  }
0x2d7: {  	v31 =	vld.idx.msk [tilespmem:v33+s18+$0x0], $0xffff;
	v32 =	vand.u32 v27, v32  }
0x2d8: {  	v33 =	vor.u32 v7, v30;
	_ =	sdelay $0x3  }
0x2d9: {  	[tilespmem:v32+s30+$0x0] =	vst.idx.msk $0xffff, v31;
	v32 =	vor.u32 v6, v29  }
0x2da: {  	v31 =	vld.idx.msk [tilespmem:v33+s18+$0x0], $0xffff;
	v32 =	vand.u32 v42, v32  }
0x2db: {  	v33 =	vor.u32 v9, v30;
	_ =	sdelay $0x3  }
0x2dc: {  	[tilespmem:v32+s30+$0x0] =	vst.idx.msk $0xffff, v31;
	v32 =	vld [tilespmem:$0x1FDA0]  }
0x2dd: {  	v31 =	vld.idx.msk [tilespmem:v33+s18+$0x0], $0xffff  }
0x2de: {  	v33 =	vld [tilespmem:$0x1FDB0];
	_ =	sdelay $0x3  }
0x2df: {  	v32 =	vor.u32 v32, v29  }
0x2e0: {  	v32 =	vand.u32 v33, v32  }
0x2e1: {  	v33 =	vld [tilespmem:$0x1FDC0];
	_ =	sdelay $0x3  }
0x2e2: {  	[tilespmem:v32+s30+$0x0] =	vst.idx.msk $0xffff, v31;
	v32 =	vld [tilespmem:$0x1FDD0]  }
0x2e3: {  	v33 =	vor.u32 v33, v30;
	_ =	sdelay $0x3  }
0x2e4: {  	v32 =	vor.u32 v32, v29  }
0x2e5: {  	v31 =	vld.idx.msk [tilespmem:v33+s18+$0x0], $0xffff;
	v32 =	vand.u32 v12, v32  }
0x2e6: {  	v33 =	vor.u32 v39, v30;
	_ =	sdelay $0x3  }
0x2e7: {  	[tilespmem:v32+s30+$0x0] =	vst.idx.msk $0xffff, v31;
	v32 =	vor.u32 v59, v29  }
0x2e8: {  	v31 =	vld.idx.msk [tilespmem:v33+s18+$0x0], $0xffff;
	v32 =	vand.u32 v57, v32  }
0x2e9: {  	v33 =	vor.u32 v58, v30;
	_ =	sdelay $0x3  }
0x2ea: {  	[tilespmem:v32+s30+$0x0] =	vst.idx.msk $0xffff, v31;
	v32 =	vor.u32 v54, v29  }
0x2eb: {  	v31 =	vld.idx.msk [tilespmem:v33+s18+$0x0], $0xffff;
	v32 =	vand.u32 v11, v32  }
0x2ec: {  	v33 =	vor.u32 v14, v30;
	_ =	sdelay $0x3  }
0x2ed: {  	[tilespmem:v32+s30+$0x0] =	vst.idx.msk $0xffff, v31;
	v32 =	vor.u32 v61, v29  }
0x2ee: {  	v31 =	vld.idx.msk [tilespmem:v33+s18+$0x0], $0xffff;
	v32 =	vand.u32 v3, v32  }
0x2ef: {  	v33 =	vor.u32 v15, v30;
	_ =	sdelay $0x3  }
0x2f0: {  	[tilespmem:v32+s30+$0x0] =	vst.idx.msk $0xffff, v31;
	v32 =	vor.u32 v55, v29  }
0x2f1: {  	v31 =	vld.idx.msk [tilespmem:v33+s18+$0x0], $0xffff;
	v32 =	vand.u32 v60, v32  }
0x2f2: {  	v33 =	vor.u32 v13, v30;
	_ =	sdelay $0x3  }
0x2f3: {  	[tilespmem:v32+s30+$0x0] =	vst.idx.msk $0xffff, v31;
	v32 =	vor.u32 v19, v29  }
0x2f4: {  	v31 =	vld.idx.msk [tilespmem:v33+s18+$0x0], $0xffff;
	v32 =	vand.u32 v53, v32  }
0x2f5: {  	v33 =	vor.u32 v10, v30;
	_ =	sdelay $0x3  }
0x2f6: {  	[tilespmem:v32+s30+$0x0] =	vst.idx.msk $0xffff, v31;
	v32 =	vor.u32 v28, v29  }
0x2f7: {  	v31 =	vld.idx.msk [tilespmem:v33+s18+$0x0], $0xffff;
	v32 =	vand.u32 v23, v32  }
0x2f8: {  	v33 =	vor.u32 v25, v30;
	_ =	sdelay $0x3  }
0x2f9: {  	[tilespmem:v32+s30+$0x0] =	vst.idx.msk $0xffff, v31;
	v32 =	vor.u32 v1, v29  }
0x2fa: {  	v31 =	vld.idx.msk [tilespmem:v33+s18+$0x0], $0xffff;
	v32 =	vand.u32 v41, v32  }
0x2fb: {  	v33 =	vor.u32 v4, v30;
	_ =	sdelay $0x3  }
0x2fc: {  	[tilespmem:v32+s30+$0x0] =	vst.idx.msk $0xffff, v31;
	v32 =	vor.u32 v49, v29  }
0x2fd: {  	v31 =	vld.idx.msk [tilespmem:v33+s18+$0x0], $0xffff;
	v32 =	vand.u32 v5, v32  }
0x2fe: {  	v33 =	vor.u32 v50, v30;
	_ =	sdelay $0x3  }
0x2ff: {  	[tilespmem:v32+s30+$0x0] =	vst.idx.msk $0xffff, v31;
	v32 =	vor.u32 v16, v29  }
0x300: {  	v31 =	vld.idx.msk [tilespmem:v33+s18+$0x0], $0xffff;
	v32 =	vand.u32 v8, v32  }
0x301: {  	v33 =	vor.u32 v2, v30;
	_ =	sdelay $0x3  }
0x302: {  	[tilespmem:v32+s30+$0x0] =	vst.idx.msk $0xffff, v31;
	v32 =	vor.u32 v18, v29  }
0x303: {  	v31 =	vld.idx.msk [tilespmem:v33+s18+$0x0], $0xffff;
	v32 =	vand.u32 v20, v32  }
0x304: {  	v33 =	vor.u32 v17, v30;
	_ =	sdelay $0x3  }
0x305: {  	[tilespmem:v32+s30+$0x0] =	vst.idx.msk $0xffff, v31;
	v32 =	vor.u32 v52, v29  }
0x306: {  	v31 =	vld.idx.msk [tilespmem:v33+s18+$0x0], $0xffff;
	v32 =	vand.u32 v43, v32  }
0x307: {  	v33 =	vor.u32 v48, v30;
	_ =	sdelay $0x3  }
0x308: {  	[tilespmem:v32+s30+$0x0] =	vst.idx.msk $0xffff, v31;
	v32 =	vor.u32 v40, v29  }
0x309: {  	v31 =	vld.idx.msk [tilespmem:v33+s18+$0x0], $0xffff;
	v32 =	vand.u32 v24, v32  }
0x30a: {  	v33 =	vor.u32 v51, v30;
	_ =	sdelay $0x3  }
0x30b: {  	[tilespmem:v32+s30+$0x0] =	vst.idx.msk $0xffff, v31;
	v32 =	vor.u32 v21, v29  }
0x30c: {  	v31 =	vld.idx.msk [tilespmem:v33+s18+$0x0], $0xffff;
	v32 =	vand.u32 v46, v32  }
0x30d: {  	v33 =	vor.u32 v44, v30;
	_ =	sdelay $0x3  }
0x30e: {  	[tilespmem:v32+s30+$0x0] =	vst.idx.msk $0xffff, v31  }
0x30f: {  	v31 =	vld.idx.msk [tilespmem:v33+s18+$0x0], $0xffff  }
0x310: {  	v33 =	vld [tilespmem:$0x1FF90];
	_ =	sdelay $0x3  }
0x311: {  	v32 =	vor.u32 v56, v29  }
0x312: {  	v32 =	vand.u32 v33, v32;
	v33 =	vld [tilespmem:$0x1FFB0];
	_ =	sdelay $0x4  }
0x313: {  	v33 =	vor.u32 v33, v30;
	_ =	sdelay $0x3  }
0x314: {  	[tilespmem:v32+s30+$0x0] =	vst.idx.msk $0xffff, v31;
	v32 =	vld [tilespmem:$0x1FEB0]  }
0x315: {  	v31 =	vld.idx.msk [tilespmem:v33+s18+$0x0], $0xffff  }
0x316: {  	v33 =	vld [tilespmem:$0x1FEC0];
	_ =	sdelay $0x3  }
0x317: {  	v32 =	vor.u32 v32, v29  }
0x318: {  	v32 =	vand.u32 v33, v32  }
0x319: {  	v33 =	vor.u32 v47, v30;
	_ =	sdelay $0x3  }
0x31a: {  	[tilespmem:v32+s30+$0x0] =	vst.idx.msk $0xffff, v31;
	v32 =	vld [tilespmem:$0x1FA40]  }
0x31b: {  	v31 =	vld.idx.msk [tilespmem:v33+s18+$0x0], $0xffff  }
0x31c: {  	v33 =	vld [tilespmem:$0x1FAA0];
	_ =	sdelay $0x2  }
0x31d: {  	v32 =	vor.u32 v32, v29  }
0x31e: {  	v32 =	vand.u32 v45, v32  }
0x31f: {  	v33 =	vor.u32 v33, v30;
	_ =	sdelay $0x3  }
0x320: {  	[tilespmem:v32+s30+$0x0] =	vst.idx.msk $0xffff, v31;
	v32 =	vld [tilespmem:$0x1FA50]  }
0x321: {  	v31 =	vld.idx.msk [tilespmem:v33+s18+$0x0], $0xffff  }
0x322: {  	v33 =	vld [tilespmem:$0x1FB30];
	_ =	sdelay $0x3  }
0x323: {  	v32 =	vor.u32 v32, v29  }
0x324: {  	v32 =	vand.u32 v33, v32;
	v33 =	vld [tilespmem:$0x1FB20];
	_ =	sdelay $0x4  }
0x325: {  	v33 =	vor.u32 v33, v30;
	_ =	sdelay $0x3  }
0x326: {  	[tilespmem:v32+s30+$0x0] =	vst.idx.msk $0xffff, v31;
	v32 =	vld [tilespmem:$0x1FA60]  }
0x327: {  	v31 =	vld.idx.msk [tilespmem:v33+s18+$0x0], $0xffff  }
0x328: {  	v33 =	vld [tilespmem:$0x1FB50];
	_ =	sdelay $0x3  }
0x329: {  	v32 =	vor.u32 v32, v29  }
0x32a: {  	v32 =	vand.u32 v33, v32;
	v33 =	vld [tilespmem:$0x1FB60];
	_ =	sdelay $0x4  }
0x32b: {  	v33 =	vor.u32 v33, v30;
	_ =	sdelay $0x3  }
0x32c: {  	[tilespmem:v32+s30+$0x0] =	vst.idx.msk $0xffff, v31;
	v32 =	vld [tilespmem:$0x1FB70]  }
0x32d: {  	v31 =	vld.idx.msk [tilespmem:v33+s18+$0x0], $0xffff  }
0x32e: {  	v33 =	vld [tilespmem:$0x1FB80];
	_ =	sdelay $0x3  }
0x32f: {  	v32 =	vor.u32 v32, v29  }
0x330: {  	v32 =	vand.u32 v33, v32;
	v33 =	vld [tilespmem:$0x1FB90];
	_ =	sdelay $0x4  }
0x331: {  	v33 =	vor.u32 v33, v30;
	_ =	sdelay $0x3  }
0x332: {  	[tilespmem:v32+s30+$0x0] =	vst.idx.msk $0xffff, v31;
	v32 =	vld [tilespmem:$0x1FBA0]  }
0x333: {  	v31 =	vld.idx.msk [tilespmem:v33+s18+$0x0], $0xffff  }
0x334: {  	v33 =	vld [tilespmem:$0x1FBB0];
	_ =	sdelay $0x3  }
0x335: {  	v32 =	vor.u32 v32, v29  }
0x336: {  	v32 =	vand.u32 v33, v32;
	v33 =	vld [tilespmem:$0x1FBC0];
	_ =	sdelay $0x4  }
0x337: {  	v33 =	vor.u32 v33, v30;
	_ =	sdelay $0x3  }
0x338: {  	[tilespmem:v32+s30+$0x0] =	vst.idx.msk $0xffff, v31;
	v32 =	vld [tilespmem:$0x1FBD0]  }
0x339: {  	v31 =	vld.idx.msk [tilespmem:v33+s18+$0x0], $0xffff  }
0x33a: {  	v33 =	vld [tilespmem:$0x1FBE0];
	_ =	sdelay $0x3  }
0x33b: {  	v32 =	vor.u32 v32, v29  }
0x33c: {  	v32 =	vand.u32 v33, v32;
	v33 =	vld [tilespmem:$0x1FBF0];
	_ =	sdelay $0x4  }
0x33d: {  	v33 =	vor.u32 v33, v30;
	_ =	sdelay $0x3  }
0x33e: {  	[tilespmem:v32+s30+$0x0] =	vst.idx.msk $0xffff, v31;
	v32 =	vld [tilespmem:$0x1FC00]  }
0x33f: {  	v31 =	vld.idx.msk [tilespmem:v33+s18+$0x0], $0xffff  }
0x340: {  	v33 =	vld [tilespmem:$0x1FB10];
	_ =	sdelay $0x3  }
0x341: {  	v32 =	vor.u32 v32, v29  }
0x342: {  	v32 =	vand.u32 v33, v32;
	v33 =	vld [tilespmem:$0x1FB00];
	_ =	sdelay $0x4  }
0x343: {  	v33 =	vor.u32 v33, v30;
	_ =	sdelay $0x3  }
0x344: {  	[tilespmem:v32+s30+$0x0] =	vst.idx.msk $0xffff, v31;
	v32 =	vld [tilespmem:$0x1FAF0]  }
0x345: {  	v31 =	vld.idx.msk [tilespmem:v33+s18+$0x0], $0xffff  }
0x346: {  	v33 =	vld [tilespmem:$0x1FAE0];
	_ =	sdelay $0x3  }
0x347: {  	v32 =	vor.u32 v32, v29  }
0x348: {  	v32 =	vand.u32 v33, v32;
	v33 =	vld [tilespmem:$0x1FAD0];
	_ =	sdelay $0x4  }
0x349: {  	v33 =	vor.u32 v33, v30;
	_ =	sdelay $0x3  }
0x34a: {  	[tilespmem:v32+s30+$0x0] =	vst.idx.msk $0xffff, v31;
	v32 =	vld [tilespmem:$0x1FAC0]  }
0x34b: {  	v31 =	vld.idx.msk [tilespmem:v33+s18+$0x0], $0xffff  }
0x34c: {  	v33 =	vld [tilespmem:$0x1FAB0];
	_ =	sdelay $0x3  }
0x34d: {  	v32 =	vor.u32 v32, v29  }
0x34e: {  	v32 =	vand.u32 v33, v32;
	v33 =	vld [tilespmem:$0x1FA90];
	_ =	sdelay $0x4  }
0x34f: {  	v30 =	vor.u32 v33, v30;
	_ =	sdelay $0x3  }
0x350: {  	[tilespmem:v32+s30+$0x0] =	vst.idx.msk $0xffff, v31  }
0x351: {  	v32 =	vld.idx.msk [tilespmem:v30+s18+$0x0], $0xffff  }
0x352: {  	p0 =	sne.s32 s24, $0xF;
	v30 =	vld [tilespmem:$0x1FA80]  }
.Ltmp4:
0x353: {  	_ = 	snop;
	(pc) =	sbr.rel @p0 .LBB2_9-.Ltmp4, $2  }
0x354: {  	_ =	sdelay $0x2  }
0x355: {  	v34 =	vlaneseq.u32;
	v31 =	vadd.s32 s24, v22;
	s24 =	sadd.s32 $0x1, s24;
	v29 =	vor.u32 v30, v29  }
0x356: {  	v30 =	vand.u32 $0xF, v31;
	v33 =	vand.u32 v26, v29  }
0x357: {  	v22 =	vor.u32 v36, v30;
	_ =	sdelay $0x2  }
0x358: {  	v29 =	vshll.u32 v31, $0x7  }
0x359: {  	v31 =	vand.u32 $0x780, v29;
	[tilespmem:v33+s30+$0x0] =	vst.idx.msk $0xffff, v32  }
0x35a: {  	v33 =	vor.u32 v34, v31;
	v32 =	vld.idx.msk [tilespmem:v22+s18+$0x0], $0xffff  }
0x35b: {  	v36 =	vor.u32 v35, v30;
	_ =	sdelay $0x3  }
0x35c: {  	[tilespmem:v33+s30+$0x0] =	vst.idx.msk $0xffff, v32  }
0x35d: {  	v63 =	vor.u32 v63, v29;
	v32 =	vld.idx.msk [tilespmem:v36+s18+$0x0], $0xffff  }
0x35e: {  	v36 =	vor.u32 v62, v30;
	_ =	sdelay $0x3  }
0x35f: {  	[tilespmem:v63+s30+$0x0] =	vst.idx.msk $0xffff, v32  }
0x360: {  	v31 =	vor.u32 v37, v31;
	v32 =	vld.idx.msk [tilespmem:v36+s18+$0x0], $0xffff  }
0x361: {  	v37 =	vor.u32 v0, v30;
	_ =	sdelay $0x3  }
0x362: {  	[tilespmem:v31+s30+$0x0] =	vst.idx.msk $0xffff, v32;
	v31 =	vor.u32 v38, v29  }
0x363: {  	v32 =	vld.idx.msk [tilespmem:v37+s18+$0x0], $0xffff;
	v31 =	vand.u32 v27, v31  }
0x364: {  	v38 =	vor.u32 v7, v30;
	_ =	sdelay $0x3  }
0x365: {  	[tilespmem:v31+s30+$0x0] =	vst.idx.msk $0xffff, v32;
	v31 =	vor.u32 v6, v29  }
0x366: {  	v32 =	vld.idx.msk [tilespmem:v38+s18+$0x0], $0xffff;
	v31 =	vand.u32 v42, v31  }
0x367: {  	v42 =	vor.u32 v9, v30;
	_ =	sdelay $0x3  }
0x368: {  	v38 =	vld [tilespmem:$0x1FDA0];
	[tilespmem:v31+s30+$0x0] =	vst.idx.msk $0xffff, v32  }
0x369: {  	v32 =	vld.idx.msk [tilespmem:v42+s18+$0x0], $0xffff  }
0x36a: {  	v42 =	vld [tilespmem:$0x1FDB0]  }
0x36b: {  	v37 =	vld [tilespmem:$0x1FDC0];
	_ =	sdelay $0x2  }
0x36c: {  	v31 =	vor.u32 v38, v29  }
0x36d: {  	v36 =	vld [tilespmem:$0x1FDD0];
	v31 =	vand.u32 v42, v31  }
0x36e: {  	v63 =	vor.u32 v37, v30;
	_ =	sdelay $0x3  }
0x36f: {  	[tilespmem:v31+s30+$0x0] =	vst.idx.msk $0xffff, v32;
	v31 =	vor.u32 v36, v29  }
0x370: {  	v32 =	vld.idx.msk [tilespmem:v63+s18+$0x0], $0xffff;
	v31 =	vand.u32 v12, v31  }
0x371: {  	v0 =	vor.u32 v39, v30;
	_ =	sdelay $0x3  }
0x372: {  	[tilespmem:v31+s30+$0x0] =	vst.idx.msk $0xffff, v32;
	v31 =	vor.u32 v59, v29  }
0x373: {  	v32 =	vld.idx.msk [tilespmem:v0+s18+$0x0], $0xffff;
	v31 =	vand.u32 v57, v31  }
0x374: {  	v63 =	vor.u32 v58, v30;
	_ =	sdelay $0x3  }
0x375: {  	[tilespmem:v31+s30+$0x0] =	vst.idx.msk $0xffff, v32;
	v31 =	vor.u32 v54, v29  }
0x376: {  	v32 =	vld.idx.msk [tilespmem:v63+s18+$0x0], $0xffff;
	v31 =	vand.u32 v11, v31  }
0x377: {  	v0 =	vor.u32 v14, v30;
	_ =	sdelay $0x3  }
0x378: {  	[tilespmem:v31+s30+$0x0] =	vst.idx.msk $0xffff, v32;
	v31 =	vor.u32 v61, v29  }
0x379: {  	v32 =	vld.idx.msk [tilespmem:v0+s18+$0x0], $0xffff;
	v31 =	vand.u32 v3, v31  }
0x37a: {  	v22 =	vmov v57;
	v57 =	vor.u32 v15, v30;
	_ =	sdelay $0x3  }
0x37b: {  	[tilespmem:v31+s30+$0x0] =	vst.idx.msk $0xffff, v32;
	v31 =	vor.u32 v55, v29  }
0x37c: {  	v32 =	vld.idx.msk [tilespmem:v57+s18+$0x0], $0xffff;
	v31 =	vand.u32 v60, v31  }
0x37d: {  	v0 =	vor.u32 v13, v30;
	_ =	sdelay $0x3  }
0x37e: {  	[tilespmem:v31+s30+$0x0] =	vst.idx.msk $0xffff, v32;
	v31 =	vor.u32 v19, v29  }
0x37f: {  	v32 =	vld.idx.msk [tilespmem:v0+s18+$0x0], $0xffff;
	v31 =	vand.u32 v53, v31  }
0x380: {  	v53 =	vor.u32 v10, v30;
	_ =	sdelay $0x3  }
0x381: {  	[tilespmem:v31+s30+$0x0] =	vst.idx.msk $0xffff, v32;
	v31 =	vor.u32 v28, v29  }
0x382: {  	v32 =	vld.idx.msk [tilespmem:v53+s18+$0x0], $0xffff;
	v31 =	vand.u32 v23, v31  }
0x383: {  	v57 =	vor.u32 v25, v30;
	_ =	sdelay $0x3  }
0x384: {  	[tilespmem:v31+s30+$0x0] =	vst.idx.msk $0xffff, v32;
	v31 =	vor.u32 v1, v29  }
0x385: {  	v32 =	vld.idx.msk [tilespmem:v57+s18+$0x0], $0xffff;
	v31 =	vand.u32 v41, v31  }
0x386: {  	v0 =	vor.u32 v4, v30;
	_ =	sdelay $0x3  }
0x387: {  	[tilespmem:v31+s30+$0x0] =	vst.idx.msk $0xffff, v32;
	v31 =	vor.u32 v49, v29  }
0x388: {  	v32 =	vld.idx.msk [tilespmem:v0+s18+$0x0], $0xffff;
	v31 =	vand.u32 v5, v31  }
0x389: {  	v63 =	vmovc v61;
	v61 =	vmovc v3;
	v3 =	vmov v23;
	v23 =	vmov v1;
	v1 =	vor.u32 v50, v30;
	_ =	sdelay $0x3  }
0x38a: {  	[tilespmem:v31+s30+$0x0] =	vst.idx.msk $0xffff, v32;
	v31 =	vor.u32 v16, v29  }
0x38b: {  	v32 =	vld.idx.msk [tilespmem:v1+s18+$0x0], $0xffff;
	v31 =	vand.u32 v8, v31  }
0x38c: {  	v2 =	vor.u32 v2, v30;
	_ =	sdelay $0x3  }
0x38d: {  	[tilespmem:v31+s30+$0x0] =	vst.idx.msk $0xffff, v32;
	v31 =	vor.u32 v18, v29  }
0x38e: {  	v32 =	vld.idx.msk [tilespmem:v2+s18+$0x0], $0xffff;
	v31 =	vand.u32 v20, v31  }
0x38f: {  	v41 =	vor.u32 v17, v30;
	_ =	sdelay $0x3  }
0x390: {  	[tilespmem:v31+s30+$0x0] =	vst.idx.msk $0xffff, v32;
	v31 =	vor.u32 v52, v29  }
0x391: {  	v32 =	vld.idx.msk [tilespmem:v41+s18+$0x0], $0xffff;
	v31 =	vand.u32 v43, v31  }
0x392: {  	v48 =	vor.u32 v48, v30;
	_ =	sdelay $0x3  }
0x393: {  	[tilespmem:v31+s30+$0x0] =	vst.idx.msk $0xffff, v32;
	v31 =	vor.u32 v40, v29  }
0x394: {  	v32 =	vld.idx.msk [tilespmem:v48+s18+$0x0], $0xffff;
	v31 =	vand.u32 v24, v31  }
0x395: {  	v49 =	vor.u32 v51, v30;
	_ =	sdelay $0x3  }
0x396: {  	[tilespmem:v31+s30+$0x0] =	vst.idx.msk $0xffff, v32;
	v31 =	vor.u32 v21, v29  }
0x397: {  	v32 =	vld.idx.msk [tilespmem:v49+s18+$0x0], $0xffff;
	v31 =	vand.u32 v46, v31  }
0x398: {  	v7 =	vmov v21;
	v51 =	vor.u32 v44, v30;
	v21 =	vld [tilespmem:$0x1FF90]  }
0x399: {  	v62 =	vmov v9;
	v9 =	vld [tilespmem:$0x1FFB0];
	_ =	sdelay $0x2  }
0x39a: {  	v35 =	vmov v12;
	v12 =	vmov v40;
	v40 =	vld [tilespmem:$0x1FEB0];
	[tilespmem:v31+s30+$0x0] =	vst.idx.msk $0xffff, v32;
	v31 =	vor.u32 v56, v29  }
0x39b: {  	v32 =	vld.idx.msk [tilespmem:v51+s18+$0x0], $0xffff;
	v31 =	vand.u32 v21, v31  }
0x39c: {  	v52 =	vor.u32 v9, v30;
	v56 =	vld [tilespmem:$0x1FEC0];
	_ =	sdelay $0x3  }
0x39d: {  	v41 =	vld [tilespmem:$0x1FA40];
	[tilespmem:v31+s30+$0x0] =	vst.idx.msk $0xffff, v32;
	v31 =	vor.u32 v40, v29  }
0x39e: {  	v32 =	vld.idx.msk [tilespmem:v52+s18+$0x0], $0xffff;
	v31 =	vand.u32 v56, v31  }
0x39f: {  	v53 =	vor.u32 v47, v30  }
0x3a0: {  	v46 =	vld [tilespmem:$0x1FAA0];
	_ =	sdelay $0x2  }
0x3a1: {  	v13 =	vmovc v19;
	v19 =	vmov v44;
	v57 =	vmov v47;
	v47 =	vld [tilespmem:$0x1FA50];
	v44 =	vor.u32 v41, v29;
	[tilespmem:v31+s30+$0x0] =	vst.idx.msk $0xffff, v32  }
0x3a2: {  	v2 =	vand.u32 v45, v44;
	v31 =	vld.idx.msk [tilespmem:v53+s18+$0x0], $0xffff  }
0x3a3: {  	v49 =	vld [tilespmem:$0x1FB30];
	v0 =	vor.u32 v46, v30  }
0x3a4: {  	v51 =	vld [tilespmem:$0x1FB20];
	_ =	sdelay $0x2  }
0x3a5: {  	v48 =	vor.u32 v47, v29;
	v53 =	vld [tilespmem:$0x1FA60];
	[tilespmem:v2+s30+$0x0] =	vst.idx.msk $0xffff, v31  }
0x3a6: {  	v2 =	vand.u32 v49, v48;
	v31 =	vld.idx.msk [tilespmem:v0+s18+$0x0], $0xffff  }
0x3a7: {  	v33 =	vld [tilespmem:$0x1FB50];
	v52 =	vor.u32 v51, v30  }
0x3a8: {  	v41 =	vld [tilespmem:$0x1FB60];
	_ =	sdelay $0x2  }
0x3a9: {  	v44 =	vld [tilespmem:$0x1FB70];
	v32 =	vor.u32 v53, v29;
	[tilespmem:v2+s30+$0x0] =	vst.idx.msk $0xffff, v31  }
0x3aa: {  	v0 =	vand.u32 v33, v32;
	v34 =	vld.idx.msk [tilespmem:v52+s18+$0x0], $0xffff  }
0x3ab: {  	v45 =	vld [tilespmem:$0x1FB80];
	v1 =	vor.u32 v41, v30  }
0x3ac: {  	v46 =	vld [tilespmem:$0x1FB90];
	_ =	sdelay $0x2  }
0x3ad: {  	v47 =	vld [tilespmem:$0x1FBA0];
	[tilespmem:v0+s30+$0x0] =	vst.idx.msk $0xffff, v34;
	v0 =	vor.u32 v44, v29  }
0x3ae: {  	v0 =	vand.u32 v45, v0;
	v1 =	vld.idx.msk [tilespmem:v1+s18+$0x0], $0xffff  }
0x3af: {  	v48 =	vld [tilespmem:$0x1FBB0];
	v2 =	vor.u32 v46, v30  }
0x3b0: {  	v16 =	vmov v50;
	v50 =	vld [tilespmem:$0x1FBC0];
	_ =	sdelay $0x2  }
0x3b1: {  	v51 =	vld [tilespmem:$0x1FBD0];
	[tilespmem:v0+s30+$0x0] =	vst.idx.msk $0xffff, v1;
	v0 =	vor.u32 v47, v29  }
0x3b2: {  	v0 =	vand.u32 v48, v0;
	v49 =	vld.idx.msk [tilespmem:v2+s18+$0x0], $0xffff  }
0x3b3: {  	v52 =	vld [tilespmem:$0x1FBE0];
	v2 =	vor.u32 v50, v30  }
0x3b4: {  	v32 =	vld [tilespmem:$0x1FBF0];
	_ =	sdelay $0x2  }
0x3b5: {  	v33 =	vld [tilespmem:$0x1FC00];
	[tilespmem:v0+s30+$0x0] =	vst.idx.msk $0xffff, v49;
	v0 =	vor.u32 v51, v29  }
0x3b6: {  	v0 =	vand.u32 v52, v0;
	v53 =	vld.idx.msk [tilespmem:v2+s18+$0x0], $0xffff  }
0x3b7: {  	v34 =	vld [tilespmem:$0x1FB10];
	v2 =	vor.u32 v32, v30  }
0x3b8: {  	v44 =	vld [tilespmem:$0x1FB00];
	_ =	sdelay $0x2  }
0x3b9: {  	v45 =	vld [tilespmem:$0x1FAF0];
	[tilespmem:v0+s30+$0x0] =	vst.idx.msk $0xffff, v53;
	v0 =	vor.u32 v33, v29  }
0x3ba: {  	v0 =	vand.u32 v34, v0;
	v41 =	vld.idx.msk [tilespmem:v2+s18+$0x0], $0xffff  }
0x3bb: {  	v46 =	vld [tilespmem:$0x1FAE0];
	v2 =	vor.u32 v44, v30  }
0x3bc: {  	v48 =	vld [tilespmem:$0x1FAD0];
	_ =	sdelay $0x2  }
0x3bd: {  	v49 =	vld [tilespmem:$0x1FAC0];
	[tilespmem:v0+s30+$0x0] =	vst.idx.msk $0xffff, v41;
	v0 =	vor.u32 v45, v29  }
0x3be: {  	v0 =	vand.u32 v46, v0;
	v47 =	vld.idx.msk [tilespmem:v2+s18+$0x0], $0xffff  }
0x3bf: {  	v50 =	vld [tilespmem:$0x1FAB0];
	v2 =	vor.u32 v48, v30  }
0x3c0: {  	v52 =	vld [tilespmem:$0x1FA90];
	_ =	sdelay $0x2  }
0x3c1: {  	v53 =	vld [tilespmem:$0x1FA80];
	[tilespmem:v0+s30+$0x0] =	vst.idx.msk $0xffff, v47;
	v0 =	vor.u32 v49, v29  }
0x3c2: {  	v0 =	vand.u32 v50, v0;
	v51 =	vld.idx.msk [tilespmem:v2+s18+$0x0], $0xffff  }
0x3c3: {  	v2 =	vor.u32 v52, v30;
	_ =	sdelay $0x3  }
0x3c4: {  	[tilespmem:v0+s30+$0x0] =	vst.idx.msk $0xffff, v51;
	v0 =	vor.u32 v53, v29  }
0x3c5: {  	v0 =	vand.u32 v26, v0;
	v1 =	vld.idx.msk [tilespmem:v2+s18+$0x0], $0xffff  }
0x3c6: {  	s23 =	sadd.s32 s5, s23  }
0x3c7: {  	s24 =	sshll.u32 s23, $0xA;
	s23 =	sshll.u32 s23, $0x7  }
0x3c8: {  	s24 =	sand.u32 $0xFFE0000, s24;
	s23 =	sand.u32 $0x3F80, s23  }
0x3c9: {  	s23 =	sor.u32 s23, s24  }
0x3ca: {  	s24 =	sadd.s32 s2, s23;
	[tilespmem:v0+s30+$0x0] =	vst.idx.msk $0xffff, v1  }
0x3cb: {  	[hbm4b:s24+s3] =	stream.linear.scatter [tilespmem:s30], [sflag:$0x2], $0x400, $0x38;
	[tilespmem:$0xE400] =	vst v63  }
0x3cc: {  	s25 =	sadd.s32 s23, s7  }
0x3cd: {  	[hbm4b:s25+s3] =	stream.linear.scatter [tilespmem:s31], [sflag:$0x2], $0x400, $0x38;
	[tilespmem:$0xE400] =	vst v63  }
0x3ce: {  	s26 =	sadd.s32 s23, s8  }
0x3cf: {  	[hbm4b:s26+s3] =	stream.linear.scatter [tilespmem:s1], [sflag:$0x2], $0x400, $0x38;
	[tilespmem:$0xE400] =	vst v63  }
0x3d0: {  	v25 =	vld [tilespmem:$0x1FD20];
	s25 =	sadd.s32 s23, s9  }
0x3d1: {  	v27 =	vmov v4;
	v4 =	vmov v8;
	v8 =	vmov v17;
	v17 =	vld [tilespmem:$0x1FD00];
	[hbm4b:s25+s3] =	stream.linear.scatter [tilespmem:s0], [sflag:$0x2], $0x400, $0x38  }
0x3d2: {  	s22 =	sadd.s32 $0x1, s22;
	v6 =	vmov v5;
	v5 =	vmov v18;
	v18 =	vld [tilespmem:$0x1FD10];
	s26 =	sadd.s32 s23, s10  }
0x3d3: {  	v20 =	vld [tilespmem:$0x1FD30];
	[hbm4b:s26+s3] =	stream.linear.scatter [tilespmem:s6], [sflag:$0x2], $0x400, $0x38  }
0x3d4: {  	p0 =	sne.s32 s22, $0x64;
	v34 =	vld [tilespmem:$0x1FFF0];
	s25 =	sadd.s32 s23, s11  }
0x3d5: {  	v44 =	vld [tilespmem:$0x1FD60];
	[hbm4b:s25+s3] =	stream.linear.scatter [tilespmem:s14], [sflag:$0x2], $0x400, $0x38  }
.Ltmp5:
0x3d6: {  	v41 =	vld [tilespmem:$0x1FCF0];
	(pc) =	sbr.rel @p0 .LBB2_2-.Ltmp5, $4  }
0x3d7: {  	v32 =	vmovc v13;
	v45 =	vld [tilespmem:$0x1FD70];
	v47 =	vmovc v62;
	v49 =	vmov v42;
	v42 =	vmov v58;
	v58 =	vmov v11;
	s26 =	sadd.s32 s23, s12  }
0x3d8: {  	v46 =	vld [tilespmem:$0x1FD80];
	v62 =	vmovc v15;
	v11 =	vmovc v12;
	v50 =	vmov v37;
	v52 =	vmov v35;
	v37 =	vmov v59;
	[hbm4b:s26+s3] =	stream.linear.scatter [tilespmem:s15], [sflag:$0x2], $0x400, $0x38  }
0x3d9: {  	v59 =	vmovc v14;
	v30 =	vmovc v55;
	v53 =	vmov v39;
	v39 =	vmov v22;
	v22 =	vmov v43;
	v43 =	vld [tilespmem:$0x1FD50];
	s23 =	sadd.s32 s23, s13  }
0x3da: {  	v35 =	vmovc v10;
	v14 =	vmovc v21;
	v51 =	vmov v36;
	v36 =	vmov v60;
	v29 =	vmov v3;
	v26 =	vld [tilespmem:$0x1FD40];
	[hbm4b:s23+s3] =	stream.linear.scatter [tilespmem:s21], [sflag:$0x2], $0x400, $0x38  }
0x3db: {  	_ =	swait.ge [sflag:s29], $0x400  }
0x3dc: {  	[sflag:s29] =	ssyncset.done $0x0  }
0x3dd: {  	[sflag:s29] =	ssyncadd.s32 $0xFFFFFC00  }
0x3de: {  	_ =	swait.ge [sflag:s29], $0x400  }
0x3df: {  	[sflag:s29] =	ssyncset.done $0x0  }
0x3e0: {  	[sflag:s29] =	ssyncadd.s32 $0xFFFFFC00  }
0x3e1: {  	_ =	swait.ge [sflag:s29], $0x400  }
0x3e2: {  	[sflag:s29] =	ssyncset.done $0x0  }
0x3e3: {  	[sflag:s29] =	ssyncadd.s32 $0xFFFFFC00  }
0x3e4: {  	_ =	swait.ge [sflag:s29], $0x400  }
0x3e5: {  	[sflag:s29] =	ssyncset.done $0x0  }
0x3e6: {  	[sflag:s29] =	ssyncadd.s32 $0xFFFFFC00  }
0x3e7: {  	_ =	swait.ge [sflag:s29], $0x400  }
0x3e8: {  	[sflag:s29] =	ssyncset.done $0x0  }
0x3e9: {  	[sflag:s29] =	ssyncadd.s32 $0xFFFFFC00  }
0x3ea: {  	_ =	swait.ge [sflag:s29], $0x400  }
0x3eb: {  	[sflag:s29] =	ssyncset.done $0x0  }
0x3ec: {  	[sflag:s29] =	ssyncadd.s32 $0xFFFFFC00  }
0x3ed: {  	_ =	swait.ge [sflag:s29], $0x400  }
0x3ee: {  	[sflag:s29] =	ssyncset.done $0x0  }
0x3ef: {  	[sflag:s29] =	ssyncadd.s32 $0xFFFFFC00  }
0x3f0: {  	_ =	swait.ge [sflag:s29], $0x400  }
0x3f1: {  	[sflag:s29] =	ssyncset.done $0x0  }
0x3f2: {  	[sflag:s29] =	ssyncadd.s32 $0xFFFFFC00  }
0x3f3: {  	_ =	swait.ge [sflag:s29], $0x400  }
0x3f4: {  	[sflag:s29] =	ssyncset.done $0x0  }
0x3f5: {  	[sflag:s29] =	ssyncadd.s32 $0xFFFFFC00  }
0x3f6: {  	_ =	swait.ge [sflag:s29], $0x400  }
0x3f7: {  	[sflag:s29] =	ssyncset.done $0x0  }
0x3f8: {  	[sflag:s29] =	ssyncadd.s32 $0xFFFFFC00  }
0x3f9: {  	_ =	swait.ge [sflag:s29], $0x400  }
0x3fa: {  	[sflag:s29] =	ssyncset.done $0x0  }
0x3fb: {  	[sflag:s29] =	ssyncadd.s32 $0xFFFFFC00  }
0x3fc: {  	_ =	swait.ge [sflag:s29], $0x400  }
0x3fd: {  	[sflag:s29] =	ssyncset.done $0x0  }
0x3fe: {  	[sflag:s29] =	ssyncadd.s32 $0xFFFFFC00  }
0x3ff: {  	_ =	swait.ge [sflag:s29], $0x400  }
0x400: {  	[sflag:s29] =	ssyncset.done $0x0  }
0x401: {  	[sflag:s29] =	ssyncadd.s32 $0xFFFFFC00  }
0x402: {  	_ =	swait.ge [sflag:s29], $0x400  }
0x403: {  	[sflag:s29] =	ssyncset.done $0x0  }
0x404: {  	[sflag:s29] =	ssyncadd.s32 $0xFFFFFC00  }
0x405: {  	_ =	swait.ge [sflag:s29], $0x400  }
0x406: {  	[sflag:s29] =	ssyncset.done $0x0  }
0x407: {  	[sflag:s29] =	ssyncadd.s32 $0xFFFFFC00  }
0x408: {  	_ =	swait.ge [sflag:s29], $0x400  }
0x409: {  	s23 =	rddreg [dreg:$0x5]  }
0x40a: {  	s22 =	rddreg [dreg:$0x4];
	s23 =	sadd.s32 $0x1, s23  }
0x40b: {  	p0 =	sne.s32 s23, s22  }
.Ltmp6:
0x40c: {  	_ = 	snop;
	(pc) =	sbr.rel @p0 .LBB2_1-.Ltmp6, $3  }
0x40d: {  	_ =	sdelay $0x1  }
0x40e: {  	[sflag:s29] =	ssyncset.done $0x0  }
0x40f: {  	[sflag:s29] =	ssyncadd.s32 $0xFFFFFC00  }
0x410: {  	_ =	sfence.sel $0x180000  }
0x411: {  	[bflag:$0x0] =	sbarrier.arrive $0xFFFF  }
0x412: {  	_ =	strace $0x90000047  }
0x413: {  	s0 =	stileid.u32;
	[bflag:$0x2] =	sbarrier.arrive $0xFFFF  }
0x414: {  	p0 =	sne.s32 s0, $0x0;
	s0 =	rddreg [dreg:$0x2]  }
0x415: {  	s0 =	sadd.s32 @!p0 $0x100000, s0  }
0x416: {  	[sflag:s0] =	ssyncadd.tile.s32 @!p0 $0x1;
	_ =	shalt  }
.Lfunc_end2:
_tile_overlayer_lowered:
.L_overlay_start_2:
0x417: {  	(tag) =	ssettag $0x2  }
0x418: {  	s0 =	rddreg [dreg:$0x0];
	s2 =	stileid.u32  }
0x419: {  	s1 =	rddreg [dreg:$0x1];
	p0 =	sne.s32 s2, $0x0  }
0x41a: {  	s3 =	rddreg [dreg:$0x2];
	[bflag:$0x3] =	sbarrier.arrive $0xFFFF;
	s2 =	simm.s32 @!p0 $0x1C03  }
0x41b: {  	[timem:s3], [sflag:s2] =	dma.local @!p0 [hbm:s0], s1  }
0x41c: {  	s0 =	simm.s32 @!p0 $0x3  }
0x41d: {  	_ =	swait.ge @!p0 [sflag:s0], s1  }
0x41e: {  	s1 =	ssub.s32 @!p0 $0x0, s1;
	[sflag:s0] =	ssyncset.done @!p0 $0x0  }
0x41f: {  	[sflag:s0] =	ssyncadd.s32 @!p0 s1  }
0x420: {  	[bflag:$0x3] =	sbarrier.arrive $0xFFFF  }
0x421: {  	_ =	shalt  }

</sc_bundles>
